<compile_context>
chip_gen: v7x
topology: tpu7x:2x2x1
jax: 0.10.2.dev20260603
libtpu: 0.0.44.dev20260713+nightly
codegen_flags: <defaults>
</compile_context>

<pallas_src>
import functools
import math

import jax
import jax.numpy as jnp
import numpy as np
from jax import lax
from jax.experimental import pallas as pl
from jax.experimental.pallas import tpu as pltpu
from jax.experimental.pallas import tpu_sc as plsc

_T = 4
_K = 32
_C = 80
_B = 1024
_VOC = [47, 407, 3833, 103253, 102759, 49210, 87397, 5001, 5001, 5001, 500,
        10001, 1001, 1001, 2001] + [1000] * 30 + [7, 24, 60, 60]
_EMB = [math.ceil(v ** 0.25) for v in _VOC]
_NF = len(_VOC)
_R = _B * _C

_PAD = [-(-e // 8) * 8 for e in _EMB]
_COL = {}
_o = 0
for _i in range(_NF):
    _COL[_i] = _o
    _o += _PAD[_i]
_NUMCOL = _o
_XW = _o + 8

_G0 = list(range(0, 16))
_G1 = list(range(16, 32))
_G2 = list(range(32, 49))
_GROUPS = (_G0, _G1, _G2)

_ROW2COL = np.zeros(342, np.int32)
_ro = 0
for _i in range(_NF):
    _ROW2COL[_ro:_ro + _EMB[_i]] = np.arange(_COL[_i], _COL[_i] + _EMB[_i])
    _ro += _EMB[_i]
_ROW2COL[338:342] = np.arange(_NUMCOL, _NUMCOL + 4)

_BB = 128
_BM1 = 512
_BB2 = 8



def _gen_body(num_ref, pctr_ref, w1_ref, b1_ref, w2_ref, b2_ref,
              idx_ref, logp_ref):
    feats = jnp.concatenate([num_ref[...], pctr_ref[...][:, :, None]], axis=2)
    f2 = feats.reshape(_BB * _C, 5)
    h = lax.dot_general(f2, w1_ref[...], (((1,), (0,)), ((), ())),
                        preferred_element_type=jnp.float32) + b1_ref[...]
    h = h * jax.nn.sigmoid(h)
    g = lax.dot_general(h, w2_ref[...], (((1,), (0,)), ((), ())),
                        preferred_element_type=jnp.float32) + b2_ref[...]
    g4 = g[:, :_T].reshape(_BB, _C, _T)
    p = jnp.transpose(g4, (0, 2, 1))
    m = jnp.max(p, axis=2, keepdims=True)
    e = jnp.exp(p - m)
    pol = e / jnp.sum(e, axis=2, keepdims=True)
    iota = lax.broadcasted_iota(jnp.int32, (_BB, _T, _C), 2)
    kio = lax.broadcasted_iota(jnp.int32, (_BB, _T, _K), 2)
    acc_i = jnp.zeros((_BB, _T, _K), jnp.int32)
    acc_l = jnp.zeros((_BB, _T, _K), jnp.float32)
    cur = pol
    for k in range(_K):
        mv = jnp.max(cur, axis=2, keepdims=True)
        ik = jnp.min(jnp.where(cur == mv, iota, _C), axis=2, keepdims=True)
        lp = jnp.log(jnp.clip(mv, 1e-6, 1.0))
        sel = kio == k
        acc_i = jnp.where(sel, ik, acc_i)
        acc_l = jnp.where(sel, lp, acc_l)
        cur = jnp.where(iota == ik, -1.0, cur)
    idx_ref[...] = acc_i
    logp_ref[...] = jnp.sum(acc_l, axis=1)


def _mlp1_body(x_ref, *refs):
    out_ref = refs[-1]
    x = x_ref[...].astype(jnp.bfloat16)
    for l in range(4):
        w, b, g, bb = refs[4 * l:4 * l + 4]
        z = lax.dot_general(x, w[...], (((1,), (0,)), ((), ())),
                            preferred_element_type=jnp.float32) + b[...]
        z = z * jax.nn.sigmoid(z)
        z = g[...] * z + bb[...]
        x = z.astype(jnp.bfloat16)
    out_ref[...] = x


def _mlp2_body(h_ref, idx_ref, lp_ref, *refs):
    out_ref = refs[-1]
    wo, bo = refs[16:18]
    bio = lax.broadcasted_iota(jnp.int32, (_BB2, _K, 1), 0) * _C
    cio = lax.broadcasted_iota(jnp.int32, (_BB2, _K, _BB2 * _C), 2)
    hh = h_ref[...]
    parts = []
    for t in range(_T):
        c = idx_ref[:, t, :][:, :, None] + bio
        oh = jnp.where(cio == c, 1.0, 0.0).astype(jnp.bfloat16)
        oh = oh.reshape(_BB2 * _K, _BB2 * _C)
        parts.append(lax.dot_general(oh, hh, (((1,), (0,)), ((), ())),
                                     preferred_element_type=jnp.float32))
    x = jnp.concatenate(parts, axis=1).astype(jnp.bfloat16)
    for l in range(4):
        w, b, g, bb = refs[4 * l:4 * l + 4]
        z = lax.dot_general(x, w[...], (((1,), (0,)), ((), ())),
                            preferred_element_type=jnp.float32) + b[...]
        z = z * jax.nn.sigmoid(z)
        z = g[...] * z + bb[...]
        x = z.astype(jnp.bfloat16)
    logits = lax.dot_general(x, wo[...], (((1,), (0,)), ((), ())),
                             preferred_element_type=jnp.float32) + bo[...]
    s = jnp.sum(jax.nn.sigmoid(logits), axis=1, keepdims=True)
    part = jnp.sum(s * lp_ref[...]) * (-1.0 / _K)
    pid = pl.program_id(0)
    prev = jnp.where(pid == 0, jnp.zeros((1, 1), jnp.float32), out_ref[...])
    out_ref[...] = prev + part



def _full(shape):
    return pl.BlockSpec(shape, lambda i: tuple(0 for _ in shape))


def _gen_call(numeric, pctr, gw1, gb1, gw2, gb2):
    return pl.pallas_call(
        _gen_body,
        grid=(_B // _BB,),
        in_specs=[
            pl.BlockSpec((_BB, _C, 4), lambda i: (i, 0, 0)),
            pl.BlockSpec((_BB, _C), lambda i: (i, 0)),
            _full((5, 64)), _full((1, 64)), _full((64, 5)), _full((1, 5)),
        ],
        out_specs=[
            pl.BlockSpec((_BB, _T, _K), lambda i: (i, 0, 0)),
            pl.BlockSpec((_BB, _K), lambda i: (i, 0)),
        ],
        out_shape=[
            jax.ShapeDtypeStruct((_B, _T, _K), jnp.int32),
            jax.ShapeDtypeStruct((_B, _K), jnp.float32),
        ],
    )(numeric, pctr, gw1, gb1, gw2, gb2)


def _mlp1_call(x, flat_params):
    dims = [256, 256, 256, 128]
    in_specs = [pl.BlockSpec((_BM1, _XW), lambda i: (i, 0))]
    d_in = _XW
    for d in dims:
        in_specs += [_full((d_in, d)), _full((1, d)), _full((1, d)),
                     _full((1, d))]
        d_in = d
    rows = x.shape[0]
    return pl.pallas_call(
        _mlp1_body,
        grid=(rows // _BM1,),
        in_specs=in_specs,
        out_specs=pl.BlockSpec((_BM1, 128), lambda i: (i, 0)),
        out_shape=jax.ShapeDtypeStruct((rows, 128), jnp.bfloat16),
    )(x, *flat_params)


def _mlp2_call(h, sample_idx, lp2, flat_params):
    dims = [512, 256, 128, 64]
    in_specs = [
        pl.BlockSpec((_BB2 * _C, 128), lambda i: (i, 0)),
        pl.BlockSpec((_BB2, _T, _K), lambda i: (i, 0, 0)),
        pl.BlockSpec((_BB2 * _K, 1), lambda i: (i, 0)),
    ]
    d_in = 512
    for d in dims:
        in_specs += [_full((d_in, d)), _full((1, d)), _full((1, d)),
                     _full((1, d))]
        d_in = d
    in_specs += [_full((64, _T)), _full((1, _T))]
    return pl.pallas_call(
        _mlp2_body,
        grid=(_B // _BB2,),
        in_specs=in_specs,
        out_specs=pl.BlockSpec((1, 1), lambda i: (0, 0)),
        out_shape=jax.ShapeDtypeStruct((1, 1), jnp.float32),
    )(h, sample_idx, lp2, *flat_params)



_NC = 128


_NCORES = 2
_NW = 16 * _NCORES
_NSL = 1
_RSL = _R // _NSL
_RPW = _RSL // _NW
_NQ = 4
_QR = _RPW // _NQ
_CLS = sorted(set(_PAD))


@functools.lru_cache(maxsize=None)
def _build_sc_gather():
    mesh = plsc.VectorSubcoreMesh(core_axis_name="c", subcore_axis_name="s",
                                  num_cores=_NCORES)
    scratch = []
    data_pos = {}
    for p in _CLS:
        for sl in range(2):
            data_pos[(p, sl)] = len(scratch)
            scratch.append(pltpu.VMEM((_QR, p), jnp.float32))
    idx_pos = len(scratch)
    scratch += [pltpu.VMEM((_QR,), jnp.int32) for _ in range(2)]
    num_pos = len(scratch)
    scratch.append(pltpu.VMEM((_QR, 8), jnp.float32))
    sem_pos = len(scratch)
    scratch += [pltpu.SemaphoreType.DMA] * (2 + 2 * len(_CLS))

    meta = []
    cnt = {p: 0 for p in _CLS}
    for ti in range(_NF):
        p = _PAD[ti]
        meta.append((ti, p, cnt[p] % 2, cnt[p]))
        cnt[p] += 1

    @functools.partial(
        pl.kernel, mesh=mesh,
        out_type=jax.ShapeDtypeStruct((_RSL, _XW), jnp.float32),
        scratch_types=scratch,
        compiler_params=pltpu.CompilerParams(use_tc_tiling_on_sc=False))
    def sc_gather(*refs):
        tabs = refs[:_NF]
        idx3, numeric, xout = refs[_NF:_NF + 3]
        sc = refs[_NF + 3:]
        data = {k: sc[v] for k, v in data_pos.items()}
        idxb = [sc[idx_pos], sc[idx_pos + 1]]
        numbuf = sc[num_pos]
        sem_i, sem_n = sc[sem_pos], sc[sem_pos + 1]
        sem_g = {p: sc[sem_pos + 2 + j] for j, p in enumerate(_CLS)}
        sem_w = {p: sc[sem_pos + 2 + len(_CLS) + j]
                 for j, p in enumerate(_CLS)}
        wid = lax.axis_index("s") * _NCORES + lax.axis_index("c")
        base0 = wid * _RPW
        step_of = {(p, kc): s for s, (_, p, _, kc) in enumerate(meta)}

        def body(q, carry):
            rbase = base0 + q * _QR
            gh = [None] * _NF
            ih = [None] * _NF
            wh = [None] * _NF
            waited_w = set()
            ih[0] = pltpu.async_copy(
                idx3.at[meta[0][0], pl.ds(rbase, _QR)], idxb[0], sem_i)
            for s, (ti, p, sl, kc) in enumerate(meta):
                if s > 0:
                    tp, pp, slp, _ = meta[s - 1]
                    for h in gh[s - 1]:
                        h.wait()
                    wh[s - 1] = pltpu.async_copy(
                        data[(pp, slp)],
                        xout.at[pl.ds(rbase, _QR), pl.ds(_COL[tp], pp)],
                        sem_w[pp])
                if kc >= 2:
                    sprev = step_of[(p, kc - 2)]
                    wh[sprev].wait()
                    waited_w.add(sprev)
                ih[s].wait()
                gh[s] = [pltpu.async_copy(
                    tabs[ti].at[idxb[s % 2]], data[(p, sl)], sem_g[p])]
                if s + 1 < _NF:
                    ih[s + 1] = pltpu.async_copy(
                        idx3.at[meta[s + 1][0], pl.ds(rbase, _QR)],
                        idxb[(s + 1) % 2], sem_i)
            tl, pl_, sll, _ = meta[-1]
            for h in gh[-1]:
                h.wait()
            wh[-1] = pltpu.async_copy(
                data[(pl_, sll)],
                xout.at[pl.ds(rbase, _QR), pl.ds(_COL[tl], pl_)],
                sem_w[pl_])
            pltpu.sync_copy(numeric.at[pl.ds(rbase, _QR), :], numbuf)
            nh = pltpu.async_copy(
                numbuf, xout.at[pl.ds(rbase, _QR), pl.ds(_NUMCOL, 8)], sem_n)
            for s in range(_NF):
                if wh[s] is not None and s not in waited_w:
                    wh[s].wait()
            nh.wait()
            return carry

        lax.fori_loop(0, _NQ, body, 0)

    return sc_gather


def _sc_gather_x(emb_tables, idx3, numeric_flat):
    return _build_sc_gather()(*emb_tables, idx3, numeric_flat)



def kernel(int_feats, numeric, improv, pctr, gen_params, emb_tables,
           eval_params):
    del improv
    idx3 = jnp.transpose(int_feats.reshape(_R, _NF))
    numeric_flat = jnp.pad(numeric.reshape(_R, 4), ((0, 0), (0, 4)))
    tabs_p = [jnp.pad(t, ((0, 0), (0, _PAD[i] - _EMB[i])))
              for i, t in enumerate(emb_tables)]

    gp = gen_params
    sample_idx, logp = _gen_call(
        numeric, pctr,
        gp["l1"]["W"], gp["l1"]["b"].reshape(1, 64),
        gp["l2"]["W"], gp["l2"]["b"].reshape(1, 5))

    ep = eval_params
    flat1 = []
    for l in range(4):
        w = ep["mlp1"][l]["W"]
        if l == 0:
            w = jnp.zeros((_XW, 256), jnp.float32).at[
                jnp.asarray(_ROW2COL)].set(w)
        flat1 += [w.astype(jnp.bfloat16),
                  ep["mlp1"][l]["b"].reshape(1, -1),
                  ep["bn1"][l]["g"].reshape(1, -1),
                  ep["bn1"][l]["b"].reshape(1, -1)]

    hs = []
    for s in range(_NSL):
        x_s = _sc_gather_x(tabs_p, idx3[:, s * _RSL:(s + 1) * _RSL],
                           numeric_flat[s * _RSL:(s + 1) * _RSL])
        hs.append(_mlp1_call(x_s, flat1))
    h = jnp.concatenate(hs, axis=0)

    flat2 = []
    for l in range(4):
        flat2 += [ep["mlp2"][l]["W"].astype(jnp.bfloat16),
                  ep["mlp2"][l]["b"].reshape(1, -1),
                  ep["bn2"][l]["g"].reshape(1, -1),
                  ep["bn2"][l]["b"].reshape(1, -1)]
    flat2 += [ep["out"]["W"].astype(jnp.bfloat16),
              ep["out"]["b"].reshape(1, -1)]
    lp2 = logp.reshape(_B * _K, 1)
    out = _mlp2_call(h, sample_idx, lp2, flat2)
    return out[0, 0]

# --- scband reference (transcript-rebuilt; emitter-appended) ---
"""Pipeline reference for scband-generator-ctr-2559800508990 (READ-ONLY COPY).

The authoritative reference and input builder live on the scoring server;
editing this copy changes nothing except your own understanding.
"""

import jax, jax.numpy as jnp
import numpy as np
import math

TOP_LENGTH = 4
K = 32
N_CAND = 80
B = 1024
VOCABS = [47, 407, 3833, 103253, 102759, 49210, 87397, 5001, 5001, 5001, 500, 10001, 1001, 1001, 2001] + [1000] * 30 + [7, 24, 60, 60]
EMB_DIMS = [math.ceil(v ** 0.25) for v in VOCABS]
D_EVAL_IN = sum(EMB_DIMS) + 4
LAYERS1 = [256, 256, 256, 128]
LAYERS2 = [512, 256, 128, 64]


def _dense_init(key, d_in, d_out):
    k1, _ = jax.random.split(key)
    W = jax.random.normal(k1, (d_in, d_out), dtype=jnp.float32) * (1.0 / np.sqrt(d_in))
    b = jnp.zeros((d_out,), dtype=jnp.float32)
    return {"W": W, "b": b}


def setup_inputs(seed: int = 0) -> dict:
    key = jax.random.key(seed)
    keys = jax.random.split(key, 256)
    int_feats = jnp.stack([jax.random.randint(keys[i], (B, N_CAND), 0, VOCABS[i], dtype=jnp.int32) for i in range(len(VOCABS))], axis=-1)
    numeric = jax.random.normal(keys[60], (B, N_CAND, 4), dtype=jnp.float32)
    improv = jax.random.randint(keys[61], (B, N_CAND), 0, 2, dtype=jnp.int32)
    pctr = jax.random.uniform(keys[62], (B, N_CAND), dtype=jnp.float32)
    gen_params = {"l1": _dense_init(keys[63], 5, 64), "l2": _dense_init(keys[64], 64, TOP_LENGTH + 1)}
    emb_tables = [jax.random.normal(keys[70 + i], (VOCABS[i], EMB_DIMS[i]), dtype=jnp.float32) * 0.05 for i in range(len(VOCABS))]
    eval_params = {"mlp1": [], "bn1": [], "mlp2": [], "bn2": []}
    d = D_EVAL_IN
    ki = 130
    for dim in LAYERS1:
        eval_params["mlp1"].append(_dense_init(keys[ki], d, dim)); ki += 1
        eval_params["bn1"].append({"g": jnp.ones((dim,), jnp.float32), "b": jnp.zeros((dim,), jnp.float32)})
        d = dim
    d = 128 * TOP_LENGTH
    for dim in LAYERS2:
        eval_params["mlp2"].append(_dense_init(keys[ki], d, dim)); ki += 1
        eval_params["bn2"].append({"g": jnp.ones((dim,), jnp.float32), "b": jnp.zeros((dim,), jnp.float32)})
        d = dim
    eval_params["out"] = _dense_init(keys[ki], 64, TOP_LENGTH)
    return {"int_feats": int_feats, "numeric": numeric, "improv": improv, "pctr": pctr, "gen_params": gen_params, "emb_tables": emb_tables, "eval_params": eval_params}


def _swish(x):
    return x * jax.nn.sigmoid(x)


def _generator(numeric, pctr, gp):
    feats = jnp.concatenate([numeric, pctr[..., None]], axis=-1)
    h = _swish(feats @ gp["l1"]["W"] + gp["l1"]["b"])
    return h @ gp["l2"]["W"] + gp["l2"]["b"]


def _evaluator(int_g, numeric_g, emb_tables, ep):
    parts = [emb_tables[i][int_g[..., i]] for i in range(len(VOCABS))]
    parts.append(numeric_g)
    x = jnp.concatenate(parts, axis=-1)
    for lin, bn in zip(ep["mlp1"], ep["bn1"]):
        x = _swish(x @ lin["W"] + lin["b"])
        x = bn["g"] * x + bn["b"]
    x = x.reshape(-1, 128 * TOP_LENGTH)
    for lin, bn in zip(ep["mlp2"], ep["bn2"]):
        x = _swish(x @ lin["W"] + lin["b"])
        x = bn["g"] * x + bn["b"]
    return x @ ep["out"]["W"] + ep["out"]["b"]


def _forward(int_feats, numeric, pctr, gen_params, emb_tables, eval_params):
    gen_out = _generator(numeric, pctr, gen_params)
    policy = jax.nn.softmax(gen_out[:, :, :-1], axis=1)
    sample_indexes = jnp.stack([jax.lax.top_k(policy[:, :, t], K)[1] for t in range(TOP_LENGTH)], axis=-1)
    sample_indexes = jax.lax.stop_gradient(sample_indexes)
    b_idx = jnp.arange(B)[:, None, None]
    int_g = int_feats[b_idx, sample_indexes].reshape(B * K, TOP_LENGTH, len(VOCABS))
    numeric_g = numeric[b_idx, sample_indexes].reshape(B * K, TOP_LENGTH, 4)
    policy_c = jnp.clip(policy, 1e-6, 1.0)
    rank = jnp.arange(TOP_LENGTH)[None, None, :]
    sample_prop = policy_c[b_idx, sample_indexes, rank]
    logits = _evaluator(int_g, numeric_g, emb_tables, eval_params)
    pctrs = jax.lax.stop_gradient(jax.nn.sigmoid(logits).reshape(B, K, TOP_LENGTH))
    loss = jnp.sum(pctrs, axis=2) * jnp.sum(jnp.log(sample_prop), axis=2)
    loss = (-1.0 / K) * jnp.sum(loss, axis=1)
    return jnp.sum(loss)


def reference(int_feats, numeric, improv, pctr, gen_params, emb_tables, eval_params):
    return _forward(int_feats, numeric, pctr, gen_params, emb_tables, eval_params)

if __name__ == "__main__":
    import jax
    _d = setup_inputs()
    print(jax.jit(kernel)(*tuple(_d.values())))

</pallas_src>

<mosaic_0001>
#map = affine_map<(d0, d1) -> (0, 0)>
module attributes {stable_mosaic.version = 14 : i64} {
  func.func @sc_gather(%arg0: i32, %arg1: i32, %arg2: memref<47x8xf32, #tpu.memory_space<hbm>>, %arg3: memref<407x8xf32, #tpu.memory_space<hbm>>, %arg4: memref<3833x8xf32, #tpu.memory_space<hbm>>, %arg5: memref<103253x24xf32, #tpu.memory_space<hbm>>, %arg6: memref<102759x24xf32, #tpu.memory_space<hbm>>, %arg7: memref<49210x16xf32, #tpu.memory_space<hbm>>, %arg8: memref<87397x24xf32, #tpu.memory_space<hbm>>, %arg9: memref<5001x16xf32, #tpu.memory_space<hbm>>, %arg10: memref<5001x16xf32, #tpu.memory_space<hbm>>, %arg11: memref<5001x16xf32, #tpu.memory_space<hbm>>, %arg12: memref<500x8xf32, #tpu.memory_space<hbm>>, %arg13: memref<10001x16xf32, #tpu.memory_space<hbm>>, %arg14: memref<1001x8xf32, #tpu.memory_space<hbm>>, %arg15: memref<1001x8xf32, #tpu.memory_space<hbm>>, %arg16: memref<2001x8xf32, #tpu.memory_space<hbm>>, %arg17: memref<1000x8xf32, #tpu.memory_space<hbm>>, %arg18: memref<1000x8xf32, #tpu.memory_space<hbm>>, %arg19: memref<1000x8xf32, #tpu.memory_space<hbm>>, %arg20: memref<1000x8xf32, #tpu.memory_space<hbm>>, %arg21: memref<1000x8xf32, #tpu.memory_space<hbm>>, %arg22: memref<1000x8xf32, #tpu.memory_space<hbm>>, %arg23: memref<1000x8xf32, #tpu.memory_space<hbm>>, %arg24: memref<1000x8xf32, #tpu.memory_space<hbm>>, %arg25: memref<1000x8xf32, #tpu.memory_space<hbm>>, %arg26: memref<1000x8xf32, #tpu.memory_space<hbm>>, %arg27: memref<1000x8xf32, #tpu.memory_space<hbm>>, %arg28: memref<1000x8xf32, #tpu.memory_space<hbm>>, %arg29: memref<1000x8xf32, #tpu.memory_space<hbm>>, %arg30: memref<1000x8xf32, #tpu.memory_space<hbm>>, %arg31: memref<1000x8xf32, #tpu.memory_space<hbm>>, %arg32: memref<1000x8xf32, #tpu.memory_space<hbm>>, %arg33: memref<1000x8xf32, #tpu.memory_space<hbm>>, %arg34: memref<1000x8xf32, #tpu.memory_space<hbm>>, %arg35: memref<1000x8xf32, #tpu.memory_space<hbm>>, %arg36: memref<1000x8xf32, #tpu.memory_space<hbm>>, %arg37: memref<1000x8xf32, #tpu.memory_space<hbm>>, %arg38: memref<1000x8xf32, #tpu.memory_space<hbm>>, %arg39: memref<1000x8xf32, #tpu.memory_space<hbm>>, %arg40: memref<1000x8xf32, #tpu.memory_space<hbm>>, %arg41: memref<1000x8xf32, #tpu.memory_space<hbm>>, %arg42: memref<1000x8xf32, #tpu.memory_space<hbm>>, %arg43: memref<1000x8xf32, #tpu.memory_space<hbm>>, %arg44: memref<1000x8xf32, #tpu.memory_space<hbm>>, %arg45: memref<1000x8xf32, #tpu.memory_space<hbm>>, %arg46: memref<1000x8xf32, #tpu.memory_space<hbm>>, %arg47: memref<7x8xf32, #tpu.memory_space<hbm>>, %arg48: memref<24x8xf32, #tpu.memory_space<hbm>>, %arg49: memref<60x8xf32, #tpu.memory_space<hbm>>, %arg50: memref<60x8xf32, #tpu.memory_space<hbm>>, %arg51: memref<49x81920xi32, #tpu.memory_space<hbm>>, %arg52: memref<81920x8xf32, #tpu.memory_space<hbm>>, %arg53: memref<81920x488xf32, #tpu.memory_space<hbm>>, %arg54: memref<640x8xf32, #tpu.memory_space<vmem>>, %arg55: memref<640x8xf32, #tpu.memory_space<vmem>>, %arg56: memref<640x16xf32, #tpu.memory_space<vmem>>, %arg57: memref<640x16xf32, #tpu.memory_space<vmem>>, %arg58: memref<640x24xf32, #tpu.memory_space<vmem>>, %arg59: memref<640x24xf32, #tpu.memory_space<vmem>>, %arg60: memref<640xi32, #tpu.memory_space<vmem>>, %arg61: memref<640xi32, #tpu.memory_space<vmem>>, %arg62: memref<640x8xf32, #tpu.memory_space<vmem>>, %arg63: memref<!tpu.dma_semaphore, #tpu.memory_space<semaphore_mem>>, %arg64: memref<!tpu.dma_semaphore, #tpu.memory_space<semaphore_mem>>, %arg65: memref<!tpu.dma_semaphore, #tpu.memory_space<semaphore_mem>>, %arg66: memref<!tpu.dma_semaphore, #tpu.memory_space<semaphore_mem>>, %arg67: memref<!tpu.dma_semaphore, #tpu.memory_space<semaphore_mem>>, %arg68: memref<!tpu.dma_semaphore, #tpu.memory_space<semaphore_mem>>, %arg69: memref<!tpu.dma_semaphore, #tpu.memory_space<semaphore_mem>>, %arg70: memref<!tpu.dma_semaphore, #tpu.memory_space<semaphore_mem>>) attributes {dimension_semantics = [#tpu.dimension_semantics<core_parallel>, #tpu.dimension_semantics<subcore_parallel>], iteration_bounds = array<i64: 2, 16>, scalar_prefetch = 0 : i64, scratch_operands = 17 : i64, tpu.core_type = #tpu.core_type<sc_vector_subcore>, window_params = [{transform_indices = #map}, {transform_indices = #map}, {transform_indices = #map}, {transform_indices = #map}, {transform_indices = #map}, {transform_indices = #map}, {transform_indices = #map}, {transform_indices = #map}, {transform_indices = #map}, {transform_indices = #map}, {transform_indices = #map}, {transform_indices = #map}, {transform_indices = #map}, {transform_indices = #map}, {transform_indices = #map}, {transform_indices = #map}, {transform_indices = #map}, {transform_indices = #map}, {transform_indices = #map}, {transform_indices = #map}, {transform_indices = #map}, {transform_indices = #map}, {transform_indices = #map}, {transform_indices = #map}, {transform_indices = #map}, {transform_indices = #map}, {transform_indices = #map}, {transform_indices = #map}, {transform_indices = #map}, {transform_indices = #map}, {transform_indices = #map}, {transform_indices = #map}, {transform_indices = #map}, {transform_indices = #map}, {transform_indices = #map}, {transform_indices = #map}, {transform_indices = #map}, {transform_indices = #map}, {transform_indices = #map}, {transform_indices = #map}, {transform_indices = #map}, {transform_indices = #map}, {transform_indices = #map}, {transform_indices = #map}, {transform_indices = #map}, {transform_indices = #map}, {transform_indices = #map}, {transform_indices = #map}, {transform_indices = #map}, {transform_indices = #map}, {transform_indices = #map}, {transform_indices = #map}]} {
    %mul3A = arith.constant 2 : i32
    %mul3A_0 = arith.muli %arg1, %mul3A : i32
    %add3A = arith.addi %mul3A_0, %arg0 : i32
    %mul3A_1 = arith.constant 2560 : i32
    %mul3A_2 = arith.muli %add3A, %mul3A_1 : i32
    %scan3A = arith.constant 0 : i32
    %scan3A_3 = arith.constant 0 : i32
    %scan3A_4 = arith.constant 4 : i32
    %scan3A_5 = arith.addi %scan3A_3, %scan3A_4 : i32
    %scan3A_6 = arith.constant 1 : i32
    scf.for %scan3A_8 = %scan3A_3 to %scan3A_5 step %scan3A_6  : i32 {
      %mul3A_9 = arith.constant 640 : i32
      %mul3A_10 = arith.muli %scan3A_8, %mul3A_9 : i32
      %add3A_11 = arith.addi %mul3A_2, %mul3A_10 : i32
      %dma_start3A = arith.constant 0 : i32
      %dma_start3A_12 = tpu.memref_slice %arg51[%dma_start3A, %add3A_11] : memref<49x81920xi32, #tpu.memory_space<hbm>> -> memref<1x640xi32, #tpu.memory_space<hbm>>
      %dma_start3A_13 = tpu.memref_squeeze %dma_start3A_12 : memref<1x640xi32, #tpu.memory_space<hbm>> -> memref<640xi32, #tpu.memory_space<hbm>>
      %dma_start3A_14 = tpu.memref_slice %arg51[%dma_start3A, %add3A_11] : memref<49x81920xi32, #tpu.memory_space<hbm>> -> memref<1x640xi32, #tpu.memory_space<hbm>>
      %dma_start3A_15 = tpu.memref_squeeze %dma_start3A_14 : memref<1x640xi32, #tpu.memory_space<hbm>> -> memref<640xi32, #tpu.memory_space<hbm>>
      tpu.enqueue_dma source(%dma_start3A_15 : memref<640xi32, #tpu.memory_space<hbm>>) target(%arg60 : memref<640xi32, #tpu.memory_space<vmem>>) target_semaphore(%arg63 : memref<!tpu.dma_semaphore, #tpu.memory_space<semaphore_mem>>)
      %dma_wait3A = arith.constant 0 : i32
      %dma_wait3A_16 = tpu.memref_slice %arg51[%dma_wait3A, %add3A_11] : memref<49x81920xi32, #tpu.memory_space<hbm>> -> memref<1x640xi32, #tpu.memory_space<hbm>>
      %dma_wait3A_17 = tpu.memref_squeeze %dma_wait3A_16 : memref<1x640xi32, #tpu.memory_space<hbm>> -> memref<640xi32, #tpu.memory_space<hbm>>
      %dma_wait3A_18 = tpu.memref_slice %arg51[%dma_wait3A, %add3A_11] : memref<49x81920xi32, #tpu.memory_space<hbm>> -> memref<1x640xi32, #tpu.memory_space<hbm>>
      %dma_wait3A_19 = tpu.memref_squeeze %dma_wait3A_18 : memref<1x640xi32, #tpu.memory_space<hbm>> -> memref<640xi32, #tpu.memory_space<hbm>>
      tpu.wait_dma2 semaphore(%arg63 : memref<!tpu.dma_semaphore, #tpu.memory_space<semaphore_mem>>) src(%dma_wait3A_19 : memref<640xi32, #tpu.memory_space<hbm>>) dst(%arg60 : memref<640xi32, #tpu.memory_space<vmem>>)
      %dma_start3A_20 = arith.constant 0 : i32
      %dma_start3A_21 = arith.constant 0 : i32
      %dma_start3A_22 = tpu.memref_slice %arg2[%dma_start3A_20, %dma_start3A_21] : memref<47x8xf32, #tpu.memory_space<hbm>> -> memref<47x8xf32, #tpu.memory_space<hbm>>
      tpu.enqueue_indirect_dma source(%dma_start3A_22 : memref<47x8xf32, #tpu.memory_space<hbm>>) target(%arg54 : memref<640x8xf32, #tpu.memory_space<vmem>>) offsets(%arg60 : memref<640xi32, #tpu.memory_space<vmem>>) semaphore(%arg65 : memref<!tpu.dma_semaphore, #tpu.memory_space<semaphore_mem>>)
      %dma_start3A_23 = arith.constant 1 : i32
      %dma_start3A_24 = tpu.memref_slice %arg51[%dma_start3A_23, %add3A_11] : memref<49x81920xi32, #tpu.memory_space<hbm>> -> memref<1x640xi32, #tpu.memory_space<hbm>>
      %dma_start3A_25 = tpu.memref_squeeze %dma_start3A_24 : memref<1x640xi32, #tpu.memory_space<hbm>> -> memref<640xi32, #tpu.memory_space<hbm>>
      %dma_start3A_26 = tpu.memref_slice %arg51[%dma_start3A_23, %add3A_11] : memref<49x81920xi32, #tpu.memory_space<hbm>> -> memref<1x640xi32, #tpu.memory_space<hbm>>
      %dma_start3A_27 = tpu.memref_squeeze %dma_start3A_26 : memref<1x640xi32, #tpu.memory_space<hbm>> -> memref<640xi32, #tpu.memory_space<hbm>>
      tpu.enqueue_dma source(%dma_start3A_27 : memref<640xi32, #tpu.memory_space<hbm>>) target(%arg61 : memref<640xi32, #tpu.memory_space<vmem>>) target_semaphore(%arg63 : memref<!tpu.dma_semaphore, #tpu.memory_space<semaphore_mem>>)
      %dma_wait3A_28 = arith.constant 0 : i32
      %dma_wait3A_29 = arith.constant 0 : i32
      %dma_wait3A_30 = tpu.memref_slice %arg2[%dma_wait3A_28, %dma_wait3A_29] : memref<47x8xf32, #tpu.memory_space<hbm>> -> memref<47x8xf32, #tpu.memory_space<hbm>>
      tpu.wait_indirect_dma semaphore(%arg65 : memref<!tpu.dma_semaphore, #tpu.memory_space<semaphore_mem>>) src(%dma_wait3A_30 : memref<47x8xf32, #tpu.memory_space<hbm>>) dst(%arg54 : memref<640x8xf32, #tpu.memory_space<vmem>>)
      %dma_start3A_31 = arith.constant 0 : i32
      %dma_start3A_32 = tpu.memref_slice %arg53[%add3A_11, %dma_start3A_31] : memref<81920x488xf32, #tpu.memory_space<hbm>> -> memref<640x8xf32, #tpu.memory_space<hbm>>
      %dma_start3A_33 = arith.constant 0 : i32
      %dma_start3A_34 = tpu.memref_slice %arg53[%add3A_11, %dma_start3A_33] : memref<81920x488xf32, #tpu.memory_space<hbm>> -> memref<640x8xf32, #tpu.memory_space<hbm>>
      tpu.enqueue_dma source(%arg54 : memref<640x8xf32, #tpu.memory_space<vmem>>) target(%dma_start3A_34 : memref<640x8xf32, #tpu.memory_space<hbm>>) target_semaphore(%arg68 : memref<!tpu.dma_semaphore, #tpu.memory_space<semaphore_mem>>)
      %dma_wait3A_35 = arith.constant 1 : i32
      %dma_wait3A_36 = tpu.memref_slice %arg51[%dma_wait3A_35, %add3A_11] : memref<49x81920xi32, #tpu.memory_space<hbm>> -> memref<1x640xi32, #tpu.memory_space<hbm>>
      %dma_wait3A_37 = tpu.memref_squeeze %dma_wait3A_36 : memref<1x640xi32, #tpu.memory_space<hbm>> -> memref<640xi32, #tpu.memory_space<hbm>>
      %dma_wait3A_38 = tpu.memref_slice %arg51[%dma_wait3A_35, %add3A_11] : memref<49x81920xi32, #tpu.memory_space<hbm>> -> memref<1x640xi32, #tpu.memory_space<hbm>>
      %dma_wait3A_39 = tpu.memref_squeeze %dma_wait3A_38 : memref<1x640xi32, #tpu.memory_space<hbm>> -> memref<640xi32, #tpu.memory_space<hbm>>
      tpu.wait_dma2 semaphore(%arg63 : memref<!tpu.dma_semaphore, #tpu.memory_space<semaphore_mem>>) src(%dma_wait3A_39 : memref<640xi32, #tpu.memory_space<hbm>>) dst(%arg61 : memref<640xi32, #tpu.memory_space<vmem>>)
      %dma_start3A_40 = arith.constant 0 : i32
      %dma_start3A_41 = arith.constant 0 : i32
      %dma_start3A_42 = tpu.memref_slice %arg3[%dma_start3A_40, %dma_start3A_41] : memref<407x8xf32, #tpu.memory_space<hbm>> -> memref<407x8xf32, #tpu.memory_space<hbm>>
      tpu.enqueue_indirect_dma source(%dma_start3A_42 : memref<407x8xf32, #tpu.memory_space<hbm>>) target(%arg55 : memref<640x8xf32, #tpu.memory_space<vmem>>) offsets(%arg61 : memref<640xi32, #tpu.memory_space<vmem>>) semaphore(%arg65 : memref<!tpu.dma_semaphore, #tpu.memory_space<semaphore_mem>>)
      %dma_start3A_43 = arith.constant 2 : i32
      %dma_start3A_44 = tpu.memref_slice %arg51[%dma_start3A_43, %add3A_11] : memref<49x81920xi32, #tpu.memory_space<hbm>> -> memref<1x640xi32, #tpu.memory_space<hbm>>
      %dma_start3A_45 = tpu.memref_squeeze %dma_start3A_44 : memref<1x640xi32, #tpu.memory_space<hbm>> -> memref<640xi32, #tpu.memory_space<hbm>>
      %dma_start3A_46 = tpu.memref_slice %arg51[%dma_start3A_43, %add3A_11] : memref<49x81920xi32, #tpu.memory_space<hbm>> -> memref<1x640xi32, #tpu.memory_space<hbm>>
      %dma_start3A_47 = tpu.memref_squeeze %dma_start3A_46 : memref<1x640xi32, #tpu.memory_space<hbm>> -> memref<640xi32, #tpu.memory_space<hbm>>
      tpu.enqueue_dma source(%dma_start3A_47 : memref<640xi32, #tpu.memory_space<hbm>>) target(%arg60 : memref<640xi32, #tpu.memory_space<vmem>>) target_semaphore(%arg63 : memref<!tpu.dma_semaphore, #tpu.memory_space<semaphore_mem>>)
      %dma_wait3A_48 = arith.constant 0 : i32
      %dma_wait3A_49 = arith.constant 0 : i32
      %dma_wait3A_50 = tpu.memref_slice %arg3[%dma_wait3A_48, %dma_wait3A_49] : memref<407x8xf32, #tpu.memory_space<hbm>> -> memref<407x8xf32, #tpu.memory_space<hbm>>
      tpu.wait_indirect_dma semaphore(%arg65 : memref<!tpu.dma_semaphore, #tpu.memory_space<semaphore_mem>>) src(%dma_wait3A_50 : memref<407x8xf32, #tpu.memory_space<hbm>>) dst(%arg55 : memref<640x8xf32, #tpu.memory_space<vmem>>)
      %dma_start3A_51 = arith.constant 8 : i32
      %dma_start3A_52 = tpu.memref_slice %arg53[%add3A_11, %dma_start3A_51] : memref<81920x488xf32, #tpu.memory_space<hbm>> -> memref<640x8xf32, #tpu.memory_space<hbm>>
      %dma_start3A_53 = arith.constant 8 : i32
      %dma_start3A_54 = tpu.memref_slice %arg53[%add3A_11, %dma_start3A_53] : memref<81920x488xf32, #tpu.memory_space<hbm>> -> memref<640x8xf32, #tpu.memory_space<hbm>>
      tpu.enqueue_dma source(%arg55 : memref<640x8xf32, #tpu.memory_space<vmem>>) target(%dma_start3A_54 : memref<640x8xf32, #tpu.memory_space<hbm>>) target_semaphore(%arg68 : memref<!tpu.dma_semaphore, #tpu.memory_space<semaphore_mem>>)
      %dma_wait3A_55 = arith.constant 0 : i32
      %dma_wait3A_56 = tpu.memref_slice %arg53[%add3A_11, %dma_wait3A_55] : memref<81920x488xf32, #tpu.memory_space<hbm>> -> memref<640x8xf32, #tpu.memory_space<hbm>>
      %dma_wait3A_57 = arith.constant 0 : i32
      %dma_wait3A_58 = tpu.memref_slice %arg53[%add3A_11, %dma_wait3A_57] : memref<81920x488xf32, #tpu.memory_space<hbm>> -> memref<640x8xf32, #tpu.memory_space<hbm>>
      tpu.wait_dma2 semaphore(%arg68 : memref<!tpu.dma_semaphore, #tpu.memory_space<semaphore_mem>>) src(%arg54 : memref<640x8xf32, #tpu.memory_space<vmem>>) dst(%dma_wait3A_58 : memref<640x8xf32, #tpu.memory_space<hbm>>)
      %dma_wait3A_59 = arith.constant 2 : i32
      %dma_wait3A_60 = tpu.memref_slice %arg51[%dma_wait3A_59, %add3A_11] : memref<49x81920xi32, #tpu.memory_space<hbm>> -> memref<1x640xi32, #tpu.memory_space<hbm>>
      %dma_wait3A_61 = tpu.memref_squeeze %dma_wait3A_60 : memref<1x640xi32, #tpu.memory_space<hbm>> -> memref<640xi32, #tpu.memory_space<hbm>>
      %dma_wait3A_62 = tpu.memref_slice %arg51[%dma_wait3A_59, %add3A_11] : memref<49x81920xi32, #tpu.memory_space<hbm>> -> memref<1x640xi32, #tpu.memory_space<hbm>>
      %dma_wait3A_63 = tpu.memref_squeeze %dma_wait3A_62 : memref<1x640xi32, #tpu.memory_space<hbm>> -> memref<640xi32, #tpu.memory_space<hbm>>
      tpu.wait_dma2 semaphore(%arg63 : memref<!tpu.dma_semaphore, #tpu.memory_space<semaphore_mem>>) src(%dma_wait3A_63 : memref<640xi32, #tpu.memory_space<hbm>>) dst(%arg60 : memref<640xi32, #tpu.memory_space<vmem>>)
      %dma_start3A_64 = arith.constant 0 : i32
      %dma_start3A_65 = arith.constant 0 : i32
      %dma_start3A_66 = tpu.memref_slice %arg4[%dma_start3A_64, %dma_start3A_65] : memref<3833x8xf32, #tpu.memory_space<hbm>> -> memref<3833x8xf32, #tpu.memory_space<hbm>>
      tpu.enqueue_indirect_dma source(%dma_start3A_66 : memref<3833x8xf32, #tpu.memory_space<hbm>>) target(%arg54 : memref<640x8xf32, #tpu.memory_space<vmem>>) offsets(%arg60 : memref<640xi32, #tpu.memory_space<vmem>>) semaphore(%arg65 : memref<!tpu.dma_semaphore, #tpu.memory_space<semaphore_mem>>)
      %dma_start3A_67 = arith.constant 3 : i32
      %dma_start3A_68 = tpu.memref_slice %arg51[%dma_start3A_67, %add3A_11] : memref<49x81920xi32, #tpu.memory_space<hbm>> -> memref<1x640xi32, #tpu.memory_space<hbm>>
      %dma_start3A_69 = tpu.memref_squeeze %dma_start3A_68 : memref<1x640xi32, #tpu.memory_space<hbm>> -> memref<640xi32, #tpu.memory_space<hbm>>
      %dma_start3A_70 = tpu.memref_slice %arg51[%dma_start3A_67, %add3A_11] : memref<49x81920xi32, #tpu.memory_space<hbm>> -> memref<1x640xi32, #tpu.memory_space<hbm>>
      %dma_start3A_71 = tpu.memref_squeeze %dma_start3A_70 : memref<1x640xi32, #tpu.memory_space<hbm>> -> memref<640xi32, #tpu.memory_space<hbm>>
      tpu.enqueue_dma source(%dma_start3A_71 : memref<640xi32, #tpu.memory_space<hbm>>) target(%arg61 : memref<640xi32, #tpu.memory_space<vmem>>) target_semaphore(%arg63 : memref<!tpu.dma_semaphore, #tpu.memory_space<semaphore_mem>>)
      %dma_wait3A_72 = arith.constant 0 : i32
      %dma_wait3A_73 = arith.constant 0 : i32
      %dma_wait3A_74 = tpu.memref_slice %arg4[%dma_wait3A_72, %dma_wait3A_73] : memref<3833x8xf32, #tpu.memory_space<hbm>> -> memref<3833x8xf32, #tpu.memory_space<hbm>>
      tpu.wait_indirect_dma semaphore(%arg65 : memref<!tpu.dma_semaphore, #tpu.memory_space<semaphore_mem>>) src(%dma_wait3A_74 : memref<3833x8xf32, #tpu.memory_space<hbm>>) dst(%arg54 : memref<640x8xf32, #tpu.memory_space<vmem>>)
      %dma_start3A_75 = arith.constant 16 : i32
      %dma_start3A_76 = tpu.memref_slice %arg53[%add3A_11, %dma_start3A_75] : memref<81920x488xf32, #tpu.memory_space<hbm>> -> memref<640x8xf32, #tpu.memory_space<hbm>>
      %dma_start3A_77 = arith.constant 16 : i32
      %dma_start3A_78 = tpu.memref_slice %arg53[%add3A_11, %dma_start3A_77] : memref<81920x488xf32, #tpu.memory_space<hbm>> -> memref<640x8xf32, #tpu.memory_space<hbm>>
      tpu.enqueue_dma source(%arg54 : memref<640x8xf32, #tpu.memory_space<vmem>>) target(%dma_start3A_78 : memref<640x8xf32, #tpu.memory_space<hbm>>) target_semaphore(%arg68 : memref<!tpu.dma_semaphore, #tpu.memory_space<semaphore_mem>>)
      %dma_wait3A_79 = arith.constant 3 : i32
      %dma_wait3A_80 = tpu.memref_slice %arg51[%dma_wait3A_79, %add3A_11] : memref<49x81920xi32, #tpu.memory_space<hbm>> -> memref<1x640xi32, #tpu.memory_space<hbm>>
      %dma_wait3A_81 = tpu.memref_squeeze %dma_wait3A_80 : memref<1x640xi32, #tpu.memory_space<hbm>> -> memref<640xi32, #tpu.memory_space<hbm>>
      %dma_wait3A_82 = tpu.memref_slice %arg51[%dma_wait3A_79, %add3A_11] : memref<49x81920xi32, #tpu.memory_space<hbm>> -> memref<1x640xi32, #tpu.memory_space<hbm>>
      %dma_wait3A_83 = tpu.memref_squeeze %dma_wait3A_82 : memref<1x640xi32, #tpu.memory_space<hbm>> -> memref<640xi32, #tpu.memory_space<hbm>>
      tpu.wait_dma2 semaphore(%arg63 : memref<!tpu.dma_semaphore, #tpu.memory_space<semaphore_mem>>) src(%dma_wait3A_83 : memref<640xi32, #tpu.memory_space<hbm>>) dst(%arg61 : memref<640xi32, #tpu.memory_space<vmem>>)
      %dma_start3A_84 = arith.constant 0 : i32
      %dma_start3A_85 = arith.constant 0 : i32
      %dma_start3A_86 = tpu.memref_slice %arg5[%dma_start3A_84, %dma_start3A_85] : memref<103253x24xf32, #tpu.memory_space<hbm>> -> memref<103253x24xf32, #tpu.memory_space<hbm>>
      tpu.enqueue_indirect_dma source(%dma_start3A_86 : memref<103253x24xf32, #tpu.memory_space<hbm>>) target(%arg58 : memref<640x24xf32, #tpu.memory_space<vmem>>) offsets(%arg61 : memref<640xi32, #tpu.memory_space<vmem>>) semaphore(%arg67 : memref<!tpu.dma_semaphore, #tpu.memory_space<semaphore_mem>>)
      %dma_start3A_87 = arith.constant 4 : i32
      %dma_start3A_88 = tpu.memref_slice %arg51[%dma_start3A_87, %add3A_11] : memref<49x81920xi32, #tpu.memory_space<hbm>> -> memref<1x640xi32, #tpu.memory_space<hbm>>
      %dma_start3A_89 = tpu.memref_squeeze %dma_start3A_88 : memref<1x640xi32, #tpu.memory_space<hbm>> -> memref<640xi32, #tpu.memory_space<hbm>>
      %dma_start3A_90 = tpu.memref_slice %arg51[%dma_start3A_87, %add3A_11] : memref<49x81920xi32, #tpu.memory_space<hbm>> -> memref<1x640xi32, #tpu.memory_space<hbm>>
      %dma_start3A_91 = tpu.memref_squeeze %dma_start3A_90 : memref<1x640xi32, #tpu.memory_space<hbm>> -> memref<640xi32, #tpu.memory_space<hbm>>
      tpu.enqueue_dma source(%dma_start3A_91 : memref<640xi32, #tpu.memory_space<hbm>>) target(%arg60 : memref<640xi32, #tpu.memory_space<vmem>>) target_semaphore(%arg63 : memref<!tpu.dma_semaphore, #tpu.memory_space<semaphore_mem>>)
      %dma_wait3A_92 = arith.constant 0 : i32
      %dma_wait3A_93 = arith.constant 0 : i32
      %dma_wait3A_94 = tpu.memref_slice %arg5[%dma_wait3A_92, %dma_wait3A_93] : memref<103253x24xf32, #tpu.memory_space<hbm>> -> memref<103253x24xf32, #tpu.memory_space<hbm>>
      tpu.wait_indirect_dma semaphore(%arg67 : memref<!tpu.dma_semaphore, #tpu.memory_space<semaphore_mem>>) src(%dma_wait3A_94 : memref<103253x24xf32, #tpu.memory_space<hbm>>) dst(%arg58 : memref<640x24xf32, #tpu.memory_space<vmem>>)
      %dma_start3A_95 = arith.constant 24 : i32
      %dma_start3A_96 = tpu.memref_slice %arg53[%add3A_11, %dma_start3A_95] : memref<81920x488xf32, #tpu.memory_space<hbm>> -> memref<640x24xf32, #tpu.memory_space<hbm>>
      %dma_start3A_97 = arith.constant 24 : i32
      %dma_start3A_98 = tpu.memref_slice %arg53[%add3A_11, %dma_start3A_97] : memref<81920x488xf32, #tpu.memory_space<hbm>> -> memref<640x24xf32, #tpu.memory_space<hbm>>
      tpu.enqueue_dma source(%arg58 : memref<640x24xf32, #tpu.memory_space<vmem>>) target(%dma_start3A_98 : memref<640x24xf32, #tpu.memory_space<hbm>>) target_semaphore(%arg70 : memref<!tpu.dma_semaphore, #tpu.memory_space<semaphore_mem>>)
      %dma_wait3A_99 = arith.constant 4 : i32
      %dma_wait3A_100 = tpu.memref_slice %arg51[%dma_wait3A_99, %add3A_11] : memref<49x81920xi32, #tpu.memory_space<hbm>> -> memref<1x640xi32, #tpu.memory_space<hbm>>
      %dma_wait3A_101 = tpu.memref_squeeze %dma_wait3A_100 : memref<1x640xi32, #tpu.memory_space<hbm>> -> memref<640xi32, #tpu.memory_space<hbm>>
      %dma_wait3A_102 = tpu.memref_slice %arg51[%dma_wait3A_99, %add3A_11] : memref<49x81920xi32, #tpu.memory_space<hbm>> -> memref<1x640xi32, #tpu.memory_space<hbm>>
      %dma_wait3A_103 = tpu.memref_squeeze %dma_wait3A_102 : memref<1x640xi32, #tpu.memory_space<hbm>> -> memref<640xi32, #tpu.memory_space<hbm>>
      tpu.wait_dma2 semaphore(%arg63 : memref<!tpu.dma_semaphore, #tpu.memory_space<semaphore_mem>>) src(%dma_wait3A_103 : memref<640xi32, #tpu.memory_space<hbm>>) dst(%arg60 : memref<640xi32, #tpu.memory_space<vmem>>)
      %dma_start3A_104 = arith.constant 0 : i32
      %dma_start3A_105 = arith.constant 0 : i32
      %dma_start3A_106 = tpu.memref_slice %arg6[%dma_start3A_104, %dma_start3A_105] : memref<102759x24xf32, #tpu.memory_space<hbm>> -> memref<102759x24xf32, #tpu.memory_space<hbm>>
      tpu.enqueue_indirect_dma source(%dma_start3A_106 : memref<102759x24xf32, #tpu.memory_space<hbm>>) target(%arg59 : memref<640x24xf32, #tpu.memory_space<vmem>>) offsets(%arg60 : memref<640xi32, #tpu.memory_space<vmem>>) semaphore(%arg67 : memref<!tpu.dma_semaphore, #tpu.memory_space<semaphore_mem>>)
      %dma_start3A_107 = arith.constant 5 : i32
      %dma_start3A_108 = tpu.memref_slice %arg51[%dma_start3A_107, %add3A_11] : memref<49x81920xi32, #tpu.memory_space<hbm>> -> memref<1x640xi32, #tpu.memory_space<hbm>>
      %dma_start3A_109 = tpu.memref_squeeze %dma_start3A_108 : memref<1x640xi32, #tpu.memory_space<hbm>> -> memref<640xi32, #tpu.memory_space<hbm>>
      %dma_start3A_110 = tpu.memref_slice %arg51[%dma_start3A_107, %add3A_11] : memref<49x81920xi32, #tpu.memory_space<hbm>> -> memref<1x640xi32, #tpu.memory_space<hbm>>
      %dma_start3A_111 = tpu.memref_squeeze %dma_start3A_110 : memref<1x640xi32, #tpu.memory_space<hbm>> -> memref<640xi32, #tpu.memory_space<hbm>>
      tpu.enqueue_dma source(%dma_start3A_111 : memref<640xi32, #tpu.memory_space<hbm>>) target(%arg61 : memref<640xi32, #tpu.memory_space<vmem>>) target_semaphore(%arg63 : memref<!tpu.dma_semaphore, #tpu.memory_space<semaphore_mem>>)
      %dma_wait3A_112 = arith.constant 0 : i32
      %dma_wait3A_113 = arith.constant 0 : i32
      %dma_wait3A_114 = tpu.memref_slice %arg6[%dma_wait3A_112, %dma_wait3A_113] : memref<102759x24xf32, #tpu.memory_space<hbm>> -> memref<102759x24xf32, #tpu.memory_space<hbm>>
      tpu.wait_indirect_dma semaphore(%arg67 : memref<!tpu.dma_semaphore, #tpu.memory_space<semaphore_mem>>) src(%dma_wait3A_114 : memref<102759x24xf32, #tpu.memory_space<hbm>>) dst(%arg59 : memref<640x24xf32, #tpu.memory_space<vmem>>)
      %dma_start3A_115 = arith.constant 48 : i32
      %dma_start3A_116 = tpu.memref_slice %arg53[%add3A_11, %dma_start3A_115] : memref<81920x488xf32, #tpu.memory_space<hbm>> -> memref<640x24xf32, #tpu.memory_space<hbm>>
      %dma_start3A_117 = arith.constant 48 : i32
      %dma_start3A_118 = tpu.memref_slice %arg53[%add3A_11, %dma_start3A_117] : memref<81920x488xf32, #tpu.memory_space<hbm>> -> memref<640x24xf32, #tpu.memory_space<hbm>>
      tpu.enqueue_dma source(%arg59 : memref<640x24xf32, #tpu.memory_space<vmem>>) target(%dma_start3A_118 : memref<640x24xf32, #tpu.memory_space<hbm>>) target_semaphore(%arg70 : memref<!tpu.dma_semaphore, #tpu.memory_space<semaphore_mem>>)
      %dma_wait3A_119 = arith.constant 5 : i32
      %dma_wait3A_120 = tpu.memref_slice %arg51[%dma_wait3A_119, %add3A_11] : memref<49x81920xi32, #tpu.memory_space<hbm>> -> memref<1x640xi32, #tpu.memory_space<hbm>>
      %dma_wait3A_121 = tpu.memref_squeeze %dma_wait3A_120 : memref<1x640xi32, #tpu.memory_space<hbm>> -> memref<640xi32, #tpu.memory_space<hbm>>
      %dma_wait3A_122 = tpu.memref_slice %arg51[%dma_wait3A_119, %add3A_11] : memref<49x81920xi32, #tpu.memory_space<hbm>> -> memref<1x640xi32, #tpu.memory_space<hbm>>
      %dma_wait3A_123 = tpu.memref_squeeze %dma_wait3A_122 : memref<1x640xi32, #tpu.memory_space<hbm>> -> memref<640xi32, #tpu.memory_space<hbm>>
      tpu.wait_dma2 semaphore(%arg63 : memref<!tpu.dma_semaphore, #tpu.memory_space<semaphore_mem>>) src(%dma_wait3A_123 : memref<640xi32, #tpu.memory_space<hbm>>) dst(%arg61 : memref<640xi32, #tpu.memory_space<vmem>>)
      %dma_start3A_124 = arith.constant 0 : i32
      %dma_start3A_125 = arith.constant 0 : i32
      %dma_start3A_126 = tpu.memref_slice %arg7[%dma_start3A_124, %dma_start3A_125] : memref<49210x16xf32, #tpu.memory_space<hbm>> -> memref<49210x16xf32, #tpu.memory_space<hbm>>
      tpu.enqueue_indirect_dma source(%dma_start3A_126 : memref<49210x16xf32, #tpu.memory_space<hbm>>) target(%arg56 : memref<640x16xf32, #tpu.memory_space<vmem>>) offsets(%arg61 : memref<640xi32, #tpu.memory_space<vmem>>) semaphore(%arg66 : memref<!tpu.dma_semaphore, #tpu.memory_space<semaphore_mem>>)
      %dma_start3A_127 = arith.constant 6 : i32
      %dma_start3A_128 = tpu.memref_slice %arg51[%dma_start3A_127, %add3A_11] : memref<49x81920xi32, #tpu.memory_space<hbm>> -> memref<1x640xi32, #tpu.memory_space<hbm>>
      %dma_start3A_129 = tpu.memref_squeeze %dma_start3A_128 : memref<1x640xi32, #tpu.memory_space<hbm>> -> memref<640xi32, #tpu.memory_space<hbm>>
      %dma_start3A_130 = tpu.memref_slice %arg51[%dma_start3A_127, %add3A_11] : memref<49x81920xi32, #tpu.memory_space<hbm>> -> memref<1x640xi32, #tpu.memory_space<hbm>>
      %dma_start3A_131 = tpu.memref_squeeze %dma_start3A_130 : memref<1x640xi32, #tpu.memory_space<hbm>> -> memref<640xi32, #tpu.memory_space<hbm>>
      tpu.enqueue_dma source(%dma_start3A_131 : memref<640xi32, #tpu.memory_space<hbm>>) target(%arg60 : memref<640xi32, #tpu.memory_space<vmem>>) target_semaphore(%arg63 : memref<!tpu.dma_semaphore, #tpu.memory_space<semaphore_mem>>)
      %dma_wait3A_132 = arith.constant 0 : i32
      %dma_wait3A_133 = arith.constant 0 : i32
      %dma_wait3A_134 = tpu.memref_slice %arg7[%dma_wait3A_132, %dma_wait3A_133] : memref<49210x16xf32, #tpu.memory_space<hbm>> -> memref<49210x16xf32, #tpu.memory_space<hbm>>
      tpu.wait_indirect_dma semaphore(%arg66 : memref<!tpu.dma_semaphore, #tpu.memory_space<semaphore_mem>>) src(%dma_wait3A_134 : memref<49210x16xf32, #tpu.memory_space<hbm>>) dst(%arg56 : memref<640x16xf32, #tpu.memory_space<vmem>>)
      %dma_start3A_135 = arith.constant 72 : i32
      %dma_start3A_136 = tpu.memref_slice %arg53[%add3A_11, %dma_start3A_135] : memref<81920x488xf32, #tpu.memory_space<hbm>> -> memref<640x16xf32, #tpu.memory_space<hbm>>
      %dma_start3A_137 = arith.constant 72 : i32
      %dma_start3A_138 = tpu.memref_slice %arg53[%add3A_11, %dma_start3A_137] : memref<81920x488xf32, #tpu.memory_space<hbm>> -> memref<640x16xf32, #tpu.memory_space<hbm>>
      tpu.enqueue_dma source(%arg56 : memref<640x16xf32, #tpu.memory_space<vmem>>) target(%dma_start3A_138 : memref<640x16xf32, #tpu.memory_space<hbm>>) target_semaphore(%arg69 : memref<!tpu.dma_semaphore, #tpu.memory_space<semaphore_mem>>)
      %dma_wait3A_139 = arith.constant 24 : i32
      %dma_wait3A_140 = tpu.memref_slice %arg53[%add3A_11, %dma_wait3A_139] : memref<81920x488xf32, #tpu.memory_space<hbm>> -> memref<640x24xf32, #tpu.memory_space<hbm>>
      %dma_wait3A_141 = arith.constant 24 : i32
      %dma_wait3A_142 = tpu.memref_slice %arg53[%add3A_11, %dma_wait3A_141] : memref<81920x488xf32, #tpu.memory_space<hbm>> -> memref<640x24xf32, #tpu.memory_space<hbm>>
      tpu.wait_dma2 semaphore(%arg70 : memref<!tpu.dma_semaphore, #tpu.memory_space<semaphore_mem>>) src(%arg58 : memref<640x24xf32, #tpu.memory_space<vmem>>) dst(%dma_wait3A_142 : memref<640x24xf32, #tpu.memory_space<hbm>>)
      %dma_wait3A_143 = arith.constant 6 : i32
      %dma_wait3A_144 = tpu.memref_slice %arg51[%dma_wait3A_143, %add3A_11] : memref<49x81920xi32, #tpu.memory_space<hbm>> -> memref<1x640xi32, #tpu.memory_space<hbm>>
      %dma_wait3A_145 = tpu.memref_squeeze %dma_wait3A_144 : memref<1x640xi32, #tpu.memory_space<hbm>> -> memref<640xi32, #tpu.memory_space<hbm>>
      %dma_wait3A_146 = tpu.memref_slice %arg51[%dma_wait3A_143, %add3A_11] : memref<49x81920xi32, #tpu.memory_space<hbm>> -> memref<1x640xi32, #tpu.memory_space<hbm>>
      %dma_wait3A_147 = tpu.memref_squeeze %dma_wait3A_146 : memref<1x640xi32, #tpu.memory_space<hbm>> -> memref<640xi32, #tpu.memory_space<hbm>>
      tpu.wait_dma2 semaphore(%arg63 : memref<!tpu.dma_semaphore, #tpu.memory_space<semaphore_mem>>) src(%dma_wait3A_147 : memref<640xi32, #tpu.memory_space<hbm>>) dst(%arg60 : memref<640xi32, #tpu.memory_space<vmem>>)
      %dma_start3A_148 = arith.constant 0 : i32
      %dma_start3A_149 = arith.constant 0 : i32
      %dma_start3A_150 = tpu.memref_slice %arg8[%dma_start3A_148, %dma_start3A_149] : memref<87397x24xf32, #tpu.memory_space<hbm>> -> memref<87397x24xf32, #tpu.memory_space<hbm>>
      tpu.enqueue_indirect_dma source(%dma_start3A_150 : memref<87397x24xf32, #tpu.memory_space<hbm>>) target(%arg58 : memref<640x24xf32, #tpu.memory_space<vmem>>) offsets(%arg60 : memref<640xi32, #tpu.memory_space<vmem>>) semaphore(%arg67 : memref<!tpu.dma_semaphore, #tpu.memory_space<semaphore_mem>>)
      %dma_start3A_151 = arith.constant 7 : i32
      %dma_start3A_152 = tpu.memref_slice %arg51[%dma_start3A_151, %add3A_11] : memref<49x81920xi32, #tpu.memory_space<hbm>> -> memref<1x640xi32, #tpu.memory_space<hbm>>
      %dma_start3A_153 = tpu.memref_squeeze %dma_start3A_152 : memref<1x640xi32, #tpu.memory_space<hbm>> -> memref<640xi32, #tpu.memory_space<hbm>>
      %dma_start3A_154 = tpu.memref_slice %arg51[%dma_start3A_151, %add3A_11] : memref<49x81920xi32, #tpu.memory_space<hbm>> -> memref<1x640xi32, #tpu.memory_space<hbm>>
      %dma_start3A_155 = tpu.memref_squeeze %dma_start3A_154 : memref<1x640xi32, #tpu.memory_space<hbm>> -> memref<640xi32, #tpu.memory_space<hbm>>
      tpu.enqueue_dma source(%dma_start3A_155 : memref<640xi32, #tpu.memory_space<hbm>>) target(%arg61 : memref<640xi32, #tpu.memory_space<vmem>>) target_semaphore(%arg63 : memref<!tpu.dma_semaphore, #tpu.memory_space<semaphore_mem>>)
      %dma_wait3A_156 = arith.constant 0 : i32
      %dma_wait3A_157 = arith.constant 0 : i32
      %dma_wait3A_158 = tpu.memref_slice %arg8[%dma_wait3A_156, %dma_wait3A_157] : memref<87397x24xf32, #tpu.memory_space<hbm>> -> memref<87397x24xf32, #tpu.memory_space<hbm>>
      tpu.wait_indirect_dma semaphore(%arg67 : memref<!tpu.dma_semaphore, #tpu.memory_space<semaphore_mem>>) src(%dma_wait3A_158 : memref<87397x24xf32, #tpu.memory_space<hbm>>) dst(%arg58 : memref<640x24xf32, #tpu.memory_space<vmem>>)
      %dma_start3A_159 = arith.constant 88 : i32
      %dma_start3A_160 = tpu.memref_slice %arg53[%add3A_11, %dma_start3A_159] : memref<81920x488xf32, #tpu.memory_space<hbm>> -> memref<640x24xf32, #tpu.memory_space<hbm>>
      %dma_start3A_161 = arith.constant 88 : i32
      %dma_start3A_162 = tpu.memref_slice %arg53[%add3A_11, %dma_start3A_161] : memref<81920x488xf32, #tpu.memory_space<hbm>> -> memref<640x24xf32, #tpu.memory_space<hbm>>
      tpu.enqueue_dma source(%arg58 : memref<640x24xf32, #tpu.memory_space<vmem>>) target(%dma_start3A_162 : memref<640x24xf32, #tpu.memory_space<hbm>>) target_semaphore(%arg70 : memref<!tpu.dma_semaphore, #tpu.memory_space<semaphore_mem>>)
      %dma_wait3A_163 = arith.constant 7 : i32
      %dma_wait3A_164 = tpu.memref_slice %arg51[%dma_wait3A_163, %add3A_11] : memref<49x81920xi32, #tpu.memory_space<hbm>> -> memref<1x640xi32, #tpu.memory_space<hbm>>
      %dma_wait3A_165 = tpu.memref_squeeze %dma_wait3A_164 : memref<1x640xi32, #tpu.memory_space<hbm>> -> memref<640xi32, #tpu.memory_space<hbm>>
      %dma_wait3A_166 = tpu.memref_slice %arg51[%dma_wait3A_163, %add3A_11] : memref<49x81920xi32, #tpu.memory_space<hbm>> -> memref<1x640xi32, #tpu.memory_space<hbm>>
      %dma_wait3A_167 = tpu.memref_squeeze %dma_wait3A_166 : memref<1x640xi32, #tpu.memory_space<hbm>> -> memref<640xi32, #tpu.memory_space<hbm>>
      tpu.wait_dma2 semaphore(%arg63 : memref<!tpu.dma_semaphore, #tpu.memory_space<semaphore_mem>>) src(%dma_wait3A_167 : memref<640xi32, #tpu.memory_space<hbm>>) dst(%arg61 : memref<640xi32, #tpu.memory_space<vmem>>)
      %dma_start3A_168 = arith.constant 0 : i32
      %dma_start3A_169 = arith.constant 0 : i32
      %dma_start3A_170 = tpu.memref_slice %arg9[%dma_start3A_168, %dma_start3A_169] : memref<5001x16xf32, #tpu.memory_space<hbm>> -> memref<5001x16xf32, #tpu.memory_space<hbm>>
      tpu.enqueue_indirect_dma source(%dma_start3A_170 : memref<5001x16xf32, #tpu.memory_space<hbm>>) target(%arg57 : memref<640x16xf32, #tpu.memory_space<vmem>>) offsets(%arg61 : memref<640xi32, #tpu.memory_space<vmem>>) semaphore(%arg66 : memref<!tpu.dma_semaphore, #tpu.memory_space<semaphore_mem>>)
      %dma_start3A_171 = arith.constant 8 : i32
      %dma_start3A_172 = tpu.memref_slice %arg51[%dma_start3A_171, %add3A_11] : memref<49x81920xi32, #tpu.memory_space<hbm>> -> memref<1x640xi32, #tpu.memory_space<hbm>>
      %dma_start3A_173 = tpu.memref_squeeze %dma_start3A_172 : memref<1x640xi32, #tpu.memory_space<hbm>> -> memref<640xi32, #tpu.memory_space<hbm>>
      %dma_start3A_174 = tpu.memref_slice %arg51[%dma_start3A_171, %add3A_11] : memref<49x81920xi32, #tpu.memory_space<hbm>> -> memref<1x640xi32, #tpu.memory_space<hbm>>
      %dma_start3A_175 = tpu.memref_squeeze %dma_start3A_174 : memref<1x640xi32, #tpu.memory_space<hbm>> -> memref<640xi32, #tpu.memory_space<hbm>>
      tpu.enqueue_dma source(%dma_start3A_175 : memref<640xi32, #tpu.memory_space<hbm>>) target(%arg60 : memref<640xi32, #tpu.memory_space<vmem>>) target_semaphore(%arg63 : memref<!tpu.dma_semaphore, #tpu.memory_space<semaphore_mem>>)
      %dma_wait3A_176 = arith.constant 0 : i32
      %dma_wait3A_177 = arith.constant 0 : i32
      %dma_wait3A_178 = tpu.memref_slice %arg9[%dma_wait3A_176, %dma_wait3A_177] : memref<5001x16xf32, #tpu.memory_space<hbm>> -> memref<5001x16xf32, #tpu.memory_space<hbm>>
      tpu.wait_indirect_dma semaphore(%arg66 : memref<!tpu.dma_semaphore, #tpu.memory_space<semaphore_mem>>) src(%dma_wait3A_178 : memref<5001x16xf32, #tpu.memory_space<hbm>>) dst(%arg57 : memref<640x16xf32, #tpu.memory_space<vmem>>)
      %dma_start3A_179 = arith.constant 112 : i32
      %dma_start3A_180 = tpu.memref_slice %arg53[%add3A_11, %dma_start3A_179] : memref<81920x488xf32, #tpu.memory_space<hbm>> -> memref<640x16xf32, #tpu.memory_space<hbm>>
      %dma_start3A_181 = arith.constant 112 : i32
      %dma_start3A_182 = tpu.memref_slice %arg53[%add3A_11, %dma_start3A_181] : memref<81920x488xf32, #tpu.memory_space<hbm>> -> memref<640x16xf32, #tpu.memory_space<hbm>>
      tpu.enqueue_dma source(%arg57 : memref<640x16xf32, #tpu.memory_space<vmem>>) target(%dma_start3A_182 : memref<640x16xf32, #tpu.memory_space<hbm>>) target_semaphore(%arg69 : memref<!tpu.dma_semaphore, #tpu.memory_space<semaphore_mem>>)
      %dma_wait3A_183 = arith.constant 72 : i32
      %dma_wait3A_184 = tpu.memref_slice %arg53[%add3A_11, %dma_wait3A_183] : memref<81920x488xf32, #tpu.memory_space<hbm>> -> memref<640x16xf32, #tpu.memory_space<hbm>>
      %dma_wait3A_185 = arith.constant 72 : i32
      %dma_wait3A_186 = tpu.memref_slice %arg53[%add3A_11, %dma_wait3A_185] : memref<81920x488xf32, #tpu.memory_space<hbm>> -> memref<640x16xf32, #tpu.memory_space<hbm>>
      tpu.wait_dma2 semaphore(%arg69 : memref<!tpu.dma_semaphore, #tpu.memory_space<semaphore_mem>>) src(%arg56 : memref<640x16xf32, #tpu.memory_space<vmem>>) dst(%dma_wait3A_186 : memref<640x16xf32, #tpu.memory_space<hbm>>)
      %dma_wait3A_187 = arith.constant 8 : i32
      %dma_wait3A_188 = tpu.memref_slice %arg51[%dma_wait3A_187, %add3A_11] : memref<49x81920xi32, #tpu.memory_space<hbm>> -> memref<1x640xi32, #tpu.memory_space<hbm>>
      %dma_wait3A_189 = tpu.memref_squeeze %dma_wait3A_188 : memref<1x640xi32, #tpu.memory_space<hbm>> -> memref<640xi32, #tpu.memory_space<hbm>>
      %dma_wait3A_190 = tpu.memref_slice %arg51[%dma_wait3A_187, %add3A_11] : memref<49x81920xi32, #tpu.memory_space<hbm>> -> memref<1x640xi32, #tpu.memory_space<hbm>>
      %dma_wait3A_191 = tpu.memref_squeeze %dma_wait3A_190 : memref<1x640xi32, #tpu.memory_space<hbm>> -> memref<640xi32, #tpu.memory_space<hbm>>
      tpu.wait_dma2 semaphore(%arg63 : memref<!tpu.dma_semaphore, #tpu.memory_space<semaphore_mem>>) src(%dma_wait3A_191 : memref<640xi32, #tpu.memory_space<hbm>>) dst(%arg60 : memref<640xi32, #tpu.memory_space<vmem>>)
      %dma_start3A_192 = arith.constant 0 : i32
      %dma_start3A_193 = arith.constant 0 : i32
      %dma_start3A_194 = tpu.memref_slice %arg10[%dma_start3A_192, %dma_start3A_193] : memref<5001x16xf32, #tpu.memory_space<hbm>> -> memref<5001x16xf32, #tpu.memory_space<hbm>>
      tpu.enqueue_indirect_dma source(%dma_start3A_194 : memref<5001x16xf32, #tpu.memory_space<hbm>>) target(%arg56 : memref<640x16xf32, #tpu.memory_space<vmem>>) offsets(%arg60 : memref<640xi32, #tpu.memory_space<vmem>>) semaphore(%arg66 : memref<!tpu.dma_semaphore, #tpu.memory_space<semaphore_mem>>)
      %dma_start3A_195 = arith.constant 9 : i32
      %dma_start3A_196 = tpu.memref_slice %arg51[%dma_start3A_195, %add3A_11] : memref<49x81920xi32, #tpu.memory_space<hbm>> -> memref<1x640xi32, #tpu.memory_space<hbm>>
      %dma_start3A_197 = tpu.memref_squeeze %dma_start3A_196 : memref<1x640xi32, #tpu.memory_space<hbm>> -> memref<640xi32, #tpu.memory_space<hbm>>
      %dma_start3A_198 = tpu.memref_slice %arg51[%dma_start3A_195, %add3A_11] : memref<49x81920xi32, #tpu.memory_space<hbm>> -> memref<1x640xi32, #tpu.memory_space<hbm>>
      %dma_start3A_199 = tpu.memref_squeeze %dma_start3A_198 : memref<1x640xi32, #tpu.memory_space<hbm>> -> memref<640xi32, #tpu.memory_space<hbm>>
      tpu.enqueue_dma source(%dma_start3A_199 : memref<640xi32, #tpu.memory_space<hbm>>) target(%arg61 : memref<640xi32, #tpu.memory_space<vmem>>) target_semaphore(%arg63 : memref<!tpu.dma_semaphore, #tpu.memory_space<semaphore_mem>>)
      %dma_wait3A_200 = arith.constant 0 : i32
      %dma_wait3A_201 = arith.constant 0 : i32
      %dma_wait3A_202 = tpu.memref_slice %arg10[%dma_wait3A_200, %dma_wait3A_201] : memref<5001x16xf32, #tpu.memory_space<hbm>> -> memref<5001x16xf32, #tpu.memory_space<hbm>>
      tpu.wait_indirect_dma semaphore(%arg66 : memref<!tpu.dma_semaphore, #tpu.memory_space<semaphore_mem>>) src(%dma_wait3A_202 : memref<5001x16xf32, #tpu.memory_space<hbm>>) dst(%arg56 : memref<640x16xf32, #tpu.memory_space<vmem>>)
      %dma_start3A_203 = arith.constant 128 : i32
      %dma_start3A_204 = tpu.memref_slice %arg53[%add3A_11, %dma_start3A_203] : memref<81920x488xf32, #tpu.memory_space<hbm>> -> memref<640x16xf32, #tpu.memory_space<hbm>>
      %dma_start3A_205 = arith.constant 128 : i32
      %dma_start3A_206 = tpu.memref_slice %arg53[%add3A_11, %dma_start3A_205] : memref<81920x488xf32, #tpu.memory_space<hbm>> -> memref<640x16xf32, #tpu.memory_space<hbm>>
      tpu.enqueue_dma source(%arg56 : memref<640x16xf32, #tpu.memory_space<vmem>>) target(%dma_start3A_206 : memref<640x16xf32, #tpu.memory_space<hbm>>) target_semaphore(%arg69 : memref<!tpu.dma_semaphore, #tpu.memory_space<semaphore_mem>>)
      %dma_wait3A_207 = arith.constant 112 : i32
      %dma_wait3A_208 = tpu.memref_slice %arg53[%add3A_11, %dma_wait3A_207] : memref<81920x488xf32, #tpu.memory_space<hbm>> -> memref<640x16xf32, #tpu.memory_space<hbm>>
      %dma_wait3A_209 = arith.constant 112 : i32
      %dma_wait3A_210 = tpu.memref_slice %arg53[%add3A_11, %dma_wait3A_209] : memref<81920x488xf32, #tpu.memory_space<hbm>> -> memref<640x16xf32, #tpu.memory_space<hbm>>
      tpu.wait_dma2 semaphore(%arg69 : memref<!tpu.dma_semaphore, #tpu.memory_space<semaphore_mem>>) src(%arg57 : memref<640x16xf32, #tpu.memory_space<vmem>>) dst(%dma_wait3A_210 : memref<640x16xf32, #tpu.memory_space<hbm>>)
      %dma_wait3A_211 = arith.constant 9 : i32
      %dma_wait3A_212 = tpu.memref_slice %arg51[%dma_wait3A_211, %add3A_11] : memref<49x81920xi32, #tpu.memory_space<hbm>> -> memref<1x640xi32, #tpu.memory_space<hbm>>
      %dma_wait3A_213 = tpu.memref_squeeze %dma_wait3A_212 : memref<1x640xi32, #tpu.memory_space<hbm>> -> memref<640xi32, #tpu.memory_space<hbm>>
      %dma_wait3A_214 = tpu.memref_slice %arg51[%dma_wait3A_211, %add3A_11] : memref<49x81920xi32, #tpu.memory_space<hbm>> -> memref<1x640xi32, #tpu.memory_space<hbm>>
      %dma_wait3A_215 = tpu.memref_squeeze %dma_wait3A_214 : memref<1x640xi32, #tpu.memory_space<hbm>> -> memref<640xi32, #tpu.memory_space<hbm>>
      tpu.wait_dma2 semaphore(%arg63 : memref<!tpu.dma_semaphore, #tpu.memory_space<semaphore_mem>>) src(%dma_wait3A_215 : memref<640xi32, #tpu.memory_space<hbm>>) dst(%arg61 : memref<640xi32, #tpu.memory_space<vmem>>)
      %dma_start3A_216 = arith.constant 0 : i32
      %dma_start3A_217 = arith.constant 0 : i32
      %dma_start3A_218 = tpu.memref_slice %arg11[%dma_start3A_216, %dma_start3A_217] : memref<5001x16xf32, #tpu.memory_space<hbm>> -> memref<5001x16xf32, #tpu.memory_space<hbm>>
      tpu.enqueue_indirect_dma source(%dma_start3A_218 : memref<5001x16xf32, #tpu.memory_space<hbm>>) target(%arg57 : memref<640x16xf32, #tpu.memory_space<vmem>>) offsets(%arg61 : memref<640xi32, #tpu.memory_space<vmem>>) semaphore(%arg66 : memref<!tpu.dma_semaphore, #tpu.memory_space<semaphore_mem>>)
      %dma_start3A_219 = arith.constant 10 : i32
      %dma_start3A_220 = tpu.memref_slice %arg51[%dma_start3A_219, %add3A_11] : memref<49x81920xi32, #tpu.memory_space<hbm>> -> memref<1x640xi32, #tpu.memory_space<hbm>>
      %dma_start3A_221 = tpu.memref_squeeze %dma_start3A_220 : memref<1x640xi32, #tpu.memory_space<hbm>> -> memref<640xi32, #tpu.memory_space<hbm>>
      %dma_start3A_222 = tpu.memref_slice %arg51[%dma_start3A_219, %add3A_11] : memref<49x81920xi32, #tpu.memory_space<hbm>> -> memref<1x640xi32, #tpu.memory_space<hbm>>
      %dma_start3A_223 = tpu.memref_squeeze %dma_start3A_222 : memref<1x640xi32, #tpu.memory_space<hbm>> -> memref<640xi32, #tpu.memory_space<hbm>>
      tpu.enqueue_dma source(%dma_start3A_223 : memref<640xi32, #tpu.memory_space<hbm>>) target(%arg60 : memref<640xi32, #tpu.memory_space<vmem>>) target_semaphore(%arg63 : memref<!tpu.dma_semaphore, #tpu.memory_space<semaphore_mem>>)
      %dma_wait3A_224 = arith.constant 0 : i32
      %dma_wait3A_225 = arith.constant 0 : i32
      %dma_wait3A_226 = tpu.memref_slice %arg11[%dma_wait3A_224, %dma_wait3A_225] : memref<5001x16xf32, #tpu.memory_space<hbm>> -> memref<5001x16xf32, #tpu.memory_space<hbm>>
      tpu.wait_indirect_dma semaphore(%arg66 : memref<!tpu.dma_semaphore, #tpu.memory_space<semaphore_mem>>) src(%dma_wait3A_226 : memref<5001x16xf32, #tpu.memory_space<hbm>>) dst(%arg57 : memref<640x16xf32, #tpu.memory_space<vmem>>)
      %dma_start3A_227 = arith.constant 144 : i32
      %dma_start3A_228 = tpu.memref_slice %arg53[%add3A_11, %dma_start3A_227] : memref<81920x488xf32, #tpu.memory_space<hbm>> -> memref<640x16xf32, #tpu.memory_space<hbm>>
      %dma_start3A_229 = arith.constant 144 : i32
      %dma_start3A_230 = tpu.memref_slice %arg53[%add3A_11, %dma_start3A_229] : memref<81920x488xf32, #tpu.memory_space<hbm>> -> memref<640x16xf32, #tpu.memory_space<hbm>>
      tpu.enqueue_dma source(%arg57 : memref<640x16xf32, #tpu.memory_space<vmem>>) target(%dma_start3A_230 : memref<640x16xf32, #tpu.memory_space<hbm>>) target_semaphore(%arg69 : memref<!tpu.dma_semaphore, #tpu.memory_space<semaphore_mem>>)
      %dma_wait3A_231 = arith.constant 8 : i32
      %dma_wait3A_232 = tpu.memref_slice %arg53[%add3A_11, %dma_wait3A_231] : memref<81920x488xf32, #tpu.memory_space<hbm>> -> memref<640x8xf32, #tpu.memory_space<hbm>>
      %dma_wait3A_233 = arith.constant 8 : i32
      %dma_wait3A_234 = tpu.memref_slice %arg53[%add3A_11, %dma_wait3A_233] : memref<81920x488xf32, #tpu.memory_space<hbm>> -> memref<640x8xf32, #tpu.memory_space<hbm>>
      tpu.wait_dma2 semaphore(%arg68 : memref<!tpu.dma_semaphore, #tpu.memory_space<semaphore_mem>>) src(%arg55 : memref<640x8xf32, #tpu.memory_space<vmem>>) dst(%dma_wait3A_234 : memref<640x8xf32, #tpu.memory_space<hbm>>)
      %dma_wait3A_235 = arith.constant 10 : i32
      %dma_wait3A_236 = tpu.memref_slice %arg51[%dma_wait3A_235, %add3A_11] : memref<49x81920xi32, #tpu.memory_space<hbm>> -> memref<1x640xi32, #tpu.memory_space<hbm>>
      %dma_wait3A_237 = tpu.memref_squeeze %dma_wait3A_236 : memref<1x640xi32, #tpu.memory_space<hbm>> -> memref<640xi32, #tpu.memory_space<hbm>>
      %dma_wait3A_238 = tpu.memref_slice %arg51[%dma_wait3A_235, %add3A_11] : memref<49x81920xi32, #tpu.memory_space<hbm>> -> memref<1x640xi32, #tpu.memory_space<hbm>>
      %dma_wait3A_239 = tpu.memref_squeeze %dma_wait3A_238 : memref<1x640xi32, #tpu.memory_space<hbm>> -> memref<640xi32, #tpu.memory_space<hbm>>
      tpu.wait_dma2 semaphore(%arg63 : memref<!tpu.dma_semaphore, #tpu.memory_space<semaphore_mem>>) src(%dma_wait3A_239 : memref<640xi32, #tpu.memory_space<hbm>>) dst(%arg60 : memref<640xi32, #tpu.memory_space<vmem>>)
      %dma_start3A_240 = arith.constant 0 : i32
      %dma_start3A_241 = arith.constant 0 : i32
      %dma_start3A_242 = tpu.memref_slice %arg12[%dma_start3A_240, %dma_start3A_241] : memref<500x8xf32, #tpu.memory_space<hbm>> -> memref<500x8xf32, #tpu.memory_space<hbm>>
      tpu.enqueue_indirect_dma source(%dma_start3A_242 : memref<500x8xf32, #tpu.memory_space<hbm>>) target(%arg55 : memref<640x8xf32, #tpu.memory_space<vmem>>) offsets(%arg60 : memref<640xi32, #tpu.memory_space<vmem>>) semaphore(%arg65 : memref<!tpu.dma_semaphore, #tpu.memory_space<semaphore_mem>>)
      %dma_start3A_243 = arith.constant 11 : i32
      %dma_start3A_244 = tpu.memref_slice %arg51[%dma_start3A_243, %add3A_11] : memref<49x81920xi32, #tpu.memory_space<hbm>> -> memref<1x640xi32, #tpu.memory_space<hbm>>
      %dma_start3A_245 = tpu.memref_squeeze %dma_start3A_244 : memref<1x640xi32, #tpu.memory_space<hbm>> -> memref<640xi32, #tpu.memory_space<hbm>>
      %dma_start3A_246 = tpu.memref_slice %arg51[%dma_start3A_243, %add3A_11] : memref<49x81920xi32, #tpu.memory_space<hbm>> -> memref<1x640xi32, #tpu.memory_space<hbm>>
      %dma_start3A_247 = tpu.memref_squeeze %dma_start3A_246 : memref<1x640xi32, #tpu.memory_space<hbm>> -> memref<640xi32, #tpu.memory_space<hbm>>
      tpu.enqueue_dma source(%dma_start3A_247 : memref<640xi32, #tpu.memory_space<hbm>>) target(%arg61 : memref<640xi32, #tpu.memory_space<vmem>>) target_semaphore(%arg63 : memref<!tpu.dma_semaphore, #tpu.memory_space<semaphore_mem>>)
      %dma_wait3A_248 = arith.constant 0 : i32
      %dma_wait3A_249 = arith.constant 0 : i32
      %dma_wait3A_250 = tpu.memref_slice %arg12[%dma_wait3A_248, %dma_wait3A_249] : memref<500x8xf32, #tpu.memory_space<hbm>> -> memref<500x8xf32, #tpu.memory_space<hbm>>
      tpu.wait_indirect_dma semaphore(%arg65 : memref<!tpu.dma_semaphore, #tpu.memory_space<semaphore_mem>>) src(%dma_wait3A_250 : memref<500x8xf32, #tpu.memory_space<hbm>>) dst(%arg55 : memref<640x8xf32, #tpu.memory_space<vmem>>)
      %dma_start3A_251 = arith.constant 160 : i32
      %dma_start3A_252 = tpu.memref_slice %arg53[%add3A_11, %dma_start3A_251] : memref<81920x488xf32, #tpu.memory_space<hbm>> -> memref<640x8xf32, #tpu.memory_space<hbm>>
      %dma_start3A_253 = arith.constant 160 : i32
      %dma_start3A_254 = tpu.memref_slice %arg53[%add3A_11, %dma_start3A_253] : memref<81920x488xf32, #tpu.memory_space<hbm>> -> memref<640x8xf32, #tpu.memory_space<hbm>>
      tpu.enqueue_dma source(%arg55 : memref<640x8xf32, #tpu.memory_space<vmem>>) target(%dma_start3A_254 : memref<640x8xf32, #tpu.memory_space<hbm>>) target_semaphore(%arg68 : memref<!tpu.dma_semaphore, #tpu.memory_space<semaphore_mem>>)
      %dma_wait3A_255 = arith.constant 128 : i32
      %dma_wait3A_256 = tpu.memref_slice %arg53[%add3A_11, %dma_wait3A_255] : memref<81920x488xf32, #tpu.memory_space<hbm>> -> memref<640x16xf32, #tpu.memory_space<hbm>>
      %dma_wait3A_257 = arith.constant 128 : i32
      %dma_wait3A_258 = tpu.memref_slice %arg53[%add3A_11, %dma_wait3A_257] : memref<81920x488xf32, #tpu.memory_space<hbm>> -> memref<640x16xf32, #tpu.memory_space<hbm>>
      tpu.wait_dma2 semaphore(%arg69 : memref<!tpu.dma_semaphore, #tpu.memory_space<semaphore_mem>>) src(%arg56 : memref<640x16xf32, #tpu.memory_space<vmem>>) dst(%dma_wait3A_258 : memref<640x16xf32, #tpu.memory_space<hbm>>)
      %dma_wait3A_259 = arith.constant 11 : i32
      %dma_wait3A_260 = tpu.memref_slice %arg51[%dma_wait3A_259, %add3A_11] : memref<49x81920xi32, #tpu.memory_space<hbm>> -> memref<1x640xi32, #tpu.memory_space<hbm>>
      %dma_wait3A_261 = tpu.memref_squeeze %dma_wait3A_260 : memref<1x640xi32, #tpu.memory_space<hbm>> -> memref<640xi32, #tpu.memory_space<hbm>>
      %dma_wait3A_262 = tpu.memref_slice %arg51[%dma_wait3A_259, %add3A_11] : memref<49x81920xi32, #tpu.memory_space<hbm>> -> memref<1x640xi32, #tpu.memory_space<hbm>>
      %dma_wait3A_263 = tpu.memref_squeeze %dma_wait3A_262 : memref<1x640xi32, #tpu.memory_space<hbm>> -> memref<640xi32, #tpu.memory_space<hbm>>
      tpu.wait_dma2 semaphore(%arg63 : memref<!tpu.dma_semaphore, #tpu.memory_space<semaphore_mem>>) src(%dma_wait3A_263 : memref<640xi32, #tpu.memory_space<hbm>>) dst(%arg61 : memref<640xi32, #tpu.memory_space<vmem>>)
      %dma_start3A_264 = arith.constant 0 : i32
      %dma_start3A_265 = arith.constant 0 : i32
      %dma_start3A_266 = tpu.memref_slice %arg13[%dma_start3A_264, %dma_start3A_265] : memref<10001x16xf32, #tpu.memory_space<hbm>> -> memref<10001x16xf32, #tpu.memory_space<hbm>>
      tpu.enqueue_indirect_dma source(%dma_start3A_266 : memref<10001x16xf32, #tpu.memory_space<hbm>>) target(%arg56 : memref<640x16xf32, #tpu.memory_space<vmem>>) offsets(%arg61 : memref<640xi32, #tpu.memory_space<vmem>>) semaphore(%arg66 : memref<!tpu.dma_semaphore, #tpu.memory_space<semaphore_mem>>)
      %dma_start3A_267 = arith.constant 12 : i32
      %dma_start3A_268 = tpu.memref_slice %arg51[%dma_start3A_267, %add3A_11] : memref<49x81920xi32, #tpu.memory_space<hbm>> -> memref<1x640xi32, #tpu.memory_space<hbm>>
      %dma_start3A_269 = tpu.memref_squeeze %dma_start3A_268 : memref<1x640xi32, #tpu.memory_space<hbm>> -> memref<640xi32, #tpu.memory_space<hbm>>
      %dma_start3A_270 = tpu.memref_slice %arg51[%dma_start3A_267, %add3A_11] : memref<49x81920xi32, #tpu.memory_space<hbm>> -> memref<1x640xi32, #tpu.memory_space<hbm>>
      %dma_start3A_271 = tpu.memref_squeeze %dma_start3A_270 : memref<1x640xi32, #tpu.memory_space<hbm>> -> memref<640xi32, #tpu.memory_space<hbm>>
      tpu.enqueue_dma source(%dma_start3A_271 : memref<640xi32, #tpu.memory_space<hbm>>) target(%arg60 : memref<640xi32, #tpu.memory_space<vmem>>) target_semaphore(%arg63 : memref<!tpu.dma_semaphore, #tpu.memory_space<semaphore_mem>>)
      %dma_wait3A_272 = arith.constant 0 : i32
      %dma_wait3A_273 = arith.constant 0 : i32
      %dma_wait3A_274 = tpu.memref_slice %arg13[%dma_wait3A_272, %dma_wait3A_273] : memref<10001x16xf32, #tpu.memory_space<hbm>> -> memref<10001x16xf32, #tpu.memory_space<hbm>>
      tpu.wait_indirect_dma semaphore(%arg66 : memref<!tpu.dma_semaphore, #tpu.memory_space<semaphore_mem>>) src(%dma_wait3A_274 : memref<10001x16xf32, #tpu.memory_space<hbm>>) dst(%arg56 : memref<640x16xf32, #tpu.memory_space<vmem>>)
      %dma_start3A_275 = arith.constant 168 : i32
      %dma_start3A_276 = tpu.memref_slice %arg53[%add3A_11, %dma_start3A_275] : memref<81920x488xf32, #tpu.memory_space<hbm>> -> memref<640x16xf32, #tpu.memory_space<hbm>>
      %dma_start3A_277 = arith.constant 168 : i32
      %dma_start3A_278 = tpu.memref_slice %arg53[%add3A_11, %dma_start3A_277] : memref<81920x488xf32, #tpu.memory_space<hbm>> -> memref<640x16xf32, #tpu.memory_space<hbm>>
      tpu.enqueue_dma source(%arg56 : memref<640x16xf32, #tpu.memory_space<vmem>>) target(%dma_start3A_278 : memref<640x16xf32, #tpu.memory_space<hbm>>) target_semaphore(%arg69 : memref<!tpu.dma_semaphore, #tpu.memory_space<semaphore_mem>>)
      %dma_wait3A_279 = arith.constant 16 : i32
      %dma_wait3A_280 = tpu.memref_slice %arg53[%add3A_11, %dma_wait3A_279] : memref<81920x488xf32, #tpu.memory_space<hbm>> -> memref<640x8xf32, #tpu.memory_space<hbm>>
      %dma_wait3A_281 = arith.constant 16 : i32
      %dma_wait3A_282 = tpu.memref_slice %arg53[%add3A_11, %dma_wait3A_281] : memref<81920x488xf32, #tpu.memory_space<hbm>> -> memref<640x8xf32, #tpu.memory_space<hbm>>
      tpu.wait_dma2 semaphore(%arg68 : memref<!tpu.dma_semaphore, #tpu.memory_space<semaphore_mem>>) src(%arg54 : memref<640x8xf32, #tpu.memory_space<vmem>>) dst(%dma_wait3A_282 : memref<640x8xf32, #tpu.memory_space<hbm>>)
      %dma_wait3A_283 = arith.constant 12 : i32
      %dma_wait3A_284 = tpu.memref_slice %arg51[%dma_wait3A_283, %add3A_11] : memref<49x81920xi32, #tpu.memory_space<hbm>> -> memref<1x640xi32, #tpu.memory_space<hbm>>
      %dma_wait3A_285 = tpu.memref_squeeze %dma_wait3A_284 : memref<1x640xi32, #tpu.memory_space<hbm>> -> memref<640xi32, #tpu.memory_space<hbm>>
      %dma_wait3A_286 = tpu.memref_slice %arg51[%dma_wait3A_283, %add3A_11] : memref<49x81920xi32, #tpu.memory_space<hbm>> -> memref<1x640xi32, #tpu.memory_space<hbm>>
      %dma_wait3A_287 = tpu.memref_squeeze %dma_wait3A_286 : memref<1x640xi32, #tpu.memory_space<hbm>> -> memref<640xi32, #tpu.memory_space<hbm>>
      tpu.wait_dma2 semaphore(%arg63 : memref<!tpu.dma_semaphore, #tpu.memory_space<semaphore_mem>>) src(%dma_wait3A_287 : memref<640xi32, #tpu.memory_space<hbm>>) dst(%arg60 : memref<640xi32, #tpu.memory_space<vmem>>)
      %dma_start3A_288 = arith.constant 0 : i32
      %dma_start3A_289 = arith.constant 0 : i32
      %dma_start3A_290 = tpu.memref_slice %arg14[%dma_start3A_288, %dma_start3A_289] : memref<1001x8xf32, #tpu.memory_space<hbm>> -> memref<1001x8xf32, #tpu.memory_space<hbm>>
      tpu.enqueue_indirect_dma source(%dma_start3A_290 : memref<1001x8xf32, #tpu.memory_space<hbm>>) target(%arg54 : memref<640x8xf32, #tpu.memory_space<vmem>>) offsets(%arg60 : memref<640xi32, #tpu.memory_space<vmem>>) semaphore(%arg65 : memref<!tpu.dma_semaphore, #tpu.memory_space<semaphore_mem>>)
      %dma_start3A_291 = arith.constant 13 : i32
      %dma_start3A_292 = tpu.memref_slice %arg51[%dma_start3A_291, %add3A_11] : memref<49x81920xi32, #tpu.memory_space<hbm>> -> memref<1x640xi32, #tpu.memory_space<hbm>>
      %dma_start3A_293 = tpu.memref_squeeze %dma_start3A_292 : memref<1x640xi32, #tpu.memory_space<hbm>> -> memref<640xi32, #tpu.memory_space<hbm>>
      %dma_start3A_294 = tpu.memref_slice %arg51[%dma_start3A_291, %add3A_11] : memref<49x81920xi32, #tpu.memory_space<hbm>> -> memref<1x640xi32, #tpu.memory_space<hbm>>
      %dma_start3A_295 = tpu.memref_squeeze %dma_start3A_294 : memref<1x640xi32, #tpu.memory_space<hbm>> -> memref<640xi32, #tpu.memory_space<hbm>>
      tpu.enqueue_dma source(%dma_start3A_295 : memref<640xi32, #tpu.memory_space<hbm>>) target(%arg61 : memref<640xi32, #tpu.memory_space<vmem>>) target_semaphore(%arg63 : memref<!tpu.dma_semaphore, #tpu.memory_space<semaphore_mem>>)
      %dma_wait3A_296 = arith.constant 0 : i32
      %dma_wait3A_297 = arith.constant 0 : i32
      %dma_wait3A_298 = tpu.memref_slice %arg14[%dma_wait3A_296, %dma_wait3A_297] : memref<1001x8xf32, #tpu.memory_space<hbm>> -> memref<1001x8xf32, #tpu.memory_space<hbm>>
      tpu.wait_indirect_dma semaphore(%arg65 : memref<!tpu.dma_semaphore, #tpu.memory_space<semaphore_mem>>) src(%dma_wait3A_298 : memref<1001x8xf32, #tpu.memory_space<hbm>>) dst(%arg54 : memref<640x8xf32, #tpu.memory_space<vmem>>)
      %dma_start3A_299 = arith.constant 184 : i32
      %dma_start3A_300 = tpu.memref_slice %arg53[%add3A_11, %dma_start3A_299] : memref<81920x488xf32, #tpu.memory_space<hbm>> -> memref<640x8xf32, #tpu.memory_space<hbm>>
      %dma_start3A_301 = arith.constant 184 : i32
      %dma_start3A_302 = tpu.memref_slice %arg53[%add3A_11, %dma_start3A_301] : memref<81920x488xf32, #tpu.memory_space<hbm>> -> memref<640x8xf32, #tpu.memory_space<hbm>>
      tpu.enqueue_dma source(%arg54 : memref<640x8xf32, #tpu.memory_space<vmem>>) target(%dma_start3A_302 : memref<640x8xf32, #tpu.memory_space<hbm>>) target_semaphore(%arg68 : memref<!tpu.dma_semaphore, #tpu.memory_space<semaphore_mem>>)
      %dma_wait3A_303 = arith.constant 160 : i32
      %dma_wait3A_304 = tpu.memref_slice %arg53[%add3A_11, %dma_wait3A_303] : memref<81920x488xf32, #tpu.memory_space<hbm>> -> memref<640x8xf32, #tpu.memory_space<hbm>>
      %dma_wait3A_305 = arith.constant 160 : i32
      %dma_wait3A_306 = tpu.memref_slice %arg53[%add3A_11, %dma_wait3A_305] : memref<81920x488xf32, #tpu.memory_space<hbm>> -> memref<640x8xf32, #tpu.memory_space<hbm>>
      tpu.wait_dma2 semaphore(%arg68 : memref<!tpu.dma_semaphore, #tpu.memory_space<semaphore_mem>>) src(%arg55 : memref<640x8xf32, #tpu.memory_space<vmem>>) dst(%dma_wait3A_306 : memref<640x8xf32, #tpu.memory_space<hbm>>)
      %dma_wait3A_307 = arith.constant 13 : i32
      %dma_wait3A_308 = tpu.memref_slice %arg51[%dma_wait3A_307, %add3A_11] : memref<49x81920xi32, #tpu.memory_space<hbm>> -> memref<1x640xi32, #tpu.memory_space<hbm>>
      %dma_wait3A_309 = tpu.memref_squeeze %dma_wait3A_308 : memref<1x640xi32, #tpu.memory_space<hbm>> -> memref<640xi32, #tpu.memory_space<hbm>>
      %dma_wait3A_310 = tpu.memref_slice %arg51[%dma_wait3A_307, %add3A_11] : memref<49x81920xi32, #tpu.memory_space<hbm>> -> memref<1x640xi32, #tpu.memory_space<hbm>>
      %dma_wait3A_311 = tpu.memref_squeeze %dma_wait3A_310 : memref<1x640xi32, #tpu.memory_space<hbm>> -> memref<640xi32, #tpu.memory_space<hbm>>
      tpu.wait_dma2 semaphore(%arg63 : memref<!tpu.dma_semaphore, #tpu.memory_space<semaphore_mem>>) src(%dma_wait3A_311 : memref<640xi32, #tpu.memory_space<hbm>>) dst(%arg61 : memref<640xi32, #tpu.memory_space<vmem>>)
      %dma_start3A_312 = arith.constant 0 : i32
      %dma_start3A_313 = arith.constant 0 : i32
      %dma_start3A_314 = tpu.memref_slice %arg15[%dma_start3A_312, %dma_start3A_313] : memref<1001x8xf32, #tpu.memory_space<hbm>> -> memref<1001x8xf32, #tpu.memory_space<hbm>>
      tpu.enqueue_indirect_dma source(%dma_start3A_314 : memref<1001x8xf32, #tpu.memory_space<hbm>>) target(%arg55 : memref<640x8xf32, #tpu.memory_space<vmem>>) offsets(%arg61 : memref<640xi32, #tpu.memory_space<vmem>>) semaphore(%arg65 : memref<!tpu.dma_semaphore, #tpu.memory_space<semaphore_mem>>)
      %dma_start3A_315 = arith.constant 14 : i32
      %dma_start3A_316 = tpu.memref_slice %arg51[%dma_start3A_315, %add3A_11] : memref<49x81920xi32, #tpu.memory_space<hbm>> -> memref<1x640xi32, #tpu.memory_space<hbm>>
      %dma_start3A_317 = tpu.memref_squeeze %dma_start3A_316 : memref<1x640xi32, #tpu.memory_space<hbm>> -> memref<640xi32, #tpu.memory_space<hbm>>
      %dma_start3A_318 = tpu.memref_slice %arg51[%dma_start3A_315, %add3A_11] : memref<49x81920xi32, #tpu.memory_space<hbm>> -> memref<1x640xi32, #tpu.memory_space<hbm>>
      %dma_start3A_319 = tpu.memref_squeeze %dma_start3A_318 : memref<1x640xi32, #tpu.memory_space<hbm>> -> memref<640xi32, #tpu.memory_space<hbm>>
      tpu.enqueue_dma source(%dma_start3A_319 : memref<640xi32, #tpu.memory_space<hbm>>) target(%arg60 : memref<640xi32, #tpu.memory_space<vmem>>) target_semaphore(%arg63 : memref<!tpu.dma_semaphore, #tpu.memory_space<semaphore_mem>>)
      %dma_wait3A_320 = arith.constant 0 : i32
      %dma_wait3A_321 = arith.constant 0 : i32
      %dma_wait3A_322 = tpu.memref_slice %arg15[%dma_wait3A_320, %dma_wait3A_321] : memref<1001x8xf32, #tpu.memory_space<hbm>> -> memref<1001x8xf32, #tpu.memory_space<hbm>>
      tpu.wait_indirect_dma semaphore(%arg65 : memref<!tpu.dma_semaphore, #tpu.memory_space<semaphore_mem>>) src(%dma_wait3A_322 : memref<1001x8xf32, #tpu.memory_space<hbm>>) dst(%arg55 : memref<640x8xf32, #tpu.memory_space<vmem>>)
      %dma_start3A_323 = arith.constant 192 : i32
      %dma_start3A_324 = tpu.memref_slice %arg53[%add3A_11, %dma_start3A_323] : memref<81920x488xf32, #tpu.memory_space<hbm>> -> memref<640x8xf32, #tpu.memory_space<hbm>>
      %dma_start3A_325 = arith.constant 192 : i32
      %dma_start3A_326 = tpu.memref_slice %arg53[%add3A_11, %dma_start3A_325] : memref<81920x488xf32, #tpu.memory_space<hbm>> -> memref<640x8xf32, #tpu.memory_space<hbm>>
      tpu.enqueue_dma source(%arg55 : memref<640x8xf32, #tpu.memory_space<vmem>>) target(%dma_start3A_326 : memref<640x8xf32, #tpu.memory_space<hbm>>) target_semaphore(%arg68 : memref<!tpu.dma_semaphore, #tpu.memory_space<semaphore_mem>>)
      %dma_wait3A_327 = arith.constant 184 : i32
      %dma_wait3A_328 = tpu.memref_slice %arg53[%add3A_11, %dma_wait3A_327] : memref<81920x488xf32, #tpu.memory_space<hbm>> -> memref<640x8xf32, #tpu.memory_space<hbm>>
      %dma_wait3A_329 = arith.constant 184 : i32
      %dma_wait3A_330 = tpu.memref_slice %arg53[%add3A_11, %dma_wait3A_329] : memref<81920x488xf32, #tpu.memory_space<hbm>> -> memref<640x8xf32, #tpu.memory_space<hbm>>
      tpu.wait_dma2 semaphore(%arg68 : memref<!tpu.dma_semaphore, #tpu.memory_space<semaphore_mem>>) src(%arg54 : memref<640x8xf32, #tpu.memory_space<vmem>>) dst(%dma_wait3A_330 : memref<640x8xf32, #tpu.memory_space<hbm>>)
      %dma_wait3A_331 = arith.constant 14 : i32
      %dma_wait3A_332 = tpu.memref_slice %arg51[%dma_wait3A_331, %add3A_11] : memref<49x81920xi32, #tpu.memory_space<hbm>> -> memref<1x640xi32, #tpu.memory_space<hbm>>
      %dma_wait3A_333 = tpu.memref_squeeze %dma_wait3A_332 : memref<1x640xi32, #tpu.memory_space<hbm>> -> memref<640xi32, #tpu.memory_space<hbm>>
      %dma_wait3A_334 = tpu.memref_slice %arg51[%dma_wait3A_331, %add3A_11] : memref<49x81920xi32, #tpu.memory_space<hbm>> -> memref<1x640xi32, #tpu.memory_space<hbm>>
      %dma_wait3A_335 = tpu.memref_squeeze %dma_wait3A_334 : memref<1x640xi32, #tpu.memory_space<hbm>> -> memref<640xi32, #tpu.memory_space<hbm>>
      tpu.wait_dma2 semaphore(%arg63 : memref<!tpu.dma_semaphore, #tpu.memory_space<semaphore_mem>>) src(%dma_wait3A_335 : memref<640xi32, #tpu.memory_space<hbm>>) dst(%arg60 : memref<640xi32, #tpu.memory_space<vmem>>)
      %dma_start3A_336 = arith.constant 0 : i32
      %dma_start3A_337 = arith.constant 0 : i32
      %dma_start3A_338 = tpu.memref_slice %arg16[%dma_start3A_336, %dma_start3A_337] : memref<2001x8xf32, #tpu.memory_space<hbm>> -> memref<2001x8xf32, #tpu.memory_space<hbm>>
      tpu.enqueue_indirect_dma source(%dma_start3A_338 : memref<2001x8xf32, #tpu.memory_space<hbm>>) target(%arg54 : memref<640x8xf32, #tpu.memory_space<vmem>>) offsets(%arg60 : memref<640xi32, #tpu.memory_space<vmem>>) semaphore(%arg65 : memref<!tpu.dma_semaphore, #tpu.memory_space<semaphore_mem>>)
      %dma_start3A_339 = arith.constant 15 : i32
      %dma_start3A_340 = tpu.memref_slice %arg51[%dma_start3A_339, %add3A_11] : memref<49x81920xi32, #tpu.memory_space<hbm>> -> memref<1x640xi32, #tpu.memory_space<hbm>>
      %dma_start3A_341 = tpu.memref_squeeze %dma_start3A_340 : memref<1x640xi32, #tpu.memory_space<hbm>> -> memref<640xi32, #tpu.memory_space<hbm>>
      %dma_start3A_342 = tpu.memref_slice %arg51[%dma_start3A_339, %add3A_11] : memref<49x81920xi32, #tpu.memory_space<hbm>> -> memref<1x640xi32, #tpu.memory_space<hbm>>
      %dma_start3A_343 = tpu.memref_squeeze %dma_start3A_342 : memref<1x640xi32, #tpu.memory_space<hbm>> -> memref<640xi32, #tpu.memory_space<hbm>>
      tpu.enqueue_dma source(%dma_start3A_343 : memref<640xi32, #tpu.memory_space<hbm>>) target(%arg61 : memref<640xi32, #tpu.memory_space<vmem>>) target_semaphore(%arg63 : memref<!tpu.dma_semaphore, #tpu.memory_space<semaphore_mem>>)
      %dma_wait3A_344 = arith.constant 0 : i32
      %dma_wait3A_345 = arith.constant 0 : i32
      %dma_wait3A_346 = tpu.memref_slice %arg16[%dma_wait3A_344, %dma_wait3A_345] : memref<2001x8xf32, #tpu.memory_space<hbm>> -> memref<2001x8xf32, #tpu.memory_space<hbm>>
      tpu.wait_indirect_dma semaphore(%arg65 : memref<!tpu.dma_semaphore, #tpu.memory_space<semaphore_mem>>) src(%dma_wait3A_346 : memref<2001x8xf32, #tpu.memory_space<hbm>>) dst(%arg54 : memref<640x8xf32, #tpu.memory_space<vmem>>)
      %dma_start3A_347 = arith.constant 200 : i32
      %dma_start3A_348 = tpu.memref_slice %arg53[%add3A_11, %dma_start3A_347] : memref<81920x488xf32, #tpu.memory_space<hbm>> -> memref<640x8xf32, #tpu.memory_space<hbm>>
      %dma_start3A_349 = arith.constant 200 : i32
      %dma_start3A_350 = tpu.memref_slice %arg53[%add3A_11, %dma_start3A_349] : memref<81920x488xf32, #tpu.memory_space<hbm>> -> memref<640x8xf32, #tpu.memory_space<hbm>>
      tpu.enqueue_dma source(%arg54 : memref<640x8xf32, #tpu.memory_space<vmem>>) target(%dma_start3A_350 : memref<640x8xf32, #tpu.memory_space<hbm>>) target_semaphore(%arg68 : memref<!tpu.dma_semaphore, #tpu.memory_space<semaphore_mem>>)
      %dma_wait3A_351 = arith.constant 192 : i32
      %dma_wait3A_352 = tpu.memref_slice %arg53[%add3A_11, %dma_wait3A_351] : memref<81920x488xf32, #tpu.memory_space<hbm>> -> memref<640x8xf32, #tpu.memory_space<hbm>>
      %dma_wait3A_353 = arith.constant 192 : i32
      %dma_wait3A_354 = tpu.memref_slice %arg53[%add3A_11, %dma_wait3A_353] : memref<81920x488xf32, #tpu.memory_space<hbm>> -> memref<640x8xf32, #tpu.memory_space<hbm>>
      tpu.wait_dma2 semaphore(%arg68 : memref<!tpu.dma_semaphore, #tpu.memory_space<semaphore_mem>>) src(%arg55 : memref<640x8xf32, #tpu.memory_space<vmem>>) dst(%dma_wait3A_354 : memref<640x8xf32, #tpu.memory_space<hbm>>)
      %dma_wait3A_355 = arith.constant 15 : i32
      %dma_wait3A_356 = tpu.memref_slice %arg51[%dma_wait3A_355, %add3A_11] : memref<49x81920xi32, #tpu.memory_space<hbm>> -> memref<1x640xi32, #tpu.memory_space<hbm>>
      %dma_wait3A_357 = tpu.memref_squeeze %dma_wait3A_356 : memref<1x640xi32, #tpu.memory_space<hbm>> -> memref<640xi32, #tpu.memory_space<hbm>>
      %dma_wait3A_358 = tpu.memref_slice %arg51[%dma_wait3A_355, %add3A_11] : memref<49x81920xi32, #tpu.memory_space<hbm>> -> memref<1x640xi32, #tpu.memory_space<hbm>>
      %dma_wait3A_359 = tpu.memref_squeeze %dma_wait3A_358 : memref<1x640xi32, #tpu.memory_space<hbm>> -> memref<640xi32, #tpu.memory_space<hbm>>
      tpu.wait_dma2 semaphore(%arg63 : memref<!tpu.dma_semaphore, #tpu.memory_space<semaphore_mem>>) src(%dma_wait3A_359 : memref<640xi32, #tpu.memory_space<hbm>>) dst(%arg61 : memref<640xi32, #tpu.memory_space<vmem>>)
      %dma_start3A_360 = arith.constant 0 : i32
      %dma_start3A_361 = arith.constant 0 : i32
      %dma_start3A_362 = tpu.memref_slice %arg17[%dma_start3A_360, %dma_start3A_361] : memref<1000x8xf32, #tpu.memory_space<hbm>> -> memref<1000x8xf32, #tpu.memory_space<hbm>>
      tpu.enqueue_indirect_dma source(%dma_start3A_362 : memref<1000x8xf32, #tpu.memory_space<hbm>>) target(%arg55 : memref<640x8xf32, #tpu.memory_space<vmem>>) offsets(%arg61 : memref<640xi32, #tpu.memory_space<vmem>>) semaphore(%arg65 : memref<!tpu.dma_semaphore, #tpu.memory_space<semaphore_mem>>)
      %dma_start3A_363 = arith.constant 16 : i32
      %dma_start3A_364 = tpu.memref_slice %arg51[%dma_start3A_363, %add3A_11] : memref<49x81920xi32, #tpu.memory_space<hbm>> -> memref<1x640xi32, #tpu.memory_space<hbm>>
      %dma_start3A_365 = tpu.memref_squeeze %dma_start3A_364 : memref<1x640xi32, #tpu.memory_space<hbm>> -> memref<640xi32, #tpu.memory_space<hbm>>
      %dma_start3A_366 = tpu.memref_slice %arg51[%dma_start3A_363, %add3A_11] : memref<49x81920xi32, #tpu.memory_space<hbm>> -> memref<1x640xi32, #tpu.memory_space<hbm>>
      %dma_start3A_367 = tpu.memref_squeeze %dma_start3A_366 : memref<1x640xi32, #tpu.memory_space<hbm>> -> memref<640xi32, #tpu.memory_space<hbm>>
      tpu.enqueue_dma source(%dma_start3A_367 : memref<640xi32, #tpu.memory_space<hbm>>) target(%arg60 : memref<640xi32, #tpu.memory_space<vmem>>) target_semaphore(%arg63 : memref<!tpu.dma_semaphore, #tpu.memory_space<semaphore_mem>>)
      %dma_wait3A_368 = arith.constant 0 : i32
      %dma_wait3A_369 = arith.constant 0 : i32
      %dma_wait3A_370 = tpu.memref_slice %arg17[%dma_wait3A_368, %dma_wait3A_369] : memref<1000x8xf32, #tpu.memory_space<hbm>> -> memref<1000x8xf32, #tpu.memory_space<hbm>>
      tpu.wait_indirect_dma semaphore(%arg65 : memref<!tpu.dma_semaphore, #tpu.memory_space<semaphore_mem>>) src(%dma_wait3A_370 : memref<1000x8xf32, #tpu.memory_space<hbm>>) dst(%arg55 : memref<640x8xf32, #tpu.memory_space<vmem>>)
      %dma_start3A_371 = arith.constant 208 : i32
      %dma_start3A_372 = tpu.memref_slice %arg53[%add3A_11, %dma_start3A_371] : memref<81920x488xf32, #tpu.memory_space<hbm>> -> memref<640x8xf32, #tpu.memory_space<hbm>>
      %dma_start3A_373 = arith.constant 208 : i32
      %dma_start3A_374 = tpu.memref_slice %arg53[%add3A_11, %dma_start3A_373] : memref<81920x488xf32, #tpu.memory_space<hbm>> -> memref<640x8xf32, #tpu.memory_space<hbm>>
      tpu.enqueue_dma source(%arg55 : memref<640x8xf32, #tpu.memory_space<vmem>>) target(%dma_start3A_374 : memref<640x8xf32, #tpu.memory_space<hbm>>) target_semaphore(%arg68 : memref<!tpu.dma_semaphore, #tpu.memory_space<semaphore_mem>>)
      %dma_wait3A_375 = arith.constant 200 : i32
      %dma_wait3A_376 = tpu.memref_slice %arg53[%add3A_11, %dma_wait3A_375] : memref<81920x488xf32, #tpu.memory_space<hbm>> -> memref<640x8xf32, #tpu.memory_space<hbm>>
      %dma_wait3A_377 = arith.constant 200 : i32
      %dma_wait3A_378 = tpu.memref_slice %arg53[%add3A_11, %dma_wait3A_377] : memref<81920x488xf32, #tpu.memory_space<hbm>> -> memref<640x8xf32, #tpu.memory_space<hbm>>
      tpu.wait_dma2 semaphore(%arg68 : memref<!tpu.dma_semaphore, #tpu.memory_space<semaphore_mem>>) src(%arg54 : memref<640x8xf32, #tpu.memory_space<vmem>>) dst(%dma_wait3A_378 : memref<640x8xf32, #tpu.memory_space<hbm>>)
      %dma_wait3A_379 = arith.constant 16 : i32
      %dma_wait3A_380 = tpu.memref_slice %arg51[%dma_wait3A_379, %add3A_11] : memref<49x81920xi32, #tpu.memory_space<hbm>> -> memref<1x640xi32, #tpu.memory_space<hbm>>
      %dma_wait3A_381 = tpu.memref_squeeze %dma_wait3A_380 : memref<1x640xi32, #tpu.memory_space<hbm>> -> memref<640xi32, #tpu.memory_space<hbm>>
      %dma_wait3A_382 = tpu.memref_slice %arg51[%dma_wait3A_379, %add3A_11] : memref<49x81920xi32, #tpu.memory_space<hbm>> -> memref<1x640xi32, #tpu.memory_space<hbm>>
      %dma_wait3A_383 = tpu.memref_squeeze %dma_wait3A_382 : memref<1x640xi32, #tpu.memory_space<hbm>> -> memref<640xi32, #tpu.memory_space<hbm>>
      tpu.wait_dma2 semaphore(%arg63 : memref<!tpu.dma_semaphore, #tpu.memory_space<semaphore_mem>>) src(%dma_wait3A_383 : memref<640xi32, #tpu.memory_space<hbm>>) dst(%arg60 : memref<640xi32, #tpu.memory_space<vmem>>)
      %dma_start3A_384 = arith.constant 0 : i32
      %dma_start3A_385 = arith.constant 0 : i32
      %dma_start3A_386 = tpu.memref_slice %arg18[%dma_start3A_384, %dma_start3A_385] : memref<1000x8xf32, #tpu.memory_space<hbm>> -> memref<1000x8xf32, #tpu.memory_space<hbm>>
      tpu.enqueue_indirect_dma source(%dma_start3A_386 : memref<1000x8xf32, #tpu.memory_space<hbm>>) target(%arg54 : memref<640x8xf32, #tpu.memory_space<vmem>>) offsets(%arg60 : memref<640xi32, #tpu.memory_space<vmem>>) semaphore(%arg65 : memref<!tpu.dma_semaphore, #tpu.memory_space<semaphore_mem>>)
      %dma_start3A_387 = arith.constant 17 : i32
      %dma_start3A_388 = tpu.memref_slice %arg51[%dma_start3A_387, %add3A_11] : memref<49x81920xi32, #tpu.memory_space<hbm>> -> memref<1x640xi32, #tpu.memory_space<hbm>>
      %dma_start3A_389 = tpu.memref_squeeze %dma_start3A_388 : memref<1x640xi32, #tpu.memory_space<hbm>> -> memref<640xi32, #tpu.memory_space<hbm>>
      %dma_start3A_390 = tpu.memref_slice %arg51[%dma_start3A_387, %add3A_11] : memref<49x81920xi32, #tpu.memory_space<hbm>> -> memref<1x640xi32, #tpu.memory_space<hbm>>
      %dma_start3A_391 = tpu.memref_squeeze %dma_start3A_390 : memref<1x640xi32, #tpu.memory_space<hbm>> -> memref<640xi32, #tpu.memory_space<hbm>>
      tpu.enqueue_dma source(%dma_start3A_391 : memref<640xi32, #tpu.memory_space<hbm>>) target(%arg61 : memref<640xi32, #tpu.memory_space<vmem>>) target_semaphore(%arg63 : memref<!tpu.dma_semaphore, #tpu.memory_space<semaphore_mem>>)
      %dma_wait3A_392 = arith.constant 0 : i32
      %dma_wait3A_393 = arith.constant 0 : i32
      %dma_wait3A_394 = tpu.memref_slice %arg18[%dma_wait3A_392, %dma_wait3A_393] : memref<1000x8xf32, #tpu.memory_space<hbm>> -> memref<1000x8xf32, #tpu.memory_space<hbm>>
      tpu.wait_indirect_dma semaphore(%arg65 : memref<!tpu.dma_semaphore, #tpu.memory_space<semaphore_mem>>) src(%dma_wait3A_394 : memref<1000x8xf32, #tpu.memory_space<hbm>>) dst(%arg54 : memref<640x8xf32, #tpu.memory_space<vmem>>)
      %dma_start3A_395 = arith.constant 216 : i32
      %dma_start3A_396 = tpu.memref_slice %arg53[%add3A_11, %dma_start3A_395] : memref<81920x488xf32, #tpu.memory_space<hbm>> -> memref<640x8xf32, #tpu.memory_space<hbm>>
      %dma_start3A_397 = arith.constant 216 : i32
      %dma_start3A_398 = tpu.memref_slice %arg53[%add3A_11, %dma_start3A_397] : memref<81920x488xf32, #tpu.memory_space<hbm>> -> memref<640x8xf32, #tpu.memory_space<hbm>>
      tpu.enqueue_dma source(%arg54 : memref<640x8xf32, #tpu.memory_space<vmem>>) target(%dma_start3A_398 : memref<640x8xf32, #tpu.memory_space<hbm>>) target_semaphore(%arg68 : memref<!tpu.dma_semaphore, #tpu.memory_space<semaphore_mem>>)
      %dma_wait3A_399 = arith.constant 208 : i32
      %dma_wait3A_400 = tpu.memref_slice %arg53[%add3A_11, %dma_wait3A_399] : memref<81920x488xf32, #tpu.memory_space<hbm>> -> memref<640x8xf32, #tpu.memory_space<hbm>>
      %dma_wait3A_401 = arith.constant 208 : i32
      %dma_wait3A_402 = tpu.memref_slice %arg53[%add3A_11, %dma_wait3A_401] : memref<81920x488xf32, #tpu.memory_space<hbm>> -> memref<640x8xf32, #tpu.memory_space<hbm>>
      tpu.wait_dma2 semaphore(%arg68 : memref<!tpu.dma_semaphore, #tpu.memory_space<semaphore_mem>>) src(%arg55 : memref<640x8xf32, #tpu.memory_space<vmem>>) dst(%dma_wait3A_402 : memref<640x8xf32, #tpu.memory_space<hbm>>)
      %dma_wait3A_403 = arith.constant 17 : i32
      %dma_wait3A_404 = tpu.memref_slice %arg51[%dma_wait3A_403, %add3A_11] : memref<49x81920xi32, #tpu.memory_space<hbm>> -> memref<1x640xi32, #tpu.memory_space<hbm>>
      %dma_wait3A_405 = tpu.memref_squeeze %dma_wait3A_404 : memref<1x640xi32, #tpu.memory_space<hbm>> -> memref<640xi32, #tpu.memory_space<hbm>>
      %dma_wait3A_406 = tpu.memref_slice %arg51[%dma_wait3A_403, %add3A_11] : memref<49x81920xi32, #tpu.memory_space<hbm>> -> memref<1x640xi32, #tpu.memory_space<hbm>>
      %dma_wait3A_407 = tpu.memref_squeeze %dma_wait3A_406 : memref<1x640xi32, #tpu.memory_space<hbm>> -> memref<640xi32, #tpu.memory_space<hbm>>
      tpu.wait_dma2 semaphore(%arg63 : memref<!tpu.dma_semaphore, #tpu.memory_space<semaphore_mem>>) src(%dma_wait3A_407 : memref<640xi32, #tpu.memory_space<hbm>>) dst(%arg61 : memref<640xi32, #tpu.memory_space<vmem>>)
      %dma_start3A_408 = arith.constant 0 : i32
      %dma_start3A_409 = arith.constant 0 : i32
      %dma_start3A_410 = tpu.memref_slice %arg19[%dma_start3A_408, %dma_start3A_409] : memref<1000x8xf32, #tpu.memory_space<hbm>> -> memref<1000x8xf32, #tpu.memory_space<hbm>>
      tpu.enqueue_indirect_dma source(%dma_start3A_410 : memref<1000x8xf32, #tpu.memory_space<hbm>>) target(%arg55 : memref<640x8xf32, #tpu.memory_space<vmem>>) offsets(%arg61 : memref<640xi32, #tpu.memory_space<vmem>>) semaphore(%arg65 : memref<!tpu.dma_semaphore, #tpu.memory_space<semaphore_mem>>)
      %dma_start3A_411 = arith.constant 18 : i32
      %dma_start3A_412 = tpu.memref_slice %arg51[%dma_start3A_411, %add3A_11] : memref<49x81920xi32, #tpu.memory_space<hbm>> -> memref<1x640xi32, #tpu.memory_space<hbm>>
      %dma_start3A_413 = tpu.memref_squeeze %dma_start3A_412 : memref<1x640xi32, #tpu.memory_space<hbm>> -> memref<640xi32, #tpu.memory_space<hbm>>
      %dma_start3A_414 = tpu.memref_slice %arg51[%dma_start3A_411, %add3A_11] : memref<49x81920xi32, #tpu.memory_space<hbm>> -> memref<1x640xi32, #tpu.memory_space<hbm>>
      %dma_start3A_415 = tpu.memref_squeeze %dma_start3A_414 : memref<1x640xi32, #tpu.memory_space<hbm>> -> memref<640xi32, #tpu.memory_space<hbm>>
      tpu.enqueue_dma source(%dma_start3A_415 : memref<640xi32, #tpu.memory_space<hbm>>) target(%arg60 : memref<640xi32, #tpu.memory_space<vmem>>) target_semaphore(%arg63 : memref<!tpu.dma_semaphore, #tpu.memory_space<semaphore_mem>>)
      %dma_wait3A_416 = arith.constant 0 : i32
      %dma_wait3A_417 = arith.constant 0 : i32
      %dma_wait3A_418 = tpu.memref_slice %arg19[%dma_wait3A_416, %dma_wait3A_417] : memref<1000x8xf32, #tpu.memory_space<hbm>> -> memref<1000x8xf32, #tpu.memory_space<hbm>>
      tpu.wait_indirect_dma semaphore(%arg65 : memref<!tpu.dma_semaphore, #tpu.memory_space<semaphore_mem>>) src(%dma_wait3A_418 : memref<1000x8xf32, #tpu.memory_space<hbm>>) dst(%arg55 : memref<640x8xf32, #tpu.memory_space<vmem>>)
      %dma_start3A_419 = arith.constant 224 : i32
      %dma_start3A_420 = tpu.memref_slice %arg53[%add3A_11, %dma_start3A_419] : memref<81920x488xf32, #tpu.memory_space<hbm>> -> memref<640x8xf32, #tpu.memory_space<hbm>>
      %dma_start3A_421 = arith.constant 224 : i32
      %dma_start3A_422 = tpu.memref_slice %arg53[%add3A_11, %dma_start3A_421] : memref<81920x488xf32, #tpu.memory_space<hbm>> -> memref<640x8xf32, #tpu.memory_space<hbm>>
      tpu.enqueue_dma source(%arg55 : memref<640x8xf32, #tpu.memory_space<vmem>>) target(%dma_start3A_422 : memref<640x8xf32, #tpu.memory_space<hbm>>) target_semaphore(%arg68 : memref<!tpu.dma_semaphore, #tpu.memory_space<semaphore_mem>>)
      %dma_wait3A_423 = arith.constant 216 : i32
      %dma_wait3A_424 = tpu.memref_slice %arg53[%add3A_11, %dma_wait3A_423] : memref<81920x488xf32, #tpu.memory_space<hbm>> -> memref<640x8xf32, #tpu.memory_space<hbm>>
      %dma_wait3A_425 = arith.constant 216 : i32
      %dma_wait3A_426 = tpu.memref_slice %arg53[%add3A_11, %dma_wait3A_425] : memref<81920x488xf32, #tpu.memory_space<hbm>> -> memref<640x8xf32, #tpu.memory_space<hbm>>
      tpu.wait_dma2 semaphore(%arg68 : memref<!tpu.dma_semaphore, #tpu.memory_space<semaphore_mem>>) src(%arg54 : memref<640x8xf32, #tpu.memory_space<vmem>>) dst(%dma_wait3A_426 : memref<640x8xf32, #tpu.memory_space<hbm>>)
      %dma_wait3A_427 = arith.constant 18 : i32
      %dma_wait3A_428 = tpu.memref_slice %arg51[%dma_wait3A_427, %add3A_11] : memref<49x81920xi32, #tpu.memory_space<hbm>> -> memref<1x640xi32, #tpu.memory_space<hbm>>
      %dma_wait3A_429 = tpu.memref_squeeze %dma_wait3A_428 : memref<1x640xi32, #tpu.memory_space<hbm>> -> memref<640xi32, #tpu.memory_space<hbm>>
      %dma_wait3A_430 = tpu.memref_slice %arg51[%dma_wait3A_427, %add3A_11] : memref<49x81920xi32, #tpu.memory_space<hbm>> -> memref<1x640xi32, #tpu.memory_space<hbm>>
      %dma_wait3A_431 = tpu.memref_squeeze %dma_wait3A_430 : memref<1x640xi32, #tpu.memory_space<hbm>> -> memref<640xi32, #tpu.memory_space<hbm>>
      tpu.wait_dma2 semaphore(%arg63 : memref<!tpu.dma_semaphore, #tpu.memory_space<semaphore_mem>>) src(%dma_wait3A_431 : memref<640xi32, #tpu.memory_space<hbm>>) dst(%arg60 : memref<640xi32, #tpu.memory_space<vmem>>)
      %dma_start3A_432 = arith.constant 0 : i32
      %dma_start3A_433 = arith.constant 0 : i32
      %dma_start3A_434 = tpu.memref_slice %arg20[%dma_start3A_432, %dma_start3A_433] : memref<1000x8xf32, #tpu.memory_space<hbm>> -> memref<1000x8xf32, #tpu.memory_space<hbm>>
      tpu.enqueue_indirect_dma source(%dma_start3A_434 : memref<1000x8xf32, #tpu.memory_space<hbm>>) target(%arg54 : memref<640x8xf32, #tpu.memory_space<vmem>>) offsets(%arg60 : memref<640xi32, #tpu.memory_space<vmem>>) semaphore(%arg65 : memref<!tpu.dma_semaphore, #tpu.memory_space<semaphore_mem>>)
      %dma_start3A_435 = arith.constant 19 : i32
      %dma_start3A_436 = tpu.memref_slice %arg51[%dma_start3A_435, %add3A_11] : memref<49x81920xi32, #tpu.memory_space<hbm>> -> memref<1x640xi32, #tpu.memory_space<hbm>>
      %dma_start3A_437 = tpu.memref_squeeze %dma_start3A_436 : memref<1x640xi32, #tpu.memory_space<hbm>> -> memref<640xi32, #tpu.memory_space<hbm>>
      %dma_start3A_438 = tpu.memref_slice %arg51[%dma_start3A_435, %add3A_11] : memref<49x81920xi32, #tpu.memory_space<hbm>> -> memref<1x640xi32, #tpu.memory_space<hbm>>
      %dma_start3A_439 = tpu.memref_squeeze %dma_start3A_438 : memref<1x640xi32, #tpu.memory_space<hbm>> -> memref<640xi32, #tpu.memory_space<hbm>>
      tpu.enqueue_dma source(%dma_start3A_439 : memref<640xi32, #tpu.memory_space<hbm>>) target(%arg61 : memref<640xi32, #tpu.memory_space<vmem>>) target_semaphore(%arg63 : memref<!tpu.dma_semaphore, #tpu.memory_space<semaphore_mem>>)
      %dma_wait3A_440 = arith.constant 0 : i32
      %dma_wait3A_441 = arith.constant 0 : i32
      %dma_wait3A_442 = tpu.memref_slice %arg20[%dma_wait3A_440, %dma_wait3A_441] : memref<1000x8xf32, #tpu.memory_space<hbm>> -> memref<1000x8xf32, #tpu.memory_space<hbm>>
      tpu.wait_indirect_dma semaphore(%arg65 : memref<!tpu.dma_semaphore, #tpu.memory_space<semaphore_mem>>) src(%dma_wait3A_442 : memref<1000x8xf32, #tpu.memory_space<hbm>>) dst(%arg54 : memref<640x8xf32, #tpu.memory_space<vmem>>)
      %dma_start3A_443 = arith.constant 232 : i32
      %dma_start3A_444 = tpu.memref_slice %arg53[%add3A_11, %dma_start3A_443] : memref<81920x488xf32, #tpu.memory_space<hbm>> -> memref<640x8xf32, #tpu.memory_space<hbm>>
      %dma_start3A_445 = arith.constant 232 : i32
      %dma_start3A_446 = tpu.memref_slice %arg53[%add3A_11, %dma_start3A_445] : memref<81920x488xf32, #tpu.memory_space<hbm>> -> memref<640x8xf32, #tpu.memory_space<hbm>>
      tpu.enqueue_dma source(%arg54 : memref<640x8xf32, #tpu.memory_space<vmem>>) target(%dma_start3A_446 : memref<640x8xf32, #tpu.memory_space<hbm>>) target_semaphore(%arg68 : memref<!tpu.dma_semaphore, #tpu.memory_space<semaphore_mem>>)
      %dma_wait3A_447 = arith.constant 224 : i32
      %dma_wait3A_448 = tpu.memref_slice %arg53[%add3A_11, %dma_wait3A_447] : memref<81920x488xf32, #tpu.memory_space<hbm>> -> memref<640x8xf32, #tpu.memory_space<hbm>>
      %dma_wait3A_449 = arith.constant 224 : i32
      %dma_wait3A_450 = tpu.memref_slice %arg53[%add3A_11, %dma_wait3A_449] : memref<81920x488xf32, #tpu.memory_space<hbm>> -> memref<640x8xf32, #tpu.memory_space<hbm>>
      tpu.wait_dma2 semaphore(%arg68 : memref<!tpu.dma_semaphore, #tpu.memory_space<semaphore_mem>>) src(%arg55 : memref<640x8xf32, #tpu.memory_space<vmem>>) dst(%dma_wait3A_450 : memref<640x8xf32, #tpu.memory_space<hbm>>)
      %dma_wait3A_451 = arith.constant 19 : i32
      %dma_wait3A_452 = tpu.memref_slice %arg51[%dma_wait3A_451, %add3A_11] : memref<49x81920xi32, #tpu.memory_space<hbm>> -> memref<1x640xi32, #tpu.memory_space<hbm>>
      %dma_wait3A_453 = tpu.memref_squeeze %dma_wait3A_452 : memref<1x640xi32, #tpu.memory_space<hbm>> -> memref<640xi32, #tpu.memory_space<hbm>>
      %dma_wait3A_454 = tpu.memref_slice %arg51[%dma_wait3A_451, %add3A_11] : memref<49x81920xi32, #tpu.memory_space<hbm>> -> memref<1x640xi32, #tpu.memory_space<hbm>>
      %dma_wait3A_455 = tpu.memref_squeeze %dma_wait3A_454 : memref<1x640xi32, #tpu.memory_space<hbm>> -> memref<640xi32, #tpu.memory_space<hbm>>
      tpu.wait_dma2 semaphore(%arg63 : memref<!tpu.dma_semaphore, #tpu.memory_space<semaphore_mem>>) src(%dma_wait3A_455 : memref<640xi32, #tpu.memory_space<hbm>>) dst(%arg61 : memref<640xi32, #tpu.memory_space<vmem>>)
      %dma_start3A_456 = arith.constant 0 : i32
      %dma_start3A_457 = arith.constant 0 : i32
      %dma_start3A_458 = tpu.memref_slice %arg21[%dma_start3A_456, %dma_start3A_457] : memref<1000x8xf32, #tpu.memory_space<hbm>> -> memref<1000x8xf32, #tpu.memory_space<hbm>>
      tpu.enqueue_indirect_dma source(%dma_start3A_458 : memref<1000x8xf32, #tpu.memory_space<hbm>>) target(%arg55 : memref<640x8xf32, #tpu.memory_space<vmem>>) offsets(%arg61 : memref<640xi32, #tpu.memory_space<vmem>>) semaphore(%arg65 : memref<!tpu.dma_semaphore, #tpu.memory_space<semaphore_mem>>)
      %dma_start3A_459 = arith.constant 20 : i32
      %dma_start3A_460 = tpu.memref_slice %arg51[%dma_start3A_459, %add3A_11] : memref<49x81920xi32, #tpu.memory_space<hbm>> -> memref<1x640xi32, #tpu.memory_space<hbm>>
      %dma_start3A_461 = tpu.memref_squeeze %dma_start3A_460 : memref<1x640xi32, #tpu.memory_space<hbm>> -> memref<640xi32, #tpu.memory_space<hbm>>
      %dma_start3A_462 = tpu.memref_slice %arg51[%dma_start3A_459, %add3A_11] : memref<49x81920xi32, #tpu.memory_space<hbm>> -> memref<1x640xi32, #tpu.memory_space<hbm>>
      %dma_start3A_463 = tpu.memref_squeeze %dma_start3A_462 : memref<1x640xi32, #tpu.memory_space<hbm>> -> memref<640xi32, #tpu.memory_space<hbm>>
      tpu.enqueue_dma source(%dma_start3A_463 : memref<640xi32, #tpu.memory_space<hbm>>) target(%arg60 : memref<640xi32, #tpu.memory_space<vmem>>) target_semaphore(%arg63 : memref<!tpu.dma_semaphore, #tpu.memory_space<semaphore_mem>>)
      %dma_wait3A_464 = arith.constant 0 : i32
      %dma_wait3A_465 = arith.constant 0 : i32
      %dma_wait3A_466 = tpu.memref_slice %arg21[%dma_wait3A_464, %dma_wait3A_465] : memref<1000x8xf32, #tpu.memory_space<hbm>> -> memref<1000x8xf32, #tpu.memory_space<hbm>>
      tpu.wait_indirect_dma semaphore(%arg65 : memref<!tpu.dma_semaphore, #tpu.memory_space<semaphore_mem>>) src(%dma_wait3A_466 : memref<1000x8xf32, #tpu.memory_space<hbm>>) dst(%arg55 : memref<640x8xf32, #tpu.memory_space<vmem>>)
      %dma_start3A_467 = arith.constant 240 : i32
      %dma_start3A_468 = tpu.memref_slice %arg53[%add3A_11, %dma_start3A_467] : memref<81920x488xf32, #tpu.memory_space<hbm>> -> memref<640x8xf32, #tpu.memory_space<hbm>>
      %dma_start3A_469 = arith.constant 240 : i32
      %dma_start3A_470 = tpu.memref_slice %arg53[%add3A_11, %dma_start3A_469] : memref<81920x488xf32, #tpu.memory_space<hbm>> -> memref<640x8xf32, #tpu.memory_space<hbm>>
      tpu.enqueue_dma source(%arg55 : memref<640x8xf32, #tpu.memory_space<vmem>>) target(%dma_start3A_470 : memref<640x8xf32, #tpu.memory_space<hbm>>) target_semaphore(%arg68 : memref<!tpu.dma_semaphore, #tpu.memory_space<semaphore_mem>>)
      %dma_wait3A_471 = arith.constant 232 : i32
      %dma_wait3A_472 = tpu.memref_slice %arg53[%add3A_11, %dma_wait3A_471] : memref<81920x488xf32, #tpu.memory_space<hbm>> -> memref<640x8xf32, #tpu.memory_space<hbm>>
      %dma_wait3A_473 = arith.constant 232 : i32
      %dma_wait3A_474 = tpu.memref_slice %arg53[%add3A_11, %dma_wait3A_473] : memref<81920x488xf32, #tpu.memory_space<hbm>> -> memref<640x8xf32, #tpu.memory_space<hbm>>
      tpu.wait_dma2 semaphore(%arg68 : memref<!tpu.dma_semaphore, #tpu.memory_space<semaphore_mem>>) src(%arg54 : memref<640x8xf32, #tpu.memory_space<vmem>>) dst(%dma_wait3A_474 : memref<640x8xf32, #tpu.memory_space<hbm>>)
      %dma_wait3A_475 = arith.constant 20 : i32
      %dma_wait3A_476 = tpu.memref_slice %arg51[%dma_wait3A_475, %add3A_11] : memref<49x81920xi32, #tpu.memory_space<hbm>> -> memref<1x640xi32, #tpu.memory_space<hbm>>
      %dma_wait3A_477 = tpu.memref_squeeze %dma_wait3A_476 : memref<1x640xi32, #tpu.memory_space<hbm>> -> memref<640xi32, #tpu.memory_space<hbm>>
      %dma_wait3A_478 = tpu.memref_slice %arg51[%dma_wait3A_475, %add3A_11] : memref<49x81920xi32, #tpu.memory_space<hbm>> -> memref<1x640xi32, #tpu.memory_space<hbm>>
      %dma_wait3A_479 = tpu.memref_squeeze %dma_wait3A_478 : memref<1x640xi32, #tpu.memory_space<hbm>> -> memref<640xi32, #tpu.memory_space<hbm>>
      tpu.wait_dma2 semaphore(%arg63 : memref<!tpu.dma_semaphore, #tpu.memory_space<semaphore_mem>>) src(%dma_wait3A_479 : memref<640xi32, #tpu.memory_space<hbm>>) dst(%arg60 : memref<640xi32, #tpu.memory_space<vmem>>)
      %dma_start3A_480 = arith.constant 0 : i32
      %dma_start3A_481 = arith.constant 0 : i32
      %dma_start3A_482 = tpu.memref_slice %arg22[%dma_start3A_480, %dma_start3A_481] : memref<1000x8xf32, #tpu.memory_space<hbm>> -> memref<1000x8xf32, #tpu.memory_space<hbm>>
      tpu.enqueue_indirect_dma source(%dma_start3A_482 : memref<1000x8xf32, #tpu.memory_space<hbm>>) target(%arg54 : memref<640x8xf32, #tpu.memory_space<vmem>>) offsets(%arg60 : memref<640xi32, #tpu.memory_space<vmem>>) semaphore(%arg65 : memref<!tpu.dma_semaphore, #tpu.memory_space<semaphore_mem>>)
      %dma_start3A_483 = arith.constant 21 : i32
      %dma_start3A_484 = tpu.memref_slice %arg51[%dma_start3A_483, %add3A_11] : memref<49x81920xi32, #tpu.memory_space<hbm>> -> memref<1x640xi32, #tpu.memory_space<hbm>>
      %dma_start3A_485 = tpu.memref_squeeze %dma_start3A_484 : memref<1x640xi32, #tpu.memory_space<hbm>> -> memref<640xi32, #tpu.memory_space<hbm>>
      %dma_start3A_486 = tpu.memref_slice %arg51[%dma_start3A_483, %add3A_11] : memref<49x81920xi32, #tpu.memory_space<hbm>> -> memref<1x640xi32, #tpu.memory_space<hbm>>
      %dma_start3A_487 = tpu.memref_squeeze %dma_start3A_486 : memref<1x640xi32, #tpu.memory_space<hbm>> -> memref<640xi32, #tpu.memory_space<hbm>>
      tpu.enqueue_dma source(%dma_start3A_487 : memref<640xi32, #tpu.memory_space<hbm>>) target(%arg61 : memref<640xi32, #tpu.memory_space<vmem>>) target_semaphore(%arg63 : memref<!tpu.dma_semaphore, #tpu.memory_space<semaphore_mem>>)
      %dma_wait3A_488 = arith.constant 0 : i32
      %dma_wait3A_489 = arith.constant 0 : i32
      %dma_wait3A_490 = tpu.memref_slice %arg22[%dma_wait3A_488, %dma_wait3A_489] : memref<1000x8xf32, #tpu.memory_space<hbm>> -> memref<1000x8xf32, #tpu.memory_space<hbm>>
      tpu.wait_indirect_dma semaphore(%arg65 : memref<!tpu.dma_semaphore, #tpu.memory_space<semaphore_mem>>) src(%dma_wait3A_490 : memref<1000x8xf32, #tpu.memory_space<hbm>>) dst(%arg54 : memref<640x8xf32, #tpu.memory_space<vmem>>)
      %dma_start3A_491 = arith.constant 248 : i32
      %dma_start3A_492 = tpu.memref_slice %arg53[%add3A_11, %dma_start3A_491] : memref<81920x488xf32, #tpu.memory_space<hbm>> -> memref<640x8xf32, #tpu.memory_space<hbm>>
      %dma_start3A_493 = arith.constant 248 : i32
      %dma_start3A_494 = tpu.memref_slice %arg53[%add3A_11, %dma_start3A_493] : memref<81920x488xf32, #tpu.memory_space<hbm>> -> memref<640x8xf32, #tpu.memory_space<hbm>>
      tpu.enqueue_dma source(%arg54 : memref<640x8xf32, #tpu.memory_space<vmem>>) target(%dma_start3A_494 : memref<640x8xf32, #tpu.memory_space<hbm>>) target_semaphore(%arg68 : memref<!tpu.dma_semaphore, #tpu.memory_space<semaphore_mem>>)
      %dma_wait3A_495 = arith.constant 240 : i32
      %dma_wait3A_496 = tpu.memref_slice %arg53[%add3A_11, %dma_wait3A_495] : memref<81920x488xf32, #tpu.memory_space<hbm>> -> memref<640x8xf32, #tpu.memory_space<hbm>>
      %dma_wait3A_497 = arith.constant 240 : i32
      %dma_wait3A_498 = tpu.memref_slice %arg53[%add3A_11, %dma_wait3A_497] : memref<81920x488xf32, #tpu.memory_space<hbm>> -> memref<640x8xf32, #tpu.memory_space<hbm>>
      tpu.wait_dma2 semaphore(%arg68 : memref<!tpu.dma_semaphore, #tpu.memory_space<semaphore_mem>>) src(%arg55 : memref<640x8xf32, #tpu.memory_space<vmem>>) dst(%dma_wait3A_498 : memref<640x8xf32, #tpu.memory_space<hbm>>)
      %dma_wait3A_499 = arith.constant 21 : i32
      %dma_wait3A_500 = tpu.memref_slice %arg51[%dma_wait3A_499, %add3A_11] : memref<49x81920xi32, #tpu.memory_space<hbm>> -> memref<1x640xi32, #tpu.memory_space<hbm>>
      %dma_wait3A_501 = tpu.memref_squeeze %dma_wait3A_500 : memref<1x640xi32, #tpu.memory_space<hbm>> -> memref<640xi32, #tpu.memory_space<hbm>>
      %dma_wait3A_502 = tpu.memref_slice %arg51[%dma_wait3A_499, %add3A_11] : memref<49x81920xi32, #tpu.memory_space<hbm>> -> memref<1x640xi32, #tpu.memory_space<hbm>>
      %dma_wait3A_503 = tpu.memref_squeeze %dma_wait3A_502 : memref<1x640xi32, #tpu.memory_space<hbm>> -> memref<640xi32, #tpu.memory_space<hbm>>
      tpu.wait_dma2 semaphore(%arg63 : memref<!tpu.dma_semaphore, #tpu.memory_space<semaphore_mem>>) src(%dma_wait3A_503 : memref<640xi32, #tpu.memory_space<hbm>>) dst(%arg61 : memref<640xi32, #tpu.memory_space<vmem>>)
      %dma_start3A_504 = arith.constant 0 : i32
      %dma_start3A_505 = arith.constant 0 : i32
      %dma_start3A_506 = tpu.memref_slice %arg23[%dma_start3A_504, %dma_start3A_505] : memref<1000x8xf32, #tpu.memory_space<hbm>> -> memref<1000x8xf32, #tpu.memory_space<hbm>>
      tpu.enqueue_indirect_dma source(%dma_start3A_506 : memref<1000x8xf32, #tpu.memory_space<hbm>>) target(%arg55 : memref<640x8xf32, #tpu.memory_space<vmem>>) offsets(%arg61 : memref<640xi32, #tpu.memory_space<vmem>>) semaphore(%arg65 : memref<!tpu.dma_semaphore, #tpu.memory_space<semaphore_mem>>)
      %dma_start3A_507 = arith.constant 22 : i32
      %dma_start3A_508 = tpu.memref_slice %arg51[%dma_start3A_507, %add3A_11] : memref<49x81920xi32, #tpu.memory_space<hbm>> -> memref<1x640xi32, #tpu.memory_space<hbm>>
      %dma_start3A_509 = tpu.memref_squeeze %dma_start3A_508 : memref<1x640xi32, #tpu.memory_space<hbm>> -> memref<640xi32, #tpu.memory_space<hbm>>
      %dma_start3A_510 = tpu.memref_slice %arg51[%dma_start3A_507, %add3A_11] : memref<49x81920xi32, #tpu.memory_space<hbm>> -> memref<1x640xi32, #tpu.memory_space<hbm>>
      %dma_start3A_511 = tpu.memref_squeeze %dma_start3A_510 : memref<1x640xi32, #tpu.memory_space<hbm>> -> memref<640xi32, #tpu.memory_space<hbm>>
      tpu.enqueue_dma source(%dma_start3A_511 : memref<640xi32, #tpu.memory_space<hbm>>) target(%arg60 : memref<640xi32, #tpu.memory_space<vmem>>) target_semaphore(%arg63 : memref<!tpu.dma_semaphore, #tpu.memory_space<semaphore_mem>>)
      %dma_wait3A_512 = arith.constant 0 : i32
      %dma_wait3A_513 = arith.constant 0 : i32
      %dma_wait3A_514 = tpu.memref_slice %arg23[%dma_wait3A_512, %dma_wait3A_513] : memref<1000x8xf32, #tpu.memory_space<hbm>> -> memref<1000x8xf32, #tpu.memory_space<hbm>>
      tpu.wait_indirect_dma semaphore(%arg65 : memref<!tpu.dma_semaphore, #tpu.memory_space<semaphore_mem>>) src(%dma_wait3A_514 : memref<1000x8xf32, #tpu.memory_space<hbm>>) dst(%arg55 : memref<640x8xf32, #tpu.memory_space<vmem>>)
      %dma_start3A_515 = arith.constant 256 : i32
      %dma_start3A_516 = tpu.memref_slice %arg53[%add3A_11, %dma_start3A_515] : memref<81920x488xf32, #tpu.memory_space<hbm>> -> memref<640x8xf32, #tpu.memory_space<hbm>>
      %dma_start3A_517 = arith.constant 256 : i32
      %dma_start3A_518 = tpu.memref_slice %arg53[%add3A_11, %dma_start3A_517] : memref<81920x488xf32, #tpu.memory_space<hbm>> -> memref<640x8xf32, #tpu.memory_space<hbm>>
      tpu.enqueue_dma source(%arg55 : memref<640x8xf32, #tpu.memory_space<vmem>>) target(%dma_start3A_518 : memref<640x8xf32, #tpu.memory_space<hbm>>) target_semaphore(%arg68 : memref<!tpu.dma_semaphore, #tpu.memory_space<semaphore_mem>>)
      %dma_wait3A_519 = arith.constant 248 : i32
      %dma_wait3A_520 = tpu.memref_slice %arg53[%add3A_11, %dma_wait3A_519] : memref<81920x488xf32, #tpu.memory_space<hbm>> -> memref<640x8xf32, #tpu.memory_space<hbm>>
      %dma_wait3A_521 = arith.constant 248 : i32
      %dma_wait3A_522 = tpu.memref_slice %arg53[%add3A_11, %dma_wait3A_521] : memref<81920x488xf32, #tpu.memory_space<hbm>> -> memref<640x8xf32, #tpu.memory_space<hbm>>
      tpu.wait_dma2 semaphore(%arg68 : memref<!tpu.dma_semaphore, #tpu.memory_space<semaphore_mem>>) src(%arg54 : memref<640x8xf32, #tpu.memory_space<vmem>>) dst(%dma_wait3A_522 : memref<640x8xf32, #tpu.memory_space<hbm>>)
      %dma_wait3A_523 = arith.constant 22 : i32
      %dma_wait3A_524 = tpu.memref_slice %arg51[%dma_wait3A_523, %add3A_11] : memref<49x81920xi32, #tpu.memory_space<hbm>> -> memref<1x640xi32, #tpu.memory_space<hbm>>
      %dma_wait3A_525 = tpu.memref_squeeze %dma_wait3A_524 : memref<1x640xi32, #tpu.memory_space<hbm>> -> memref<640xi32, #tpu.memory_space<hbm>>
      %dma_wait3A_526 = tpu.memref_slice %arg51[%dma_wait3A_523, %add3A_11] : memref<49x81920xi32, #tpu.memory_space<hbm>> -> memref<1x640xi32, #tpu.memory_space<hbm>>
      %dma_wait3A_527 = tpu.memref_squeeze %dma_wait3A_526 : memref<1x640xi32, #tpu.memory_space<hbm>> -> memref<640xi32, #tpu.memory_space<hbm>>
      tpu.wait_dma2 semaphore(%arg63 : memref<!tpu.dma_semaphore, #tpu.memory_space<semaphore_mem>>) src(%dma_wait3A_527 : memref<640xi32, #tpu.memory_space<hbm>>) dst(%arg60 : memref<640xi32, #tpu.memory_space<vmem>>)
      %dma_start3A_528 = arith.constant 0 : i32
      %dma_start3A_529 = arith.constant 0 : i32
      %dma_start3A_530 = tpu.memref_slice %arg24[%dma_start3A_528, %dma_start3A_529] : memref<1000x8xf32, #tpu.memory_space<hbm>> -> memref<1000x8xf32, #tpu.memory_space<hbm>>
      tpu.enqueue_indirect_dma source(%dma_start3A_530 : memref<1000x8xf32, #tpu.memory_space<hbm>>) target(%arg54 : memref<640x8xf32, #tpu.memory_space<vmem>>) offsets(%arg60 : memref<640xi32, #tpu.memory_space<vmem>>) semaphore(%arg65 : memref<!tpu.dma_semaphore, #tpu.memory_space<semaphore_mem>>)
      %dma_start3A_531 = arith.constant 23 : i32
      %dma_start3A_532 = tpu.memref_slice %arg51[%dma_start3A_531, %add3A_11] : memref<49x81920xi32, #tpu.memory_space<hbm>> -> memref<1x640xi32, #tpu.memory_space<hbm>>
      %dma_start3A_533 = tpu.memref_squeeze %dma_start3A_532 : memref<1x640xi32, #tpu.memory_space<hbm>> -> memref<640xi32, #tpu.memory_space<hbm>>
      %dma_start3A_534 = tpu.memref_slice %arg51[%dma_start3A_531, %add3A_11] : memref<49x81920xi32, #tpu.memory_space<hbm>> -> memref<1x640xi32, #tpu.memory_space<hbm>>
      %dma_start3A_535 = tpu.memref_squeeze %dma_start3A_534 : memref<1x640xi32, #tpu.memory_space<hbm>> -> memref<640xi32, #tpu.memory_space<hbm>>
      tpu.enqueue_dma source(%dma_start3A_535 : memref<640xi32, #tpu.memory_space<hbm>>) target(%arg61 : memref<640xi32, #tpu.memory_space<vmem>>) target_semaphore(%arg63 : memref<!tpu.dma_semaphore, #tpu.memory_space<semaphore_mem>>)
      %dma_wait3A_536 = arith.constant 0 : i32
      %dma_wait3A_537 = arith.constant 0 : i32
      %dma_wait3A_538 = tpu.memref_slice %arg24[%dma_wait3A_536, %dma_wait3A_537] : memref<1000x8xf32, #tpu.memory_space<hbm>> -> memref<1000x8xf32, #tpu.memory_space<hbm>>
      tpu.wait_indirect_dma semaphore(%arg65 : memref<!tpu.dma_semaphore, #tpu.memory_space<semaphore_mem>>) src(%dma_wait3A_538 : memref<1000x8xf32, #tpu.memory_space<hbm>>) dst(%arg54 : memref<640x8xf32, #tpu.memory_space<vmem>>)
      %dma_start3A_539 = arith.constant 264 : i32
      %dma_start3A_540 = tpu.memref_slice %arg53[%add3A_11, %dma_start3A_539] : memref<81920x488xf32, #tpu.memory_space<hbm>> -> memref<640x8xf32, #tpu.memory_space<hbm>>
      %dma_start3A_541 = arith.constant 264 : i32
      %dma_start3A_542 = tpu.memref_slice %arg53[%add3A_11, %dma_start3A_541] : memref<81920x488xf32, #tpu.memory_space<hbm>> -> memref<640x8xf32, #tpu.memory_space<hbm>>
      tpu.enqueue_dma source(%arg54 : memref<640x8xf32, #tpu.memory_space<vmem>>) target(%dma_start3A_542 : memref<640x8xf32, #tpu.memory_space<hbm>>) target_semaphore(%arg68 : memref<!tpu.dma_semaphore, #tpu.memory_space<semaphore_mem>>)
      %dma_wait3A_543 = arith.constant 256 : i32
      %dma_wait3A_544 = tpu.memref_slice %arg53[%add3A_11, %dma_wait3A_543] : memref<81920x488xf32, #tpu.memory_space<hbm>> -> memref<640x8xf32, #tpu.memory_space<hbm>>
      %dma_wait3A_545 = arith.constant 256 : i32
      %dma_wait3A_546 = tpu.memref_slice %arg53[%add3A_11, %dma_wait3A_545] : memref<81920x488xf32, #tpu.memory_space<hbm>> -> memref<640x8xf32, #tpu.memory_space<hbm>>
      tpu.wait_dma2 semaphore(%arg68 : memref<!tpu.dma_semaphore, #tpu.memory_space<semaphore_mem>>) src(%arg55 : memref<640x8xf32, #tpu.memory_space<vmem>>) dst(%dma_wait3A_546 : memref<640x8xf32, #tpu.memory_space<hbm>>)
      %dma_wait3A_547 = arith.constant 23 : i32
      %dma_wait3A_548 = tpu.memref_slice %arg51[%dma_wait3A_547, %add3A_11] : memref<49x81920xi32, #tpu.memory_space<hbm>> -> memref<1x640xi32, #tpu.memory_space<hbm>>
      %dma_wait3A_549 = tpu.memref_squeeze %dma_wait3A_548 : memref<1x640xi32, #tpu.memory_space<hbm>> -> memref<640xi32, #tpu.memory_space<hbm>>
      %dma_wait3A_550 = tpu.memref_slice %arg51[%dma_wait3A_547, %add3A_11] : memref<49x81920xi32, #tpu.memory_space<hbm>> -> memref<1x640xi32, #tpu.memory_space<hbm>>
      %dma_wait3A_551 = tpu.memref_squeeze %dma_wait3A_550 : memref<1x640xi32, #tpu.memory_space<hbm>> -> memref<640xi32, #tpu.memory_space<hbm>>
      tpu.wait_dma2 semaphore(%arg63 : memref<!tpu.dma_semaphore, #tpu.memory_space<semaphore_mem>>) src(%dma_wait3A_551 : memref<640xi32, #tpu.memory_space<hbm>>) dst(%arg61 : memref<640xi32, #tpu.memory_space<vmem>>)
      %dma_start3A_552 = arith.constant 0 : i32
      %dma_start3A_553 = arith.constant 0 : i32
      %dma_start3A_554 = tpu.memref_slice %arg25[%dma_start3A_552, %dma_start3A_553] : memref<1000x8xf32, #tpu.memory_space<hbm>> -> memref<1000x8xf32, #tpu.memory_space<hbm>>
      tpu.enqueue_indirect_dma source(%dma_start3A_554 : memref<1000x8xf32, #tpu.memory_space<hbm>>) target(%arg55 : memref<640x8xf32, #tpu.memory_space<vmem>>) offsets(%arg61 : memref<640xi32, #tpu.memory_space<vmem>>) semaphore(%arg65 : memref<!tpu.dma_semaphore, #tpu.memory_space<semaphore_mem>>)
      %dma_start3A_555 = arith.constant 24 : i32
      %dma_start3A_556 = tpu.memref_slice %arg51[%dma_start3A_555, %add3A_11] : memref<49x81920xi32, #tpu.memory_space<hbm>> -> memref<1x640xi32, #tpu.memory_space<hbm>>
      %dma_start3A_557 = tpu.memref_squeeze %dma_start3A_556 : memref<1x640xi32, #tpu.memory_space<hbm>> -> memref<640xi32, #tpu.memory_space<hbm>>
      %dma_start3A_558 = tpu.memref_slice %arg51[%dma_start3A_555, %add3A_11] : memref<49x81920xi32, #tpu.memory_space<hbm>> -> memref<1x640xi32, #tpu.memory_space<hbm>>
      %dma_start3A_559 = tpu.memref_squeeze %dma_start3A_558 : memref<1x640xi32, #tpu.memory_space<hbm>> -> memref<640xi32, #tpu.memory_space<hbm>>
      tpu.enqueue_dma source(%dma_start3A_559 : memref<640xi32, #tpu.memory_space<hbm>>) target(%arg60 : memref<640xi32, #tpu.memory_space<vmem>>) target_semaphore(%arg63 : memref<!tpu.dma_semaphore, #tpu.memory_space<semaphore_mem>>)
      %dma_wait3A_560 = arith.constant 0 : i32
      %dma_wait3A_561 = arith.constant 0 : i32
      %dma_wait3A_562 = tpu.memref_slice %arg25[%dma_wait3A_560, %dma_wait3A_561] : memref<1000x8xf32, #tpu.memory_space<hbm>> -> memref<1000x8xf32, #tpu.memory_space<hbm>>
      tpu.wait_indirect_dma semaphore(%arg65 : memref<!tpu.dma_semaphore, #tpu.memory_space<semaphore_mem>>) src(%dma_wait3A_562 : memref<1000x8xf32, #tpu.memory_space<hbm>>) dst(%arg55 : memref<640x8xf32, #tpu.memory_space<vmem>>)
      %dma_start3A_563 = arith.constant 272 : i32
      %dma_start3A_564 = tpu.memref_slice %arg53[%add3A_11, %dma_start3A_563] : memref<81920x488xf32, #tpu.memory_space<hbm>> -> memref<640x8xf32, #tpu.memory_space<hbm>>
      %dma_start3A_565 = arith.constant 272 : i32
      %dma_start3A_566 = tpu.memref_slice %arg53[%add3A_11, %dma_start3A_565] : memref<81920x488xf32, #tpu.memory_space<hbm>> -> memref<640x8xf32, #tpu.memory_space<hbm>>
      tpu.enqueue_dma source(%arg55 : memref<640x8xf32, #tpu.memory_space<vmem>>) target(%dma_start3A_566 : memref<640x8xf32, #tpu.memory_space<hbm>>) target_semaphore(%arg68 : memref<!tpu.dma_semaphore, #tpu.memory_space<semaphore_mem>>)
      %dma_wait3A_567 = arith.constant 264 : i32
      %dma_wait3A_568 = tpu.memref_slice %arg53[%add3A_11, %dma_wait3A_567] : memref<81920x488xf32, #tpu.memory_space<hbm>> -> memref<640x8xf32, #tpu.memory_space<hbm>>
      %dma_wait3A_569 = arith.constant 264 : i32
      %dma_wait3A_570 = tpu.memref_slice %arg53[%add3A_11, %dma_wait3A_569] : memref<81920x488xf32, #tpu.memory_space<hbm>> -> memref<640x8xf32, #tpu.memory_space<hbm>>
      tpu.wait_dma2 semaphore(%arg68 : memref<!tpu.dma_semaphore, #tpu.memory_space<semaphore_mem>>) src(%arg54 : memref<640x8xf32, #tpu.memory_space<vmem>>) dst(%dma_wait3A_570 : memref<640x8xf32, #tpu.memory_space<hbm>>)
      %dma_wait3A_571 = arith.constant 24 : i32
      %dma_wait3A_572 = tpu.memref_slice %arg51[%dma_wait3A_571, %add3A_11] : memref<49x81920xi32, #tpu.memory_space<hbm>> -> memref<1x640xi32, #tpu.memory_space<hbm>>
      %dma_wait3A_573 = tpu.memref_squeeze %dma_wait3A_572 : memref<1x640xi32, #tpu.memory_space<hbm>> -> memref<640xi32, #tpu.memory_space<hbm>>
      %dma_wait3A_574 = tpu.memref_slice %arg51[%dma_wait3A_571, %add3A_11] : memref<49x81920xi32, #tpu.memory_space<hbm>> -> memref<1x640xi32, #tpu.memory_space<hbm>>
      %dma_wait3A_575 = tpu.memref_squeeze %dma_wait3A_574 : memref<1x640xi32, #tpu.memory_space<hbm>> -> memref<640xi32, #tpu.memory_space<hbm>>
      tpu.wait_dma2 semaphore(%arg63 : memref<!tpu.dma_semaphore, #tpu.memory_space<semaphore_mem>>) src(%dma_wait3A_575 : memref<640xi32, #tpu.memory_space<hbm>>) dst(%arg60 : memref<640xi32, #tpu.memory_space<vmem>>)
      %dma_start3A_576 = arith.constant 0 : i32
      %dma_start3A_577 = arith.constant 0 : i32
      %dma_start3A_578 = tpu.memref_slice %arg26[%dma_start3A_576, %dma_start3A_577] : memref<1000x8xf32, #tpu.memory_space<hbm>> -> memref<1000x8xf32, #tpu.memory_space<hbm>>
      tpu.enqueue_indirect_dma source(%dma_start3A_578 : memref<1000x8xf32, #tpu.memory_space<hbm>>) target(%arg54 : memref<640x8xf32, #tpu.memory_space<vmem>>) offsets(%arg60 : memref<640xi32, #tpu.memory_space<vmem>>) semaphore(%arg65 : memref<!tpu.dma_semaphore, #tpu.memory_space<semaphore_mem>>)
      %dma_start3A_579 = arith.constant 25 : i32
      %dma_start3A_580 = tpu.memref_slice %arg51[%dma_start3A_579, %add3A_11] : memref<49x81920xi32, #tpu.memory_space<hbm>> -> memref<1x640xi32, #tpu.memory_space<hbm>>
      %dma_start3A_581 = tpu.memref_squeeze %dma_start3A_580 : memref<1x640xi32, #tpu.memory_space<hbm>> -> memref<640xi32, #tpu.memory_space<hbm>>
      %dma_start3A_582 = tpu.memref_slice %arg51[%dma_start3A_579, %add3A_11] : memref<49x81920xi32, #tpu.memory_space<hbm>> -> memref<1x640xi32, #tpu.memory_space<hbm>>
      %dma_start3A_583 = tpu.memref_squeeze %dma_start3A_582 : memref<1x640xi32, #tpu.memory_space<hbm>> -> memref<640xi32, #tpu.memory_space<hbm>>
      tpu.enqueue_dma source(%dma_start3A_583 : memref<640xi32, #tpu.memory_space<hbm>>) target(%arg61 : memref<640xi32, #tpu.memory_space<vmem>>) target_semaphore(%arg63 : memref<!tpu.dma_semaphore, #tpu.memory_space<semaphore_mem>>)
      %dma_wait3A_584 = arith.constant 0 : i32
      %dma_wait3A_585 = arith.constant 0 : i32
      %dma_wait3A_586 = tpu.memref_slice %arg26[%dma_wait3A_584, %dma_wait3A_585] : memref<1000x8xf32, #tpu.memory_space<hbm>> -> memref<1000x8xf32, #tpu.memory_space<hbm>>
      tpu.wait_indirect_dma semaphore(%arg65 : memref<!tpu.dma_semaphore, #tpu.memory_space<semaphore_mem>>) src(%dma_wait3A_586 : memref<1000x8xf32, #tpu.memory_space<hbm>>) dst(%arg54 : memref<640x8xf32, #tpu.memory_space<vmem>>)
      %dma_start3A_587 = arith.constant 280 : i32
      %dma_start3A_588 = tpu.memref_slice %arg53[%add3A_11, %dma_start3A_587] : memref<81920x488xf32, #tpu.memory_space<hbm>> -> memref<640x8xf32, #tpu.memory_space<hbm>>
      %dma_start3A_589 = arith.constant 280 : i32
      %dma_start3A_590 = tpu.memref_slice %arg53[%add3A_11, %dma_start3A_589] : memref<81920x488xf32, #tpu.memory_space<hbm>> -> memref<640x8xf32, #tpu.memory_space<hbm>>
      tpu.enqueue_dma source(%arg54 : memref<640x8xf32, #tpu.memory_space<vmem>>) target(%dma_start3A_590 : memref<640x8xf32, #tpu.memory_space<hbm>>) target_semaphore(%arg68 : memref<!tpu.dma_semaphore, #tpu.memory_space<semaphore_mem>>)
      %dma_wait3A_591 = arith.constant 272 : i32
      %dma_wait3A_592 = tpu.memref_slice %arg53[%add3A_11, %dma_wait3A_591] : memref<81920x488xf32, #tpu.memory_space<hbm>> -> memref<640x8xf32, #tpu.memory_space<hbm>>
      %dma_wait3A_593 = arith.constant 272 : i32
      %dma_wait3A_594 = tpu.memref_slice %arg53[%add3A_11, %dma_wait3A_593] : memref<81920x488xf32, #tpu.memory_space<hbm>> -> memref<640x8xf32, #tpu.memory_space<hbm>>
      tpu.wait_dma2 semaphore(%arg68 : memref<!tpu.dma_semaphore, #tpu.memory_space<semaphore_mem>>) src(%arg55 : memref<640x8xf32, #tpu.memory_space<vmem>>) dst(%dma_wait3A_594 : memref<640x8xf32, #tpu.memory_space<hbm>>)
      %dma_wait3A_595 = arith.constant 25 : i32
      %dma_wait3A_596 = tpu.memref_slice %arg51[%dma_wait3A_595, %add3A_11] : memref<49x81920xi32, #tpu.memory_space<hbm>> -> memref<1x640xi32, #tpu.memory_space<hbm>>
      %dma_wait3A_597 = tpu.memref_squeeze %dma_wait3A_596 : memref<1x640xi32, #tpu.memory_space<hbm>> -> memref<640xi32, #tpu.memory_space<hbm>>
      %dma_wait3A_598 = tpu.memref_slice %arg51[%dma_wait3A_595, %add3A_11] : memref<49x81920xi32, #tpu.memory_space<hbm>> -> memref<1x640xi32, #tpu.memory_space<hbm>>
      %dma_wait3A_599 = tpu.memref_squeeze %dma_wait3A_598 : memref<1x640xi32, #tpu.memory_space<hbm>> -> memref<640xi32, #tpu.memory_space<hbm>>
      tpu.wait_dma2 semaphore(%arg63 : memref<!tpu.dma_semaphore, #tpu.memory_space<semaphore_mem>>) src(%dma_wait3A_599 : memref<640xi32, #tpu.memory_space<hbm>>) dst(%arg61 : memref<640xi32, #tpu.memory_space<vmem>>)
      %dma_start3A_600 = arith.constant 0 : i32
      %dma_start3A_601 = arith.constant 0 : i32
      %dma_start3A_602 = tpu.memref_slice %arg27[%dma_start3A_600, %dma_start3A_601] : memref<1000x8xf32, #tpu.memory_space<hbm>> -> memref<1000x8xf32, #tpu.memory_space<hbm>>
      tpu.enqueue_indirect_dma source(%dma_start3A_602 : memref<1000x8xf32, #tpu.memory_space<hbm>>) target(%arg55 : memref<640x8xf32, #tpu.memory_space<vmem>>) offsets(%arg61 : memref<640xi32, #tpu.memory_space<vmem>>) semaphore(%arg65 : memref<!tpu.dma_semaphore, #tpu.memory_space<semaphore_mem>>)
      %dma_start3A_603 = arith.constant 26 : i32
      %dma_start3A_604 = tpu.memref_slice %arg51[%dma_start3A_603, %add3A_11] : memref<49x81920xi32, #tpu.memory_space<hbm>> -> memref<1x640xi32, #tpu.memory_space<hbm>>
      %dma_start3A_605 = tpu.memref_squeeze %dma_start3A_604 : memref<1x640xi32, #tpu.memory_space<hbm>> -> memref<640xi32, #tpu.memory_space<hbm>>
      %dma_start3A_606 = tpu.memref_slice %arg51[%dma_start3A_603, %add3A_11] : memref<49x81920xi32, #tpu.memory_space<hbm>> -> memref<1x640xi32, #tpu.memory_space<hbm>>
      %dma_start3A_607 = tpu.memref_squeeze %dma_start3A_606 : memref<1x640xi32, #tpu.memory_space<hbm>> -> memref<640xi32, #tpu.memory_space<hbm>>
      tpu.enqueue_dma source(%dma_start3A_607 : memref<640xi32, #tpu.memory_space<hbm>>) target(%arg60 : memref<640xi32, #tpu.memory_space<vmem>>) target_semaphore(%arg63 : memref<!tpu.dma_semaphore, #tpu.memory_space<semaphore_mem>>)
      %dma_wait3A_608 = arith.constant 0 : i32
      %dma_wait3A_609 = arith.constant 0 : i32
      %dma_wait3A_610 = tpu.memref_slice %arg27[%dma_wait3A_608, %dma_wait3A_609] : memref<1000x8xf32, #tpu.memory_space<hbm>> -> memref<1000x8xf32, #tpu.memory_space<hbm>>
      tpu.wait_indirect_dma semaphore(%arg65 : memref<!tpu.dma_semaphore, #tpu.memory_space<semaphore_mem>>) src(%dma_wait3A_610 : memref<1000x8xf32, #tpu.memory_space<hbm>>) dst(%arg55 : memref<640x8xf32, #tpu.memory_space<vmem>>)
      %dma_start3A_611 = arith.constant 288 : i32
      %dma_start3A_612 = tpu.memref_slice %arg53[%add3A_11, %dma_start3A_611] : memref<81920x488xf32, #tpu.memory_space<hbm>> -> memref<640x8xf32, #tpu.memory_space<hbm>>
      %dma_start3A_613 = arith.constant 288 : i32
      %dma_start3A_614 = tpu.memref_slice %arg53[%add3A_11, %dma_start3A_613] : memref<81920x488xf32, #tpu.memory_space<hbm>> -> memref<640x8xf32, #tpu.memory_space<hbm>>
      tpu.enqueue_dma source(%arg55 : memref<640x8xf32, #tpu.memory_space<vmem>>) target(%dma_start3A_614 : memref<640x8xf32, #tpu.memory_space<hbm>>) target_semaphore(%arg68 : memref<!tpu.dma_semaphore, #tpu.memory_space<semaphore_mem>>)
      %dma_wait3A_615 = arith.constant 280 : i32
      %dma_wait3A_616 = tpu.memref_slice %arg53[%add3A_11, %dma_wait3A_615] : memref<81920x488xf32, #tpu.memory_space<hbm>> -> memref<640x8xf32, #tpu.memory_space<hbm>>
      %dma_wait3A_617 = arith.constant 280 : i32
      %dma_wait3A_618 = tpu.memref_slice %arg53[%add3A_11, %dma_wait3A_617] : memref<81920x488xf32, #tpu.memory_space<hbm>> -> memref<640x8xf32, #tpu.memory_space<hbm>>
      tpu.wait_dma2 semaphore(%arg68 : memref<!tpu.dma_semaphore, #tpu.memory_space<semaphore_mem>>) src(%arg54 : memref<640x8xf32, #tpu.memory_space<vmem>>) dst(%dma_wait3A_618 : memref<640x8xf32, #tpu.memory_space<hbm>>)
      %dma_wait3A_619 = arith.constant 26 : i32
      %dma_wait3A_620 = tpu.memref_slice %arg51[%dma_wait3A_619, %add3A_11] : memref<49x81920xi32, #tpu.memory_space<hbm>> -> memref<1x640xi32, #tpu.memory_space<hbm>>
      %dma_wait3A_621 = tpu.memref_squeeze %dma_wait3A_620 : memref<1x640xi32, #tpu.memory_space<hbm>> -> memref<640xi32, #tpu.memory_space<hbm>>
      %dma_wait3A_622 = tpu.memref_slice %arg51[%dma_wait3A_619, %add3A_11] : memref<49x81920xi32, #tpu.memory_space<hbm>> -> memref<1x640xi32, #tpu.memory_space<hbm>>
      %dma_wait3A_623 = tpu.memref_squeeze %dma_wait3A_622 : memref<1x640xi32, #tpu.memory_space<hbm>> -> memref<640xi32, #tpu.memory_space<hbm>>
      tpu.wait_dma2 semaphore(%arg63 : memref<!tpu.dma_semaphore, #tpu.memory_space<semaphore_mem>>) src(%dma_wait3A_623 : memref<640xi32, #tpu.memory_space<hbm>>) dst(%arg60 : memref<640xi32, #tpu.memory_space<vmem>>)
      %dma_start3A_624 = arith.constant 0 : i32
      %dma_start3A_625 = arith.constant 0 : i32
      %dma_start3A_626 = tpu.memref_slice %arg28[%dma_start3A_624, %dma_start3A_625] : memref<1000x8xf32, #tpu.memory_space<hbm>> -> memref<1000x8xf32, #tpu.memory_space<hbm>>
      tpu.enqueue_indirect_dma source(%dma_start3A_626 : memref<1000x8xf32, #tpu.memory_space<hbm>>) target(%arg54 : memref<640x8xf32, #tpu.memory_space<vmem>>) offsets(%arg60 : memref<640xi32, #tpu.memory_space<vmem>>) semaphore(%arg65 : memref<!tpu.dma_semaphore, #tpu.memory_space<semaphore_mem>>)
      %dma_start3A_627 = arith.constant 27 : i32
      %dma_start3A_628 = tpu.memref_slice %arg51[%dma_start3A_627, %add3A_11] : memref<49x81920xi32, #tpu.memory_space<hbm>> -> memref<1x640xi32, #tpu.memory_space<hbm>>
      %dma_start3A_629 = tpu.memref_squeeze %dma_start3A_628 : memref<1x640xi32, #tpu.memory_space<hbm>> -> memref<640xi32, #tpu.memory_space<hbm>>
      %dma_start3A_630 = tpu.memref_slice %arg51[%dma_start3A_627, %add3A_11] : memref<49x81920xi32, #tpu.memory_space<hbm>> -> memref<1x640xi32, #tpu.memory_space<hbm>>
      %dma_start3A_631 = tpu.memref_squeeze %dma_start3A_630 : memref<1x640xi32, #tpu.memory_space<hbm>> -> memref<640xi32, #tpu.memory_space<hbm>>
      tpu.enqueue_dma source(%dma_start3A_631 : memref<640xi32, #tpu.memory_space<hbm>>) target(%arg61 : memref<640xi32, #tpu.memory_space<vmem>>) target_semaphore(%arg63 : memref<!tpu.dma_semaphore, #tpu.memory_space<semaphore_mem>>)
      %dma_wait3A_632 = arith.constant 0 : i32
      %dma_wait3A_633 = arith.constant 0 : i32
      %dma_wait3A_634 = tpu.memref_slice %arg28[%dma_wait3A_632, %dma_wait3A_633] : memref<1000x8xf32, #tpu.memory_space<hbm>> -> memref<1000x8xf32, #tpu.memory_space<hbm>>
      tpu.wait_indirect_dma semaphore(%arg65 : memref<!tpu.dma_semaphore, #tpu.memory_space<semaphore_mem>>) src(%dma_wait3A_634 : memref<1000x8xf32, #tpu.memory_space<hbm>>) dst(%arg54 : memref<640x8xf32, #tpu.memory_space<vmem>>)
      %dma_start3A_635 = arith.constant 296 : i32
      %dma_start3A_636 = tpu.memref_slice %arg53[%add3A_11, %dma_start3A_635] : memref<81920x488xf32, #tpu.memory_space<hbm>> -> memref<640x8xf32, #tpu.memory_space<hbm>>
      %dma_start3A_637 = arith.constant 296 : i32
      %dma_start3A_638 = tpu.memref_slice %arg53[%add3A_11, %dma_start3A_637] : memref<81920x488xf32, #tpu.memory_space<hbm>> -> memref<640x8xf32, #tpu.memory_space<hbm>>
      tpu.enqueue_dma source(%arg54 : memref<640x8xf32, #tpu.memory_space<vmem>>) target(%dma_start3A_638 : memref<640x8xf32, #tpu.memory_space<hbm>>) target_semaphore(%arg68 : memref<!tpu.dma_semaphore, #tpu.memory_space<semaphore_mem>>)
      %dma_wait3A_639 = arith.constant 288 : i32
      %dma_wait3A_640 = tpu.memref_slice %arg53[%add3A_11, %dma_wait3A_639] : memref<81920x488xf32, #tpu.memory_space<hbm>> -> memref<640x8xf32, #tpu.memory_space<hbm>>
      %dma_wait3A_641 = arith.constant 288 : i32
      %dma_wait3A_642 = tpu.memref_slice %arg53[%add3A_11, %dma_wait3A_641] : memref<81920x488xf32, #tpu.memory_space<hbm>> -> memref<640x8xf32, #tpu.memory_space<hbm>>
      tpu.wait_dma2 semaphore(%arg68 : memref<!tpu.dma_semaphore, #tpu.memory_space<semaphore_mem>>) src(%arg55 : memref<640x8xf32, #tpu.memory_space<vmem>>) dst(%dma_wait3A_642 : memref<640x8xf32, #tpu.memory_space<hbm>>)
      %dma_wait3A_643 = arith.constant 27 : i32
      %dma_wait3A_644 = tpu.memref_slice %arg51[%dma_wait3A_643, %add3A_11] : memref<49x81920xi32, #tpu.memory_space<hbm>> -> memref<1x640xi32, #tpu.memory_space<hbm>>
      %dma_wait3A_645 = tpu.memref_squeeze %dma_wait3A_644 : memref<1x640xi32, #tpu.memory_space<hbm>> -> memref<640xi32, #tpu.memory_space<hbm>>
      %dma_wait3A_646 = tpu.memref_slice %arg51[%dma_wait3A_643, %add3A_11] : memref<49x81920xi32, #tpu.memory_space<hbm>> -> memref<1x640xi32, #tpu.memory_space<hbm>>
      %dma_wait3A_647 = tpu.memref_squeeze %dma_wait3A_646 : memref<1x640xi32, #tpu.memory_space<hbm>> -> memref<640xi32, #tpu.memory_space<hbm>>
      tpu.wait_dma2 semaphore(%arg63 : memref<!tpu.dma_semaphore, #tpu.memory_space<semaphore_mem>>) src(%dma_wait3A_647 : memref<640xi32, #tpu.memory_space<hbm>>) dst(%arg61 : memref<640xi32, #tpu.memory_space<vmem>>)
      %dma_start3A_648 = arith.constant 0 : i32
      %dma_start3A_649 = arith.constant 0 : i32
      %dma_start3A_650 = tpu.memref_slice %arg29[%dma_start3A_648, %dma_start3A_649] : memref<1000x8xf32, #tpu.memory_space<hbm>> -> memref<1000x8xf32, #tpu.memory_space<hbm>>
      tpu.enqueue_indirect_dma source(%dma_start3A_650 : memref<1000x8xf32, #tpu.memory_space<hbm>>) target(%arg55 : memref<640x8xf32, #tpu.memory_space<vmem>>) offsets(%arg61 : memref<640xi32, #tpu.memory_space<vmem>>) semaphore(%arg65 : memref<!tpu.dma_semaphore, #tpu.memory_space<semaphore_mem>>)
      %dma_start3A_651 = arith.constant 28 : i32
      %dma_start3A_652 = tpu.memref_slice %arg51[%dma_start3A_651, %add3A_11] : memref<49x81920xi32, #tpu.memory_space<hbm>> -> memref<1x640xi32, #tpu.memory_space<hbm>>
      %dma_start3A_653 = tpu.memref_squeeze %dma_start3A_652 : memref<1x640xi32, #tpu.memory_space<hbm>> -> memref<640xi32, #tpu.memory_space<hbm>>
      %dma_start3A_654 = tpu.memref_slice %arg51[%dma_start3A_651, %add3A_11] : memref<49x81920xi32, #tpu.memory_space<hbm>> -> memref<1x640xi32, #tpu.memory_space<hbm>>
      %dma_start3A_655 = tpu.memref_squeeze %dma_start3A_654 : memref<1x640xi32, #tpu.memory_space<hbm>> -> memref<640xi32, #tpu.memory_space<hbm>>
      tpu.enqueue_dma source(%dma_start3A_655 : memref<640xi32, #tpu.memory_space<hbm>>) target(%arg60 : memref<640xi32, #tpu.memory_space<vmem>>) target_semaphore(%arg63 : memref<!tpu.dma_semaphore, #tpu.memory_space<semaphore_mem>>)
      %dma_wait3A_656 = arith.constant 0 : i32
      %dma_wait3A_657 = arith.constant 0 : i32
      %dma_wait3A_658 = tpu.memref_slice %arg29[%dma_wait3A_656, %dma_wait3A_657] : memref<1000x8xf32, #tpu.memory_space<hbm>> -> memref<1000x8xf32, #tpu.memory_space<hbm>>
      tpu.wait_indirect_dma semaphore(%arg65 : memref<!tpu.dma_semaphore, #tpu.memory_space<semaphore_mem>>) src(%dma_wait3A_658 : memref<1000x8xf32, #tpu.memory_space<hbm>>) dst(%arg55 : memref<640x8xf32, #tpu.memory_space<vmem>>)
      %dma_start3A_659 = arith.constant 304 : i32
      %dma_start3A_660 = tpu.memref_slice %arg53[%add3A_11, %dma_start3A_659] : memref<81920x488xf32, #tpu.memory_space<hbm>> -> memref<640x8xf32, #tpu.memory_space<hbm>>
      %dma_start3A_661 = arith.constant 304 : i32
      %dma_start3A_662 = tpu.memref_slice %arg53[%add3A_11, %dma_start3A_661] : memref<81920x488xf32, #tpu.memory_space<hbm>> -> memref<640x8xf32, #tpu.memory_space<hbm>>
      tpu.enqueue_dma source(%arg55 : memref<640x8xf32, #tpu.memory_space<vmem>>) target(%dma_start3A_662 : memref<640x8xf32, #tpu.memory_space<hbm>>) target_semaphore(%arg68 : memref<!tpu.dma_semaphore, #tpu.memory_space<semaphore_mem>>)
      %dma_wait3A_663 = arith.constant 296 : i32
      %dma_wait3A_664 = tpu.memref_slice %arg53[%add3A_11, %dma_wait3A_663] : memref<81920x488xf32, #tpu.memory_space<hbm>> -> memref<640x8xf32, #tpu.memory_space<hbm>>
      %dma_wait3A_665 = arith.constant 296 : i32
      %dma_wait3A_666 = tpu.memref_slice %arg53[%add3A_11, %dma_wait3A_665] : memref<81920x488xf32, #tpu.memory_space<hbm>> -> memref<640x8xf32, #tpu.memory_space<hbm>>
      tpu.wait_dma2 semaphore(%arg68 : memref<!tpu.dma_semaphore, #tpu.memory_space<semaphore_mem>>) src(%arg54 : memref<640x8xf32, #tpu.memory_space<vmem>>) dst(%dma_wait3A_666 : memref<640x8xf32, #tpu.memory_space<hbm>>)
      %dma_wait3A_667 = arith.constant 28 : i32
      %dma_wait3A_668 = tpu.memref_slice %arg51[%dma_wait3A_667, %add3A_11] : memref<49x81920xi32, #tpu.memory_space<hbm>> -> memref<1x640xi32, #tpu.memory_space<hbm>>
      %dma_wait3A_669 = tpu.memref_squeeze %dma_wait3A_668 : memref<1x640xi32, #tpu.memory_space<hbm>> -> memref<640xi32, #tpu.memory_space<hbm>>
      %dma_wait3A_670 = tpu.memref_slice %arg51[%dma_wait3A_667, %add3A_11] : memref<49x81920xi32, #tpu.memory_space<hbm>> -> memref<1x640xi32, #tpu.memory_space<hbm>>
      %dma_wait3A_671 = tpu.memref_squeeze %dma_wait3A_670 : memref<1x640xi32, #tpu.memory_space<hbm>> -> memref<640xi32, #tpu.memory_space<hbm>>
      tpu.wait_dma2 semaphore(%arg63 : memref<!tpu.dma_semaphore, #tpu.memory_space<semaphore_mem>>) src(%dma_wait3A_671 : memref<640xi32, #tpu.memory_space<hbm>>) dst(%arg60 : memref<640xi32, #tpu.memory_space<vmem>>)
      %dma_start3A_672 = arith.constant 0 : i32
      %dma_start3A_673 = arith.constant 0 : i32
      %dma_start3A_674 = tpu.memref_slice %arg30[%dma_start3A_672, %dma_start3A_673] : memref<1000x8xf32, #tpu.memory_space<hbm>> -> memref<1000x8xf32, #tpu.memory_space<hbm>>
      tpu.enqueue_indirect_dma source(%dma_start3A_674 : memref<1000x8xf32, #tpu.memory_space<hbm>>) target(%arg54 : memref<640x8xf32, #tpu.memory_space<vmem>>) offsets(%arg60 : memref<640xi32, #tpu.memory_space<vmem>>) semaphore(%arg65 : memref<!tpu.dma_semaphore, #tpu.memory_space<semaphore_mem>>)
      %dma_start3A_675 = arith.constant 29 : i32
      %dma_start3A_676 = tpu.memref_slice %arg51[%dma_start3A_675, %add3A_11] : memref<49x81920xi32, #tpu.memory_space<hbm>> -> memref<1x640xi32, #tpu.memory_space<hbm>>
      %dma_start3A_677 = tpu.memref_squeeze %dma_start3A_676 : memref<1x640xi32, #tpu.memory_space<hbm>> -> memref<640xi32, #tpu.memory_space<hbm>>
      %dma_start3A_678 = tpu.memref_slice %arg51[%dma_start3A_675, %add3A_11] : memref<49x81920xi32, #tpu.memory_space<hbm>> -> memref<1x640xi32, #tpu.memory_space<hbm>>
      %dma_start3A_679 = tpu.memref_squeeze %dma_start3A_678 : memref<1x640xi32, #tpu.memory_space<hbm>> -> memref<640xi32, #tpu.memory_space<hbm>>
      tpu.enqueue_dma source(%dma_start3A_679 : memref<640xi32, #tpu.memory_space<hbm>>) target(%arg61 : memref<640xi32, #tpu.memory_space<vmem>>) target_semaphore(%arg63 : memref<!tpu.dma_semaphore, #tpu.memory_space<semaphore_mem>>)
      %dma_wait3A_680 = arith.constant 0 : i32
      %dma_wait3A_681 = arith.constant 0 : i32
      %dma_wait3A_682 = tpu.memref_slice %arg30[%dma_wait3A_680, %dma_wait3A_681] : memref<1000x8xf32, #tpu.memory_space<hbm>> -> memref<1000x8xf32, #tpu.memory_space<hbm>>
      tpu.wait_indirect_dma semaphore(%arg65 : memref<!tpu.dma_semaphore, #tpu.memory_space<semaphore_mem>>) src(%dma_wait3A_682 : memref<1000x8xf32, #tpu.memory_space<hbm>>) dst(%arg54 : memref<640x8xf32, #tpu.memory_space<vmem>>)
      %dma_start3A_683 = arith.constant 312 : i32
      %dma_start3A_684 = tpu.memref_slice %arg53[%add3A_11, %dma_start3A_683] : memref<81920x488xf32, #tpu.memory_space<hbm>> -> memref<640x8xf32, #tpu.memory_space<hbm>>
      %dma_start3A_685 = arith.constant 312 : i32
      %dma_start3A_686 = tpu.memref_slice %arg53[%add3A_11, %dma_start3A_685] : memref<81920x488xf32, #tpu.memory_space<hbm>> -> memref<640x8xf32, #tpu.memory_space<hbm>>
      tpu.enqueue_dma source(%arg54 : memref<640x8xf32, #tpu.memory_space<vmem>>) target(%dma_start3A_686 : memref<640x8xf32, #tpu.memory_space<hbm>>) target_semaphore(%arg68 : memref<!tpu.dma_semaphore, #tpu.memory_space<semaphore_mem>>)
      %dma_wait3A_687 = arith.constant 304 : i32
      %dma_wait3A_688 = tpu.memref_slice %arg53[%add3A_11, %dma_wait3A_687] : memref<81920x488xf32, #tpu.memory_space<hbm>> -> memref<640x8xf32, #tpu.memory_space<hbm>>
      %dma_wait3A_689 = arith.constant 304 : i32
      %dma_wait3A_690 = tpu.memref_slice %arg53[%add3A_11, %dma_wait3A_689] : memref<81920x488xf32, #tpu.memory_space<hbm>> -> memref<640x8xf32, #tpu.memory_space<hbm>>
      tpu.wait_dma2 semaphore(%arg68 : memref<!tpu.dma_semaphore, #tpu.memory_space<semaphore_mem>>) src(%arg55 : memref<640x8xf32, #tpu.memory_space<vmem>>) dst(%dma_wait3A_690 : memref<640x8xf32, #tpu.memory_space<hbm>>)
      %dma_wait3A_691 = arith.constant 29 : i32
      %dma_wait3A_692 = tpu.memref_slice %arg51[%dma_wait3A_691, %add3A_11] : memref<49x81920xi32, #tpu.memory_space<hbm>> -> memref<1x640xi32, #tpu.memory_space<hbm>>
      %dma_wait3A_693 = tpu.memref_squeeze %dma_wait3A_692 : memref<1x640xi32, #tpu.memory_space<hbm>> -> memref<640xi32, #tpu.memory_space<hbm>>
      %dma_wait3A_694 = tpu.memref_slice %arg51[%dma_wait3A_691, %add3A_11] : memref<49x81920xi32, #tpu.memory_space<hbm>> -> memref<1x640xi32, #tpu.memory_space<hbm>>
      %dma_wait3A_695 = tpu.memref_squeeze %dma_wait3A_694 : memref<1x640xi32, #tpu.memory_space<hbm>> -> memref<640xi32, #tpu.memory_space<hbm>>
      tpu.wait_dma2 semaphore(%arg63 : memref<!tpu.dma_semaphore, #tpu.memory_space<semaphore_mem>>) src(%dma_wait3A_695 : memref<640xi32, #tpu.memory_space<hbm>>) dst(%arg61 : memref<640xi32, #tpu.memory_space<vmem>>)
      %dma_start3A_696 = arith.constant 0 : i32
      %dma_start3A_697 = arith.constant 0 : i32
      %dma_start3A_698 = tpu.memref_slice %arg31[%dma_start3A_696, %dma_start3A_697] : memref<1000x8xf32, #tpu.memory_space<hbm>> -> memref<1000x8xf32, #tpu.memory_space<hbm>>
      tpu.enqueue_indirect_dma source(%dma_start3A_698 : memref<1000x8xf32, #tpu.memory_space<hbm>>) target(%arg55 : memref<640x8xf32, #tpu.memory_space<vmem>>) offsets(%arg61 : memref<640xi32, #tpu.memory_space<vmem>>) semaphore(%arg65 : memref<!tpu.dma_semaphore, #tpu.memory_space<semaphore_mem>>)
      %dma_start3A_699 = arith.constant 30 : i32
      %dma_start3A_700 = tpu.memref_slice %arg51[%dma_start3A_699, %add3A_11] : memref<49x81920xi32, #tpu.memory_space<hbm>> -> memref<1x640xi32, #tpu.memory_space<hbm>>
      %dma_start3A_701 = tpu.memref_squeeze %dma_start3A_700 : memref<1x640xi32, #tpu.memory_space<hbm>> -> memref<640xi32, #tpu.memory_space<hbm>>
      %dma_start3A_702 = tpu.memref_slice %arg51[%dma_start3A_699, %add3A_11] : memref<49x81920xi32, #tpu.memory_space<hbm>> -> memref<1x640xi32, #tpu.memory_space<hbm>>
      %dma_start3A_703 = tpu.memref_squeeze %dma_start3A_702 : memref<1x640xi32, #tpu.memory_space<hbm>> -> memref<640xi32, #tpu.memory_space<hbm>>
      tpu.enqueue_dma source(%dma_start3A_703 : memref<640xi32, #tpu.memory_space<hbm>>) target(%arg60 : memref<640xi32, #tpu.memory_space<vmem>>) target_semaphore(%arg63 : memref<!tpu.dma_semaphore, #tpu.memory_space<semaphore_mem>>)
      %dma_wait3A_704 = arith.constant 0 : i32
      %dma_wait3A_705 = arith.constant 0 : i32
      %dma_wait3A_706 = tpu.memref_slice %arg31[%dma_wait3A_704, %dma_wait3A_705] : memref<1000x8xf32, #tpu.memory_space<hbm>> -> memref<1000x8xf32, #tpu.memory_space<hbm>>
      tpu.wait_indirect_dma semaphore(%arg65 : memref<!tpu.dma_semaphore, #tpu.memory_space<semaphore_mem>>) src(%dma_wait3A_706 : memref<1000x8xf32, #tpu.memory_space<hbm>>) dst(%arg55 : memref<640x8xf32, #tpu.memory_space<vmem>>)
      %dma_start3A_707 = arith.constant 320 : i32
      %dma_start3A_708 = tpu.memref_slice %arg53[%add3A_11, %dma_start3A_707] : memref<81920x488xf32, #tpu.memory_space<hbm>> -> memref<640x8xf32, #tpu.memory_space<hbm>>
      %dma_start3A_709 = arith.constant 320 : i32
      %dma_start3A_710 = tpu.memref_slice %arg53[%add3A_11, %dma_start3A_709] : memref<81920x488xf32, #tpu.memory_space<hbm>> -> memref<640x8xf32, #tpu.memory_space<hbm>>
      tpu.enqueue_dma source(%arg55 : memref<640x8xf32, #tpu.memory_space<vmem>>) target(%dma_start3A_710 : memref<640x8xf32, #tpu.memory_space<hbm>>) target_semaphore(%arg68 : memref<!tpu.dma_semaphore, #tpu.memory_space<semaphore_mem>>)
      %dma_wait3A_711 = arith.constant 312 : i32
      %dma_wait3A_712 = tpu.memref_slice %arg53[%add3A_11, %dma_wait3A_711] : memref<81920x488xf32, #tpu.memory_space<hbm>> -> memref<640x8xf32, #tpu.memory_space<hbm>>
      %dma_wait3A_713 = arith.constant 312 : i32
      %dma_wait3A_714 = tpu.memref_slice %arg53[%add3A_11, %dma_wait3A_713] : memref<81920x488xf32, #tpu.memory_space<hbm>> -> memref<640x8xf32, #tpu.memory_space<hbm>>
      tpu.wait_dma2 semaphore(%arg68 : memref<!tpu.dma_semaphore, #tpu.memory_space<semaphore_mem>>) src(%arg54 : memref<640x8xf32, #tpu.memory_space<vmem>>) dst(%dma_wait3A_714 : memref<640x8xf32, #tpu.memory_space<hbm>>)
      %dma_wait3A_715 = arith.constant 30 : i32
      %dma_wait3A_716 = tpu.memref_slice %arg51[%dma_wait3A_715, %add3A_11] : memref<49x81920xi32, #tpu.memory_space<hbm>> -> memref<1x640xi32, #tpu.memory_space<hbm>>
      %dma_wait3A_717 = tpu.memref_squeeze %dma_wait3A_716 : memref<1x640xi32, #tpu.memory_space<hbm>> -> memref<640xi32, #tpu.memory_space<hbm>>
      %dma_wait3A_718 = tpu.memref_slice %arg51[%dma_wait3A_715, %add3A_11] : memref<49x81920xi32, #tpu.memory_space<hbm>> -> memref<1x640xi32, #tpu.memory_space<hbm>>
      %dma_wait3A_719 = tpu.memref_squeeze %dma_wait3A_718 : memref<1x640xi32, #tpu.memory_space<hbm>> -> memref<640xi32, #tpu.memory_space<hbm>>
      tpu.wait_dma2 semaphore(%arg63 : memref<!tpu.dma_semaphore, #tpu.memory_space<semaphore_mem>>) src(%dma_wait3A_719 : memref<640xi32, #tpu.memory_space<hbm>>) dst(%arg60 : memref<640xi32, #tpu.memory_space<vmem>>)
      %dma_start3A_720 = arith.constant 0 : i32
      %dma_start3A_721 = arith.constant 0 : i32
      %dma_start3A_722 = tpu.memref_slice %arg32[%dma_start3A_720, %dma_start3A_721] : memref<1000x8xf32, #tpu.memory_space<hbm>> -> memref<1000x8xf32, #tpu.memory_space<hbm>>
      tpu.enqueue_indirect_dma source(%dma_start3A_722 : memref<1000x8xf32, #tpu.memory_space<hbm>>) target(%arg54 : memref<640x8xf32, #tpu.memory_space<vmem>>) offsets(%arg60 : memref<640xi32, #tpu.memory_space<vmem>>) semaphore(%arg65 : memref<!tpu.dma_semaphore, #tpu.memory_space<semaphore_mem>>)
      %dma_start3A_723 = arith.constant 31 : i32
      %dma_start3A_724 = tpu.memref_slice %arg51[%dma_start3A_723, %add3A_11] : memref<49x81920xi32, #tpu.memory_space<hbm>> -> memref<1x640xi32, #tpu.memory_space<hbm>>
      %dma_start3A_725 = tpu.memref_squeeze %dma_start3A_724 : memref<1x640xi32, #tpu.memory_space<hbm>> -> memref<640xi32, #tpu.memory_space<hbm>>
      %dma_start3A_726 = tpu.memref_slice %arg51[%dma_start3A_723, %add3A_11] : memref<49x81920xi32, #tpu.memory_space<hbm>> -> memref<1x640xi32, #tpu.memory_space<hbm>>
      %dma_start3A_727 = tpu.memref_squeeze %dma_start3A_726 : memref<1x640xi32, #tpu.memory_space<hbm>> -> memref<640xi32, #tpu.memory_space<hbm>>
      tpu.enqueue_dma source(%dma_start3A_727 : memref<640xi32, #tpu.memory_space<hbm>>) target(%arg61 : memref<640xi32, #tpu.memory_space<vmem>>) target_semaphore(%arg63 : memref<!tpu.dma_semaphore, #tpu.memory_space<semaphore_mem>>)
      %dma_wait3A_728 = arith.constant 0 : i32
      %dma_wait3A_729 = arith.constant 0 : i32
      %dma_wait3A_730 = tpu.memref_slice %arg32[%dma_wait3A_728, %dma_wait3A_729] : memref<1000x8xf32, #tpu.memory_space<hbm>> -> memref<1000x8xf32, #tpu.memory_space<hbm>>
      tpu.wait_indirect_dma semaphore(%arg65 : memref<!tpu.dma_semaphore, #tpu.memory_space<semaphore_mem>>) src(%dma_wait3A_730 : memref<1000x8xf32, #tpu.memory_space<hbm>>) dst(%arg54 : memref<640x8xf32, #tpu.memory_space<vmem>>)
      %dma_start3A_731 = arith.constant 328 : i32
      %dma_start3A_732 = tpu.memref_slice %arg53[%add3A_11, %dma_start3A_731] : memref<81920x488xf32, #tpu.memory_space<hbm>> -> memref<640x8xf32, #tpu.memory_space<hbm>>
      %dma_start3A_733 = arith.constant 328 : i32
      %dma_start3A_734 = tpu.memref_slice %arg53[%add3A_11, %dma_start3A_733] : memref<81920x488xf32, #tpu.memory_space<hbm>> -> memref<640x8xf32, #tpu.memory_space<hbm>>
      tpu.enqueue_dma source(%arg54 : memref<640x8xf32, #tpu.memory_space<vmem>>) target(%dma_start3A_734 : memref<640x8xf32, #tpu.memory_space<hbm>>) target_semaphore(%arg68 : memref<!tpu.dma_semaphore, #tpu.memory_space<semaphore_mem>>)
      %dma_wait3A_735 = arith.constant 320 : i32
      %dma_wait3A_736 = tpu.memref_slice %arg53[%add3A_11, %dma_wait3A_735] : memref<81920x488xf32, #tpu.memory_space<hbm>> -> memref<640x8xf32, #tpu.memory_space<hbm>>
      %dma_wait3A_737 = arith.constant 320 : i32
      %dma_wait3A_738 = tpu.memref_slice %arg53[%add3A_11, %dma_wait3A_737] : memref<81920x488xf32, #tpu.memory_space<hbm>> -> memref<640x8xf32, #tpu.memory_space<hbm>>
      tpu.wait_dma2 semaphore(%arg68 : memref<!tpu.dma_semaphore, #tpu.memory_space<semaphore_mem>>) src(%arg55 : memref<640x8xf32, #tpu.memory_space<vmem>>) dst(%dma_wait3A_738 : memref<640x8xf32, #tpu.memory_space<hbm>>)
      %dma_wait3A_739 = arith.constant 31 : i32
      %dma_wait3A_740 = tpu.memref_slice %arg51[%dma_wait3A_739, %add3A_11] : memref<49x81920xi32, #tpu.memory_space<hbm>> -> memref<1x640xi32, #tpu.memory_space<hbm>>
      %dma_wait3A_741 = tpu.memref_squeeze %dma_wait3A_740 : memref<1x640xi32, #tpu.memory_space<hbm>> -> memref<640xi32, #tpu.memory_space<hbm>>
      %dma_wait3A_742 = tpu.memref_slice %arg51[%dma_wait3A_739, %add3A_11] : memref<49x81920xi32, #tpu.memory_space<hbm>> -> memref<1x640xi32, #tpu.memory_space<hbm>>
      %dma_wait3A_743 = tpu.memref_squeeze %dma_wait3A_742 : memref<1x640xi32, #tpu.memory_space<hbm>> -> memref<640xi32, #tpu.memory_space<hbm>>
      tpu.wait_dma2 semaphore(%arg63 : memref<!tpu.dma_semaphore, #tpu.memory_space<semaphore_mem>>) src(%dma_wait3A_743 : memref<640xi32, #tpu.memory_space<hbm>>) dst(%arg61 : memref<640xi32, #tpu.memory_space<vmem>>)
      %dma_start3A_744 = arith.constant 0 : i32
      %dma_start3A_745 = arith.constant 0 : i32
      %dma_start3A_746 = tpu.memref_slice %arg33[%dma_start3A_744, %dma_start3A_745] : memref<1000x8xf32, #tpu.memory_space<hbm>> -> memref<1000x8xf32, #tpu.memory_space<hbm>>
      tpu.enqueue_indirect_dma source(%dma_start3A_746 : memref<1000x8xf32, #tpu.memory_space<hbm>>) target(%arg55 : memref<640x8xf32, #tpu.memory_space<vmem>>) offsets(%arg61 : memref<640xi32, #tpu.memory_space<vmem>>) semaphore(%arg65 : memref<!tpu.dma_semaphore, #tpu.memory_space<semaphore_mem>>)
      %dma_start3A_747 = arith.constant 32 : i32
      %dma_start3A_748 = tpu.memref_slice %arg51[%dma_start3A_747, %add3A_11] : memref<49x81920xi32, #tpu.memory_space<hbm>> -> memref<1x640xi32, #tpu.memory_space<hbm>>
      %dma_start3A_749 = tpu.memref_squeeze %dma_start3A_748 : memref<1x640xi32, #tpu.memory_space<hbm>> -> memref<640xi32, #tpu.memory_space<hbm>>
      %dma_start3A_750 = tpu.memref_slice %arg51[%dma_start3A_747, %add3A_11] : memref<49x81920xi32, #tpu.memory_space<hbm>> -> memref<1x640xi32, #tpu.memory_space<hbm>>
      %dma_start3A_751 = tpu.memref_squeeze %dma_start3A_750 : memref<1x640xi32, #tpu.memory_space<hbm>> -> memref<640xi32, #tpu.memory_space<hbm>>
      tpu.enqueue_dma source(%dma_start3A_751 : memref<640xi32, #tpu.memory_space<hbm>>) target(%arg60 : memref<640xi32, #tpu.memory_space<vmem>>) target_semaphore(%arg63 : memref<!tpu.dma_semaphore, #tpu.memory_space<semaphore_mem>>)
      %dma_wait3A_752 = arith.constant 0 : i32
      %dma_wait3A_753 = arith.constant 0 : i32
      %dma_wait3A_754 = tpu.memref_slice %arg33[%dma_wait3A_752, %dma_wait3A_753] : memref<1000x8xf32, #tpu.memory_space<hbm>> -> memref<1000x8xf32, #tpu.memory_space<hbm>>
      tpu.wait_indirect_dma semaphore(%arg65 : memref<!tpu.dma_semaphore, #tpu.memory_space<semaphore_mem>>) src(%dma_wait3A_754 : memref<1000x8xf32, #tpu.memory_space<hbm>>) dst(%arg55 : memref<640x8xf32, #tpu.memory_space<vmem>>)
      %dma_start3A_755 = arith.constant 336 : i32
      %dma_start3A_756 = tpu.memref_slice %arg53[%add3A_11, %dma_start3A_755] : memref<81920x488xf32, #tpu.memory_space<hbm>> -> memref<640x8xf32, #tpu.memory_space<hbm>>
      %dma_start3A_757 = arith.constant 336 : i32
      %dma_start3A_758 = tpu.memref_slice %arg53[%add3A_11, %dma_start3A_757] : memref<81920x488xf32, #tpu.memory_space<hbm>> -> memref<640x8xf32, #tpu.memory_space<hbm>>
      tpu.enqueue_dma source(%arg55 : memref<640x8xf32, #tpu.memory_space<vmem>>) target(%dma_start3A_758 : memref<640x8xf32, #tpu.memory_space<hbm>>) target_semaphore(%arg68 : memref<!tpu.dma_semaphore, #tpu.memory_space<semaphore_mem>>)
      %dma_wait3A_759 = arith.constant 328 : i32
      %dma_wait3A_760 = tpu.memref_slice %arg53[%add3A_11, %dma_wait3A_759] : memref<81920x488xf32, #tpu.memory_space<hbm>> -> memref<640x8xf32, #tpu.memory_space<hbm>>
      %dma_wait3A_761 = arith.constant 328 : i32
      %dma_wait3A_762 = tpu.memref_slice %arg53[%add3A_11, %dma_wait3A_761] : memref<81920x488xf32, #tpu.memory_space<hbm>> -> memref<640x8xf32, #tpu.memory_space<hbm>>
      tpu.wait_dma2 semaphore(%arg68 : memref<!tpu.dma_semaphore, #tpu.memory_space<semaphore_mem>>) src(%arg54 : memref<640x8xf32, #tpu.memory_space<vmem>>) dst(%dma_wait3A_762 : memref<640x8xf32, #tpu.memory_space<hbm>>)
      %dma_wait3A_763 = arith.constant 32 : i32
      %dma_wait3A_764 = tpu.memref_slice %arg51[%dma_wait3A_763, %add3A_11] : memref<49x81920xi32, #tpu.memory_space<hbm>> -> memref<1x640xi32, #tpu.memory_space<hbm>>
      %dma_wait3A_765 = tpu.memref_squeeze %dma_wait3A_764 : memref<1x640xi32, #tpu.memory_space<hbm>> -> memref<640xi32, #tpu.memory_space<hbm>>
      %dma_wait3A_766 = tpu.memref_slice %arg51[%dma_wait3A_763, %add3A_11] : memref<49x81920xi32, #tpu.memory_space<hbm>> -> memref<1x640xi32, #tpu.memory_space<hbm>>
      %dma_wait3A_767 = tpu.memref_squeeze %dma_wait3A_766 : memref<1x640xi32, #tpu.memory_space<hbm>> -> memref<640xi32, #tpu.memory_space<hbm>>
      tpu.wait_dma2 semaphore(%arg63 : memref<!tpu.dma_semaphore, #tpu.memory_space<semaphore_mem>>) src(%dma_wait3A_767 : memref<640xi32, #tpu.memory_space<hbm>>) dst(%arg60 : memref<640xi32, #tpu.memory_space<vmem>>)
      %dma_start3A_768 = arith.constant 0 : i32
      %dma_start3A_769 = arith.constant 0 : i32
      %dma_start3A_770 = tpu.memref_slice %arg34[%dma_start3A_768, %dma_start3A_769] : memref<1000x8xf32, #tpu.memory_space<hbm>> -> memref<1000x8xf32, #tpu.memory_space<hbm>>
      tpu.enqueue_indirect_dma source(%dma_start3A_770 : memref<1000x8xf32, #tpu.memory_space<hbm>>) target(%arg54 : memref<640x8xf32, #tpu.memory_space<vmem>>) offsets(%arg60 : memref<640xi32, #tpu.memory_space<vmem>>) semaphore(%arg65 : memref<!tpu.dma_semaphore, #tpu.memory_space<semaphore_mem>>)
      %dma_start3A_771 = arith.constant 33 : i32
      %dma_start3A_772 = tpu.memref_slice %arg51[%dma_start3A_771, %add3A_11] : memref<49x81920xi32, #tpu.memory_space<hbm>> -> memref<1x640xi32, #tpu.memory_space<hbm>>
      %dma_start3A_773 = tpu.memref_squeeze %dma_start3A_772 : memref<1x640xi32, #tpu.memory_space<hbm>> -> memref<640xi32, #tpu.memory_space<hbm>>
      %dma_start3A_774 = tpu.memref_slice %arg51[%dma_start3A_771, %add3A_11] : memref<49x81920xi32, #tpu.memory_space<hbm>> -> memref<1x640xi32, #tpu.memory_space<hbm>>
      %dma_start3A_775 = tpu.memref_squeeze %dma_start3A_774 : memref<1x640xi32, #tpu.memory_space<hbm>> -> memref<640xi32, #tpu.memory_space<hbm>>
      tpu.enqueue_dma source(%dma_start3A_775 : memref<640xi32, #tpu.memory_space<hbm>>) target(%arg61 : memref<640xi32, #tpu.memory_space<vmem>>) target_semaphore(%arg63 : memref<!tpu.dma_semaphore, #tpu.memory_space<semaphore_mem>>)
      %dma_wait3A_776 = arith.constant 0 : i32
      %dma_wait3A_777 = arith.constant 0 : i32
      %dma_wait3A_778 = tpu.memref_slice %arg34[%dma_wait3A_776, %dma_wait3A_777] : memref<1000x8xf32, #tpu.memory_space<hbm>> -> memref<1000x8xf32, #tpu.memory_space<hbm>>
      tpu.wait_indirect_dma semaphore(%arg65 : memref<!tpu.dma_semaphore, #tpu.memory_space<semaphore_mem>>) src(%dma_wait3A_778 : memref<1000x8xf32, #tpu.memory_space<hbm>>) dst(%arg54 : memref<640x8xf32, #tpu.memory_space<vmem>>)
      %dma_start3A_779 = arith.constant 344 : i32
      %dma_start3A_780 = tpu.memref_slice %arg53[%add3A_11, %dma_start3A_779] : memref<81920x488xf32, #tpu.memory_space<hbm>> -> memref<640x8xf32, #tpu.memory_space<hbm>>
      %dma_start3A_781 = arith.constant 344 : i32
      %dma_start3A_782 = tpu.memref_slice %arg53[%add3A_11, %dma_start3A_781] : memref<81920x488xf32, #tpu.memory_space<hbm>> -> memref<640x8xf32, #tpu.memory_space<hbm>>
      tpu.enqueue_dma source(%arg54 : memref<640x8xf32, #tpu.memory_space<vmem>>) target(%dma_start3A_782 : memref<640x8xf32, #tpu.memory_space<hbm>>) target_semaphore(%arg68 : memref<!tpu.dma_semaphore, #tpu.memory_space<semaphore_mem>>)
      %dma_wait3A_783 = arith.constant 336 : i32
      %dma_wait3A_784 = tpu.memref_slice %arg53[%add3A_11, %dma_wait3A_783] : memref<81920x488xf32, #tpu.memory_space<hbm>> -> memref<640x8xf32, #tpu.memory_space<hbm>>
      %dma_wait3A_785 = arith.constant 336 : i32
      %dma_wait3A_786 = tpu.memref_slice %arg53[%add3A_11, %dma_wait3A_785] : memref<81920x488xf32, #tpu.memory_space<hbm>> -> memref<640x8xf32, #tpu.memory_space<hbm>>
      tpu.wait_dma2 semaphore(%arg68 : memref<!tpu.dma_semaphore, #tpu.memory_space<semaphore_mem>>) src(%arg55 : memref<640x8xf32, #tpu.memory_space<vmem>>) dst(%dma_wait3A_786 : memref<640x8xf32, #tpu.memory_space<hbm>>)
      %dma_wait3A_787 = arith.constant 33 : i32
      %dma_wait3A_788 = tpu.memref_slice %arg51[%dma_wait3A_787, %add3A_11] : memref<49x81920xi32, #tpu.memory_space<hbm>> -> memref<1x640xi32, #tpu.memory_space<hbm>>
      %dma_wait3A_789 = tpu.memref_squeeze %dma_wait3A_788 : memref<1x640xi32, #tpu.memory_space<hbm>> -> memref<640xi32, #tpu.memory_space<hbm>>
      %dma_wait3A_790 = tpu.memref_slice %arg51[%dma_wait3A_787, %add3A_11] : memref<49x81920xi32, #tpu.memory_space<hbm>> -> memref<1x640xi32, #tpu.memory_space<hbm>>
      %dma_wait3A_791 = tpu.memref_squeeze %dma_wait3A_790 : memref<1x640xi32, #tpu.memory_space<hbm>> -> memref<640xi32, #tpu.memory_space<hbm>>
      tpu.wait_dma2 semaphore(%arg63 : memref<!tpu.dma_semaphore, #tpu.memory_space<semaphore_mem>>) src(%dma_wait3A_791 : memref<640xi32, #tpu.memory_space<hbm>>) dst(%arg61 : memref<640xi32, #tpu.memory_space<vmem>>)
      %dma_start3A_792 = arith.constant 0 : i32
      %dma_start3A_793 = arith.constant 0 : i32
      %dma_start3A_794 = tpu.memref_slice %arg35[%dma_start3A_792, %dma_start3A_793] : memref<1000x8xf32, #tpu.memory_space<hbm>> -> memref<1000x8xf32, #tpu.memory_space<hbm>>
      tpu.enqueue_indirect_dma source(%dma_start3A_794 : memref<1000x8xf32, #tpu.memory_space<hbm>>) target(%arg55 : memref<640x8xf32, #tpu.memory_space<vmem>>) offsets(%arg61 : memref<640xi32, #tpu.memory_space<vmem>>) semaphore(%arg65 : memref<!tpu.dma_semaphore, #tpu.memory_space<semaphore_mem>>)
      %dma_start3A_795 = arith.constant 34 : i32
      %dma_start3A_796 = tpu.memref_slice %arg51[%dma_start3A_795, %add3A_11] : memref<49x81920xi32, #tpu.memory_space<hbm>> -> memref<1x640xi32, #tpu.memory_space<hbm>>
      %dma_start3A_797 = tpu.memref_squeeze %dma_start3A_796 : memref<1x640xi32, #tpu.memory_space<hbm>> -> memref<640xi32, #tpu.memory_space<hbm>>
      %dma_start3A_798 = tpu.memref_slice %arg51[%dma_start3A_795, %add3A_11] : memref<49x81920xi32, #tpu.memory_space<hbm>> -> memref<1x640xi32, #tpu.memory_space<hbm>>
      %dma_start3A_799 = tpu.memref_squeeze %dma_start3A_798 : memref<1x640xi32, #tpu.memory_space<hbm>> -> memref<640xi32, #tpu.memory_space<hbm>>
      tpu.enqueue_dma source(%dma_start3A_799 : memref<640xi32, #tpu.memory_space<hbm>>) target(%arg60 : memref<640xi32, #tpu.memory_space<vmem>>) target_semaphore(%arg63 : memref<!tpu.dma_semaphore, #tpu.memory_space<semaphore_mem>>)
      %dma_wait3A_800 = arith.constant 0 : i32
      %dma_wait3A_801 = arith.constant 0 : i32
      %dma_wait3A_802 = tpu.memref_slice %arg35[%dma_wait3A_800, %dma_wait3A_801] : memref<1000x8xf32, #tpu.memory_space<hbm>> -> memref<1000x8xf32, #tpu.memory_space<hbm>>
      tpu.wait_indirect_dma semaphore(%arg65 : memref<!tpu.dma_semaphore, #tpu.memory_space<semaphore_mem>>) src(%dma_wait3A_802 : memref<1000x8xf32, #tpu.memory_space<hbm>>) dst(%arg55 : memref<640x8xf32, #tpu.memory_space<vmem>>)
      %dma_start3A_803 = arith.constant 352 : i32
      %dma_start3A_804 = tpu.memref_slice %arg53[%add3A_11, %dma_start3A_803] : memref<81920x488xf32, #tpu.memory_space<hbm>> -> memref<640x8xf32, #tpu.memory_space<hbm>>
      %dma_start3A_805 = arith.constant 352 : i32
      %dma_start3A_806 = tpu.memref_slice %arg53[%add3A_11, %dma_start3A_805] : memref<81920x488xf32, #tpu.memory_space<hbm>> -> memref<640x8xf32, #tpu.memory_space<hbm>>
      tpu.enqueue_dma source(%arg55 : memref<640x8xf32, #tpu.memory_space<vmem>>) target(%dma_start3A_806 : memref<640x8xf32, #tpu.memory_space<hbm>>) target_semaphore(%arg68 : memref<!tpu.dma_semaphore, #tpu.memory_space<semaphore_mem>>)
      %dma_wait3A_807 = arith.constant 344 : i32
      %dma_wait3A_808 = tpu.memref_slice %arg53[%add3A_11, %dma_wait3A_807] : memref<81920x488xf32, #tpu.memory_space<hbm>> -> memref<640x8xf32, #tpu.memory_space<hbm>>
      %dma_wait3A_809 = arith.constant 344 : i32
      %dma_wait3A_810 = tpu.memref_slice %arg53[%add3A_11, %dma_wait3A_809] : memref<81920x488xf32, #tpu.memory_space<hbm>> -> memref<640x8xf32, #tpu.memory_space<hbm>>
      tpu.wait_dma2 semaphore(%arg68 : memref<!tpu.dma_semaphore, #tpu.memory_space<semaphore_mem>>) src(%arg54 : memref<640x8xf32, #tpu.memory_space<vmem>>) dst(%dma_wait3A_810 : memref<640x8xf32, #tpu.memory_space<hbm>>)
      %dma_wait3A_811 = arith.constant 34 : i32
      %dma_wait3A_812 = tpu.memref_slice %arg51[%dma_wait3A_811, %add3A_11] : memref<49x81920xi32, #tpu.memory_space<hbm>> -> memref<1x640xi32, #tpu.memory_space<hbm>>
      %dma_wait3A_813 = tpu.memref_squeeze %dma_wait3A_812 : memref<1x640xi32, #tpu.memory_space<hbm>> -> memref<640xi32, #tpu.memory_space<hbm>>
      %dma_wait3A_814 = tpu.memref_slice %arg51[%dma_wait3A_811, %add3A_11] : memref<49x81920xi32, #tpu.memory_space<hbm>> -> memref<1x640xi32, #tpu.memory_space<hbm>>
      %dma_wait3A_815 = tpu.memref_squeeze %dma_wait3A_814 : memref<1x640xi32, #tpu.memory_space<hbm>> -> memref<640xi32, #tpu.memory_space<hbm>>
      tpu.wait_dma2 semaphore(%arg63 : memref<!tpu.dma_semaphore, #tpu.memory_space<semaphore_mem>>) src(%dma_wait3A_815 : memref<640xi32, #tpu.memory_space<hbm>>) dst(%arg60 : memref<640xi32, #tpu.memory_space<vmem>>)
      %dma_start3A_816 = arith.constant 0 : i32
      %dma_start3A_817 = arith.constant 0 : i32
      %dma_start3A_818 = tpu.memref_slice %arg36[%dma_start3A_816, %dma_start3A_817] : memref<1000x8xf32, #tpu.memory_space<hbm>> -> memref<1000x8xf32, #tpu.memory_space<hbm>>
      tpu.enqueue_indirect_dma source(%dma_start3A_818 : memref<1000x8xf32, #tpu.memory_space<hbm>>) target(%arg54 : memref<640x8xf32, #tpu.memory_space<vmem>>) offsets(%arg60 : memref<640xi32, #tpu.memory_space<vmem>>) semaphore(%arg65 : memref<!tpu.dma_semaphore, #tpu.memory_space<semaphore_mem>>)
      %dma_start3A_819 = arith.constant 35 : i32
      %dma_start3A_820 = tpu.memref_slice %arg51[%dma_start3A_819, %add3A_11] : memref<49x81920xi32, #tpu.memory_space<hbm>> -> memref<1x640xi32, #tpu.memory_space<hbm>>
      %dma_start3A_821 = tpu.memref_squeeze %dma_start3A_820 : memref<1x640xi32, #tpu.memory_space<hbm>> -> memref<640xi32, #tpu.memory_space<hbm>>
      %dma_start3A_822 = tpu.memref_slice %arg51[%dma_start3A_819, %add3A_11] : memref<49x81920xi32, #tpu.memory_space<hbm>> -> memref<1x640xi32, #tpu.memory_space<hbm>>
      %dma_start3A_823 = tpu.memref_squeeze %dma_start3A_822 : memref<1x640xi32, #tpu.memory_space<hbm>> -> memref<640xi32, #tpu.memory_space<hbm>>
      tpu.enqueue_dma source(%dma_start3A_823 : memref<640xi32, #tpu.memory_space<hbm>>) target(%arg61 : memref<640xi32, #tpu.memory_space<vmem>>) target_semaphore(%arg63 : memref<!tpu.dma_semaphore, #tpu.memory_space<semaphore_mem>>)
      %dma_wait3A_824 = arith.constant 0 : i32
      %dma_wait3A_825 = arith.constant 0 : i32
      %dma_wait3A_826 = tpu.memref_slice %arg36[%dma_wait3A_824, %dma_wait3A_825] : memref<1000x8xf32, #tpu.memory_space<hbm>> -> memref<1000x8xf32, #tpu.memory_space<hbm>>
      tpu.wait_indirect_dma semaphore(%arg65 : memref<!tpu.dma_semaphore, #tpu.memory_space<semaphore_mem>>) src(%dma_wait3A_826 : memref<1000x8xf32, #tpu.memory_space<hbm>>) dst(%arg54 : memref<640x8xf32, #tpu.memory_space<vmem>>)
      %dma_start3A_827 = arith.constant 360 : i32
      %dma_start3A_828 = tpu.memref_slice %arg53[%add3A_11, %dma_start3A_827] : memref<81920x488xf32, #tpu.memory_space<hbm>> -> memref<640x8xf32, #tpu.memory_space<hbm>>
      %dma_start3A_829 = arith.constant 360 : i32
      %dma_start3A_830 = tpu.memref_slice %arg53[%add3A_11, %dma_start3A_829] : memref<81920x488xf32, #tpu.memory_space<hbm>> -> memref<640x8xf32, #tpu.memory_space<hbm>>
      tpu.enqueue_dma source(%arg54 : memref<640x8xf32, #tpu.memory_space<vmem>>) target(%dma_start3A_830 : memref<640x8xf32, #tpu.memory_space<hbm>>) target_semaphore(%arg68 : memref<!tpu.dma_semaphore, #tpu.memory_space<semaphore_mem>>)
      %dma_wait3A_831 = arith.constant 352 : i32
      %dma_wait3A_832 = tpu.memref_slice %arg53[%add3A_11, %dma_wait3A_831] : memref<81920x488xf32, #tpu.memory_space<hbm>> -> memref<640x8xf32, #tpu.memory_space<hbm>>
      %dma_wait3A_833 = arith.constant 352 : i32
      %dma_wait3A_834 = tpu.memref_slice %arg53[%add3A_11, %dma_wait3A_833] : memref<81920x488xf32, #tpu.memory_space<hbm>> -> memref<640x8xf32, #tpu.memory_space<hbm>>
      tpu.wait_dma2 semaphore(%arg68 : memref<!tpu.dma_semaphore, #tpu.memory_space<semaphore_mem>>) src(%arg55 : memref<640x8xf32, #tpu.memory_space<vmem>>) dst(%dma_wait3A_834 : memref<640x8xf32, #tpu.memory_space<hbm>>)
      %dma_wait3A_835 = arith.constant 35 : i32
      %dma_wait3A_836 = tpu.memref_slice %arg51[%dma_wait3A_835, %add3A_11] : memref<49x81920xi32, #tpu.memory_space<hbm>> -> memref<1x640xi32, #tpu.memory_space<hbm>>
      %dma_wait3A_837 = tpu.memref_squeeze %dma_wait3A_836 : memref<1x640xi32, #tpu.memory_space<hbm>> -> memref<640xi32, #tpu.memory_space<hbm>>
      %dma_wait3A_838 = tpu.memref_slice %arg51[%dma_wait3A_835, %add3A_11] : memref<49x81920xi32, #tpu.memory_space<hbm>> -> memref<1x640xi32, #tpu.memory_space<hbm>>
      %dma_wait3A_839 = tpu.memref_squeeze %dma_wait3A_838 : memref<1x640xi32, #tpu.memory_space<hbm>> -> memref<640xi32, #tpu.memory_space<hbm>>
      tpu.wait_dma2 semaphore(%arg63 : memref<!tpu.dma_semaphore, #tpu.memory_space<semaphore_mem>>) src(%dma_wait3A_839 : memref<640xi32, #tpu.memory_space<hbm>>) dst(%arg61 : memref<640xi32, #tpu.memory_space<vmem>>)
      %dma_start3A_840 = arith.constant 0 : i32
      %dma_start3A_841 = arith.constant 0 : i32
      %dma_start3A_842 = tpu.memref_slice %arg37[%dma_start3A_840, %dma_start3A_841] : memref<1000x8xf32, #tpu.memory_space<hbm>> -> memref<1000x8xf32, #tpu.memory_space<hbm>>
      tpu.enqueue_indirect_dma source(%dma_start3A_842 : memref<1000x8xf32, #tpu.memory_space<hbm>>) target(%arg55 : memref<640x8xf32, #tpu.memory_space<vmem>>) offsets(%arg61 : memref<640xi32, #tpu.memory_space<vmem>>) semaphore(%arg65 : memref<!tpu.dma_semaphore, #tpu.memory_space<semaphore_mem>>)
      %dma_start3A_843 = arith.constant 36 : i32
      %dma_start3A_844 = tpu.memref_slice %arg51[%dma_start3A_843, %add3A_11] : memref<49x81920xi32, #tpu.memory_space<hbm>> -> memref<1x640xi32, #tpu.memory_space<hbm>>
      %dma_start3A_845 = tpu.memref_squeeze %dma_start3A_844 : memref<1x640xi32, #tpu.memory_space<hbm>> -> memref<640xi32, #tpu.memory_space<hbm>>
      %dma_start3A_846 = tpu.memref_slice %arg51[%dma_start3A_843, %add3A_11] : memref<49x81920xi32, #tpu.memory_space<hbm>> -> memref<1x640xi32, #tpu.memory_space<hbm>>
      %dma_start3A_847 = tpu.memref_squeeze %dma_start3A_846 : memref<1x640xi32, #tpu.memory_space<hbm>> -> memref<640xi32, #tpu.memory_space<hbm>>
      tpu.enqueue_dma source(%dma_start3A_847 : memref<640xi32, #tpu.memory_space<hbm>>) target(%arg60 : memref<640xi32, #tpu.memory_space<vmem>>) target_semaphore(%arg63 : memref<!tpu.dma_semaphore, #tpu.memory_space<semaphore_mem>>)
      %dma_wait3A_848 = arith.constant 0 : i32
      %dma_wait3A_849 = arith.constant 0 : i32
      %dma_wait3A_850 = tpu.memref_slice %arg37[%dma_wait3A_848, %dma_wait3A_849] : memref<1000x8xf32, #tpu.memory_space<hbm>> -> memref<1000x8xf32, #tpu.memory_space<hbm>>
      tpu.wait_indirect_dma semaphore(%arg65 : memref<!tpu.dma_semaphore, #tpu.memory_space<semaphore_mem>>) src(%dma_wait3A_850 : memref<1000x8xf32, #tpu.memory_space<hbm>>) dst(%arg55 : memref<640x8xf32, #tpu.memory_space<vmem>>)
      %dma_start3A_851 = arith.constant 368 : i32
      %dma_start3A_852 = tpu.memref_slice %arg53[%add3A_11, %dma_start3A_851] : memref<81920x488xf32, #tpu.memory_space<hbm>> -> memref<640x8xf32, #tpu.memory_space<hbm>>
      %dma_start3A_853 = arith.constant 368 : i32
      %dma_start3A_854 = tpu.memref_slice %arg53[%add3A_11, %dma_start3A_853] : memref<81920x488xf32, #tpu.memory_space<hbm>> -> memref<640x8xf32, #tpu.memory_space<hbm>>
      tpu.enqueue_dma source(%arg55 : memref<640x8xf32, #tpu.memory_space<vmem>>) target(%dma_start3A_854 : memref<640x8xf32, #tpu.memory_space<hbm>>) target_semaphore(%arg68 : memref<!tpu.dma_semaphore, #tpu.memory_space<semaphore_mem>>)
      %dma_wait3A_855 = arith.constant 360 : i32
      %dma_wait3A_856 = tpu.memref_slice %arg53[%add3A_11, %dma_wait3A_855] : memref<81920x488xf32, #tpu.memory_space<hbm>> -> memref<640x8xf32, #tpu.memory_space<hbm>>
      %dma_wait3A_857 = arith.constant 360 : i32
      %dma_wait3A_858 = tpu.memref_slice %arg53[%add3A_11, %dma_wait3A_857] : memref<81920x488xf32, #tpu.memory_space<hbm>> -> memref<640x8xf32, #tpu.memory_space<hbm>>
      tpu.wait_dma2 semaphore(%arg68 : memref<!tpu.dma_semaphore, #tpu.memory_space<semaphore_mem>>) src(%arg54 : memref<640x8xf32, #tpu.memory_space<vmem>>) dst(%dma_wait3A_858 : memref<640x8xf32, #tpu.memory_space<hbm>>)
      %dma_wait3A_859 = arith.constant 36 : i32
      %dma_wait3A_860 = tpu.memref_slice %arg51[%dma_wait3A_859, %add3A_11] : memref<49x81920xi32, #tpu.memory_space<hbm>> -> memref<1x640xi32, #tpu.memory_space<hbm>>
      %dma_wait3A_861 = tpu.memref_squeeze %dma_wait3A_860 : memref<1x640xi32, #tpu.memory_space<hbm>> -> memref<640xi32, #tpu.memory_space<hbm>>
      %dma_wait3A_862 = tpu.memref_slice %arg51[%dma_wait3A_859, %add3A_11] : memref<49x81920xi32, #tpu.memory_space<hbm>> -> memref<1x640xi32, #tpu.memory_space<hbm>>
      %dma_wait3A_863 = tpu.memref_squeeze %dma_wait3A_862 : memref<1x640xi32, #tpu.memory_space<hbm>> -> memref<640xi32, #tpu.memory_space<hbm>>
      tpu.wait_dma2 semaphore(%arg63 : memref<!tpu.dma_semaphore, #tpu.memory_space<semaphore_mem>>) src(%dma_wait3A_863 : memref<640xi32, #tpu.memory_space<hbm>>) dst(%arg60 : memref<640xi32, #tpu.memory_space<vmem>>)
      %dma_start3A_864 = arith.constant 0 : i32
      %dma_start3A_865 = arith.constant 0 : i32
      %dma_start3A_866 = tpu.memref_slice %arg38[%dma_start3A_864, %dma_start3A_865] : memref<1000x8xf32, #tpu.memory_space<hbm>> -> memref<1000x8xf32, #tpu.memory_space<hbm>>
      tpu.enqueue_indirect_dma source(%dma_start3A_866 : memref<1000x8xf32, #tpu.memory_space<hbm>>) target(%arg54 : memref<640x8xf32, #tpu.memory_space<vmem>>) offsets(%arg60 : memref<640xi32, #tpu.memory_space<vmem>>) semaphore(%arg65 : memref<!tpu.dma_semaphore, #tpu.memory_space<semaphore_mem>>)
      %dma_start3A_867 = arith.constant 37 : i32
      %dma_start3A_868 = tpu.memref_slice %arg51[%dma_start3A_867, %add3A_11] : memref<49x81920xi32, #tpu.memory_space<hbm>> -> memref<1x640xi32, #tpu.memory_space<hbm>>
      %dma_start3A_869 = tpu.memref_squeeze %dma_start3A_868 : memref<1x640xi32, #tpu.memory_space<hbm>> -> memref<640xi32, #tpu.memory_space<hbm>>
      %dma_start3A_870 = tpu.memref_slice %arg51[%dma_start3A_867, %add3A_11] : memref<49x81920xi32, #tpu.memory_space<hbm>> -> memref<1x640xi32, #tpu.memory_space<hbm>>
      %dma_start3A_871 = tpu.memref_squeeze %dma_start3A_870 : memref<1x640xi32, #tpu.memory_space<hbm>> -> memref<640xi32, #tpu.memory_space<hbm>>
      tpu.enqueue_dma source(%dma_start3A_871 : memref<640xi32, #tpu.memory_space<hbm>>) target(%arg61 : memref<640xi32, #tpu.memory_space<vmem>>) target_semaphore(%arg63 : memref<!tpu.dma_semaphore, #tpu.memory_space<semaphore_mem>>)
      %dma_wait3A_872 = arith.constant 0 : i32
      %dma_wait3A_873 = arith.constant 0 : i32
      %dma_wait3A_874 = tpu.memref_slice %arg38[%dma_wait3A_872, %dma_wait3A_873] : memref<1000x8xf32, #tpu.memory_space<hbm>> -> memref<1000x8xf32, #tpu.memory_space<hbm>>
      tpu.wait_indirect_dma semaphore(%arg65 : memref<!tpu.dma_semaphore, #tpu.memory_space<semaphore_mem>>) src(%dma_wait3A_874 : memref<1000x8xf32, #tpu.memory_space<hbm>>) dst(%arg54 : memref<640x8xf32, #tpu.memory_space<vmem>>)
      %dma_start3A_875 = arith.constant 376 : i32
      %dma_start3A_876 = tpu.memref_slice %arg53[%add3A_11, %dma_start3A_875] : memref<81920x488xf32, #tpu.memory_space<hbm>> -> memref<640x8xf32, #tpu.memory_space<hbm>>
      %dma_start3A_877 = arith.constant 376 : i32
      %dma_start3A_878 = tpu.memref_slice %arg53[%add3A_11, %dma_start3A_877] : memref<81920x488xf32, #tpu.memory_space<hbm>> -> memref<640x8xf32, #tpu.memory_space<hbm>>
      tpu.enqueue_dma source(%arg54 : memref<640x8xf32, #tpu.memory_space<vmem>>) target(%dma_start3A_878 : memref<640x8xf32, #tpu.memory_space<hbm>>) target_semaphore(%arg68 : memref<!tpu.dma_semaphore, #tpu.memory_space<semaphore_mem>>)
      %dma_wait3A_879 = arith.constant 368 : i32
      %dma_wait3A_880 = tpu.memref_slice %arg53[%add3A_11, %dma_wait3A_879] : memref<81920x488xf32, #tpu.memory_space<hbm>> -> memref<640x8xf32, #tpu.memory_space<hbm>>
      %dma_wait3A_881 = arith.constant 368 : i32
      %dma_wait3A_882 = tpu.memref_slice %arg53[%add3A_11, %dma_wait3A_881] : memref<81920x488xf32, #tpu.memory_space<hbm>> -> memref<640x8xf32, #tpu.memory_space<hbm>>
      tpu.wait_dma2 semaphore(%arg68 : memref<!tpu.dma_semaphore, #tpu.memory_space<semaphore_mem>>) src(%arg55 : memref<640x8xf32, #tpu.memory_space<vmem>>) dst(%dma_wait3A_882 : memref<640x8xf32, #tpu.memory_space<hbm>>)
      %dma_wait3A_883 = arith.constant 37 : i32
      %dma_wait3A_884 = tpu.memref_slice %arg51[%dma_wait3A_883, %add3A_11] : memref<49x81920xi32, #tpu.memory_space<hbm>> -> memref<1x640xi32, #tpu.memory_space<hbm>>
      %dma_wait3A_885 = tpu.memref_squeeze %dma_wait3A_884 : memref<1x640xi32, #tpu.memory_space<hbm>> -> memref<640xi32, #tpu.memory_space<hbm>>
      %dma_wait3A_886 = tpu.memref_slice %arg51[%dma_wait3A_883, %add3A_11] : memref<49x81920xi32, #tpu.memory_space<hbm>> -> memref<1x640xi32, #tpu.memory_space<hbm>>
      %dma_wait3A_887 = tpu.memref_squeeze %dma_wait3A_886 : memref<1x640xi32, #tpu.memory_space<hbm>> -> memref<640xi32, #tpu.memory_space<hbm>>
      tpu.wait_dma2 semaphore(%arg63 : memref<!tpu.dma_semaphore, #tpu.memory_space<semaphore_mem>>) src(%dma_wait3A_887 : memref<640xi32, #tpu.memory_space<hbm>>) dst(%arg61 : memref<640xi32, #tpu.memory_space<vmem>>)
      %dma_start3A_888 = arith.constant 0 : i32
      %dma_start3A_889 = arith.constant 0 : i32
      %dma_start3A_890 = tpu.memref_slice %arg39[%dma_start3A_888, %dma_start3A_889] : memref<1000x8xf32, #tpu.memory_space<hbm>> -> memref<1000x8xf32, #tpu.memory_space<hbm>>
      tpu.enqueue_indirect_dma source(%dma_start3A_890 : memref<1000x8xf32, #tpu.memory_space<hbm>>) target(%arg55 : memref<640x8xf32, #tpu.memory_space<vmem>>) offsets(%arg61 : memref<640xi32, #tpu.memory_space<vmem>>) semaphore(%arg65 : memref<!tpu.dma_semaphore, #tpu.memory_space<semaphore_mem>>)
      %dma_start3A_891 = arith.constant 38 : i32
      %dma_start3A_892 = tpu.memref_slice %arg51[%dma_start3A_891, %add3A_11] : memref<49x81920xi32, #tpu.memory_space<hbm>> -> memref<1x640xi32, #tpu.memory_space<hbm>>
      %dma_start3A_893 = tpu.memref_squeeze %dma_start3A_892 : memref<1x640xi32, #tpu.memory_space<hbm>> -> memref<640xi32, #tpu.memory_space<hbm>>
      %dma_start3A_894 = tpu.memref_slice %arg51[%dma_start3A_891, %add3A_11] : memref<49x81920xi32, #tpu.memory_space<hbm>> -> memref<1x640xi32, #tpu.memory_space<hbm>>
      %dma_start3A_895 = tpu.memref_squeeze %dma_start3A_894 : memref<1x640xi32, #tpu.memory_space<hbm>> -> memref<640xi32, #tpu.memory_space<hbm>>
      tpu.enqueue_dma source(%dma_start3A_895 : memref<640xi32, #tpu.memory_space<hbm>>) target(%arg60 : memref<640xi32, #tpu.memory_space<vmem>>) target_semaphore(%arg63 : memref<!tpu.dma_semaphore, #tpu.memory_space<semaphore_mem>>)
      %dma_wait3A_896 = arith.constant 0 : i32
      %dma_wait3A_897 = arith.constant 0 : i32
      %dma_wait3A_898 = tpu.memref_slice %arg39[%dma_wait3A_896, %dma_wait3A_897] : memref<1000x8xf32, #tpu.memory_space<hbm>> -> memref<1000x8xf32, #tpu.memory_space<hbm>>
      tpu.wait_indirect_dma semaphore(%arg65 : memref<!tpu.dma_semaphore, #tpu.memory_space<semaphore_mem>>) src(%dma_wait3A_898 : memref<1000x8xf32, #tpu.memory_space<hbm>>) dst(%arg55 : memref<640x8xf32, #tpu.memory_space<vmem>>)
      %dma_start3A_899 = arith.constant 384 : i32
      %dma_start3A_900 = tpu.memref_slice %arg53[%add3A_11, %dma_start3A_899] : memref<81920x488xf32, #tpu.memory_space<hbm>> -> memref<640x8xf32, #tpu.memory_space<hbm>>
      %dma_start3A_901 = arith.constant 384 : i32
      %dma_start3A_902 = tpu.memref_slice %arg53[%add3A_11, %dma_start3A_901] : memref<81920x488xf32, #tpu.memory_space<hbm>> -> memref<640x8xf32, #tpu.memory_space<hbm>>
      tpu.enqueue_dma source(%arg55 : memref<640x8xf32, #tpu.memory_space<vmem>>) target(%dma_start3A_902 : memref<640x8xf32, #tpu.memory_space<hbm>>) target_semaphore(%arg68 : memref<!tpu.dma_semaphore, #tpu.memory_space<semaphore_mem>>)
      %dma_wait3A_903 = arith.constant 376 : i32
      %dma_wait3A_904 = tpu.memref_slice %arg53[%add3A_11, %dma_wait3A_903] : memref<81920x488xf32, #tpu.memory_space<hbm>> -> memref<640x8xf32, #tpu.memory_space<hbm>>
      %dma_wait3A_905 = arith.constant 376 : i32
      %dma_wait3A_906 = tpu.memref_slice %arg53[%add3A_11, %dma_wait3A_905] : memref<81920x488xf32, #tpu.memory_space<hbm>> -> memref<640x8xf32, #tpu.memory_space<hbm>>
      tpu.wait_dma2 semaphore(%arg68 : memref<!tpu.dma_semaphore, #tpu.memory_space<semaphore_mem>>) src(%arg54 : memref<640x8xf32, #tpu.memory_space<vmem>>) dst(%dma_wait3A_906 : memref<640x8xf32, #tpu.memory_space<hbm>>)
      %dma_wait3A_907 = arith.constant 38 : i32
      %dma_wait3A_908 = tpu.memref_slice %arg51[%dma_wait3A_907, %add3A_11] : memref<49x81920xi32, #tpu.memory_space<hbm>> -> memref<1x640xi32, #tpu.memory_space<hbm>>
      %dma_wait3A_909 = tpu.memref_squeeze %dma_wait3A_908 : memref<1x640xi32, #tpu.memory_space<hbm>> -> memref<640xi32, #tpu.memory_space<hbm>>
      %dma_wait3A_910 = tpu.memref_slice %arg51[%dma_wait3A_907, %add3A_11] : memref<49x81920xi32, #tpu.memory_space<hbm>> -> memref<1x640xi32, #tpu.memory_space<hbm>>
      %dma_wait3A_911 = tpu.memref_squeeze %dma_wait3A_910 : memref<1x640xi32, #tpu.memory_space<hbm>> -> memref<640xi32, #tpu.memory_space<hbm>>
      tpu.wait_dma2 semaphore(%arg63 : memref<!tpu.dma_semaphore, #tpu.memory_space<semaphore_mem>>) src(%dma_wait3A_911 : memref<640xi32, #tpu.memory_space<hbm>>) dst(%arg60 : memref<640xi32, #tpu.memory_space<vmem>>)
      %dma_start3A_912 = arith.constant 0 : i32
      %dma_start3A_913 = arith.constant 0 : i32
      %dma_start3A_914 = tpu.memref_slice %arg40[%dma_start3A_912, %dma_start3A_913] : memref<1000x8xf32, #tpu.memory_space<hbm>> -> memref<1000x8xf32, #tpu.memory_space<hbm>>
      tpu.enqueue_indirect_dma source(%dma_start3A_914 : memref<1000x8xf32, #tpu.memory_space<hbm>>) target(%arg54 : memref<640x8xf32, #tpu.memory_space<vmem>>) offsets(%arg60 : memref<640xi32, #tpu.memory_space<vmem>>) semaphore(%arg65 : memref<!tpu.dma_semaphore, #tpu.memory_space<semaphore_mem>>)
      %dma_start3A_915 = arith.constant 39 : i32
      %dma_start3A_916 = tpu.memref_slice %arg51[%dma_start3A_915, %add3A_11] : memref<49x81920xi32, #tpu.memory_space<hbm>> -> memref<1x640xi32, #tpu.memory_space<hbm>>
      %dma_start3A_917 = tpu.memref_squeeze %dma_start3A_916 : memref<1x640xi32, #tpu.memory_space<hbm>> -> memref<640xi32, #tpu.memory_space<hbm>>
      %dma_start3A_918 = tpu.memref_slice %arg51[%dma_start3A_915, %add3A_11] : memref<49x81920xi32, #tpu.memory_space<hbm>> -> memref<1x640xi32, #tpu.memory_space<hbm>>
      %dma_start3A_919 = tpu.memref_squeeze %dma_start3A_918 : memref<1x640xi32, #tpu.memory_space<hbm>> -> memref<640xi32, #tpu.memory_space<hbm>>
      tpu.enqueue_dma source(%dma_start3A_919 : memref<640xi32, #tpu.memory_space<hbm>>) target(%arg61 : memref<640xi32, #tpu.memory_space<vmem>>) target_semaphore(%arg63 : memref<!tpu.dma_semaphore, #tpu.memory_space<semaphore_mem>>)
      %dma_wait3A_920 = arith.constant 0 : i32
      %dma_wait3A_921 = arith.constant 0 : i32
      %dma_wait3A_922 = tpu.memref_slice %arg40[%dma_wait3A_920, %dma_wait3A_921] : memref<1000x8xf32, #tpu.memory_space<hbm>> -> memref<1000x8xf32, #tpu.memory_space<hbm>>
      tpu.wait_indirect_dma semaphore(%arg65 : memref<!tpu.dma_semaphore, #tpu.memory_space<semaphore_mem>>) src(%dma_wait3A_922 : memref<1000x8xf32, #tpu.memory_space<hbm>>) dst(%arg54 : memref<640x8xf32, #tpu.memory_space<vmem>>)
      %dma_start3A_923 = arith.constant 392 : i32
      %dma_start3A_924 = tpu.memref_slice %arg53[%add3A_11, %dma_start3A_923] : memref<81920x488xf32, #tpu.memory_space<hbm>> -> memref<640x8xf32, #tpu.memory_space<hbm>>
      %dma_start3A_925 = arith.constant 392 : i32
      %dma_start3A_926 = tpu.memref_slice %arg53[%add3A_11, %dma_start3A_925] : memref<81920x488xf32, #tpu.memory_space<hbm>> -> memref<640x8xf32, #tpu.memory_space<hbm>>
      tpu.enqueue_dma source(%arg54 : memref<640x8xf32, #tpu.memory_space<vmem>>) target(%dma_start3A_926 : memref<640x8xf32, #tpu.memory_space<hbm>>) target_semaphore(%arg68 : memref<!tpu.dma_semaphore, #tpu.memory_space<semaphore_mem>>)
      %dma_wait3A_927 = arith.constant 384 : i32
      %dma_wait3A_928 = tpu.memref_slice %arg53[%add3A_11, %dma_wait3A_927] : memref<81920x488xf32, #tpu.memory_space<hbm>> -> memref<640x8xf32, #tpu.memory_space<hbm>>
      %dma_wait3A_929 = arith.constant 384 : i32
      %dma_wait3A_930 = tpu.memref_slice %arg53[%add3A_11, %dma_wait3A_929] : memref<81920x488xf32, #tpu.memory_space<hbm>> -> memref<640x8xf32, #tpu.memory_space<hbm>>
      tpu.wait_dma2 semaphore(%arg68 : memref<!tpu.dma_semaphore, #tpu.memory_space<semaphore_mem>>) src(%arg55 : memref<640x8xf32, #tpu.memory_space<vmem>>) dst(%dma_wait3A_930 : memref<640x8xf32, #tpu.memory_space<hbm>>)
      %dma_wait3A_931 = arith.constant 39 : i32
      %dma_wait3A_932 = tpu.memref_slice %arg51[%dma_wait3A_931, %add3A_11] : memref<49x81920xi32, #tpu.memory_space<hbm>> -> memref<1x640xi32, #tpu.memory_space<hbm>>
      %dma_wait3A_933 = tpu.memref_squeeze %dma_wait3A_932 : memref<1x640xi32, #tpu.memory_space<hbm>> -> memref<640xi32, #tpu.memory_space<hbm>>
      %dma_wait3A_934 = tpu.memref_slice %arg51[%dma_wait3A_931, %add3A_11] : memref<49x81920xi32, #tpu.memory_space<hbm>> -> memref<1x640xi32, #tpu.memory_space<hbm>>
      %dma_wait3A_935 = tpu.memref_squeeze %dma_wait3A_934 : memref<1x640xi32, #tpu.memory_space<hbm>> -> memref<640xi32, #tpu.memory_space<hbm>>
      tpu.wait_dma2 semaphore(%arg63 : memref<!tpu.dma_semaphore, #tpu.memory_space<semaphore_mem>>) src(%dma_wait3A_935 : memref<640xi32, #tpu.memory_space<hbm>>) dst(%arg61 : memref<640xi32, #tpu.memory_space<vmem>>)
      %dma_start3A_936 = arith.constant 0 : i32
      %dma_start3A_937 = arith.constant 0 : i32
      %dma_start3A_938 = tpu.memref_slice %arg41[%dma_start3A_936, %dma_start3A_937] : memref<1000x8xf32, #tpu.memory_space<hbm>> -> memref<1000x8xf32, #tpu.memory_space<hbm>>
      tpu.enqueue_indirect_dma source(%dma_start3A_938 : memref<1000x8xf32, #tpu.memory_space<hbm>>) target(%arg55 : memref<640x8xf32, #tpu.memory_space<vmem>>) offsets(%arg61 : memref<640xi32, #tpu.memory_space<vmem>>) semaphore(%arg65 : memref<!tpu.dma_semaphore, #tpu.memory_space<semaphore_mem>>)
      %dma_start3A_939 = arith.constant 40 : i32
      %dma_start3A_940 = tpu.memref_slice %arg51[%dma_start3A_939, %add3A_11] : memref<49x81920xi32, #tpu.memory_space<hbm>> -> memref<1x640xi32, #tpu.memory_space<hbm>>
      %dma_start3A_941 = tpu.memref_squeeze %dma_start3A_940 : memref<1x640xi32, #tpu.memory_space<hbm>> -> memref<640xi32, #tpu.memory_space<hbm>>
      %dma_start3A_942 = tpu.memref_slice %arg51[%dma_start3A_939, %add3A_11] : memref<49x81920xi32, #tpu.memory_space<hbm>> -> memref<1x640xi32, #tpu.memory_space<hbm>>
      %dma_start3A_943 = tpu.memref_squeeze %dma_start3A_942 : memref<1x640xi32, #tpu.memory_space<hbm>> -> memref<640xi32, #tpu.memory_space<hbm>>
      tpu.enqueue_dma source(%dma_start3A_943 : memref<640xi32, #tpu.memory_space<hbm>>) target(%arg60 : memref<640xi32, #tpu.memory_space<vmem>>) target_semaphore(%arg63 : memref<!tpu.dma_semaphore, #tpu.memory_space<semaphore_mem>>)
      %dma_wait3A_944 = arith.constant 0 : i32
      %dma_wait3A_945 = arith.constant 0 : i32
      %dma_wait3A_946 = tpu.memref_slice %arg41[%dma_wait3A_944, %dma_wait3A_945] : memref<1000x8xf32, #tpu.memory_space<hbm>> -> memref<1000x8xf32, #tpu.memory_space<hbm>>
      tpu.wait_indirect_dma semaphore(%arg65 : memref<!tpu.dma_semaphore, #tpu.memory_space<semaphore_mem>>) src(%dma_wait3A_946 : memref<1000x8xf32, #tpu.memory_space<hbm>>) dst(%arg55 : memref<640x8xf32, #tpu.memory_space<vmem>>)
      %dma_start3A_947 = arith.constant 400 : i32
      %dma_start3A_948 = tpu.memref_slice %arg53[%add3A_11, %dma_start3A_947] : memref<81920x488xf32, #tpu.memory_space<hbm>> -> memref<640x8xf32, #tpu.memory_space<hbm>>
      %dma_start3A_949 = arith.constant 400 : i32
      %dma_start3A_950 = tpu.memref_slice %arg53[%add3A_11, %dma_start3A_949] : memref<81920x488xf32, #tpu.memory_space<hbm>> -> memref<640x8xf32, #tpu.memory_space<hbm>>
      tpu.enqueue_dma source(%arg55 : memref<640x8xf32, #tpu.memory_space<vmem>>) target(%dma_start3A_950 : memref<640x8xf32, #tpu.memory_space<hbm>>) target_semaphore(%arg68 : memref<!tpu.dma_semaphore, #tpu.memory_space<semaphore_mem>>)
      %dma_wait3A_951 = arith.constant 392 : i32
      %dma_wait3A_952 = tpu.memref_slice %arg53[%add3A_11, %dma_wait3A_951] : memref<81920x488xf32, #tpu.memory_space<hbm>> -> memref<640x8xf32, #tpu.memory_space<hbm>>
      %dma_wait3A_953 = arith.constant 392 : i32
      %dma_wait3A_954 = tpu.memref_slice %arg53[%add3A_11, %dma_wait3A_953] : memref<81920x488xf32, #tpu.memory_space<hbm>> -> memref<640x8xf32, #tpu.memory_space<hbm>>
      tpu.wait_dma2 semaphore(%arg68 : memref<!tpu.dma_semaphore, #tpu.memory_space<semaphore_mem>>) src(%arg54 : memref<640x8xf32, #tpu.memory_space<vmem>>) dst(%dma_wait3A_954 : memref<640x8xf32, #tpu.memory_space<hbm>>)
      %dma_wait3A_955 = arith.constant 40 : i32
      %dma_wait3A_956 = tpu.memref_slice %arg51[%dma_wait3A_955, %add3A_11] : memref<49x81920xi32, #tpu.memory_space<hbm>> -> memref<1x640xi32, #tpu.memory_space<hbm>>
      %dma_wait3A_957 = tpu.memref_squeeze %dma_wait3A_956 : memref<1x640xi32, #tpu.memory_space<hbm>> -> memref<640xi32, #tpu.memory_space<hbm>>
      %dma_wait3A_958 = tpu.memref_slice %arg51[%dma_wait3A_955, %add3A_11] : memref<49x81920xi32, #tpu.memory_space<hbm>> -> memref<1x640xi32, #tpu.memory_space<hbm>>
      %dma_wait3A_959 = tpu.memref_squeeze %dma_wait3A_958 : memref<1x640xi32, #tpu.memory_space<hbm>> -> memref<640xi32, #tpu.memory_space<hbm>>
      tpu.wait_dma2 semaphore(%arg63 : memref<!tpu.dma_semaphore, #tpu.memory_space<semaphore_mem>>) src(%dma_wait3A_959 : memref<640xi32, #tpu.memory_space<hbm>>) dst(%arg60 : memref<640xi32, #tpu.memory_space<vmem>>)
      %dma_start3A_960 = arith.constant 0 : i32
      %dma_start3A_961 = arith.constant 0 : i32
      %dma_start3A_962 = tpu.memref_slice %arg42[%dma_start3A_960, %dma_start3A_961] : memref<1000x8xf32, #tpu.memory_space<hbm>> -> memref<1000x8xf32, #tpu.memory_space<hbm>>
      tpu.enqueue_indirect_dma source(%dma_start3A_962 : memref<1000x8xf32, #tpu.memory_space<hbm>>) target(%arg54 : memref<640x8xf32, #tpu.memory_space<vmem>>) offsets(%arg60 : memref<640xi32, #tpu.memory_space<vmem>>) semaphore(%arg65 : memref<!tpu.dma_semaphore, #tpu.memory_space<semaphore_mem>>)
      %dma_start3A_963 = arith.constant 41 : i32
      %dma_start3A_964 = tpu.memref_slice %arg51[%dma_start3A_963, %add3A_11] : memref<49x81920xi32, #tpu.memory_space<hbm>> -> memref<1x640xi32, #tpu.memory_space<hbm>>
      %dma_start3A_965 = tpu.memref_squeeze %dma_start3A_964 : memref<1x640xi32, #tpu.memory_space<hbm>> -> memref<640xi32, #tpu.memory_space<hbm>>
      %dma_start3A_966 = tpu.memref_slice %arg51[%dma_start3A_963, %add3A_11] : memref<49x81920xi32, #tpu.memory_space<hbm>> -> memref<1x640xi32, #tpu.memory_space<hbm>>
      %dma_start3A_967 = tpu.memref_squeeze %dma_start3A_966 : memref<1x640xi32, #tpu.memory_space<hbm>> -> memref<640xi32, #tpu.memory_space<hbm>>
      tpu.enqueue_dma source(%dma_start3A_967 : memref<640xi32, #tpu.memory_space<hbm>>) target(%arg61 : memref<640xi32, #tpu.memory_space<vmem>>) target_semaphore(%arg63 : memref<!tpu.dma_semaphore, #tpu.memory_space<semaphore_mem>>)
      %dma_wait3A_968 = arith.constant 0 : i32
      %dma_wait3A_969 = arith.constant 0 : i32
      %dma_wait3A_970 = tpu.memref_slice %arg42[%dma_wait3A_968, %dma_wait3A_969] : memref<1000x8xf32, #tpu.memory_space<hbm>> -> memref<1000x8xf32, #tpu.memory_space<hbm>>
      tpu.wait_indirect_dma semaphore(%arg65 : memref<!tpu.dma_semaphore, #tpu.memory_space<semaphore_mem>>) src(%dma_wait3A_970 : memref<1000x8xf32, #tpu.memory_space<hbm>>) dst(%arg54 : memref<640x8xf32, #tpu.memory_space<vmem>>)
      %dma_start3A_971 = arith.constant 408 : i32
      %dma_start3A_972 = tpu.memref_slice %arg53[%add3A_11, %dma_start3A_971] : memref<81920x488xf32, #tpu.memory_space<hbm>> -> memref<640x8xf32, #tpu.memory_space<hbm>>
      %dma_start3A_973 = arith.constant 408 : i32
      %dma_start3A_974 = tpu.memref_slice %arg53[%add3A_11, %dma_start3A_973] : memref<81920x488xf32, #tpu.memory_space<hbm>> -> memref<640x8xf32, #tpu.memory_space<hbm>>
      tpu.enqueue_dma source(%arg54 : memref<640x8xf32, #tpu.memory_space<vmem>>) target(%dma_start3A_974 : memref<640x8xf32, #tpu.memory_space<hbm>>) target_semaphore(%arg68 : memref<!tpu.dma_semaphore, #tpu.memory_space<semaphore_mem>>)
      %dma_wait3A_975 = arith.constant 400 : i32
      %dma_wait3A_976 = tpu.memref_slice %arg53[%add3A_11, %dma_wait3A_975] : memref<81920x488xf32, #tpu.memory_space<hbm>> -> memref<640x8xf32, #tpu.memory_space<hbm>>
      %dma_wait3A_977 = arith.constant 400 : i32
      %dma_wait3A_978 = tpu.memref_slice %arg53[%add3A_11, %dma_wait3A_977] : memref<81920x488xf32, #tpu.memory_space<hbm>> -> memref<640x8xf32, #tpu.memory_space<hbm>>
      tpu.wait_dma2 semaphore(%arg68 : memref<!tpu.dma_semaphore, #tpu.memory_space<semaphore_mem>>) src(%arg55 : memref<640x8xf32, #tpu.memory_space<vmem>>) dst(%dma_wait3A_978 : memref<640x8xf32, #tpu.memory_space<hbm>>)
      %dma_wait3A_979 = arith.constant 41 : i32
      %dma_wait3A_980 = tpu.memref_slice %arg51[%dma_wait3A_979, %add3A_11] : memref<49x81920xi32, #tpu.memory_space<hbm>> -> memref<1x640xi32, #tpu.memory_space<hbm>>
      %dma_wait3A_981 = tpu.memref_squeeze %dma_wait3A_980 : memref<1x640xi32, #tpu.memory_space<hbm>> -> memref<640xi32, #tpu.memory_space<hbm>>
      %dma_wait3A_982 = tpu.memref_slice %arg51[%dma_wait3A_979, %add3A_11] : memref<49x81920xi32, #tpu.memory_space<hbm>> -> memref<1x640xi32, #tpu.memory_space<hbm>>
      %dma_wait3A_983 = tpu.memref_squeeze %dma_wait3A_982 : memref<1x640xi32, #tpu.memory_space<hbm>> -> memref<640xi32, #tpu.memory_space<hbm>>
      tpu.wait_dma2 semaphore(%arg63 : memref<!tpu.dma_semaphore, #tpu.memory_space<semaphore_mem>>) src(%dma_wait3A_983 : memref<640xi32, #tpu.memory_space<hbm>>) dst(%arg61 : memref<640xi32, #tpu.memory_space<vmem>>)
      %dma_start3A_984 = arith.constant 0 : i32
      %dma_start3A_985 = arith.constant 0 : i32
      %dma_start3A_986 = tpu.memref_slice %arg43[%dma_start3A_984, %dma_start3A_985] : memref<1000x8xf32, #tpu.memory_space<hbm>> -> memref<1000x8xf32, #tpu.memory_space<hbm>>
      tpu.enqueue_indirect_dma source(%dma_start3A_986 : memref<1000x8xf32, #tpu.memory_space<hbm>>) target(%arg55 : memref<640x8xf32, #tpu.memory_space<vmem>>) offsets(%arg61 : memref<640xi32, #tpu.memory_space<vmem>>) semaphore(%arg65 : memref<!tpu.dma_semaphore, #tpu.memory_space<semaphore_mem>>)
      %dma_start3A_987 = arith.constant 42 : i32
      %dma_start3A_988 = tpu.memref_slice %arg51[%dma_start3A_987, %add3A_11] : memref<49x81920xi32, #tpu.memory_space<hbm>> -> memref<1x640xi32, #tpu.memory_space<hbm>>
      %dma_start3A_989 = tpu.memref_squeeze %dma_start3A_988 : memref<1x640xi32, #tpu.memory_space<hbm>> -> memref<640xi32, #tpu.memory_space<hbm>>
      %dma_start3A_990 = tpu.memref_slice %arg51[%dma_start3A_987, %add3A_11] : memref<49x81920xi32, #tpu.memory_space<hbm>> -> memref<1x640xi32, #tpu.memory_space<hbm>>
      %dma_start3A_991 = tpu.memref_squeeze %dma_start3A_990 : memref<1x640xi32, #tpu.memory_space<hbm>> -> memref<640xi32, #tpu.memory_space<hbm>>
      tpu.enqueue_dma source(%dma_start3A_991 : memref<640xi32, #tpu.memory_space<hbm>>) target(%arg60 : memref<640xi32, #tpu.memory_space<vmem>>) target_semaphore(%arg63 : memref<!tpu.dma_semaphore, #tpu.memory_space<semaphore_mem>>)
      %dma_wait3A_992 = arith.constant 0 : i32
      %dma_wait3A_993 = arith.constant 0 : i32
      %dma_wait3A_994 = tpu.memref_slice %arg43[%dma_wait3A_992, %dma_wait3A_993] : memref<1000x8xf32, #tpu.memory_space<hbm>> -> memref<1000x8xf32, #tpu.memory_space<hbm>>
      tpu.wait_indirect_dma semaphore(%arg65 : memref<!tpu.dma_semaphore, #tpu.memory_space<semaphore_mem>>) src(%dma_wait3A_994 : memref<1000x8xf32, #tpu.memory_space<hbm>>) dst(%arg55 : memref<640x8xf32, #tpu.memory_space<vmem>>)
      %dma_start3A_995 = arith.constant 416 : i32
      %dma_start3A_996 = tpu.memref_slice %arg53[%add3A_11, %dma_start3A_995] : memref<81920x488xf32, #tpu.memory_space<hbm>> -> memref<640x8xf32, #tpu.memory_space<hbm>>
      %dma_start3A_997 = arith.constant 416 : i32
      %dma_start3A_998 = tpu.memref_slice %arg53[%add3A_11, %dma_start3A_997] : memref<81920x488xf32, #tpu.memory_space<hbm>> -> memref<640x8xf32, #tpu.memory_space<hbm>>
      tpu.enqueue_dma source(%arg55 : memref<640x8xf32, #tpu.memory_space<vmem>>) target(%dma_start3A_998 : memref<640x8xf32, #tpu.memory_space<hbm>>) target_semaphore(%arg68 : memref<!tpu.dma_semaphore, #tpu.memory_space<semaphore_mem>>)
      %dma_wait3A_999 = arith.constant 408 : i32
      %dma_wait3A_1000 = tpu.memref_slice %arg53[%add3A_11, %dma_wait3A_999] : memref<81920x488xf32, #tpu.memory_space<hbm>> -> memref<640x8xf32, #tpu.memory_space<hbm>>
      %dma_wait3A_1001 = arith.constant 408 : i32
      %dma_wait3A_1002 = tpu.memref_slice %arg53[%add3A_11, %dma_wait3A_1001] : memref<81920x488xf32, #tpu.memory_space<hbm>> -> memref<640x8xf32, #tpu.memory_space<hbm>>
      tpu.wait_dma2 semaphore(%arg68 : memref<!tpu.dma_semaphore, #tpu.memory_space<semaphore_mem>>) src(%arg54 : memref<640x8xf32, #tpu.memory_space<vmem>>) dst(%dma_wait3A_1002 : memref<640x8xf32, #tpu.memory_space<hbm>>)
      %dma_wait3A_1003 = arith.constant 42 : i32
      %dma_wait3A_1004 = tpu.memref_slice %arg51[%dma_wait3A_1003, %add3A_11] : memref<49x81920xi32, #tpu.memory_space<hbm>> -> memref<1x640xi32, #tpu.memory_space<hbm>>
      %dma_wait3A_1005 = tpu.memref_squeeze %dma_wait3A_1004 : memref<1x640xi32, #tpu.memory_space<hbm>> -> memref<640xi32, #tpu.memory_space<hbm>>
      %dma_wait3A_1006 = tpu.memref_slice %arg51[%dma_wait3A_1003, %add3A_11] : memref<49x81920xi32, #tpu.memory_space<hbm>> -> memref<1x640xi32, #tpu.memory_space<hbm>>
      %dma_wait3A_1007 = tpu.memref_squeeze %dma_wait3A_1006 : memref<1x640xi32, #tpu.memory_space<hbm>> -> memref<640xi32, #tpu.memory_space<hbm>>
      tpu.wait_dma2 semaphore(%arg63 : memref<!tpu.dma_semaphore, #tpu.memory_space<semaphore_mem>>) src(%dma_wait3A_1007 : memref<640xi32, #tpu.memory_space<hbm>>) dst(%arg60 : memref<640xi32, #tpu.memory_space<vmem>>)
      %dma_start3A_1008 = arith.constant 0 : i32
      %dma_start3A_1009 = arith.constant 0 : i32
      %dma_start3A_1010 = tpu.memref_slice %arg44[%dma_start3A_1008, %dma_start3A_1009] : memref<1000x8xf32, #tpu.memory_space<hbm>> -> memref<1000x8xf32, #tpu.memory_space<hbm>>
      tpu.enqueue_indirect_dma source(%dma_start3A_1010 : memref<1000x8xf32, #tpu.memory_space<hbm>>) target(%arg54 : memref<640x8xf32, #tpu.memory_space<vmem>>) offsets(%arg60 : memref<640xi32, #tpu.memory_space<vmem>>) semaphore(%arg65 : memref<!tpu.dma_semaphore, #tpu.memory_space<semaphore_mem>>)
      %dma_start3A_1011 = arith.constant 43 : i32
      %dma_start3A_1012 = tpu.memref_slice %arg51[%dma_start3A_1011, %add3A_11] : memref<49x81920xi32, #tpu.memory_space<hbm>> -> memref<1x640xi32, #tpu.memory_space<hbm>>
      %dma_start3A_1013 = tpu.memref_squeeze %dma_start3A_1012 : memref<1x640xi32, #tpu.memory_space<hbm>> -> memref<640xi32, #tpu.memory_space<hbm>>
      %dma_start3A_1014 = tpu.memref_slice %arg51[%dma_start3A_1011, %add3A_11] : memref<49x81920xi32, #tpu.memory_space<hbm>> -> memref<1x640xi32, #tpu.memory_space<hbm>>
      %dma_start3A_1015 = tpu.memref_squeeze %dma_start3A_1014 : memref<1x640xi32, #tpu.memory_space<hbm>> -> memref<640xi32, #tpu.memory_space<hbm>>
      tpu.enqueue_dma source(%dma_start3A_1015 : memref<640xi32, #tpu.memory_space<hbm>>) target(%arg61 : memref<640xi32, #tpu.memory_space<vmem>>) target_semaphore(%arg63 : memref<!tpu.dma_semaphore, #tpu.memory_space<semaphore_mem>>)
      %dma_wait3A_1016 = arith.constant 0 : i32
      %dma_wait3A_1017 = arith.constant 0 : i32
      %dma_wait3A_1018 = tpu.memref_slice %arg44[%dma_wait3A_1016, %dma_wait3A_1017] : memref<1000x8xf32, #tpu.memory_space<hbm>> -> memref<1000x8xf32, #tpu.memory_space<hbm>>
      tpu.wait_indirect_dma semaphore(%arg65 : memref<!tpu.dma_semaphore, #tpu.memory_space<semaphore_mem>>) src(%dma_wait3A_1018 : memref<1000x8xf32, #tpu.memory_space<hbm>>) dst(%arg54 : memref<640x8xf32, #tpu.memory_space<vmem>>)
      %dma_start3A_1019 = arith.constant 424 : i32
      %dma_start3A_1020 = tpu.memref_slice %arg53[%add3A_11, %dma_start3A_1019] : memref<81920x488xf32, #tpu.memory_space<hbm>> -> memref<640x8xf32, #tpu.memory_space<hbm>>
      %dma_start3A_1021 = arith.constant 424 : i32
      %dma_start3A_1022 = tpu.memref_slice %arg53[%add3A_11, %dma_start3A_1021] : memref<81920x488xf32, #tpu.memory_space<hbm>> -> memref<640x8xf32, #tpu.memory_space<hbm>>
      tpu.enqueue_dma source(%arg54 : memref<640x8xf32, #tpu.memory_space<vmem>>) target(%dma_start3A_1022 : memref<640x8xf32, #tpu.memory_space<hbm>>) target_semaphore(%arg68 : memref<!tpu.dma_semaphore, #tpu.memory_space<semaphore_mem>>)
      %dma_wait3A_1023 = arith.constant 416 : i32
      %dma_wait3A_1024 = tpu.memref_slice %arg53[%add3A_11, %dma_wait3A_1023] : memref<81920x488xf32, #tpu.memory_space<hbm>> -> memref<640x8xf32, #tpu.memory_space<hbm>>
      %dma_wait3A_1025 = arith.constant 416 : i32
      %dma_wait3A_1026 = tpu.memref_slice %arg53[%add3A_11, %dma_wait3A_1025] : memref<81920x488xf32, #tpu.memory_space<hbm>> -> memref<640x8xf32, #tpu.memory_space<hbm>>
      tpu.wait_dma2 semaphore(%arg68 : memref<!tpu.dma_semaphore, #tpu.memory_space<semaphore_mem>>) src(%arg55 : memref<640x8xf32, #tpu.memory_space<vmem>>) dst(%dma_wait3A_1026 : memref<640x8xf32, #tpu.memory_space<hbm>>)
      %dma_wait3A_1027 = arith.constant 43 : i32
      %dma_wait3A_1028 = tpu.memref_slice %arg51[%dma_wait3A_1027, %add3A_11] : memref<49x81920xi32, #tpu.memory_space<hbm>> -> memref<1x640xi32, #tpu.memory_space<hbm>>
      %dma_wait3A_1029 = tpu.memref_squeeze %dma_wait3A_1028 : memref<1x640xi32, #tpu.memory_space<hbm>> -> memref<640xi32, #tpu.memory_space<hbm>>
      %dma_wait3A_1030 = tpu.memref_slice %arg51[%dma_wait3A_1027, %add3A_11] : memref<49x81920xi32, #tpu.memory_space<hbm>> -> memref<1x640xi32, #tpu.memory_space<hbm>>
      %dma_wait3A_1031 = tpu.memref_squeeze %dma_wait3A_1030 : memref<1x640xi32, #tpu.memory_space<hbm>> -> memref<640xi32, #tpu.memory_space<hbm>>
      tpu.wait_dma2 semaphore(%arg63 : memref<!tpu.dma_semaphore, #tpu.memory_space<semaphore_mem>>) src(%dma_wait3A_1031 : memref<640xi32, #tpu.memory_space<hbm>>) dst(%arg61 : memref<640xi32, #tpu.memory_space<vmem>>)
      %dma_start3A_1032 = arith.constant 0 : i32
      %dma_start3A_1033 = arith.constant 0 : i32
      %dma_start3A_1034 = tpu.memref_slice %arg45[%dma_start3A_1032, %dma_start3A_1033] : memref<1000x8xf32, #tpu.memory_space<hbm>> -> memref<1000x8xf32, #tpu.memory_space<hbm>>
      tpu.enqueue_indirect_dma source(%dma_start3A_1034 : memref<1000x8xf32, #tpu.memory_space<hbm>>) target(%arg55 : memref<640x8xf32, #tpu.memory_space<vmem>>) offsets(%arg61 : memref<640xi32, #tpu.memory_space<vmem>>) semaphore(%arg65 : memref<!tpu.dma_semaphore, #tpu.memory_space<semaphore_mem>>)
      %dma_start3A_1035 = arith.constant 44 : i32
      %dma_start3A_1036 = tpu.memref_slice %arg51[%dma_start3A_1035, %add3A_11] : memref<49x81920xi32, #tpu.memory_space<hbm>> -> memref<1x640xi32, #tpu.memory_space<hbm>>
      %dma_start3A_1037 = tpu.memref_squeeze %dma_start3A_1036 : memref<1x640xi32, #tpu.memory_space<hbm>> -> memref<640xi32, #tpu.memory_space<hbm>>
      %dma_start3A_1038 = tpu.memref_slice %arg51[%dma_start3A_1035, %add3A_11] : memref<49x81920xi32, #tpu.memory_space<hbm>> -> memref<1x640xi32, #tpu.memory_space<hbm>>
      %dma_start3A_1039 = tpu.memref_squeeze %dma_start3A_1038 : memref<1x640xi32, #tpu.memory_space<hbm>> -> memref<640xi32, #tpu.memory_space<hbm>>
      tpu.enqueue_dma source(%dma_start3A_1039 : memref<640xi32, #tpu.memory_space<hbm>>) target(%arg60 : memref<640xi32, #tpu.memory_space<vmem>>) target_semaphore(%arg63 : memref<!tpu.dma_semaphore, #tpu.memory_space<semaphore_mem>>)
      %dma_wait3A_1040 = arith.constant 0 : i32
      %dma_wait3A_1041 = arith.constant 0 : i32
      %dma_wait3A_1042 = tpu.memref_slice %arg45[%dma_wait3A_1040, %dma_wait3A_1041] : memref<1000x8xf32, #tpu.memory_space<hbm>> -> memref<1000x8xf32, #tpu.memory_space<hbm>>
      tpu.wait_indirect_dma semaphore(%arg65 : memref<!tpu.dma_semaphore, #tpu.memory_space<semaphore_mem>>) src(%dma_wait3A_1042 : memref<1000x8xf32, #tpu.memory_space<hbm>>) dst(%arg55 : memref<640x8xf32, #tpu.memory_space<vmem>>)
      %dma_start3A_1043 = arith.constant 432 : i32
      %dma_start3A_1044 = tpu.memref_slice %arg53[%add3A_11, %dma_start3A_1043] : memref<81920x488xf32, #tpu.memory_space<hbm>> -> memref<640x8xf32, #tpu.memory_space<hbm>>
      %dma_start3A_1045 = arith.constant 432 : i32
      %dma_start3A_1046 = tpu.memref_slice %arg53[%add3A_11, %dma_start3A_1045] : memref<81920x488xf32, #tpu.memory_space<hbm>> -> memref<640x8xf32, #tpu.memory_space<hbm>>
      tpu.enqueue_dma source(%arg55 : memref<640x8xf32, #tpu.memory_space<vmem>>) target(%dma_start3A_1046 : memref<640x8xf32, #tpu.memory_space<hbm>>) target_semaphore(%arg68 : memref<!tpu.dma_semaphore, #tpu.memory_space<semaphore_mem>>)
      %dma_wait3A_1047 = arith.constant 424 : i32
      %dma_wait3A_1048 = tpu.memref_slice %arg53[%add3A_11, %dma_wait3A_1047] : memref<81920x488xf32, #tpu.memory_space<hbm>> -> memref<640x8xf32, #tpu.memory_space<hbm>>
      %dma_wait3A_1049 = arith.constant 424 : i32
      %dma_wait3A_1050 = tpu.memref_slice %arg53[%add3A_11, %dma_wait3A_1049] : memref<81920x488xf32, #tpu.memory_space<hbm>> -> memref<640x8xf32, #tpu.memory_space<hbm>>
      tpu.wait_dma2 semaphore(%arg68 : memref<!tpu.dma_semaphore, #tpu.memory_space<semaphore_mem>>) src(%arg54 : memref<640x8xf32, #tpu.memory_space<vmem>>) dst(%dma_wait3A_1050 : memref<640x8xf32, #tpu.memory_space<hbm>>)
      %dma_wait3A_1051 = arith.constant 44 : i32
      %dma_wait3A_1052 = tpu.memref_slice %arg51[%dma_wait3A_1051, %add3A_11] : memref<49x81920xi32, #tpu.memory_space<hbm>> -> memref<1x640xi32, #tpu.memory_space<hbm>>
      %dma_wait3A_1053 = tpu.memref_squeeze %dma_wait3A_1052 : memref<1x640xi32, #tpu.memory_space<hbm>> -> memref<640xi32, #tpu.memory_space<hbm>>
      %dma_wait3A_1054 = tpu.memref_slice %arg51[%dma_wait3A_1051, %add3A_11] : memref<49x81920xi32, #tpu.memory_space<hbm>> -> memref<1x640xi32, #tpu.memory_space<hbm>>
      %dma_wait3A_1055 = tpu.memref_squeeze %dma_wait3A_1054 : memref<1x640xi32, #tpu.memory_space<hbm>> -> memref<640xi32, #tpu.memory_space<hbm>>
      tpu.wait_dma2 semaphore(%arg63 : memref<!tpu.dma_semaphore, #tpu.memory_space<semaphore_mem>>) src(%dma_wait3A_1055 : memref<640xi32, #tpu.memory_space<hbm>>) dst(%arg60 : memref<640xi32, #tpu.memory_space<vmem>>)
      %dma_start3A_1056 = arith.constant 0 : i32
      %dma_start3A_1057 = arith.constant 0 : i32
      %dma_start3A_1058 = tpu.memref_slice %arg46[%dma_start3A_1056, %dma_start3A_1057] : memref<1000x8xf32, #tpu.memory_space<hbm>> -> memref<1000x8xf32, #tpu.memory_space<hbm>>
      tpu.enqueue_indirect_dma source(%dma_start3A_1058 : memref<1000x8xf32, #tpu.memory_space<hbm>>) target(%arg54 : memref<640x8xf32, #tpu.memory_space<vmem>>) offsets(%arg60 : memref<640xi32, #tpu.memory_space<vmem>>) semaphore(%arg65 : memref<!tpu.dma_semaphore, #tpu.memory_space<semaphore_mem>>)
      %dma_start3A_1059 = arith.constant 45 : i32
      %dma_start3A_1060 = tpu.memref_slice %arg51[%dma_start3A_1059, %add3A_11] : memref<49x81920xi32, #tpu.memory_space<hbm>> -> memref<1x640xi32, #tpu.memory_space<hbm>>
      %dma_start3A_1061 = tpu.memref_squeeze %dma_start3A_1060 : memref<1x640xi32, #tpu.memory_space<hbm>> -> memref<640xi32, #tpu.memory_space<hbm>>
      %dma_start3A_1062 = tpu.memref_slice %arg51[%dma_start3A_1059, %add3A_11] : memref<49x81920xi32, #tpu.memory_space<hbm>> -> memref<1x640xi32, #tpu.memory_space<hbm>>
      %dma_start3A_1063 = tpu.memref_squeeze %dma_start3A_1062 : memref<1x640xi32, #tpu.memory_space<hbm>> -> memref<640xi32, #tpu.memory_space<hbm>>
      tpu.enqueue_dma source(%dma_start3A_1063 : memref<640xi32, #tpu.memory_space<hbm>>) target(%arg61 : memref<640xi32, #tpu.memory_space<vmem>>) target_semaphore(%arg63 : memref<!tpu.dma_semaphore, #tpu.memory_space<semaphore_mem>>)
      %dma_wait3A_1064 = arith.constant 0 : i32
      %dma_wait3A_1065 = arith.constant 0 : i32
      %dma_wait3A_1066 = tpu.memref_slice %arg46[%dma_wait3A_1064, %dma_wait3A_1065] : memref<1000x8xf32, #tpu.memory_space<hbm>> -> memref<1000x8xf32, #tpu.memory_space<hbm>>
      tpu.wait_indirect_dma semaphore(%arg65 : memref<!tpu.dma_semaphore, #tpu.memory_space<semaphore_mem>>) src(%dma_wait3A_1066 : memref<1000x8xf32, #tpu.memory_space<hbm>>) dst(%arg54 : memref<640x8xf32, #tpu.memory_space<vmem>>)
      %dma_start3A_1067 = arith.constant 440 : i32
      %dma_start3A_1068 = tpu.memref_slice %arg53[%add3A_11, %dma_start3A_1067] : memref<81920x488xf32, #tpu.memory_space<hbm>> -> memref<640x8xf32, #tpu.memory_space<hbm>>
      %dma_start3A_1069 = arith.constant 440 : i32
      %dma_start3A_1070 = tpu.memref_slice %arg53[%add3A_11, %dma_start3A_1069] : memref<81920x488xf32, #tpu.memory_space<hbm>> -> memref<640x8xf32, #tpu.memory_space<hbm>>
      tpu.enqueue_dma source(%arg54 : memref<640x8xf32, #tpu.memory_space<vmem>>) target(%dma_start3A_1070 : memref<640x8xf32, #tpu.memory_space<hbm>>) target_semaphore(%arg68 : memref<!tpu.dma_semaphore, #tpu.memory_space<semaphore_mem>>)
      %dma_wait3A_1071 = arith.constant 432 : i32
      %dma_wait3A_1072 = tpu.memref_slice %arg53[%add3A_11, %dma_wait3A_1071] : memref<81920x488xf32, #tpu.memory_space<hbm>> -> memref<640x8xf32, #tpu.memory_space<hbm>>
      %dma_wait3A_1073 = arith.constant 432 : i32
      %dma_wait3A_1074 = tpu.memref_slice %arg53[%add3A_11, %dma_wait3A_1073] : memref<81920x488xf32, #tpu.memory_space<hbm>> -> memref<640x8xf32, #tpu.memory_space<hbm>>
      tpu.wait_dma2 semaphore(%arg68 : memref<!tpu.dma_semaphore, #tpu.memory_space<semaphore_mem>>) src(%arg55 : memref<640x8xf32, #tpu.memory_space<vmem>>) dst(%dma_wait3A_1074 : memref<640x8xf32, #tpu.memory_space<hbm>>)
      %dma_wait3A_1075 = arith.constant 45 : i32
      %dma_wait3A_1076 = tpu.memref_slice %arg51[%dma_wait3A_1075, %add3A_11] : memref<49x81920xi32, #tpu.memory_space<hbm>> -> memref<1x640xi32, #tpu.memory_space<hbm>>
      %dma_wait3A_1077 = tpu.memref_squeeze %dma_wait3A_1076 : memref<1x640xi32, #tpu.memory_space<hbm>> -> memref<640xi32, #tpu.memory_space<hbm>>
      %dma_wait3A_1078 = tpu.memref_slice %arg51[%dma_wait3A_1075, %add3A_11] : memref<49x81920xi32, #tpu.memory_space<hbm>> -> memref<1x640xi32, #tpu.memory_space<hbm>>
      %dma_wait3A_1079 = tpu.memref_squeeze %dma_wait3A_1078 : memref<1x640xi32, #tpu.memory_space<hbm>> -> memref<640xi32, #tpu.memory_space<hbm>>
      tpu.wait_dma2 semaphore(%arg63 : memref<!tpu.dma_semaphore, #tpu.memory_space<semaphore_mem>>) src(%dma_wait3A_1079 : memref<640xi32, #tpu.memory_space<hbm>>) dst(%arg61 : memref<640xi32, #tpu.memory_space<vmem>>)
      %dma_start3A_1080 = arith.constant 0 : i32
      %dma_start3A_1081 = arith.constant 0 : i32
      %dma_start3A_1082 = tpu.memref_slice %arg47[%dma_start3A_1080, %dma_start3A_1081] : memref<7x8xf32, #tpu.memory_space<hbm>> -> memref<7x8xf32, #tpu.memory_space<hbm>>
      tpu.enqueue_indirect_dma source(%dma_start3A_1082 : memref<7x8xf32, #tpu.memory_space<hbm>>) target(%arg55 : memref<640x8xf32, #tpu.memory_space<vmem>>) offsets(%arg61 : memref<640xi32, #tpu.memory_space<vmem>>) semaphore(%arg65 : memref<!tpu.dma_semaphore, #tpu.memory_space<semaphore_mem>>)
      %dma_start3A_1083 = arith.constant 46 : i32
      %dma_start3A_1084 = tpu.memref_slice %arg51[%dma_start3A_1083, %add3A_11] : memref<49x81920xi32, #tpu.memory_space<hbm>> -> memref<1x640xi32, #tpu.memory_space<hbm>>
      %dma_start3A_1085 = tpu.memref_squeeze %dma_start3A_1084 : memref<1x640xi32, #tpu.memory_space<hbm>> -> memref<640xi32, #tpu.memory_space<hbm>>
      %dma_start3A_1086 = tpu.memref_slice %arg51[%dma_start3A_1083, %add3A_11] : memref<49x81920xi32, #tpu.memory_space<hbm>> -> memref<1x640xi32, #tpu.memory_space<hbm>>
      %dma_start3A_1087 = tpu.memref_squeeze %dma_start3A_1086 : memref<1x640xi32, #tpu.memory_space<hbm>> -> memref<640xi32, #tpu.memory_space<hbm>>
      tpu.enqueue_dma source(%dma_start3A_1087 : memref<640xi32, #tpu.memory_space<hbm>>) target(%arg60 : memref<640xi32, #tpu.memory_space<vmem>>) target_semaphore(%arg63 : memref<!tpu.dma_semaphore, #tpu.memory_space<semaphore_mem>>)
      %dma_wait3A_1088 = arith.constant 0 : i32
      %dma_wait3A_1089 = arith.constant 0 : i32
      %dma_wait3A_1090 = tpu.memref_slice %arg47[%dma_wait3A_1088, %dma_wait3A_1089] : memref<7x8xf32, #tpu.memory_space<hbm>> -> memref<7x8xf32, #tpu.memory_space<hbm>>
      tpu.wait_indirect_dma semaphore(%arg65 : memref<!tpu.dma_semaphore, #tpu.memory_space<semaphore_mem>>) src(%dma_wait3A_1090 : memref<7x8xf32, #tpu.memory_space<hbm>>) dst(%arg55 : memref<640x8xf32, #tpu.memory_space<vmem>>)
      %dma_start3A_1091 = arith.constant 448 : i32
      %dma_start3A_1092 = tpu.memref_slice %arg53[%add3A_11, %dma_start3A_1091] : memref<81920x488xf32, #tpu.memory_space<hbm>> -> memref<640x8xf32, #tpu.memory_space<hbm>>
      %dma_start3A_1093 = arith.constant 448 : i32
      %dma_start3A_1094 = tpu.memref_slice %arg53[%add3A_11, %dma_start3A_1093] : memref<81920x488xf32, #tpu.memory_space<hbm>> -> memref<640x8xf32, #tpu.memory_space<hbm>>
      tpu.enqueue_dma source(%arg55 : memref<640x8xf32, #tpu.memory_space<vmem>>) target(%dma_start3A_1094 : memref<640x8xf32, #tpu.memory_space<hbm>>) target_semaphore(%arg68 : memref<!tpu.dma_semaphore, #tpu.memory_space<semaphore_mem>>)
      %dma_wait3A_1095 = arith.constant 440 : i32
      %dma_wait3A_1096 = tpu.memref_slice %arg53[%add3A_11, %dma_wait3A_1095] : memref<81920x488xf32, #tpu.memory_space<hbm>> -> memref<640x8xf32, #tpu.memory_space<hbm>>
      %dma_wait3A_1097 = arith.constant 440 : i32
      %dma_wait3A_1098 = tpu.memref_slice %arg53[%add3A_11, %dma_wait3A_1097] : memref<81920x488xf32, #tpu.memory_space<hbm>> -> memref<640x8xf32, #tpu.memory_space<hbm>>
      tpu.wait_dma2 semaphore(%arg68 : memref<!tpu.dma_semaphore, #tpu.memory_space<semaphore_mem>>) src(%arg54 : memref<640x8xf32, #tpu.memory_space<vmem>>) dst(%dma_wait3A_1098 : memref<640x8xf32, #tpu.memory_space<hbm>>)
      %dma_wait3A_1099 = arith.constant 46 : i32
      %dma_wait3A_1100 = tpu.memref_slice %arg51[%dma_wait3A_1099, %add3A_11] : memref<49x81920xi32, #tpu.memory_space<hbm>> -> memref<1x640xi32, #tpu.memory_space<hbm>>
      %dma_wait3A_1101 = tpu.memref_squeeze %dma_wait3A_1100 : memref<1x640xi32, #tpu.memory_space<hbm>> -> memref<640xi32, #tpu.memory_space<hbm>>
      %dma_wait3A_1102 = tpu.memref_slice %arg51[%dma_wait3A_1099, %add3A_11] : memref<49x81920xi32, #tpu.memory_space<hbm>> -> memref<1x640xi32, #tpu.memory_space<hbm>>
      %dma_wait3A_1103 = tpu.memref_squeeze %dma_wait3A_1102 : memref<1x640xi32, #tpu.memory_space<hbm>> -> memref<640xi32, #tpu.memory_space<hbm>>
      tpu.wait_dma2 semaphore(%arg63 : memref<!tpu.dma_semaphore, #tpu.memory_space<semaphore_mem>>) src(%dma_wait3A_1103 : memref<640xi32, #tpu.memory_space<hbm>>) dst(%arg60 : memref<640xi32, #tpu.memory_space<vmem>>)
      %dma_start3A_1104 = arith.constant 0 : i32
      %dma_start3A_1105 = arith.constant 0 : i32
      %dma_start3A_1106 = tpu.memref_slice %arg48[%dma_start3A_1104, %dma_start3A_1105] : memref<24x8xf32, #tpu.memory_space<hbm>> -> memref<24x8xf32, #tpu.memory_space<hbm>>
      tpu.enqueue_indirect_dma source(%dma_start3A_1106 : memref<24x8xf32, #tpu.memory_space<hbm>>) target(%arg54 : memref<640x8xf32, #tpu.memory_space<vmem>>) offsets(%arg60 : memref<640xi32, #tpu.memory_space<vmem>>) semaphore(%arg65 : memref<!tpu.dma_semaphore, #tpu.memory_space<semaphore_mem>>)
      %dma_start3A_1107 = arith.constant 47 : i32
      %dma_start3A_1108 = tpu.memref_slice %arg51[%dma_start3A_1107, %add3A_11] : memref<49x81920xi32, #tpu.memory_space<hbm>> -> memref<1x640xi32, #tpu.memory_space<hbm>>
      %dma_start3A_1109 = tpu.memref_squeeze %dma_start3A_1108 : memref<1x640xi32, #tpu.memory_space<hbm>> -> memref<640xi32, #tpu.memory_space<hbm>>
      %dma_start3A_1110 = tpu.memref_slice %arg51[%dma_start3A_1107, %add3A_11] : memref<49x81920xi32, #tpu.memory_space<hbm>> -> memref<1x640xi32, #tpu.memory_space<hbm>>
      %dma_start3A_1111 = tpu.memref_squeeze %dma_start3A_1110 : memref<1x640xi32, #tpu.memory_space<hbm>> -> memref<640xi32, #tpu.memory_space<hbm>>
      tpu.enqueue_dma source(%dma_start3A_1111 : memref<640xi32, #tpu.memory_space<hbm>>) target(%arg61 : memref<640xi32, #tpu.memory_space<vmem>>) target_semaphore(%arg63 : memref<!tpu.dma_semaphore, #tpu.memory_space<semaphore_mem>>)
      %dma_wait3A_1112 = arith.constant 0 : i32
      %dma_wait3A_1113 = arith.constant 0 : i32
      %dma_wait3A_1114 = tpu.memref_slice %arg48[%dma_wait3A_1112, %dma_wait3A_1113] : memref<24x8xf32, #tpu.memory_space<hbm>> -> memref<24x8xf32, #tpu.memory_space<hbm>>
      tpu.wait_indirect_dma semaphore(%arg65 : memref<!tpu.dma_semaphore, #tpu.memory_space<semaphore_mem>>) src(%dma_wait3A_1114 : memref<24x8xf32, #tpu.memory_space<hbm>>) dst(%arg54 : memref<640x8xf32, #tpu.memory_space<vmem>>)
      %dma_start3A_1115 = arith.constant 456 : i32
      %dma_start3A_1116 = tpu.memref_slice %arg53[%add3A_11, %dma_start3A_1115] : memref<81920x488xf32, #tpu.memory_space<hbm>> -> memref<640x8xf32, #tpu.memory_space<hbm>>
      %dma_start3A_1117 = arith.constant 456 : i32
      %dma_start3A_1118 = tpu.memref_slice %arg53[%add3A_11, %dma_start3A_1117] : memref<81920x488xf32, #tpu.memory_space<hbm>> -> memref<640x8xf32, #tpu.memory_space<hbm>>
      tpu.enqueue_dma source(%arg54 : memref<640x8xf32, #tpu.memory_space<vmem>>) target(%dma_start3A_1118 : memref<640x8xf32, #tpu.memory_space<hbm>>) target_semaphore(%arg68 : memref<!tpu.dma_semaphore, #tpu.memory_space<semaphore_mem>>)
      %dma_wait3A_1119 = arith.constant 448 : i32
      %dma_wait3A_1120 = tpu.memref_slice %arg53[%add3A_11, %dma_wait3A_1119] : memref<81920x488xf32, #tpu.memory_space<hbm>> -> memref<640x8xf32, #tpu.memory_space<hbm>>
      %dma_wait3A_1121 = arith.constant 448 : i32
      %dma_wait3A_1122 = tpu.memref_slice %arg53[%add3A_11, %dma_wait3A_1121] : memref<81920x488xf32, #tpu.memory_space<hbm>> -> memref<640x8xf32, #tpu.memory_space<hbm>>
      tpu.wait_dma2 semaphore(%arg68 : memref<!tpu.dma_semaphore, #tpu.memory_space<semaphore_mem>>) src(%arg55 : memref<640x8xf32, #tpu.memory_space<vmem>>) dst(%dma_wait3A_1122 : memref<640x8xf32, #tpu.memory_space<hbm>>)
      %dma_wait3A_1123 = arith.constant 47 : i32
      %dma_wait3A_1124 = tpu.memref_slice %arg51[%dma_wait3A_1123, %add3A_11] : memref<49x81920xi32, #tpu.memory_space<hbm>> -> memref<1x640xi32, #tpu.memory_space<hbm>>
      %dma_wait3A_1125 = tpu.memref_squeeze %dma_wait3A_1124 : memref<1x640xi32, #tpu.memory_space<hbm>> -> memref<640xi32, #tpu.memory_space<hbm>>
      %dma_wait3A_1126 = tpu.memref_slice %arg51[%dma_wait3A_1123, %add3A_11] : memref<49x81920xi32, #tpu.memory_space<hbm>> -> memref<1x640xi32, #tpu.memory_space<hbm>>
      %dma_wait3A_1127 = tpu.memref_squeeze %dma_wait3A_1126 : memref<1x640xi32, #tpu.memory_space<hbm>> -> memref<640xi32, #tpu.memory_space<hbm>>
      tpu.wait_dma2 semaphore(%arg63 : memref<!tpu.dma_semaphore, #tpu.memory_space<semaphore_mem>>) src(%dma_wait3A_1127 : memref<640xi32, #tpu.memory_space<hbm>>) dst(%arg61 : memref<640xi32, #tpu.memory_space<vmem>>)
      %dma_start3A_1128 = arith.constant 0 : i32
      %dma_start3A_1129 = arith.constant 0 : i32
      %dma_start3A_1130 = tpu.memref_slice %arg49[%dma_start3A_1128, %dma_start3A_1129] : memref<60x8xf32, #tpu.memory_space<hbm>> -> memref<60x8xf32, #tpu.memory_space<hbm>>
      tpu.enqueue_indirect_dma source(%dma_start3A_1130 : memref<60x8xf32, #tpu.memory_space<hbm>>) target(%arg55 : memref<640x8xf32, #tpu.memory_space<vmem>>) offsets(%arg61 : memref<640xi32, #tpu.memory_space<vmem>>) semaphore(%arg65 : memref<!tpu.dma_semaphore, #tpu.memory_space<semaphore_mem>>)
      %dma_start3A_1131 = arith.constant 48 : i32
      %dma_start3A_1132 = tpu.memref_slice %arg51[%dma_start3A_1131, %add3A_11] : memref<49x81920xi32, #tpu.memory_space<hbm>> -> memref<1x640xi32, #tpu.memory_space<hbm>>
      %dma_start3A_1133 = tpu.memref_squeeze %dma_start3A_1132 : memref<1x640xi32, #tpu.memory_space<hbm>> -> memref<640xi32, #tpu.memory_space<hbm>>
      %dma_start3A_1134 = tpu.memref_slice %arg51[%dma_start3A_1131, %add3A_11] : memref<49x81920xi32, #tpu.memory_space<hbm>> -> memref<1x640xi32, #tpu.memory_space<hbm>>
      %dma_start3A_1135 = tpu.memref_squeeze %dma_start3A_1134 : memref<1x640xi32, #tpu.memory_space<hbm>> -> memref<640xi32, #tpu.memory_space<hbm>>
      tpu.enqueue_dma source(%dma_start3A_1135 : memref<640xi32, #tpu.memory_space<hbm>>) target(%arg60 : memref<640xi32, #tpu.memory_space<vmem>>) target_semaphore(%arg63 : memref<!tpu.dma_semaphore, #tpu.memory_space<semaphore_mem>>)
      %dma_wait3A_1136 = arith.constant 0 : i32
      %dma_wait3A_1137 = arith.constant 0 : i32
      %dma_wait3A_1138 = tpu.memref_slice %arg49[%dma_wait3A_1136, %dma_wait3A_1137] : memref<60x8xf32, #tpu.memory_space<hbm>> -> memref<60x8xf32, #tpu.memory_space<hbm>>
      tpu.wait_indirect_dma semaphore(%arg65 : memref<!tpu.dma_semaphore, #tpu.memory_space<semaphore_mem>>) src(%dma_wait3A_1138 : memref<60x8xf32, #tpu.memory_space<hbm>>) dst(%arg55 : memref<640x8xf32, #tpu.memory_space<vmem>>)
      %dma_start3A_1139 = arith.constant 464 : i32
      %dma_start3A_1140 = tpu.memref_slice %arg53[%add3A_11, %dma_start3A_1139] : memref<81920x488xf32, #tpu.memory_space<hbm>> -> memref<640x8xf32, #tpu.memory_space<hbm>>
      %dma_start3A_1141 = arith.constant 464 : i32
      %dma_start3A_1142 = tpu.memref_slice %arg53[%add3A_11, %dma_start3A_1141] : memref<81920x488xf32, #tpu.memory_space<hbm>> -> memref<640x8xf32, #tpu.memory_space<hbm>>
      tpu.enqueue_dma source(%arg55 : memref<640x8xf32, #tpu.memory_space<vmem>>) target(%dma_start3A_1142 : memref<640x8xf32, #tpu.memory_space<hbm>>) target_semaphore(%arg68 : memref<!tpu.dma_semaphore, #tpu.memory_space<semaphore_mem>>)
      %dma_wait3A_1143 = arith.constant 456 : i32
      %dma_wait3A_1144 = tpu.memref_slice %arg53[%add3A_11, %dma_wait3A_1143] : memref<81920x488xf32, #tpu.memory_space<hbm>> -> memref<640x8xf32, #tpu.memory_space<hbm>>
      %dma_wait3A_1145 = arith.constant 456 : i32
      %dma_wait3A_1146 = tpu.memref_slice %arg53[%add3A_11, %dma_wait3A_1145] : memref<81920x488xf32, #tpu.memory_space<hbm>> -> memref<640x8xf32, #tpu.memory_space<hbm>>
      tpu.wait_dma2 semaphore(%arg68 : memref<!tpu.dma_semaphore, #tpu.memory_space<semaphore_mem>>) src(%arg54 : memref<640x8xf32, #tpu.memory_space<vmem>>) dst(%dma_wait3A_1146 : memref<640x8xf32, #tpu.memory_space<hbm>>)
      %dma_wait3A_1147 = arith.constant 48 : i32
      %dma_wait3A_1148 = tpu.memref_slice %arg51[%dma_wait3A_1147, %add3A_11] : memref<49x81920xi32, #tpu.memory_space<hbm>> -> memref<1x640xi32, #tpu.memory_space<hbm>>
      %dma_wait3A_1149 = tpu.memref_squeeze %dma_wait3A_1148 : memref<1x640xi32, #tpu.memory_space<hbm>> -> memref<640xi32, #tpu.memory_space<hbm>>
      %dma_wait3A_1150 = tpu.memref_slice %arg51[%dma_wait3A_1147, %add3A_11] : memref<49x81920xi32, #tpu.memory_space<hbm>> -> memref<1x640xi32, #tpu.memory_space<hbm>>
      %dma_wait3A_1151 = tpu.memref_squeeze %dma_wait3A_1150 : memref<1x640xi32, #tpu.memory_space<hbm>> -> memref<640xi32, #tpu.memory_space<hbm>>
      tpu.wait_dma2 semaphore(%arg63 : memref<!tpu.dma_semaphore, #tpu.memory_space<semaphore_mem>>) src(%dma_wait3A_1151 : memref<640xi32, #tpu.memory_space<hbm>>) dst(%arg60 : memref<640xi32, #tpu.memory_space<vmem>>)
      %dma_start3A_1152 = arith.constant 0 : i32
      %dma_start3A_1153 = arith.constant 0 : i32
      %dma_start3A_1154 = tpu.memref_slice %arg50[%dma_start3A_1152, %dma_start3A_1153] : memref<60x8xf32, #tpu.memory_space<hbm>> -> memref<60x8xf32, #tpu.memory_space<hbm>>
      tpu.enqueue_indirect_dma source(%dma_start3A_1154 : memref<60x8xf32, #tpu.memory_space<hbm>>) target(%arg54 : memref<640x8xf32, #tpu.memory_space<vmem>>) offsets(%arg60 : memref<640xi32, #tpu.memory_space<vmem>>) semaphore(%arg65 : memref<!tpu.dma_semaphore, #tpu.memory_space<semaphore_mem>>)
      %dma_wait3A_1155 = arith.constant 0 : i32
      %dma_wait3A_1156 = arith.constant 0 : i32
      %dma_wait3A_1157 = tpu.memref_slice %arg50[%dma_wait3A_1155, %dma_wait3A_1156] : memref<60x8xf32, #tpu.memory_space<hbm>> -> memref<60x8xf32, #tpu.memory_space<hbm>>
      tpu.wait_indirect_dma semaphore(%arg65 : memref<!tpu.dma_semaphore, #tpu.memory_space<semaphore_mem>>) src(%dma_wait3A_1157 : memref<60x8xf32, #tpu.memory_space<hbm>>) dst(%arg54 : memref<640x8xf32, #tpu.memory_space<vmem>>)
      %dma_start3A_1158 = arith.constant 472 : i32
      %dma_start3A_1159 = tpu.memref_slice %arg53[%add3A_11, %dma_start3A_1158] : memref<81920x488xf32, #tpu.memory_space<hbm>> -> memref<640x8xf32, #tpu.memory_space<hbm>>
      %dma_start3A_1160 = arith.constant 472 : i32
      %dma_start3A_1161 = tpu.memref_slice %arg53[%add3A_11, %dma_start3A_1160] : memref<81920x488xf32, #tpu.memory_space<hbm>> -> memref<640x8xf32, #tpu.memory_space<hbm>>
      tpu.enqueue_dma source(%arg54 : memref<640x8xf32, #tpu.memory_space<vmem>>) target(%dma_start3A_1161 : memref<640x8xf32, #tpu.memory_space<hbm>>) target_semaphore(%arg68 : memref<!tpu.dma_semaphore, #tpu.memory_space<semaphore_mem>>)
      "tpu.region"() ({
        %run_scoped3A = tpu.sem_alloc : memref<!tpu.dma_semaphore, #tpu.memory_space<semaphore_mem>>
        %dma_start3A_1194 = arith.constant 0 : i32
        %dma_start3A_1195 = tpu.memref_slice %arg52[%add3A_11, %dma_start3A_1194] : memref<81920x8xf32, #tpu.memory_space<hbm>> -> memref<640x8xf32, #tpu.memory_space<hbm>>
        %dma_start3A_1196 = arith.constant 0 : i32
        %dma_start3A_1197 = tpu.memref_slice %arg52[%add3A_11, %dma_start3A_1196] : memref<81920x8xf32, #tpu.memory_space<hbm>> -> memref<640x8xf32, #tpu.memory_space<hbm>>
        tpu.enqueue_dma source(%dma_start3A_1197 : memref<640x8xf32, #tpu.memory_space<hbm>>) target(%arg62 : memref<640x8xf32, #tpu.memory_space<vmem>>) target_semaphore(%run_scoped3A : memref<!tpu.dma_semaphore, #tpu.memory_space<semaphore_mem>>)
        %dma_wait3A_1198 = arith.constant 0 : i32
        %dma_wait3A_1199 = tpu.memref_slice %arg52[%add3A_11, %dma_wait3A_1198] : memref<81920x8xf32, #tpu.memory_space<hbm>> -> memref<640x8xf32, #tpu.memory_space<hbm>>
        %dma_wait3A_1200 = arith.constant 0 : i32
        %dma_wait3A_1201 = tpu.memref_slice %arg52[%add3A_11, %dma_wait3A_1200] : memref<81920x8xf32, #tpu.memory_space<hbm>> -> memref<640x8xf32, #tpu.memory_space<hbm>>
        tpu.wait_dma2 semaphore(%run_scoped3A : memref<!tpu.dma_semaphore, #tpu.memory_space<semaphore_mem>>) src(%dma_wait3A_1201 : memref<640x8xf32, #tpu.memory_space<hbm>>) dst(%arg62 : memref<640x8xf32, #tpu.memory_space<vmem>>)
        tpu.yield
      }) : () -> ()
      %dma_start3A_1162 = arith.constant 480 : i32
      %dma_start3A_1163 = tpu.memref_slice %arg53[%add3A_11, %dma_start3A_1162] : memref<81920x488xf32, #tpu.memory_space<hbm>> -> memref<640x8xf32, #tpu.memory_space<hbm>>
      %dma_start3A_1164 = arith.constant 480 : i32
      %dma_start3A_1165 = tpu.memref_slice %arg53[%add3A_11, %dma_start3A_1164] : memref<81920x488xf32, #tpu.memory_space<hbm>> -> memref<640x8xf32, #tpu.memory_space<hbm>>
      tpu.enqueue_dma source(%arg62 : memref<640x8xf32, #tpu.memory_space<vmem>>) target(%dma_start3A_1165 : memref<640x8xf32, #tpu.memory_space<hbm>>) target_semaphore(%arg64 : memref<!tpu.dma_semaphore, #tpu.memory_space<semaphore_mem>>)
      %dma_wait3A_1166 = arith.constant 48 : i32
      %dma_wait3A_1167 = tpu.memref_slice %arg53[%add3A_11, %dma_wait3A_1166] : memref<81920x488xf32, #tpu.memory_space<hbm>> -> memref<640x24xf32, #tpu.memory_space<hbm>>
      %dma_wait3A_1168 = arith.constant 48 : i32
      %dma_wait3A_1169 = tpu.memref_slice %arg53[%add3A_11, %dma_wait3A_1168] : memref<81920x488xf32, #tpu.memory_space<hbm>> -> memref<640x24xf32, #tpu.memory_space<hbm>>
      tpu.wait_dma2 semaphore(%arg70 : memref<!tpu.dma_semaphore, #tpu.memory_space<semaphore_mem>>) src(%arg59 : memref<640x24xf32, #tpu.memory_space<vmem>>) dst(%dma_wait3A_1169 : memref<640x24xf32, #tpu.memory_space<hbm>>)
      %dma_wait3A_1170 = arith.constant 88 : i32
      %dma_wait3A_1171 = tpu.memref_slice %arg53[%add3A_11, %dma_wait3A_1170] : memref<81920x488xf32, #tpu.memory_space<hbm>> -> memref<640x24xf32, #tpu.memory_space<hbm>>
      %dma_wait3A_1172 = arith.constant 88 : i32
      %dma_wait3A_1173 = tpu.memref_slice %arg53[%add3A_11, %dma_wait3A_1172] : memref<81920x488xf32, #tpu.memory_space<hbm>> -> memref<640x24xf32, #tpu.memory_space<hbm>>
      tpu.wait_dma2 semaphore(%arg70 : memref<!tpu.dma_semaphore, #tpu.memory_space<semaphore_mem>>) src(%arg58 : memref<640x24xf32, #tpu.memory_space<vmem>>) dst(%dma_wait3A_1173 : memref<640x24xf32, #tpu.memory_space<hbm>>)
      %dma_wait3A_1174 = arith.constant 144 : i32
      %dma_wait3A_1175 = tpu.memref_slice %arg53[%add3A_11, %dma_wait3A_1174] : memref<81920x488xf32, #tpu.memory_space<hbm>> -> memref<640x16xf32, #tpu.memory_space<hbm>>
      %dma_wait3A_1176 = arith.constant 144 : i32
      %dma_wait3A_1177 = tpu.memref_slice %arg53[%add3A_11, %dma_wait3A_1176] : memref<81920x488xf32, #tpu.memory_space<hbm>> -> memref<640x16xf32, #tpu.memory_space<hbm>>
      tpu.wait_dma2 semaphore(%arg69 : memref<!tpu.dma_semaphore, #tpu.memory_space<semaphore_mem>>) src(%arg57 : memref<640x16xf32, #tpu.memory_space<vmem>>) dst(%dma_wait3A_1177 : memref<640x16xf32, #tpu.memory_space<hbm>>)
      %dma_wait3A_1178 = arith.constant 168 : i32
      %dma_wait3A_1179 = tpu.memref_slice %arg53[%add3A_11, %dma_wait3A_1178] : memref<81920x488xf32, #tpu.memory_space<hbm>> -> memref<640x16xf32, #tpu.memory_space<hbm>>
      %dma_wait3A_1180 = arith.constant 168 : i32
      %dma_wait3A_1181 = tpu.memref_slice %arg53[%add3A_11, %dma_wait3A_1180] : memref<81920x488xf32, #tpu.memory_space<hbm>> -> memref<640x16xf32, #tpu.memory_space<hbm>>
      tpu.wait_dma2 semaphore(%arg69 : memref<!tpu.dma_semaphore, #tpu.memory_space<semaphore_mem>>) src(%arg56 : memref<640x16xf32, #tpu.memory_space<vmem>>) dst(%dma_wait3A_1181 : memref<640x16xf32, #tpu.memory_space<hbm>>)
      %dma_wait3A_1182 = arith.constant 464 : i32
      %dma_wait3A_1183 = tpu.memref_slice %arg53[%add3A_11, %dma_wait3A_1182] : memref<81920x488xf32, #tpu.memory_space<hbm>> -> memref<640x8xf32, #tpu.memory_space<hbm>>
      %dma_wait3A_1184 = arith.constant 464 : i32
      %dma_wait3A_1185 = tpu.memref_slice %arg53[%add3A_11, %dma_wait3A_1184] : memref<81920x488xf32, #tpu.memory_space<hbm>> -> memref<640x8xf32, #tpu.memory_space<hbm>>
      tpu.wait_dma2 semaphore(%arg68 : memref<!tpu.dma_semaphore, #tpu.memory_space<semaphore_mem>>) src(%arg55 : memref<640x8xf32, #tpu.memory_space<vmem>>) dst(%dma_wait3A_1185 : memref<640x8xf32, #tpu.memory_space<hbm>>)
      %dma_wait3A_1186 = arith.constant 472 : i32
      %dma_wait3A_1187 = tpu.memref_slice %arg53[%add3A_11, %dma_wait3A_1186] : memref<81920x488xf32, #tpu.memory_space<hbm>> -> memref<640x8xf32, #tpu.memory_space<hbm>>
      %dma_wait3A_1188 = arith.constant 472 : i32
      %dma_wait3A_1189 = tpu.memref_slice %arg53[%add3A_11, %dma_wait3A_1188] : memref<81920x488xf32, #tpu.memory_space<hbm>> -> memref<640x8xf32, #tpu.memory_space<hbm>>
      tpu.wait_dma2 semaphore(%arg68 : memref<!tpu.dma_semaphore, #tpu.memory_space<semaphore_mem>>) src(%arg54 : memref<640x8xf32, #tpu.memory_space<vmem>>) dst(%dma_wait3A_1189 : memref<640x8xf32, #tpu.memory_space<hbm>>)
      %dma_wait3A_1190 = arith.constant 480 : i32
      %dma_wait3A_1191 = tpu.memref_slice %arg53[%add3A_11, %dma_wait3A_1190] : memref<81920x488xf32, #tpu.memory_space<hbm>> -> memref<640x8xf32, #tpu.memory_space<hbm>>
      %dma_wait3A_1192 = arith.constant 480 : i32
      %dma_wait3A_1193 = tpu.memref_slice %arg53[%add3A_11, %dma_wait3A_1192] : memref<81920x488xf32, #tpu.memory_space<hbm>> -> memref<640x8xf32, #tpu.memory_space<hbm>>
      tpu.wait_dma2 semaphore(%arg64 : memref<!tpu.dma_semaphore, #tpu.memory_space<semaphore_mem>>) src(%arg62 : memref<640x8xf32, #tpu.memory_space<vmem>>) dst(%dma_wait3A_1193 : memref<640x8xf32, #tpu.memory_space<hbm>>)
    }
    %scan3A_7 = arith.constant 4 : i32
    return
  }
}

module attributes {stable_mosaic.version = 14 : i64} {
  func.func @_gen_body(%arg0: i32, %arg1: memref<128x80x4xf32, #tpu.memory_space<vmem>>, %arg2: memref<128x80xf32, #tpu.memory_space<vmem>>, %arg3: memref<5x64xf32, #tpu.memory_space<vmem>>, %arg4: memref<1x64xf32, #tpu.memory_space<vmem>>, %arg5: memref<64x5xf32, #tpu.memory_space<vmem>>, %arg6: memref<1x5xf32, #tpu.memory_space<vmem>>, %arg7: memref<128x4x32xi32, #tpu.memory_space<vmem>>, %arg8: memref<128x32xf32, #tpu.memory_space<vmem>>) attributes {dimension_semantics = [#tpu.dimension_semantics<arbitrary>], iteration_bounds = array<i64: 8>, scalar_prefetch = 0 : i64, scratch_operands = 0 : i64, tpu.core_type = #tpu.core_type<tc>, window_params = [{transform_indices = @transform_0, window_bounds = array<i64: 128, 80, 4>}, {transform_indices = @transform_1, window_bounds = array<i64: 128, 80>}, {pipeline_mode = #tpu.pipeline_mode<synchronous>, transform_indices = @transform_2, window_bounds = array<i64: 5, 64>}, {pipeline_mode = #tpu.pipeline_mode<synchronous>, transform_indices = @transform_3, window_bounds = array<i64: 1, 64>}, {pipeline_mode = #tpu.pipeline_mode<synchronous>, transform_indices = @transform_4, window_bounds = array<i64: 64, 5>}, {pipeline_mode = #tpu.pipeline_mode<synchronous>, transform_indices = @transform_5, window_bounds = array<i64: 1, 5>}, {transform_indices = @transform_6, window_bounds = array<i64: 128, 4, 32>}, {transform_indices = @transform_7, window_bounds = array<i64: 128, 32>}]} {
    %get3A = arith.constant 0 : index
    %get3A_0 = arith.constant 0 : index
    %get3A_1 = arith.constant 0 : index
    %get3A_2 = vector.load %arg1[%get3A, %get3A_0, %get3A_1] : memref<128x80x4xf32, #tpu.memory_space<vmem>>, vector<128x80x4xf32>
    %get3A_3 = arith.constant 0 : index
    %get3A_4 = arith.constant 0 : index
    %get3A_5 = vector.load %arg2[%get3A_3, %get3A_4] : memref<128x80xf32, #tpu.memory_space<vmem>>, vector<128x80xf32>
    %broadcast_in_dim3A = vector.shape_cast %get3A_5 : vector<128x80xf32> to vector<128x80x1xf32>
    %concatenate3A = tpu.concatenate %get3A_2, %broadcast_in_dim3A in 2 : vector<128x80x4xf32>, vector<128x80x1xf32> -> vector<128x80x5xf32>
    %reshape3A = vector.shape_cast %concatenate3A : vector<128x80x5xf32> to vector<10240x5xf32>
    %get3A_6 = arith.constant 0 : index
    %get3A_7 = arith.constant 0 : index
    %get3A_8 = vector.load %arg3[%get3A_6, %get3A_7] : memref<5x64xf32, #tpu.memory_space<vmem>>, vector<5x64xf32>
    %dot_general3A = arith.constant dense<0.000000e+00> : vector<10240x64xf32>
    %dot_general3A_9 = tpu.matmul %reshape3A, %get3A_8, %dot_general3A {dimension_numbers = #tpu.dot_dimension_numbers<[1], [0], [0], [1], [0, 0, 1, 1], [], []>, transpose_lhs_hint = false} : vector<10240x5xf32>, vector<5x64xf32>, vector<10240x64xf32> -> vector<10240x64xf32>
    %get3A_10 = arith.constant 0 : index
    %get3A_11 = arith.constant 0 : index
    %get3A_12 = vector.load %arg4[%get3A_10, %get3A_11] : memref<1x64xf32, #tpu.memory_space<vmem>>, vector<1x64xf32>
    %add3A = vector.broadcast %get3A_12 : vector<1x64xf32> to vector<10240x64xf32>
    %add3A_13 = arith.addf %dot_general3A_9, %add3A : vector<10240x64xf32>
    %logistic3A = arith.negf %add3A_13 : vector<10240x64xf32>
    %logistic3A_14 = math.exp %logistic3A : vector<10240x64xf32>
    %logistic3A_15 = arith.constant 1.000000e+00 : f32
    %logistic3A_16 = vector.broadcast %logistic3A_15 : f32 to vector<10240x64xf32>
    %logistic3A_17 = arith.addf %logistic3A_16, %logistic3A_14 : vector<10240x64xf32>
    %logistic3A_18 = arith.divf %logistic3A_16, %logistic3A_17 : vector<10240x64xf32>
    %mul3A = arith.mulf %add3A_13, %logistic3A_18 : vector<10240x64xf32>
    %get3A_19 = arith.constant 0 : index
    %get3A_20 = arith.constant 0 : index
    %get3A_21 = vector.load %arg5[%get3A_19, %get3A_20] : memref<64x5xf32, #tpu.memory_space<vmem>>, vector<64x5xf32>
    %dot_general3A_22 = arith.constant dense<0.000000e+00> : vector<10240x5xf32>
    %dot_general3A_23 = tpu.matmul %mul3A, %get3A_21, %dot_general3A_22 {dimension_numbers = #tpu.dot_dimension_numbers<[1], [0], [0], [1], [0, 0, 1, 1], [], []>, transpose_lhs_hint = false} : vector<10240x64xf32>, vector<64x5xf32>, vector<10240x5xf32> -> vector<10240x5xf32>
    %get3A_24 = arith.constant 0 : index
    %get3A_25 = arith.constant 0 : index
    %get3A_26 = vector.load %arg6[%get3A_24, %get3A_25] : memref<1x5xf32, #tpu.memory_space<vmem>>, vector<1x5xf32>
    %add3A_27 = vector.broadcast %get3A_26 : vector<1x5xf32> to vector<10240x5xf32>
    %add3A_28 = arith.addf %dot_general3A_23, %add3A_27 : vector<10240x5xf32>
    %slice3A = vector.extract_strided_slice %add3A_28 {offsets = [0, 0], sizes = [10240, 4], strides = [1, 1]} : vector<10240x5xf32> to vector<10240x4xf32>
    %reshape3A_29 = vector.shape_cast %slice3A : vector<10240x4xf32> to vector<128x80x4xf32>
    %transpose3A = tpu.transpose %reshape3A_29, [0, 2, 1] : vector<128x80x4xf32> -> vector<128x4x80xf32>
    %reduce_max3A = arith.constant dense<0xFF800000> : vector<128x4xf32>
    %reduce_max3A_30 = vector.multi_reduction <maximumf>, %transpose3A, %reduce_max3A [2] : vector<128x4x80xf32> to vector<128x4xf32>
    %broadcast_in_dim3A_31 = vector.shape_cast %reduce_max3A_30 : vector<128x4xf32> to vector<128x4x1xf32>
    %sub3A = vector.broadcast %broadcast_in_dim3A_31 : vector<128x4x1xf32> to vector<128x4x80xf32>
    %sub3A_32 = arith.subf %transpose3A, %sub3A : vector<128x4x80xf32>
    %exp3A = math.exp %sub3A_32 : vector<128x4x80xf32>
    %reduce_sum3A = arith.constant dense<0.000000e+00> : vector<128x4xf32>
    %reduce_sum3A_33 = vector.multi_reduction <add>, %exp3A, %reduce_sum3A [2] : vector<128x4x80xf32> to vector<128x4xf32>
    %broadcast_in_dim3A_34 = vector.shape_cast %reduce_sum3A_33 : vector<128x4xf32> to vector<128x4x1xf32>
    %div3A = vector.broadcast %broadcast_in_dim3A_34 : vector<128x4x1xf32> to vector<128x4x80xf32>
    %div3A_35 = arith.divf %exp3A, %div3A : vector<128x4x80xf32>
    %iota3A = tpu.iota {dimensions = array<i32: 2>} : vector<128x4x80xi32>
    %iota3A_36 = tpu.iota {dimensions = array<i32: 2>} : vector<128x4x32xi32>
    %broadcast_in_dim3A_37 = arith.constant 0 : i32
    %broadcast_in_dim3A_38 = vector.broadcast %broadcast_in_dim3A_37 : i32 to vector<128x4x32xi32>
    %broadcast_in_dim3A_39 = arith.constant 0.000000e+00 : f32
    %broadcast_in_dim3A_40 = vector.broadcast %broadcast_in_dim3A_39 : f32 to vector<128x4x32xf32>
    %reduce_max3A_41 = arith.constant dense<0xFF800000> : vector<128x4xf32>
    %reduce_max3A_42 = vector.multi_reduction <maximumf>, %div3A_35, %reduce_max3A_41 [2] : vector<128x4x80xf32> to vector<128x4xf32>
    %broadcast_in_dim3A_43 = vector.shape_cast %reduce_max3A_42 : vector<128x4xf32> to vector<128x4x1xf32>
    %eq3A = vector.broadcast %broadcast_in_dim3A_43 : vector<128x4x1xf32> to vector<128x4x80xf32>
    %eq3A_44 = arith.cmpf oeq, %div3A_35, %eq3A : vector<128x4x80xf32>
    %jit3A = arith.constant 80 : i32
    %broadcast_in_dim3A_45 = vector.broadcast %jit3A : i32 to vector<128x4x80xi32>
    %select_n3A = arith.select %eq3A_44, %iota3A, %broadcast_in_dim3A_45 : vector<128x4x80xi1>, vector<128x4x80xi32>
    %reduce_min3A = arith.constant dense<2147483647> : vector<128x4xi32>
    %reduce_min3A_46 = vector.multi_reduction <minsi>, %select_n3A, %reduce_min3A [2] : vector<128x4x80xi32> to vector<128x4xi32>
    %broadcast_in_dim3A_47 = vector.shape_cast %reduce_min3A_46 : vector<128x4xi32> to vector<128x4x1xi32>
    %jit3A_48 = arith.constant 9.99999997E-7 : f32
    %jit3A_49 = arith.constant 1.000000e+00 : f32
    %max3A = vector.broadcast %jit3A_48 : f32 to vector<128x4x1xf32>
    %max3A_50 = arith.maximumf %max3A, %broadcast_in_dim3A_43 : vector<128x4x1xf32>
    %min3A = vector.broadcast %jit3A_49 : f32 to vector<128x4x1xf32>
    %min3A_51 = arith.minimumf %min3A, %max3A_50 : vector<128x4x1xf32>
    %log3A = math.log %min3A_51 : vector<128x4x1xf32>
    %eq3A_52 = arith.constant 0 : i32
    %eq3A_53 = vector.broadcast %eq3A_52 : i32 to vector<128x4x32xi32>
    %eq3A_54 = arith.cmpi eq, %iota3A_36, %eq3A_53 : vector<128x4x32xi32>
    %broadcast_in_dim3A_55 = vector.shape_cast %broadcast_in_dim3A_47 : vector<128x4x1xi32> to vector<128x4x1xi32>
    %broadcast_in_dim3A_56 = vector.broadcast %broadcast_in_dim3A_55 : vector<128x4x1xi32> to vector<128x4x32xi32>
    %select_n3A_57 = arith.select %eq3A_54, %broadcast_in_dim3A_56, %broadcast_in_dim3A_38 : vector<128x4x32xi1>, vector<128x4x32xi32>
    %broadcast_in_dim3A_58 = vector.shape_cast %log3A : vector<128x4x1xf32> to vector<128x4x1xf32>
    %broadcast_in_dim3A_59 = vector.broadcast %broadcast_in_dim3A_58 : vector<128x4x1xf32> to vector<128x4x32xf32>
    %select_n3A_60 = arith.select %eq3A_54, %broadcast_in_dim3A_59, %broadcast_in_dim3A_40 : vector<128x4x32xi1>, vector<128x4x32xf32>
    %eq3A_61 = vector.broadcast %broadcast_in_dim3A_47 : vector<128x4x1xi32> to vector<128x4x80xi32>
    %eq3A_62 = arith.cmpi eq, %iota3A, %eq3A_61 : vector<128x4x80xi32>
    %jit3A_63 = arith.constant -1.000000e+00 : f32
    %broadcast_in_dim3A_64 = vector.broadcast %jit3A_63 : f32 to vector<128x4x80xf32>
    %select_n3A_65 = arith.select %eq3A_62, %broadcast_in_dim3A_64, %div3A_35 : vector<128x4x80xi1>, vector<128x4x80xf32>
    %reduce_max3A_66 = arith.constant dense<0xFF800000> : vector<128x4xf32>
    %reduce_max3A_67 = vector.multi_reduction <maximumf>, %select_n3A_65, %reduce_max3A_66 [2] : vector<128x4x80xf32> to vector<128x4xf32>
    %broadcast_in_dim3A_68 = vector.shape_cast %reduce_max3A_67 : vector<128x4xf32> to vector<128x4x1xf32>
    %eq3A_69 = vector.broadcast %broadcast_in_dim3A_68 : vector<128x4x1xf32> to vector<128x4x80xf32>
    %eq3A_70 = arith.cmpf oeq, %select_n3A_65, %eq3A_69 : vector<128x4x80xf32>
    %jit3A_71 = arith.constant 80 : i32
    %broadcast_in_dim3A_72 = vector.broadcast %jit3A_71 : i32 to vector<128x4x80xi32>
    %select_n3A_73 = arith.select %eq3A_70, %iota3A, %broadcast_in_dim3A_72 : vector<128x4x80xi1>, vector<128x4x80xi32>
    %reduce_min3A_74 = arith.constant dense<2147483647> : vector<128x4xi32>
    %reduce_min3A_75 = vector.multi_reduction <minsi>, %select_n3A_73, %reduce_min3A_74 [2] : vector<128x4x80xi32> to vector<128x4xi32>
    %broadcast_in_dim3A_76 = vector.shape_cast %reduce_min3A_75 : vector<128x4xi32> to vector<128x4x1xi32>
    %jit3A_77 = arith.constant 9.99999997E-7 : f32
    %jit3A_78 = arith.constant 1.000000e+00 : f32
    %max3A_79 = vector.broadcast %jit3A_77 : f32 to vector<128x4x1xf32>
    %max3A_80 = arith.maximumf %max3A_79, %broadcast_in_dim3A_68 : vector<128x4x1xf32>
    %min3A_81 = vector.broadcast %jit3A_78 : f32 to vector<128x4x1xf32>
    %min3A_82 = arith.minimumf %min3A_81, %max3A_80 : vector<128x4x1xf32>
    %log3A_83 = math.log %min3A_82 : vector<128x4x1xf32>
    %eq3A_84 = arith.constant 1 : i32
    %eq3A_85 = vector.broadcast %eq3A_84 : i32 to vector<128x4x32xi32>
    %eq3A_86 = arith.cmpi eq, %iota3A_36, %eq3A_85 : vector<128x4x32xi32>
    %broadcast_in_dim3A_87 = vector.shape_cast %broadcast_in_dim3A_76 : vector<128x4x1xi32> to vector<128x4x1xi32>
    %broadcast_in_dim3A_88 = vector.broadcast %broadcast_in_dim3A_87 : vector<128x4x1xi32> to vector<128x4x32xi32>
    %select_n3A_89 = arith.select %eq3A_86, %broadcast_in_dim3A_88, %select_n3A_57 : vector<128x4x32xi1>, vector<128x4x32xi32>
    %broadcast_in_dim3A_90 = vector.shape_cast %log3A_83 : vector<128x4x1xf32> to vector<128x4x1xf32>
    %broadcast_in_dim3A_91 = vector.broadcast %broadcast_in_dim3A_90 : vector<128x4x1xf32> to vector<128x4x32xf32>
    %select_n3A_92 = arith.select %eq3A_86, %broadcast_in_dim3A_91, %select_n3A_60 : vector<128x4x32xi1>, vector<128x4x32xf32>
    %eq3A_93 = vector.broadcast %broadcast_in_dim3A_76 : vector<128x4x1xi32> to vector<128x4x80xi32>
    %eq3A_94 = arith.cmpi eq, %iota3A, %eq3A_93 : vector<128x4x80xi32>
    %jit3A_95 = arith.constant -1.000000e+00 : f32
    %broadcast_in_dim3A_96 = vector.broadcast %jit3A_95 : f32 to vector<128x4x80xf32>
    %select_n3A_97 = arith.select %eq3A_94, %broadcast_in_dim3A_96, %select_n3A_65 : vector<128x4x80xi1>, vector<128x4x80xf32>
    %reduce_max3A_98 = arith.constant dense<0xFF800000> : vector<128x4xf32>
    %reduce_max3A_99 = vector.multi_reduction <maximumf>, %select_n3A_97, %reduce_max3A_98 [2] : vector<128x4x80xf32> to vector<128x4xf32>
    %broadcast_in_dim3A_100 = vector.shape_cast %reduce_max3A_99 : vector<128x4xf32> to vector<128x4x1xf32>
    %eq3A_101 = vector.broadcast %broadcast_in_dim3A_100 : vector<128x4x1xf32> to vector<128x4x80xf32>
    %eq3A_102 = arith.cmpf oeq, %select_n3A_97, %eq3A_101 : vector<128x4x80xf32>
    %jit3A_103 = arith.constant 80 : i32
    %broadcast_in_dim3A_104 = vector.broadcast %jit3A_103 : i32 to vector<128x4x80xi32>
    %select_n3A_105 = arith.select %eq3A_102, %iota3A, %broadcast_in_dim3A_104 : vector<128x4x80xi1>, vector<128x4x80xi32>
    %reduce_min3A_106 = arith.constant dense<2147483647> : vector<128x4xi32>
    %reduce_min3A_107 = vector.multi_reduction <minsi>, %select_n3A_105, %reduce_min3A_106 [2] : vector<128x4x80xi32> to vector<128x4xi32>
    %broadcast_in_dim3A_108 = vector.shape_cast %reduce_min3A_107 : vector<128x4xi32> to vector<128x4x1xi32>
    %jit3A_109 = arith.constant 9.99999997E-7 : f32
    %jit3A_110 = arith.constant 1.000000e+00 : f32
    %max3A_111 = vector.broadcast %jit3A_109 : f32 to vector<128x4x1xf32>
    %max3A_112 = arith.maximumf %max3A_111, %broadcast_in_dim3A_100 : vector<128x4x1xf32>
    %min3A_113 = vector.broadcast %jit3A_110 : f32 to vector<128x4x1xf32>
    %min3A_114 = arith.minimumf %min3A_113, %max3A_112 : vector<128x4x1xf32>
    %log3A_115 = math.log %min3A_114 : vector<128x4x1xf32>
    %eq3A_116 = arith.constant 2 : i32
    %eq3A_117 = vector.broadcast %eq3A_116 : i32 to vector<128x4x32xi32>
    %eq3A_118 = arith.cmpi eq, %iota3A_36, %eq3A_117 : vector<128x4x32xi32>
    %broadcast_in_dim3A_119 = vector.shape_cast %broadcast_in_dim3A_108 : vector<128x4x1xi32> to vector<128x4x1xi32>
    %broadcast_in_dim3A_120 = vector.broadcast %broadcast_in_dim3A_119 : vector<128x4x1xi32> to vector<128x4x32xi32>
    %select_n3A_121 = arith.select %eq3A_118, %broadcast_in_dim3A_120, %select_n3A_89 : vector<128x4x32xi1>, vector<128x4x32xi32>
    %broadcast_in_dim3A_122 = vector.shape_cast %log3A_115 : vector<128x4x1xf32> to vector<128x4x1xf32>
    %broadcast_in_dim3A_123 = vector.broadcast %broadcast_in_dim3A_122 : vector<128x4x1xf32> to vector<128x4x32xf32>
    %select_n3A_124 = arith.select %eq3A_118, %broadcast_in_dim3A_123, %select_n3A_92 : vector<128x4x32xi1>, vector<128x4x32xf32>
    %eq3A_125 = vector.broadcast %broadcast_in_dim3A_108 : vector<128x4x1xi32> to vector<128x4x80xi32>
    %eq3A_126 = arith.cmpi eq, %iota3A, %eq3A_125 : vector<128x4x80xi32>
    %jit3A_127 = arith.constant -1.000000e+00 : f32
    %broadcast_in_dim3A_128 = vector.broadcast %jit3A_127 : f32 to vector<128x4x80xf32>
    %select_n3A_129 = arith.select %eq3A_126, %broadcast_in_dim3A_128, %select_n3A_97 : vector<128x4x80xi1>, vector<128x4x80xf32>
    %reduce_max3A_130 = arith.constant dense<0xFF800000> : vector<128x4xf32>
    %reduce_max3A_131 = vector.multi_reduction <maximumf>, %select_n3A_129, %reduce_max3A_130 [2] : vector<128x4x80xf32> to vector<128x4xf32>
    %broadcast_in_dim3A_132 = vector.shape_cast %reduce_max3A_131 : vector<128x4xf32> to vector<128x4x1xf32>
    %eq3A_133 = vector.broadcast %broadcast_in_dim3A_132 : vector<128x4x1xf32> to vector<128x4x80xf32>
    %eq3A_134 = arith.cmpf oeq, %select_n3A_129, %eq3A_133 : vector<128x4x80xf32>
    %jit3A_135 = arith.constant 80 : i32
    %broadcast_in_dim3A_136 = vector.broadcast %jit3A_135 : i32 to vector<128x4x80xi32>
    %select_n3A_137 = arith.select %eq3A_134, %iota3A, %broadcast_in_dim3A_136 : vector<128x4x80xi1>, vector<128x4x80xi32>
    %reduce_min3A_138 = arith.constant dense<2147483647> : vector<128x4xi32>
    %reduce_min3A_139 = vector.multi_reduction <minsi>, %select_n3A_137, %reduce_min3A_138 [2] : vector<128x4x80xi32> to vector<128x4xi32>
    %broadcast_in_dim3A_140 = vector.shape_cast %reduce_min3A_139 : vector<128x4xi32> to vector<128x4x1xi32>
    %jit3A_141 = arith.constant 9.99999997E-7 : f32
    %jit3A_142 = arith.constant 1.000000e+00 : f32
    %max3A_143 = vector.broadcast %jit3A_141 : f32 to vector<128x4x1xf32>
    %max3A_144 = arith.maximumf %max3A_143, %broadcast_in_dim3A_132 : vector<128x4x1xf32>
    %min3A_145 = vector.broadcast %jit3A_142 : f32 to vector<128x4x1xf32>
    %min3A_146 = arith.minimumf %min3A_145, %max3A_144 : vector<128x4x1xf32>
    %log3A_147 = math.log %min3A_146 : vector<128x4x1xf32>
    %eq3A_148 = arith.constant 3 : i32
    %eq3A_149 = vector.broadcast %eq3A_148 : i32 to vector<128x4x32xi32>
    %eq3A_150 = arith.cmpi eq, %iota3A_36, %eq3A_149 : vector<128x4x32xi32>
    %broadcast_in_dim3A_151 = vector.shape_cast %broadcast_in_dim3A_140 : vector<128x4x1xi32> to vector<128x4x1xi32>
    %broadcast_in_dim3A_152 = vector.broadcast %broadcast_in_dim3A_151 : vector<128x4x1xi32> to vector<128x4x32xi32>
    %select_n3A_153 = arith.select %eq3A_150, %broadcast_in_dim3A_152, %select_n3A_121 : vector<128x4x32xi1>, vector<128x4x32xi32>
    %broadcast_in_dim3A_154 = vector.shape_cast %log3A_147 : vector<128x4x1xf32> to vector<128x4x1xf32>
    %broadcast_in_dim3A_155 = vector.broadcast %broadcast_in_dim3A_154 : vector<128x4x1xf32> to vector<128x4x32xf32>
    %select_n3A_156 = arith.select %eq3A_150, %broadcast_in_dim3A_155, %select_n3A_124 : vector<128x4x32xi1>, vector<128x4x32xf32>
    %eq3A_157 = vector.broadcast %broadcast_in_dim3A_140 : vector<128x4x1xi32> to vector<128x4x80xi32>
    %eq3A_158 = arith.cmpi eq, %iota3A, %eq3A_157 : vector<128x4x80xi32>
    %jit3A_159 = arith.constant -1.000000e+00 : f32
    %broadcast_in_dim3A_160 = vector.broadcast %jit3A_159 : f32 to vector<128x4x80xf32>
    %select_n3A_161 = arith.select %eq3A_158, %broadcast_in_dim3A_160, %select_n3A_129 : vector<128x4x80xi1>, vector<128x4x80xf32>
    %reduce_max3A_162 = arith.constant dense<0xFF800000> : vector<128x4xf32>
    %reduce_max3A_163 = vector.multi_reduction <maximumf>, %select_n3A_161, %reduce_max3A_162 [2] : vector<128x4x80xf32> to vector<128x4xf32>
    %broadcast_in_dim3A_164 = vector.shape_cast %reduce_max3A_163 : vector<128x4xf32> to vector<128x4x1xf32>
    %eq3A_165 = vector.broadcast %broadcast_in_dim3A_164 : vector<128x4x1xf32> to vector<128x4x80xf32>
    %eq3A_166 = arith.cmpf oeq, %select_n3A_161, %eq3A_165 : vector<128x4x80xf32>
    %jit3A_167 = arith.constant 80 : i32
    %broadcast_in_dim3A_168 = vector.broadcast %jit3A_167 : i32 to vector<128x4x80xi32>
    %select_n3A_169 = arith.select %eq3A_166, %iota3A, %broadcast_in_dim3A_168 : vector<128x4x80xi1>, vector<128x4x80xi32>
    %reduce_min3A_170 = arith.constant dense<2147483647> : vector<128x4xi32>
    %reduce_min3A_171 = vector.multi_reduction <minsi>, %select_n3A_169, %reduce_min3A_170 [2] : vector<128x4x80xi32> to vector<128x4xi32>
    %broadcast_in_dim3A_172 = vector.shape_cast %reduce_min3A_171 : vector<128x4xi32> to vector<128x4x1xi32>
    %jit3A_173 = arith.constant 9.99999997E-7 : f32
    %jit3A_174 = arith.constant 1.000000e+00 : f32
    %max3A_175 = vector.broadcast %jit3A_173 : f32 to vector<128x4x1xf32>
    %max3A_176 = arith.maximumf %max3A_175, %broadcast_in_dim3A_164 : vector<128x4x1xf32>
    %min3A_177 = vector.broadcast %jit3A_174 : f32 to vector<128x4x1xf32>
    %min3A_178 = arith.minimumf %min3A_177, %max3A_176 : vector<128x4x1xf32>
    %log3A_179 = math.log %min3A_178 : vector<128x4x1xf32>
    %eq3A_180 = arith.constant 4 : i32
    %eq3A_181 = vector.broadcast %eq3A_180 : i32 to vector<128x4x32xi32>
    %eq3A_182 = arith.cmpi eq, %iota3A_36, %eq3A_181 : vector<128x4x32xi32>
    %broadcast_in_dim3A_183 = vector.shape_cast %broadcast_in_dim3A_172 : vector<128x4x1xi32> to vector<128x4x1xi32>
    %broadcast_in_dim3A_184 = vector.broadcast %broadcast_in_dim3A_183 : vector<128x4x1xi32> to vector<128x4x32xi32>
    %select_n3A_185 = arith.select %eq3A_182, %broadcast_in_dim3A_184, %select_n3A_153 : vector<128x4x32xi1>, vector<128x4x32xi32>
    %broadcast_in_dim3A_186 = vector.shape_cast %log3A_179 : vector<128x4x1xf32> to vector<128x4x1xf32>
    %broadcast_in_dim3A_187 = vector.broadcast %broadcast_in_dim3A_186 : vector<128x4x1xf32> to vector<128x4x32xf32>
    %select_n3A_188 = arith.select %eq3A_182, %broadcast_in_dim3A_187, %select_n3A_156 : vector<128x4x32xi1>, vector<128x4x32xf32>
    %eq3A_189 = vector.broadcast %broadcast_in_dim3A_172 : vector<128x4x1xi32> to vector<128x4x80xi32>
    %eq3A_190 = arith.cmpi eq, %iota3A, %eq3A_189 : vector<128x4x80xi32>
    %jit3A_191 = arith.constant -1.000000e+00 : f32
    %broadcast_in_dim3A_192 = vector.broadcast %jit3A_191 : f32 to vector<128x4x80xf32>
    %select_n3A_193 = arith.select %eq3A_190, %broadcast_in_dim3A_192, %select_n3A_161 : vector<128x4x80xi1>, vector<128x4x80xf32>
    %reduce_max3A_194 = arith.constant dense<0xFF800000> : vector<128x4xf32>
    %reduce_max3A_195 = vector.multi_reduction <maximumf>, %select_n3A_193, %reduce_max3A_194 [2] : vector<128x4x80xf32> to vector<128x4xf32>
    %broadcast_in_dim3A_196 = vector.shape_cast %reduce_max3A_195 : vector<128x4xf32> to vector<128x4x1xf32>
    %eq3A_197 = vector.broadcast %broadcast_in_dim3A_196 : vector<128x4x1xf32> to vector<128x4x80xf32>
    %eq3A_198 = arith.cmpf oeq, %select_n3A_193, %eq3A_197 : vector<128x4x80xf32>
    %jit3A_199 = arith.constant 80 : i32
    %broadcast_in_dim3A_200 = vector.broadcast %jit3A_199 : i32 to vector<128x4x80xi32>
    %select_n3A_201 = arith.select %eq3A_198, %iota3A, %broadcast_in_dim3A_200 : vector<128x4x80xi1>, vector<128x4x80xi32>
    %reduce_min3A_202 = arith.constant dense<2147483647> : vector<128x4xi32>
    %reduce_min3A_203 = vector.multi_reduction <minsi>, %select_n3A_201, %reduce_min3A_202 [2] : vector<128x4x80xi32> to vector<128x4xi32>
    %broadcast_in_dim3A_204 = vector.shape_cast %reduce_min3A_203 : vector<128x4xi32> to vector<128x4x1xi32>
    %jit3A_205 = arith.constant 9.99999997E-7 : f32
    %jit3A_206 = arith.constant 1.000000e+00 : f32
    %max3A_207 = vector.broadcast %jit3A_205 : f32 to vector<128x4x1xf32>
    %max3A_208 = arith.maximumf %max3A_207, %broadcast_in_dim3A_196 : vector<128x4x1xf32>
    %min3A_209 = vector.broadcast %jit3A_206 : f32 to vector<128x4x1xf32>
    %min3A_210 = arith.minimumf %min3A_209, %max3A_208 : vector<128x4x1xf32>
    %log3A_211 = math.log %min3A_210 : vector<128x4x1xf32>
    %eq3A_212 = arith.constant 5 : i32
    %eq3A_213 = vector.broadcast %eq3A_212 : i32 to vector<128x4x32xi32>
    %eq3A_214 = arith.cmpi eq, %iota3A_36, %eq3A_213 : vector<128x4x32xi32>
    %broadcast_in_dim3A_215 = vector.shape_cast %broadcast_in_dim3A_204 : vector<128x4x1xi32> to vector<128x4x1xi32>
    %broadcast_in_dim3A_216 = vector.broadcast %broadcast_in_dim3A_215 : vector<128x4x1xi32> to vector<128x4x32xi32>
    %select_n3A_217 = arith.select %eq3A_214, %broadcast_in_dim3A_216, %select_n3A_185 : vector<128x4x32xi1>, vector<128x4x32xi32>
    %broadcast_in_dim3A_218 = vector.shape_cast %log3A_211 : vector<128x4x1xf32> to vector<128x4x1xf32>
    %broadcast_in_dim3A_219 = vector.broadcast %broadcast_in_dim3A_218 : vector<128x4x1xf32> to vector<128x4x32xf32>
    %select_n3A_220 = arith.select %eq3A_214, %broadcast_in_dim3A_219, %select_n3A_188 : vector<128x4x32xi1>, vector<128x4x32xf32>
    %eq3A_221 = vector.broadcast %broadcast_in_dim3A_204 : vector<128x4x1xi32> to vector<128x4x80xi32>
    %eq3A_222 = arith.cmpi eq, %iota3A, %eq3A_221 : vector<128x4x80xi32>
    %jit3A_223 = arith.constant -1.000000e+00 : f32
    %broadcast_in_dim3A_224 = vector.broadcast %jit3A_223 : f32 to vector<128x4x80xf32>
    %select_n3A_225 = arith.select %eq3A_222, %broadcast_in_dim3A_224, %select_n3A_193 : vector<128x4x80xi1>, vector<128x4x80xf32>
    %reduce_max3A_226 = arith.constant dense<0xFF800000> : vector<128x4xf32>
    %reduce_max3A_227 = vector.multi_reduction <maximumf>, %select_n3A_225, %reduce_max3A_226 [2] : vector<128x4x80xf32> to vector<128x4xf32>
    %broadcast_in_dim3A_228 = vector.shape_cast %reduce_max3A_227 : vector<128x4xf32> to vector<128x4x1xf32>
    %eq3A_229 = vector.broadcast %broadcast_in_dim3A_228 : vector<128x4x1xf32> to vector<128x4x80xf32>
    %eq3A_230 = arith.cmpf oeq, %select_n3A_225, %eq3A_229 : vector<128x4x80xf32>
    %jit3A_231 = arith.constant 80 : i32
    %broadcast_in_dim3A_232 = vector.broadcast %jit3A_231 : i32 to vector<128x4x80xi32>
    %select_n3A_233 = arith.select %eq3A_230, %iota3A, %broadcast_in_dim3A_232 : vector<128x4x80xi1>, vector<128x4x80xi32>
    %reduce_min3A_234 = arith.constant dense<2147483647> : vector<128x4xi32>
    %reduce_min3A_235 = vector.multi_reduction <minsi>, %select_n3A_233, %reduce_min3A_234 [2] : vector<128x4x80xi32> to vector<128x4xi32>
    %broadcast_in_dim3A_236 = vector.shape_cast %reduce_min3A_235 : vector<128x4xi32> to vector<128x4x1xi32>
    %jit3A_237 = arith.constant 9.99999997E-7 : f32
    %jit3A_238 = arith.constant 1.000000e+00 : f32
    %max3A_239 = vector.broadcast %jit3A_237 : f32 to vector<128x4x1xf32>
    %max3A_240 = arith.maximumf %max3A_239, %broadcast_in_dim3A_228 : vector<128x4x1xf32>
    %min3A_241 = vector.broadcast %jit3A_238 : f32 to vector<128x4x1xf32>
    %min3A_242 = arith.minimumf %min3A_241, %max3A_240 : vector<128x4x1xf32>
    %log3A_243 = math.log %min3A_242 : vector<128x4x1xf32>
    %eq3A_244 = arith.constant 6 : i32
    %eq3A_245 = vector.broadcast %eq3A_244 : i32 to vector<128x4x32xi32>
    %eq3A_246 = arith.cmpi eq, %iota3A_36, %eq3A_245 : vector<128x4x32xi32>
    %broadcast_in_dim3A_247 = vector.shape_cast %broadcast_in_dim3A_236 : vector<128x4x1xi32> to vector<128x4x1xi32>
    %broadcast_in_dim3A_248 = vector.broadcast %broadcast_in_dim3A_247 : vector<128x4x1xi32> to vector<128x4x32xi32>
    %select_n3A_249 = arith.select %eq3A_246, %broadcast_in_dim3A_248, %select_n3A_217 : vector<128x4x32xi1>, vector<128x4x32xi32>
    %broadcast_in_dim3A_250 = vector.shape_cast %log3A_243 : vector<128x4x1xf32> to vector<128x4x1xf32>
    %broadcast_in_dim3A_251 = vector.broadcast %broadcast_in_dim3A_250 : vector<128x4x1xf32> to vector<128x4x32xf32>
    %select_n3A_252 = arith.select %eq3A_246, %broadcast_in_dim3A_251, %select_n3A_220 : vector<128x4x32xi1>, vector<128x4x32xf32>
    %eq3A_253 = vector.broadcast %broadcast_in_dim3A_236 : vector<128x4x1xi32> to vector<128x4x80xi32>
    %eq3A_254 = arith.cmpi eq, %iota3A, %eq3A_253 : vector<128x4x80xi32>
    %jit3A_255 = arith.constant -1.000000e+00 : f32
    %broadcast_in_dim3A_256 = vector.broadcast %jit3A_255 : f32 to vector<128x4x80xf32>
    %select_n3A_257 = arith.select %eq3A_254, %broadcast_in_dim3A_256, %select_n3A_225 : vector<128x4x80xi1>, vector<128x4x80xf32>
    %reduce_max3A_258 = arith.constant dense<0xFF800000> : vector<128x4xf32>
    %reduce_max3A_259 = vector.multi_reduction <maximumf>, %select_n3A_257, %reduce_max3A_258 [2] : vector<128x4x80xf32> to vector<128x4xf32>
    %broadcast_in_dim3A_260 = vector.shape_cast %reduce_max3A_259 : vector<128x4xf32> to vector<128x4x1xf32>
    %eq3A_261 = vector.broadcast %broadcast_in_dim3A_260 : vector<128x4x1xf32> to vector<128x4x80xf32>
    %eq3A_262 = arith.cmpf oeq, %select_n3A_257, %eq3A_261 : vector<128x4x80xf32>
    %jit3A_263 = arith.constant 80 : i32
    %broadcast_in_dim3A_264 = vector.broadcast %jit3A_263 : i32 to vector<128x4x80xi32>
    %select_n3A_265 = arith.select %eq3A_262, %iota3A, %broadcast_in_dim3A_264 : vector<128x4x80xi1>, vector<128x4x80xi32>
    %reduce_min3A_266 = arith.constant dense<2147483647> : vector<128x4xi32>
    %reduce_min3A_267 = vector.multi_reduction <minsi>, %select_n3A_265, %reduce_min3A_266 [2] : vector<128x4x80xi32> to vector<128x4xi32>
    %broadcast_in_dim3A_268 = vector.shape_cast %reduce_min3A_267 : vector<128x4xi32> to vector<128x4x1xi32>
    %jit3A_269 = arith.constant 9.99999997E-7 : f32
    %jit3A_270 = arith.constant 1.000000e+00 : f32
    %max3A_271 = vector.broadcast %jit3A_269 : f32 to vector<128x4x1xf32>
    %max3A_272 = arith.maximumf %max3A_271, %broadcast_in_dim3A_260 : vector<128x4x1xf32>
    %min3A_273 = vector.broadcast %jit3A_270 : f32 to vector<128x4x1xf32>
    %min3A_274 = arith.minimumf %min3A_273, %max3A_272 : vector<128x4x1xf32>
    %log3A_275 = math.log %min3A_274 : vector<128x4x1xf32>
    %eq3A_276 = arith.constant 7 : i32
    %eq3A_277 = vector.broadcast %eq3A_276 : i32 to vector<128x4x32xi32>
    %eq3A_278 = arith.cmpi eq, %iota3A_36, %eq3A_277 : vector<128x4x32xi32>
    %broadcast_in_dim3A_279 = vector.shape_cast %broadcast_in_dim3A_268 : vector<128x4x1xi32> to vector<128x4x1xi32>
    %broadcast_in_dim3A_280 = vector.broadcast %broadcast_in_dim3A_279 : vector<128x4x1xi32> to vector<128x4x32xi32>
    %select_n3A_281 = arith.select %eq3A_278, %broadcast_in_dim3A_280, %select_n3A_249 : vector<128x4x32xi1>, vector<128x4x32xi32>
    %broadcast_in_dim3A_282 = vector.shape_cast %log3A_275 : vector<128x4x1xf32> to vector<128x4x1xf32>
    %broadcast_in_dim3A_283 = vector.broadcast %broadcast_in_dim3A_282 : vector<128x4x1xf32> to vector<128x4x32xf32>
    %select_n3A_284 = arith.select %eq3A_278, %broadcast_in_dim3A_283, %select_n3A_252 : vector<128x4x32xi1>, vector<128x4x32xf32>
    %eq3A_285 = vector.broadcast %broadcast_in_dim3A_268 : vector<128x4x1xi32> to vector<128x4x80xi32>
    %eq3A_286 = arith.cmpi eq, %iota3A, %eq3A_285 : vector<128x4x80xi32>
    %jit3A_287 = arith.constant -1.000000e+00 : f32
    %broadcast_in_dim3A_288 = vector.broadcast %jit3A_287 : f32 to vector<128x4x80xf32>
    %select_n3A_289 = arith.select %eq3A_286, %broadcast_in_dim3A_288, %select_n3A_257 : vector<128x4x80xi1>, vector<128x4x80xf32>
    %reduce_max3A_290 = arith.constant dense<0xFF800000> : vector<128x4xf32>
    %reduce_max3A_291 = vector.multi_reduction <maximumf>, %select_n3A_289, %reduce_max3A_290 [2] : vector<128x4x80xf32> to vector<128x4xf32>
    %broadcast_in_dim3A_292 = vector.shape_cast %reduce_max3A_291 : vector<128x4xf32> to vector<128x4x1xf32>
    %eq3A_293 = vector.broadcast %broadcast_in_dim3A_292 : vector<128x4x1xf32> to vector<128x4x80xf32>
    %eq3A_294 = arith.cmpf oeq, %select_n3A_289, %eq3A_293 : vector<128x4x80xf32>
    %jit3A_295 = arith.constant 80 : i32
    %broadcast_in_dim3A_296 = vector.broadcast %jit3A_295 : i32 to vector<128x4x80xi32>
    %select_n3A_297 = arith.select %eq3A_294, %iota3A, %broadcast_in_dim3A_296 : vector<128x4x80xi1>, vector<128x4x80xi32>
    %reduce_min3A_298 = arith.constant dense<2147483647> : vector<128x4xi32>
    %reduce_min3A_299 = vector.multi_reduction <minsi>, %select_n3A_297, %reduce_min3A_298 [2] : vector<128x4x80xi32> to vector<128x4xi32>
    %broadcast_in_dim3A_300 = vector.shape_cast %reduce_min3A_299 : vector<128x4xi32> to vector<128x4x1xi32>
    %jit3A_301 = arith.constant 9.99999997E-7 : f32
    %jit3A_302 = arith.constant 1.000000e+00 : f32
    %max3A_303 = vector.broadcast %jit3A_301 : f32 to vector<128x4x1xf32>
    %max3A_304 = arith.maximumf %max3A_303, %broadcast_in_dim3A_292 : vector<128x4x1xf32>
    %min3A_305 = vector.broadcast %jit3A_302 : f32 to vector<128x4x1xf32>
    %min3A_306 = arith.minimumf %min3A_305, %max3A_304 : vector<128x4x1xf32>
    %log3A_307 = math.log %min3A_306 : vector<128x4x1xf32>
    %eq3A_308 = arith.constant 8 : i32
    %eq3A_309 = vector.broadcast %eq3A_308 : i32 to vector<128x4x32xi32>
    %eq3A_310 = arith.cmpi eq, %iota3A_36, %eq3A_309 : vector<128x4x32xi32>
    %broadcast_in_dim3A_311 = vector.shape_cast %broadcast_in_dim3A_300 : vector<128x4x1xi32> to vector<128x4x1xi32>
    %broadcast_in_dim3A_312 = vector.broadcast %broadcast_in_dim3A_311 : vector<128x4x1xi32> to vector<128x4x32xi32>
    %select_n3A_313 = arith.select %eq3A_310, %broadcast_in_dim3A_312, %select_n3A_281 : vector<128x4x32xi1>, vector<128x4x32xi32>
    %broadcast_in_dim3A_314 = vector.shape_cast %log3A_307 : vector<128x4x1xf32> to vector<128x4x1xf32>
    %broadcast_in_dim3A_315 = vector.broadcast %broadcast_in_dim3A_314 : vector<128x4x1xf32> to vector<128x4x32xf32>
    %select_n3A_316 = arith.select %eq3A_310, %broadcast_in_dim3A_315, %select_n3A_284 : vector<128x4x32xi1>, vector<128x4x32xf32>
    %eq3A_317 = vector.broadcast %broadcast_in_dim3A_300 : vector<128x4x1xi32> to vector<128x4x80xi32>
    %eq3A_318 = arith.cmpi eq, %iota3A, %eq3A_317 : vector<128x4x80xi32>
    %jit3A_319 = arith.constant -1.000000e+00 : f32
    %broadcast_in_dim3A_320 = vector.broadcast %jit3A_319 : f32 to vector<128x4x80xf32>
    %select_n3A_321 = arith.select %eq3A_318, %broadcast_in_dim3A_320, %select_n3A_289 : vector<128x4x80xi1>, vector<128x4x80xf32>
    %reduce_max3A_322 = arith.constant dense<0xFF800000> : vector<128x4xf32>
    %reduce_max3A_323 = vector.multi_reduction <maximumf>, %select_n3A_321, %reduce_max3A_322 [2] : vector<128x4x80xf32> to vector<128x4xf32>
    %broadcast_in_dim3A_324 = vector.shape_cast %reduce_max3A_323 : vector<128x4xf32> to vector<128x4x1xf32>
    %eq3A_325 = vector.broadcast %broadcast_in_dim3A_324 : vector<128x4x1xf32> to vector<128x4x80xf32>
    %eq3A_326 = arith.cmpf oeq, %select_n3A_321, %eq3A_325 : vector<128x4x80xf32>
    %jit3A_327 = arith.constant 80 : i32
    %broadcast_in_dim3A_328 = vector.broadcast %jit3A_327 : i32 to vector<128x4x80xi32>
    %select_n3A_329 = arith.select %eq3A_326, %iota3A, %broadcast_in_dim3A_328 : vector<128x4x80xi1>, vector<128x4x80xi32>
    %reduce_min3A_330 = arith.constant dense<2147483647> : vector<128x4xi32>
    %reduce_min3A_331 = vector.multi_reduction <minsi>, %select_n3A_329, %reduce_min3A_330 [2] : vector<128x4x80xi32> to vector<128x4xi32>
    %broadcast_in_dim3A_332 = vector.shape_cast %reduce_min3A_331 : vector<128x4xi32> to vector<128x4x1xi32>
    %jit3A_333 = arith.constant 9.99999997E-7 : f32
    %jit3A_334 = arith.constant 1.000000e+00 : f32
    %max3A_335 = vector.broadcast %jit3A_333 : f32 to vector<128x4x1xf32>
    %max3A_336 = arith.maximumf %max3A_335, %broadcast_in_dim3A_324 : vector<128x4x1xf32>
    %min3A_337 = vector.broadcast %jit3A_334 : f32 to vector<128x4x1xf32>
    %min3A_338 = arith.minimumf %min3A_337, %max3A_336 : vector<128x4x1xf32>
    %log3A_339 = math.log %min3A_338 : vector<128x4x1xf32>
    %eq3A_340 = arith.constant 9 : i32
    %eq3A_341 = vector.broadcast %eq3A_340 : i32 to vector<128x4x32xi32>
    %eq3A_342 = arith.cmpi eq, %iota3A_36, %eq3A_341 : vector<128x4x32xi32>
    %broadcast_in_dim3A_343 = vector.shape_cast %broadcast_in_dim3A_332 : vector<128x4x1xi32> to vector<128x4x1xi32>
    %broadcast_in_dim3A_344 = vector.broadcast %broadcast_in_dim3A_343 : vector<128x4x1xi32> to vector<128x4x32xi32>
    %select_n3A_345 = arith.select %eq3A_342, %broadcast_in_dim3A_344, %select_n3A_313 : vector<128x4x32xi1>, vector<128x4x32xi32>
    %broadcast_in_dim3A_346 = vector.shape_cast %log3A_339 : vector<128x4x1xf32> to vector<128x4x1xf32>
    %broadcast_in_dim3A_347 = vector.broadcast %broadcast_in_dim3A_346 : vector<128x4x1xf32> to vector<128x4x32xf32>
    %select_n3A_348 = arith.select %eq3A_342, %broadcast_in_dim3A_347, %select_n3A_316 : vector<128x4x32xi1>, vector<128x4x32xf32>
    %eq3A_349 = vector.broadcast %broadcast_in_dim3A_332 : vector<128x4x1xi32> to vector<128x4x80xi32>
    %eq3A_350 = arith.cmpi eq, %iota3A, %eq3A_349 : vector<128x4x80xi32>
    %jit3A_351 = arith.constant -1.000000e+00 : f32
    %broadcast_in_dim3A_352 = vector.broadcast %jit3A_351 : f32 to vector<128x4x80xf32>
    %select_n3A_353 = arith.select %eq3A_350, %broadcast_in_dim3A_352, %select_n3A_321 : vector<128x4x80xi1>, vector<128x4x80xf32>
    %reduce_max3A_354 = arith.constant dense<0xFF800000> : vector<128x4xf32>
    %reduce_max3A_355 = vector.multi_reduction <maximumf>, %select_n3A_353, %reduce_max3A_354 [2] : vector<128x4x80xf32> to vector<128x4xf32>
    %broadcast_in_dim3A_356 = vector.shape_cast %reduce_max3A_355 : vector<128x4xf32> to vector<128x4x1xf32>
    %eq3A_357 = vector.broadcast %broadcast_in_dim3A_356 : vector<128x4x1xf32> to vector<128x4x80xf32>
    %eq3A_358 = arith.cmpf oeq, %select_n3A_353, %eq3A_357 : vector<128x4x80xf32>
    %jit3A_359 = arith.constant 80 : i32
    %broadcast_in_dim3A_360 = vector.broadcast %jit3A_359 : i32 to vector<128x4x80xi32>
    %select_n3A_361 = arith.select %eq3A_358, %iota3A, %broadcast_in_dim3A_360 : vector<128x4x80xi1>, vector<128x4x80xi32>
    %reduce_min3A_362 = arith.constant dense<2147483647> : vector<128x4xi32>
    %reduce_min3A_363 = vector.multi_reduction <minsi>, %select_n3A_361, %reduce_min3A_362 [2] : vector<128x4x80xi32> to vector<128x4xi32>
    %broadcast_in_dim3A_364 = vector.shape_cast %reduce_min3A_363 : vector<128x4xi32> to vector<128x4x1xi32>
    %jit3A_365 = arith.constant 9.99999997E-7 : f32
    %jit3A_366 = arith.constant 1.000000e+00 : f32
    %max3A_367 = vector.broadcast %jit3A_365 : f32 to vector<128x4x1xf32>
    %max3A_368 = arith.maximumf %max3A_367, %broadcast_in_dim3A_356 : vector<128x4x1xf32>
    %min3A_369 = vector.broadcast %jit3A_366 : f32 to vector<128x4x1xf32>
    %min3A_370 = arith.minimumf %min3A_369, %max3A_368 : vector<128x4x1xf32>
    %log3A_371 = math.log %min3A_370 : vector<128x4x1xf32>
    %eq3A_372 = arith.constant 10 : i32
    %eq3A_373 = vector.broadcast %eq3A_372 : i32 to vector<128x4x32xi32>
    %eq3A_374 = arith.cmpi eq, %iota3A_36, %eq3A_373 : vector<128x4x32xi32>
    %broadcast_in_dim3A_375 = vector.shape_cast %broadcast_in_dim3A_364 : vector<128x4x1xi32> to vector<128x4x1xi32>
    %broadcast_in_dim3A_376 = vector.broadcast %broadcast_in_dim3A_375 : vector<128x4x1xi32> to vector<128x4x32xi32>
    %select_n3A_377 = arith.select %eq3A_374, %broadcast_in_dim3A_376, %select_n3A_345 : vector<128x4x32xi1>, vector<128x4x32xi32>
    %broadcast_in_dim3A_378 = vector.shape_cast %log3A_371 : vector<128x4x1xf32> to vector<128x4x1xf32>
    %broadcast_in_dim3A_379 = vector.broadcast %broadcast_in_dim3A_378 : vector<128x4x1xf32> to vector<128x4x32xf32>
    %select_n3A_380 = arith.select %eq3A_374, %broadcast_in_dim3A_379, %select_n3A_348 : vector<128x4x32xi1>, vector<128x4x32xf32>
    %eq3A_381 = vector.broadcast %broadcast_in_dim3A_364 : vector<128x4x1xi32> to vector<128x4x80xi32>
    %eq3A_382 = arith.cmpi eq, %iota3A, %eq3A_381 : vector<128x4x80xi32>
    %jit3A_383 = arith.constant -1.000000e+00 : f32
    %broadcast_in_dim3A_384 = vector.broadcast %jit3A_383 : f32 to vector<128x4x80xf32>
    %select_n3A_385 = arith.select %eq3A_382, %broadcast_in_dim3A_384, %select_n3A_353 : vector<128x4x80xi1>, vector<128x4x80xf32>
    %reduce_max3A_386 = arith.constant dense<0xFF800000> : vector<128x4xf32>
    %reduce_max3A_387 = vector.multi_reduction <maximumf>, %select_n3A_385, %reduce_max3A_386 [2] : vector<128x4x80xf32> to vector<128x4xf32>
    %broadcast_in_dim3A_388 = vector.shape_cast %reduce_max3A_387 : vector<128x4xf32> to vector<128x4x1xf32>
    %eq3A_389 = vector.broadcast %broadcast_in_dim3A_388 : vector<128x4x1xf32> to vector<128x4x80xf32>
    %eq3A_390 = arith.cmpf oeq, %select_n3A_385, %eq3A_389 : vector<128x4x80xf32>
    %jit3A_391 = arith.constant 80 : i32
    %broadcast_in_dim3A_392 = vector.broadcast %jit3A_391 : i32 to vector<128x4x80xi32>
    %select_n3A_393 = arith.select %eq3A_390, %iota3A, %broadcast_in_dim3A_392 : vector<128x4x80xi1>, vector<128x4x80xi32>
    %reduce_min3A_394 = arith.constant dense<2147483647> : vector<128x4xi32>
    %reduce_min3A_395 = vector.multi_reduction <minsi>, %select_n3A_393, %reduce_min3A_394 [2] : vector<128x4x80xi32> to vector<128x4xi32>
    %broadcast_in_dim3A_396 = vector.shape_cast %reduce_min3A_395 : vector<128x4xi32> to vector<128x4x1xi32>
    %jit3A_397 = arith.constant 9.99999997E-7 : f32
    %jit3A_398 = arith.constant 1.000000e+00 : f32
    %max3A_399 = vector.broadcast %jit3A_397 : f32 to vector<128x4x1xf32>
    %max3A_400 = arith.maximumf %max3A_399, %broadcast_in_dim3A_388 : vector<128x4x1xf32>
    %min3A_401 = vector.broadcast %jit3A_398 : f32 to vector<128x4x1xf32>
    %min3A_402 = arith.minimumf %min3A_401, %max3A_400 : vector<128x4x1xf32>
    %log3A_403 = math.log %min3A_402 : vector<128x4x1xf32>
    %eq3A_404 = arith.constant 11 : i32
    %eq3A_405 = vector.broadcast %eq3A_404 : i32 to vector<128x4x32xi32>
    %eq3A_406 = arith.cmpi eq, %iota3A_36, %eq3A_405 : vector<128x4x32xi32>
    %broadcast_in_dim3A_407 = vector.shape_cast %broadcast_in_dim3A_396 : vector<128x4x1xi32> to vector<128x4x1xi32>
    %broadcast_in_dim3A_408 = vector.broadcast %broadcast_in_dim3A_407 : vector<128x4x1xi32> to vector<128x4x32xi32>
    %select_n3A_409 = arith.select %eq3A_406, %broadcast_in_dim3A_408, %select_n3A_377 : vector<128x4x32xi1>, vector<128x4x32xi32>
    %broadcast_in_dim3A_410 = vector.shape_cast %log3A_403 : vector<128x4x1xf32> to vector<128x4x1xf32>
    %broadcast_in_dim3A_411 = vector.broadcast %broadcast_in_dim3A_410 : vector<128x4x1xf32> to vector<128x4x32xf32>
    %select_n3A_412 = arith.select %eq3A_406, %broadcast_in_dim3A_411, %select_n3A_380 : vector<128x4x32xi1>, vector<128x4x32xf32>
    %eq3A_413 = vector.broadcast %broadcast_in_dim3A_396 : vector<128x4x1xi32> to vector<128x4x80xi32>
    %eq3A_414 = arith.cmpi eq, %iota3A, %eq3A_413 : vector<128x4x80xi32>
    %jit3A_415 = arith.constant -1.000000e+00 : f32
    %broadcast_in_dim3A_416 = vector.broadcast %jit3A_415 : f32 to vector<128x4x80xf32>
    %select_n3A_417 = arith.select %eq3A_414, %broadcast_in_dim3A_416, %select_n3A_385 : vector<128x4x80xi1>, vector<128x4x80xf32>
    %reduce_max3A_418 = arith.constant dense<0xFF800000> : vector<128x4xf32>
    %reduce_max3A_419 = vector.multi_reduction <maximumf>, %select_n3A_417, %reduce_max3A_418 [2] : vector<128x4x80xf32> to vector<128x4xf32>
    %broadcast_in_dim3A_420 = vector.shape_cast %reduce_max3A_419 : vector<128x4xf32> to vector<128x4x1xf32>
    %eq3A_421 = vector.broadcast %broadcast_in_dim3A_420 : vector<128x4x1xf32> to vector<128x4x80xf32>
    %eq3A_422 = arith.cmpf oeq, %select_n3A_417, %eq3A_421 : vector<128x4x80xf32>
    %jit3A_423 = arith.constant 80 : i32
    %broadcast_in_dim3A_424 = vector.broadcast %jit3A_423 : i32 to vector<128x4x80xi32>
    %select_n3A_425 = arith.select %eq3A_422, %iota3A, %broadcast_in_dim3A_424 : vector<128x4x80xi1>, vector<128x4x80xi32>
    %reduce_min3A_426 = arith.constant dense<2147483647> : vector<128x4xi32>
    %reduce_min3A_427 = vector.multi_reduction <minsi>, %select_n3A_425, %reduce_min3A_426 [2] : vector<128x4x80xi32> to vector<128x4xi32>
    %broadcast_in_dim3A_428 = vector.shape_cast %reduce_min3A_427 : vector<128x4xi32> to vector<128x4x1xi32>
    %jit3A_429 = arith.constant 9.99999997E-7 : f32
    %jit3A_430 = arith.constant 1.000000e+00 : f32
    %max3A_431 = vector.broadcast %jit3A_429 : f32 to vector<128x4x1xf32>
    %max3A_432 = arith.maximumf %max3A_431, %broadcast_in_dim3A_420 : vector<128x4x1xf32>
    %min3A_433 = vector.broadcast %jit3A_430 : f32 to vector<128x4x1xf32>
    %min3A_434 = arith.minimumf %min3A_433, %max3A_432 : vector<128x4x1xf32>
    %log3A_435 = math.log %min3A_434 : vector<128x4x1xf32>
    %eq3A_436 = arith.constant 12 : i32
    %eq3A_437 = vector.broadcast %eq3A_436 : i32 to vector<128x4x32xi32>
    %eq3A_438 = arith.cmpi eq, %iota3A_36, %eq3A_437 : vector<128x4x32xi32>
    %broadcast_in_dim3A_439 = vector.shape_cast %broadcast_in_dim3A_428 : vector<128x4x1xi32> to vector<128x4x1xi32>
    %broadcast_in_dim3A_440 = vector.broadcast %broadcast_in_dim3A_439 : vector<128x4x1xi32> to vector<128x4x32xi32>
    %select_n3A_441 = arith.select %eq3A_438, %broadcast_in_dim3A_440, %select_n3A_409 : vector<128x4x32xi1>, vector<128x4x32xi32>
    %broadcast_in_dim3A_442 = vector.shape_cast %log3A_435 : vector<128x4x1xf32> to vector<128x4x1xf32>
    %broadcast_in_dim3A_443 = vector.broadcast %broadcast_in_dim3A_442 : vector<128x4x1xf32> to vector<128x4x32xf32>
    %select_n3A_444 = arith.select %eq3A_438, %broadcast_in_dim3A_443, %select_n3A_412 : vector<128x4x32xi1>, vector<128x4x32xf32>
    %eq3A_445 = vector.broadcast %broadcast_in_dim3A_428 : vector<128x4x1xi32> to vector<128x4x80xi32>
    %eq3A_446 = arith.cmpi eq, %iota3A, %eq3A_445 : vector<128x4x80xi32>
    %jit3A_447 = arith.constant -1.000000e+00 : f32
    %broadcast_in_dim3A_448 = vector.broadcast %jit3A_447 : f32 to vector<128x4x80xf32>
    %select_n3A_449 = arith.select %eq3A_446, %broadcast_in_dim3A_448, %select_n3A_417 : vector<128x4x80xi1>, vector<128x4x80xf32>
    %reduce_max3A_450 = arith.constant dense<0xFF800000> : vector<128x4xf32>
    %reduce_max3A_451 = vector.multi_reduction <maximumf>, %select_n3A_449, %reduce_max3A_450 [2] : vector<128x4x80xf32> to vector<128x4xf32>
    %broadcast_in_dim3A_452 = vector.shape_cast %reduce_max3A_451 : vector<128x4xf32> to vector<128x4x1xf32>
    %eq3A_453 = vector.broadcast %broadcast_in_dim3A_452 : vector<128x4x1xf32> to vector<128x4x80xf32>
    %eq3A_454 = arith.cmpf oeq, %select_n3A_449, %eq3A_453 : vector<128x4x80xf32>
    %jit3A_455 = arith.constant 80 : i32
    %broadcast_in_dim3A_456 = vector.broadcast %jit3A_455 : i32 to vector<128x4x80xi32>
    %select_n3A_457 = arith.select %eq3A_454, %iota3A, %broadcast_in_dim3A_456 : vector<128x4x80xi1>, vector<128x4x80xi32>
    %reduce_min3A_458 = arith.constant dense<2147483647> : vector<128x4xi32>
    %reduce_min3A_459 = vector.multi_reduction <minsi>, %select_n3A_457, %reduce_min3A_458 [2] : vector<128x4x80xi32> to vector<128x4xi32>
    %broadcast_in_dim3A_460 = vector.shape_cast %reduce_min3A_459 : vector<128x4xi32> to vector<128x4x1xi32>
    %jit3A_461 = arith.constant 9.99999997E-7 : f32
    %jit3A_462 = arith.constant 1.000000e+00 : f32
    %max3A_463 = vector.broadcast %jit3A_461 : f32 to vector<128x4x1xf32>
    %max3A_464 = arith.maximumf %max3A_463, %broadcast_in_dim3A_452 : vector<128x4x1xf32>
    %min3A_465 = vector.broadcast %jit3A_462 : f32 to vector<128x4x1xf32>
    %min3A_466 = arith.minimumf %min3A_465, %max3A_464 : vector<128x4x1xf32>
    %log3A_467 = math.log %min3A_466 : vector<128x4x1xf32>
    %eq3A_468 = arith.constant 13 : i32
    %eq3A_469 = vector.broadcast %eq3A_468 : i32 to vector<128x4x32xi32>
    %eq3A_470 = arith.cmpi eq, %iota3A_36, %eq3A_469 : vector<128x4x32xi32>
    %broadcast_in_dim3A_471 = vector.shape_cast %broadcast_in_dim3A_460 : vector<128x4x1xi32> to vector<128x4x1xi32>
    %broadcast_in_dim3A_472 = vector.broadcast %broadcast_in_dim3A_471 : vector<128x4x1xi32> to vector<128x4x32xi32>
    %select_n3A_473 = arith.select %eq3A_470, %broadcast_in_dim3A_472, %select_n3A_441 : vector<128x4x32xi1>, vector<128x4x32xi32>
    %broadcast_in_dim3A_474 = vector.shape_cast %log3A_467 : vector<128x4x1xf32> to vector<128x4x1xf32>
    %broadcast_in_dim3A_475 = vector.broadcast %broadcast_in_dim3A_474 : vector<128x4x1xf32> to vector<128x4x32xf32>
    %select_n3A_476 = arith.select %eq3A_470, %broadcast_in_dim3A_475, %select_n3A_444 : vector<128x4x32xi1>, vector<128x4x32xf32>
    %eq3A_477 = vector.broadcast %broadcast_in_dim3A_460 : vector<128x4x1xi32> to vector<128x4x80xi32>
    %eq3A_478 = arith.cmpi eq, %iota3A, %eq3A_477 : vector<128x4x80xi32>
    %jit3A_479 = arith.constant -1.000000e+00 : f32
    %broadcast_in_dim3A_480 = vector.broadcast %jit3A_479 : f32 to vector<128x4x80xf32>
    %select_n3A_481 = arith.select %eq3A_478, %broadcast_in_dim3A_480, %select_n3A_449 : vector<128x4x80xi1>, vector<128x4x80xf32>
    %reduce_max3A_482 = arith.constant dense<0xFF800000> : vector<128x4xf32>
    %reduce_max3A_483 = vector.multi_reduction <maximumf>, %select_n3A_481, %reduce_max3A_482 [2] : vector<128x4x80xf32> to vector<128x4xf32>
    %broadcast_in_dim3A_484 = vector.shape_cast %reduce_max3A_483 : vector<128x4xf32> to vector<128x4x1xf32>
    %eq3A_485 = vector.broadcast %broadcast_in_dim3A_484 : vector<128x4x1xf32> to vector<128x4x80xf32>
    %eq3A_486 = arith.cmpf oeq, %select_n3A_481, %eq3A_485 : vector<128x4x80xf32>
    %jit3A_487 = arith.constant 80 : i32
    %broadcast_in_dim3A_488 = vector.broadcast %jit3A_487 : i32 to vector<128x4x80xi32>
    %select_n3A_489 = arith.select %eq3A_486, %iota3A, %broadcast_in_dim3A_488 : vector<128x4x80xi1>, vector<128x4x80xi32>
    %reduce_min3A_490 = arith.constant dense<2147483647> : vector<128x4xi32>
    %reduce_min3A_491 = vector.multi_reduction <minsi>, %select_n3A_489, %reduce_min3A_490 [2] : vector<128x4x80xi32> to vector<128x4xi32>
    %broadcast_in_dim3A_492 = vector.shape_cast %reduce_min3A_491 : vector<128x4xi32> to vector<128x4x1xi32>
    %jit3A_493 = arith.constant 9.99999997E-7 : f32
    %jit3A_494 = arith.constant 1.000000e+00 : f32
    %max3A_495 = vector.broadcast %jit3A_493 : f32 to vector<128x4x1xf32>
    %max3A_496 = arith.maximumf %max3A_495, %broadcast_in_dim3A_484 : vector<128x4x1xf32>
    %min3A_497 = vector.broadcast %jit3A_494 : f32 to vector<128x4x1xf32>
    %min3A_498 = arith.minimumf %min3A_497, %max3A_496 : vector<128x4x1xf32>
    %log3A_499 = math.log %min3A_498 : vector<128x4x1xf32>
    %eq3A_500 = arith.constant 14 : i32
    %eq3A_501 = vector.broadcast %eq3A_500 : i32 to vector<128x4x32xi32>
    %eq3A_502 = arith.cmpi eq, %iota3A_36, %eq3A_501 : vector<128x4x32xi32>
    %broadcast_in_dim3A_503 = vector.shape_cast %broadcast_in_dim3A_492 : vector<128x4x1xi32> to vector<128x4x1xi32>
    %broadcast_in_dim3A_504 = vector.broadcast %broadcast_in_dim3A_503 : vector<128x4x1xi32> to vector<128x4x32xi32>
    %select_n3A_505 = arith.select %eq3A_502, %broadcast_in_dim3A_504, %select_n3A_473 : vector<128x4x32xi1>, vector<128x4x32xi32>
    %broadcast_in_dim3A_506 = vector.shape_cast %log3A_499 : vector<128x4x1xf32> to vector<128x4x1xf32>
    %broadcast_in_dim3A_507 = vector.broadcast %broadcast_in_dim3A_506 : vector<128x4x1xf32> to vector<128x4x32xf32>
    %select_n3A_508 = arith.select %eq3A_502, %broadcast_in_dim3A_507, %select_n3A_476 : vector<128x4x32xi1>, vector<128x4x32xf32>
    %eq3A_509 = vector.broadcast %broadcast_in_dim3A_492 : vector<128x4x1xi32> to vector<128x4x80xi32>
    %eq3A_510 = arith.cmpi eq, %iota3A, %eq3A_509 : vector<128x4x80xi32>
    %jit3A_511 = arith.constant -1.000000e+00 : f32
    %broadcast_in_dim3A_512 = vector.broadcast %jit3A_511 : f32 to vector<128x4x80xf32>
    %select_n3A_513 = arith.select %eq3A_510, %broadcast_in_dim3A_512, %select_n3A_481 : vector<128x4x80xi1>, vector<128x4x80xf32>
    %reduce_max3A_514 = arith.constant dense<0xFF800000> : vector<128x4xf32>
    %reduce_max3A_515 = vector.multi_reduction <maximumf>, %select_n3A_513, %reduce_max3A_514 [2] : vector<128x4x80xf32> to vector<128x4xf32>
    %broadcast_in_dim3A_516 = vector.shape_cast %reduce_max3A_515 : vector<128x4xf32> to vector<128x4x1xf32>
    %eq3A_517 = vector.broadcast %broadcast_in_dim3A_516 : vector<128x4x1xf32> to vector<128x4x80xf32>
    %eq3A_518 = arith.cmpf oeq, %select_n3A_513, %eq3A_517 : vector<128x4x80xf32>
    %jit3A_519 = arith.constant 80 : i32
    %broadcast_in_dim3A_520 = vector.broadcast %jit3A_519 : i32 to vector<128x4x80xi32>
    %select_n3A_521 = arith.select %eq3A_518, %iota3A, %broadcast_in_dim3A_520 : vector<128x4x80xi1>, vector<128x4x80xi32>
    %reduce_min3A_522 = arith.constant dense<2147483647> : vector<128x4xi32>
    %reduce_min3A_523 = vector.multi_reduction <minsi>, %select_n3A_521, %reduce_min3A_522 [2] : vector<128x4x80xi32> to vector<128x4xi32>
    %broadcast_in_dim3A_524 = vector.shape_cast %reduce_min3A_523 : vector<128x4xi32> to vector<128x4x1xi32>
    %jit3A_525 = arith.constant 9.99999997E-7 : f32
    %jit3A_526 = arith.constant 1.000000e+00 : f32
    %max3A_527 = vector.broadcast %jit3A_525 : f32 to vector<128x4x1xf32>
    %max3A_528 = arith.maximumf %max3A_527, %broadcast_in_dim3A_516 : vector<128x4x1xf32>
    %min3A_529 = vector.broadcast %jit3A_526 : f32 to vector<128x4x1xf32>
    %min3A_530 = arith.minimumf %min3A_529, %max3A_528 : vector<128x4x1xf32>
    %log3A_531 = math.log %min3A_530 : vector<128x4x1xf32>
    %eq3A_532 = arith.constant 15 : i32
    %eq3A_533 = vector.broadcast %eq3A_532 : i32 to vector<128x4x32xi32>
    %eq3A_534 = arith.cmpi eq, %iota3A_36, %eq3A_533 : vector<128x4x32xi32>
    %broadcast_in_dim3A_535 = vector.shape_cast %broadcast_in_dim3A_524 : vector<128x4x1xi32> to vector<128x4x1xi32>
    %broadcast_in_dim3A_536 = vector.broadcast %broadcast_in_dim3A_535 : vector<128x4x1xi32> to vector<128x4x32xi32>
    %select_n3A_537 = arith.select %eq3A_534, %broadcast_in_dim3A_536, %select_n3A_505 : vector<128x4x32xi1>, vector<128x4x32xi32>
    %broadcast_in_dim3A_538 = vector.shape_cast %log3A_531 : vector<128x4x1xf32> to vector<128x4x1xf32>
    %broadcast_in_dim3A_539 = vector.broadcast %broadcast_in_dim3A_538 : vector<128x4x1xf32> to vector<128x4x32xf32>
    %select_n3A_540 = arith.select %eq3A_534, %broadcast_in_dim3A_539, %select_n3A_508 : vector<128x4x32xi1>, vector<128x4x32xf32>
    %eq3A_541 = vector.broadcast %broadcast_in_dim3A_524 : vector<128x4x1xi32> to vector<128x4x80xi32>
    %eq3A_542 = arith.cmpi eq, %iota3A, %eq3A_541 : vector<128x4x80xi32>
    %jit3A_543 = arith.constant -1.000000e+00 : f32
    %broadcast_in_dim3A_544 = vector.broadcast %jit3A_543 : f32 to vector<128x4x80xf32>
    %select_n3A_545 = arith.select %eq3A_542, %broadcast_in_dim3A_544, %select_n3A_513 : vector<128x4x80xi1>, vector<128x4x80xf32>
    %reduce_max3A_546 = arith.constant dense<0xFF800000> : vector<128x4xf32>
    %reduce_max3A_547 = vector.multi_reduction <maximumf>, %select_n3A_545, %reduce_max3A_546 [2] : vector<128x4x80xf32> to vector<128x4xf32>
    %broadcast_in_dim3A_548 = vector.shape_cast %reduce_max3A_547 : vector<128x4xf32> to vector<128x4x1xf32>
    %eq3A_549 = vector.broadcast %broadcast_in_dim3A_548 : vector<128x4x1xf32> to vector<128x4x80xf32>
    %eq3A_550 = arith.cmpf oeq, %select_n3A_545, %eq3A_549 : vector<128x4x80xf32>
    %jit3A_551 = arith.constant 80 : i32
    %broadcast_in_dim3A_552 = vector.broadcast %jit3A_551 : i32 to vector<128x4x80xi32>
    %select_n3A_553 = arith.select %eq3A_550, %iota3A, %broadcast_in_dim3A_552 : vector<128x4x80xi1>, vector<128x4x80xi32>
    %reduce_min3A_554 = arith.constant dense<2147483647> : vector<128x4xi32>
    %reduce_min3A_555 = vector.multi_reduction <minsi>, %select_n3A_553, %reduce_min3A_554 [2] : vector<128x4x80xi32> to vector<128x4xi32>
    %broadcast_in_dim3A_556 = vector.shape_cast %reduce_min3A_555 : vector<128x4xi32> to vector<128x4x1xi32>
    %jit3A_557 = arith.constant 9.99999997E-7 : f32
    %jit3A_558 = arith.constant 1.000000e+00 : f32
    %max3A_559 = vector.broadcast %jit3A_557 : f32 to vector<128x4x1xf32>
    %max3A_560 = arith.maximumf %max3A_559, %broadcast_in_dim3A_548 : vector<128x4x1xf32>
    %min3A_561 = vector.broadcast %jit3A_558 : f32 to vector<128x4x1xf32>
    %min3A_562 = arith.minimumf %min3A_561, %max3A_560 : vector<128x4x1xf32>
    %log3A_563 = math.log %min3A_562 : vector<128x4x1xf32>
    %eq3A_564 = arith.constant 16 : i32
    %eq3A_565 = vector.broadcast %eq3A_564 : i32 to vector<128x4x32xi32>
    %eq3A_566 = arith.cmpi eq, %iota3A_36, %eq3A_565 : vector<128x4x32xi32>
    %broadcast_in_dim3A_567 = vector.shape_cast %broadcast_in_dim3A_556 : vector<128x4x1xi32> to vector<128x4x1xi32>
    %broadcast_in_dim3A_568 = vector.broadcast %broadcast_in_dim3A_567 : vector<128x4x1xi32> to vector<128x4x32xi32>
    %select_n3A_569 = arith.select %eq3A_566, %broadcast_in_dim3A_568, %select_n3A_537 : vector<128x4x32xi1>, vector<128x4x32xi32>
    %broadcast_in_dim3A_570 = vector.shape_cast %log3A_563 : vector<128x4x1xf32> to vector<128x4x1xf32>
    %broadcast_in_dim3A_571 = vector.broadcast %broadcast_in_dim3A_570 : vector<128x4x1xf32> to vector<128x4x32xf32>
    %select_n3A_572 = arith.select %eq3A_566, %broadcast_in_dim3A_571, %select_n3A_540 : vector<128x4x32xi1>, vector<128x4x32xf32>
    %eq3A_573 = vector.broadcast %broadcast_in_dim3A_556 : vector<128x4x1xi32> to vector<128x4x80xi32>
    %eq3A_574 = arith.cmpi eq, %iota3A, %eq3A_573 : vector<128x4x80xi32>
    %jit3A_575 = arith.constant -1.000000e+00 : f32
    %broadcast_in_dim3A_576 = vector.broadcast %jit3A_575 : f32 to vector<128x4x80xf32>
    %select_n3A_577 = arith.select %eq3A_574, %broadcast_in_dim3A_576, %select_n3A_545 : vector<128x4x80xi1>, vector<128x4x80xf32>
    %reduce_max3A_578 = arith.constant dense<0xFF800000> : vector<128x4xf32>
    %reduce_max3A_579 = vector.multi_reduction <maximumf>, %select_n3A_577, %reduce_max3A_578 [2] : vector<128x4x80xf32> to vector<128x4xf32>
    %broadcast_in_dim3A_580 = vector.shape_cast %reduce_max3A_579 : vector<128x4xf32> to vector<128x4x1xf32>
    %eq3A_581 = vector.broadcast %broadcast_in_dim3A_580 : vector<128x4x1xf32> to vector<128x4x80xf32>
    %eq3A_582 = arith.cmpf oeq, %select_n3A_577, %eq3A_581 : vector<128x4x80xf32>
    %jit3A_583 = arith.constant 80 : i32
    %broadcast_in_dim3A_584 = vector.broadcast %jit3A_583 : i32 to vector<128x4x80xi32>
    %select_n3A_585 = arith.select %eq3A_582, %iota3A, %broadcast_in_dim3A_584 : vector<128x4x80xi1>, vector<128x4x80xi32>
    %reduce_min3A_586 = arith.constant dense<2147483647> : vector<128x4xi32>
    %reduce_min3A_587 = vector.multi_reduction <minsi>, %select_n3A_585, %reduce_min3A_586 [2] : vector<128x4x80xi32> to vector<128x4xi32>
    %broadcast_in_dim3A_588 = vector.shape_cast %reduce_min3A_587 : vector<128x4xi32> to vector<128x4x1xi32>
    %jit3A_589 = arith.constant 9.99999997E-7 : f32
    %jit3A_590 = arith.constant 1.000000e+00 : f32
    %max3A_591 = vector.broadcast %jit3A_589 : f32 to vector<128x4x1xf32>
    %max3A_592 = arith.maximumf %max3A_591, %broadcast_in_dim3A_580 : vector<128x4x1xf32>
    %min3A_593 = vector.broadcast %jit3A_590 : f32 to vector<128x4x1xf32>
    %min3A_594 = arith.minimumf %min3A_593, %max3A_592 : vector<128x4x1xf32>
    %log3A_595 = math.log %min3A_594 : vector<128x4x1xf32>
    %eq3A_596 = arith.constant 17 : i32
    %eq3A_597 = vector.broadcast %eq3A_596 : i32 to vector<128x4x32xi32>
    %eq3A_598 = arith.cmpi eq, %iota3A_36, %eq3A_597 : vector<128x4x32xi32>
    %broadcast_in_dim3A_599 = vector.shape_cast %broadcast_in_dim3A_588 : vector<128x4x1xi32> to vector<128x4x1xi32>
    %broadcast_in_dim3A_600 = vector.broadcast %broadcast_in_dim3A_599 : vector<128x4x1xi32> to vector<128x4x32xi32>
    %select_n3A_601 = arith.select %eq3A_598, %broadcast_in_dim3A_600, %select_n3A_569 : vector<128x4x32xi1>, vector<128x4x32xi32>
    %broadcast_in_dim3A_602 = vector.shape_cast %log3A_595 : vector<128x4x1xf32> to vector<128x4x1xf32>
    %broadcast_in_dim3A_603 = vector.broadcast %broadcast_in_dim3A_602 : vector<128x4x1xf32> to vector<128x4x32xf32>
    %select_n3A_604 = arith.select %eq3A_598, %broadcast_in_dim3A_603, %select_n3A_572 : vector<128x4x32xi1>, vector<128x4x32xf32>
    %eq3A_605 = vector.broadcast %broadcast_in_dim3A_588 : vector<128x4x1xi32> to vector<128x4x80xi32>
    %eq3A_606 = arith.cmpi eq, %iota3A, %eq3A_605 : vector<128x4x80xi32>
    %jit3A_607 = arith.constant -1.000000e+00 : f32
    %broadcast_in_dim3A_608 = vector.broadcast %jit3A_607 : f32 to vector<128x4x80xf32>
    %select_n3A_609 = arith.select %eq3A_606, %broadcast_in_dim3A_608, %select_n3A_577 : vector<128x4x80xi1>, vector<128x4x80xf32>
    %reduce_max3A_610 = arith.constant dense<0xFF800000> : vector<128x4xf32>
    %reduce_max3A_611 = vector.multi_reduction <maximumf>, %select_n3A_609, %reduce_max3A_610 [2] : vector<128x4x80xf32> to vector<128x4xf32>
    %broadcast_in_dim3A_612 = vector.shape_cast %reduce_max3A_611 : vector<128x4xf32> to vector<128x4x1xf32>
    %eq3A_613 = vector.broadcast %broadcast_in_dim3A_612 : vector<128x4x1xf32> to vector<128x4x80xf32>
    %eq3A_614 = arith.cmpf oeq, %select_n3A_609, %eq3A_613 : vector<128x4x80xf32>
    %jit3A_615 = arith.constant 80 : i32
    %broadcast_in_dim3A_616 = vector.broadcast %jit3A_615 : i32 to vector<128x4x80xi32>
    %select_n3A_617 = arith.select %eq3A_614, %iota3A, %broadcast_in_dim3A_616 : vector<128x4x80xi1>, vector<128x4x80xi32>
    %reduce_min3A_618 = arith.constant dense<2147483647> : vector<128x4xi32>
    %reduce_min3A_619 = vector.multi_reduction <minsi>, %select_n3A_617, %reduce_min3A_618 [2] : vector<128x4x80xi32> to vector<128x4xi32>
    %broadcast_in_dim3A_620 = vector.shape_cast %reduce_min3A_619 : vector<128x4xi32> to vector<128x4x1xi32>
    %jit3A_621 = arith.constant 9.99999997E-7 : f32
    %jit3A_622 = arith.constant 1.000000e+00 : f32
    %max3A_623 = vector.broadcast %jit3A_621 : f32 to vector<128x4x1xf32>
    %max3A_624 = arith.maximumf %max3A_623, %broadcast_in_dim3A_612 : vector<128x4x1xf32>
    %min3A_625 = vector.broadcast %jit3A_622 : f32 to vector<128x4x1xf32>
    %min3A_626 = arith.minimumf %min3A_625, %max3A_624 : vector<128x4x1xf32>
    %log3A_627 = math.log %min3A_626 : vector<128x4x1xf32>
    %eq3A_628 = arith.constant 18 : i32
    %eq3A_629 = vector.broadcast %eq3A_628 : i32 to vector<128x4x32xi32>
    %eq3A_630 = arith.cmpi eq, %iota3A_36, %eq3A_629 : vector<128x4x32xi32>
    %broadcast_in_dim3A_631 = vector.shape_cast %broadcast_in_dim3A_620 : vector<128x4x1xi32> to vector<128x4x1xi32>
    %broadcast_in_dim3A_632 = vector.broadcast %broadcast_in_dim3A_631 : vector<128x4x1xi32> to vector<128x4x32xi32>
    %select_n3A_633 = arith.select %eq3A_630, %broadcast_in_dim3A_632, %select_n3A_601 : vector<128x4x32xi1>, vector<128x4x32xi32>
    %broadcast_in_dim3A_634 = vector.shape_cast %log3A_627 : vector<128x4x1xf32> to vector<128x4x1xf32>
    %broadcast_in_dim3A_635 = vector.broadcast %broadcast_in_dim3A_634 : vector<128x4x1xf32> to vector<128x4x32xf32>
    %select_n3A_636 = arith.select %eq3A_630, %broadcast_in_dim3A_635, %select_n3A_604 : vector<128x4x32xi1>, vector<128x4x32xf32>
    %eq3A_637 = vector.broadcast %broadcast_in_dim3A_620 : vector<128x4x1xi32> to vector<128x4x80xi32>
    %eq3A_638 = arith.cmpi eq, %iota3A, %eq3A_637 : vector<128x4x80xi32>
    %jit3A_639 = arith.constant -1.000000e+00 : f32
    %broadcast_in_dim3A_640 = vector.broadcast %jit3A_639 : f32 to vector<128x4x80xf32>
    %select_n3A_641 = arith.select %eq3A_638, %broadcast_in_dim3A_640, %select_n3A_609 : vector<128x4x80xi1>, vector<128x4x80xf32>
    %reduce_max3A_642 = arith.constant dense<0xFF800000> : vector<128x4xf32>
    %reduce_max3A_643 = vector.multi_reduction <maximumf>, %select_n3A_641, %reduce_max3A_642 [2] : vector<128x4x80xf32> to vector<128x4xf32>
    %broadcast_in_dim3A_644 = vector.shape_cast %reduce_max3A_643 : vector<128x4xf32> to vector<128x4x1xf32>
    %eq3A_645 = vector.broadcast %broadcast_in_dim3A_644 : vector<128x4x1xf32> to vector<128x4x80xf32>
    %eq3A_646 = arith.cmpf oeq, %select_n3A_641, %eq3A_645 : vector<128x4x80xf32>
    %jit3A_647 = arith.constant 80 : i32
    %broadcast_in_dim3A_648 = vector.broadcast %jit3A_647 : i32 to vector<128x4x80xi32>
    %select_n3A_649 = arith.select %eq3A_646, %iota3A, %broadcast_in_dim3A_648 : vector<128x4x80xi1>, vector<128x4x80xi32>
    %reduce_min3A_650 = arith.constant dense<2147483647> : vector<128x4xi32>
    %reduce_min3A_651 = vector.multi_reduction <minsi>, %select_n3A_649, %reduce_min3A_650 [2] : vector<128x4x80xi32> to vector<128x4xi32>
    %broadcast_in_dim3A_652 = vector.shape_cast %reduce_min3A_651 : vector<128x4xi32> to vector<128x4x1xi32>
    %jit3A_653 = arith.constant 9.99999997E-7 : f32
    %jit3A_654 = arith.constant 1.000000e+00 : f32
    %max3A_655 = vector.broadcast %jit3A_653 : f32 to vector<128x4x1xf32>
    %max3A_656 = arith.maximumf %max3A_655, %broadcast_in_dim3A_644 : vector<128x4x1xf32>
    %min3A_657 = vector.broadcast %jit3A_654 : f32 to vector<128x4x1xf32>
    %min3A_658 = arith.minimumf %min3A_657, %max3A_656 : vector<128x4x1xf32>
    %log3A_659 = math.log %min3A_658 : vector<128x4x1xf32>
    %eq3A_660 = arith.constant 19 : i32
    %eq3A_661 = vector.broadcast %eq3A_660 : i32 to vector<128x4x32xi32>
    %eq3A_662 = arith.cmpi eq, %iota3A_36, %eq3A_661 : vector<128x4x32xi32>
    %broadcast_in_dim3A_663 = vector.shape_cast %broadcast_in_dim3A_652 : vector<128x4x1xi32> to vector<128x4x1xi32>
    %broadcast_in_dim3A_664 = vector.broadcast %broadcast_in_dim3A_663 : vector<128x4x1xi32> to vector<128x4x32xi32>
    %select_n3A_665 = arith.select %eq3A_662, %broadcast_in_dim3A_664, %select_n3A_633 : vector<128x4x32xi1>, vector<128x4x32xi32>
    %broadcast_in_dim3A_666 = vector.shape_cast %log3A_659 : vector<128x4x1xf32> to vector<128x4x1xf32>
    %broadcast_in_dim3A_667 = vector.broadcast %broadcast_in_dim3A_666 : vector<128x4x1xf32> to vector<128x4x32xf32>
    %select_n3A_668 = arith.select %eq3A_662, %broadcast_in_dim3A_667, %select_n3A_636 : vector<128x4x32xi1>, vector<128x4x32xf32>
    %eq3A_669 = vector.broadcast %broadcast_in_dim3A_652 : vector<128x4x1xi32> to vector<128x4x80xi32>
    %eq3A_670 = arith.cmpi eq, %iota3A, %eq3A_669 : vector<128x4x80xi32>
    %jit3A_671 = arith.constant -1.000000e+00 : f32
    %broadcast_in_dim3A_672 = vector.broadcast %jit3A_671 : f32 to vector<128x4x80xf32>
    %select_n3A_673 = arith.select %eq3A_670, %broadcast_in_dim3A_672, %select_n3A_641 : vector<128x4x80xi1>, vector<128x4x80xf32>
    %reduce_max3A_674 = arith.constant dense<0xFF800000> : vector<128x4xf32>
    %reduce_max3A_675 = vector.multi_reduction <maximumf>, %select_n3A_673, %reduce_max3A_674 [2] : vector<128x4x80xf32> to vector<128x4xf32>
    %broadcast_in_dim3A_676 = vector.shape_cast %reduce_max3A_675 : vector<128x4xf32> to vector<128x4x1xf32>
    %eq3A_677 = vector.broadcast %broadcast_in_dim3A_676 : vector<128x4x1xf32> to vector<128x4x80xf32>
    %eq3A_678 = arith.cmpf oeq, %select_n3A_673, %eq3A_677 : vector<128x4x80xf32>
    %jit3A_679 = arith.constant 80 : i32
    %broadcast_in_dim3A_680 = vector.broadcast %jit3A_679 : i32 to vector<128x4x80xi32>
    %select_n3A_681 = arith.select %eq3A_678, %iota3A, %broadcast_in_dim3A_680 : vector<128x4x80xi1>, vector<128x4x80xi32>
    %reduce_min3A_682 = arith.constant dense<2147483647> : vector<128x4xi32>
    %reduce_min3A_683 = vector.multi_reduction <minsi>, %select_n3A_681, %reduce_min3A_682 [2] : vector<128x4x80xi32> to vector<128x4xi32>
    %broadcast_in_dim3A_684 = vector.shape_cast %reduce_min3A_683 : vector<128x4xi32> to vector<128x4x1xi32>
    %jit3A_685 = arith.constant 9.99999997E-7 : f32
    %jit3A_686 = arith.constant 1.000000e+00 : f32
    %max3A_687 = vector.broadcast %jit3A_685 : f32 to vector<128x4x1xf32>
    %max3A_688 = arith.maximumf %max3A_687, %broadcast_in_dim3A_676 : vector<128x4x1xf32>
    %min3A_689 = vector.broadcast %jit3A_686 : f32 to vector<128x4x1xf32>
    %min3A_690 = arith.minimumf %min3A_689, %max3A_688 : vector<128x4x1xf32>
    %log3A_691 = math.log %min3A_690 : vector<128x4x1xf32>
    %eq3A_692 = arith.constant 20 : i32
    %eq3A_693 = vector.broadcast %eq3A_692 : i32 to vector<128x4x32xi32>
    %eq3A_694 = arith.cmpi eq, %iota3A_36, %eq3A_693 : vector<128x4x32xi32>
    %broadcast_in_dim3A_695 = vector.shape_cast %broadcast_in_dim3A_684 : vector<128x4x1xi32> to vector<128x4x1xi32>
    %broadcast_in_dim3A_696 = vector.broadcast %broadcast_in_dim3A_695 : vector<128x4x1xi32> to vector<128x4x32xi32>
    %select_n3A_697 = arith.select %eq3A_694, %broadcast_in_dim3A_696, %select_n3A_665 : vector<128x4x32xi1>, vector<128x4x32xi32>
    %broadcast_in_dim3A_698 = vector.shape_cast %log3A_691 : vector<128x4x1xf32> to vector<128x4x1xf32>
    %broadcast_in_dim3A_699 = vector.broadcast %broadcast_in_dim3A_698 : vector<128x4x1xf32> to vector<128x4x32xf32>
    %select_n3A_700 = arith.select %eq3A_694, %broadcast_in_dim3A_699, %select_n3A_668 : vector<128x4x32xi1>, vector<128x4x32xf32>
    %eq3A_701 = vector.broadcast %broadcast_in_dim3A_684 : vector<128x4x1xi32> to vector<128x4x80xi32>
    %eq3A_702 = arith.cmpi eq, %iota3A, %eq3A_701 : vector<128x4x80xi32>
    %jit3A_703 = arith.constant -1.000000e+00 : f32
    %broadcast_in_dim3A_704 = vector.broadcast %jit3A_703 : f32 to vector<128x4x80xf32>
    %select_n3A_705 = arith.select %eq3A_702, %broadcast_in_dim3A_704, %select_n3A_673 : vector<128x4x80xi1>, vector<128x4x80xf32>
    %reduce_max3A_706 = arith.constant dense<0xFF800000> : vector<128x4xf32>
    %reduce_max3A_707 = vector.multi_reduction <maximumf>, %select_n3A_705, %reduce_max3A_706 [2] : vector<128x4x80xf32> to vector<128x4xf32>
    %broadcast_in_dim3A_708 = vector.shape_cast %reduce_max3A_707 : vector<128x4xf32> to vector<128x4x1xf32>
    %eq3A_709 = vector.broadcast %broadcast_in_dim3A_708 : vector<128x4x1xf32> to vector<128x4x80xf32>
    %eq3A_710 = arith.cmpf oeq, %select_n3A_705, %eq3A_709 : vector<128x4x80xf32>
    %jit3A_711 = arith.constant 80 : i32
    %broadcast_in_dim3A_712 = vector.broadcast %jit3A_711 : i32 to vector<128x4x80xi32>
    %select_n3A_713 = arith.select %eq3A_710, %iota3A, %broadcast_in_dim3A_712 : vector<128x4x80xi1>, vector<128x4x80xi32>
    %reduce_min3A_714 = arith.constant dense<2147483647> : vector<128x4xi32>
    %reduce_min3A_715 = vector.multi_reduction <minsi>, %select_n3A_713, %reduce_min3A_714 [2] : vector<128x4x80xi32> to vector<128x4xi32>
    %broadcast_in_dim3A_716 = vector.shape_cast %reduce_min3A_715 : vector<128x4xi32> to vector<128x4x1xi32>
    %jit3A_717 = arith.constant 9.99999997E-7 : f32
    %jit3A_718 = arith.constant 1.000000e+00 : f32
    %max3A_719 = vector.broadcast %jit3A_717 : f32 to vector<128x4x1xf32>
    %max3A_720 = arith.maximumf %max3A_719, %broadcast_in_dim3A_708 : vector<128x4x1xf32>
    %min3A_721 = vector.broadcast %jit3A_718 : f32 to vector<128x4x1xf32>
    %min3A_722 = arith.minimumf %min3A_721, %max3A_720 : vector<128x4x1xf32>
    %log3A_723 = math.log %min3A_722 : vector<128x4x1xf32>
    %eq3A_724 = arith.constant 21 : i32
    %eq3A_725 = vector.broadcast %eq3A_724 : i32 to vector<128x4x32xi32>
    %eq3A_726 = arith.cmpi eq, %iota3A_36, %eq3A_725 : vector<128x4x32xi32>
    %broadcast_in_dim3A_727 = vector.shape_cast %broadcast_in_dim3A_716 : vector<128x4x1xi32> to vector<128x4x1xi32>
    %broadcast_in_dim3A_728 = vector.broadcast %broadcast_in_dim3A_727 : vector<128x4x1xi32> to vector<128x4x32xi32>
    %select_n3A_729 = arith.select %eq3A_726, %broadcast_in_dim3A_728, %select_n3A_697 : vector<128x4x32xi1>, vector<128x4x32xi32>
    %broadcast_in_dim3A_730 = vector.shape_cast %log3A_723 : vector<128x4x1xf32> to vector<128x4x1xf32>
    %broadcast_in_dim3A_731 = vector.broadcast %broadcast_in_dim3A_730 : vector<128x4x1xf32> to vector<128x4x32xf32>
    %select_n3A_732 = arith.select %eq3A_726, %broadcast_in_dim3A_731, %select_n3A_700 : vector<128x4x32xi1>, vector<128x4x32xf32>
    %eq3A_733 = vector.broadcast %broadcast_in_dim3A_716 : vector<128x4x1xi32> to vector<128x4x80xi32>
    %eq3A_734 = arith.cmpi eq, %iota3A, %eq3A_733 : vector<128x4x80xi32>
    %jit3A_735 = arith.constant -1.000000e+00 : f32
    %broadcast_in_dim3A_736 = vector.broadcast %jit3A_735 : f32 to vector<128x4x80xf32>
    %select_n3A_737 = arith.select %eq3A_734, %broadcast_in_dim3A_736, %select_n3A_705 : vector<128x4x80xi1>, vector<128x4x80xf32>
    %reduce_max3A_738 = arith.constant dense<0xFF800000> : vector<128x4xf32>
    %reduce_max3A_739 = vector.multi_reduction <maximumf>, %select_n3A_737, %reduce_max3A_738 [2] : vector<128x4x80xf32> to vector<128x4xf32>
    %broadcast_in_dim3A_740 = vector.shape_cast %reduce_max3A_739 : vector<128x4xf32> to vector<128x4x1xf32>
    %eq3A_741 = vector.broadcast %broadcast_in_dim3A_740 : vector<128x4x1xf32> to vector<128x4x80xf32>
    %eq3A_742 = arith.cmpf oeq, %select_n3A_737, %eq3A_741 : vector<128x4x80xf32>
    %jit3A_743 = arith.constant 80 : i32
    %broadcast_in_dim3A_744 = vector.broadcast %jit3A_743 : i32 to vector<128x4x80xi32>
    %select_n3A_745 = arith.select %eq3A_742, %iota3A, %broadcast_in_dim3A_744 : vector<128x4x80xi1>, vector<128x4x80xi32>
    %reduce_min3A_746 = arith.constant dense<2147483647> : vector<128x4xi32>
    %reduce_min3A_747 = vector.multi_reduction <minsi>, %select_n3A_745, %reduce_min3A_746 [2] : vector<128x4x80xi32> to vector<128x4xi32>
    %broadcast_in_dim3A_748 = vector.shape_cast %reduce_min3A_747 : vector<128x4xi32> to vector<128x4x1xi32>
    %jit3A_749 = arith.constant 9.99999997E-7 : f32
    %jit3A_750 = arith.constant 1.000000e+00 : f32
    %max3A_751 = vector.broadcast %jit3A_749 : f32 to vector<128x4x1xf32>
    %max3A_752 = arith.maximumf %max3A_751, %broadcast_in_dim3A_740 : vector<128x4x1xf32>
    %min3A_753 = vector.broadcast %jit3A_750 : f32 to vector<128x4x1xf32>
    %min3A_754 = arith.minimumf %min3A_753, %max3A_752 : vector<128x4x1xf32>
    %log3A_755 = math.log %min3A_754 : vector<128x4x1xf32>
    %eq3A_756 = arith.constant 22 : i32
    %eq3A_757 = vector.broadcast %eq3A_756 : i32 to vector<128x4x32xi32>
    %eq3A_758 = arith.cmpi eq, %iota3A_36, %eq3A_757 : vector<128x4x32xi32>
    %broadcast_in_dim3A_759 = vector.shape_cast %broadcast_in_dim3A_748 : vector<128x4x1xi32> to vector<128x4x1xi32>
    %broadcast_in_dim3A_760 = vector.broadcast %broadcast_in_dim3A_759 : vector<128x4x1xi32> to vector<128x4x32xi32>
    %select_n3A_761 = arith.select %eq3A_758, %broadcast_in_dim3A_760, %select_n3A_729 : vector<128x4x32xi1>, vector<128x4x32xi32>
    %broadcast_in_dim3A_762 = vector.shape_cast %log3A_755 : vector<128x4x1xf32> to vector<128x4x1xf32>
    %broadcast_in_dim3A_763 = vector.broadcast %broadcast_in_dim3A_762 : vector<128x4x1xf32> to vector<128x4x32xf32>
    %select_n3A_764 = arith.select %eq3A_758, %broadcast_in_dim3A_763, %select_n3A_732 : vector<128x4x32xi1>, vector<128x4x32xf32>
    %eq3A_765 = vector.broadcast %broadcast_in_dim3A_748 : vector<128x4x1xi32> to vector<128x4x80xi32>
    %eq3A_766 = arith.cmpi eq, %iota3A, %eq3A_765 : vector<128x4x80xi32>
    %jit3A_767 = arith.constant -1.000000e+00 : f32
    %broadcast_in_dim3A_768 = vector.broadcast %jit3A_767 : f32 to vector<128x4x80xf32>
    %select_n3A_769 = arith.select %eq3A_766, %broadcast_in_dim3A_768, %select_n3A_737 : vector<128x4x80xi1>, vector<128x4x80xf32>
    %reduce_max3A_770 = arith.constant dense<0xFF800000> : vector<128x4xf32>
    %reduce_max3A_771 = vector.multi_reduction <maximumf>, %select_n3A_769, %reduce_max3A_770 [2] : vector<128x4x80xf32> to vector<128x4xf32>
    %broadcast_in_dim3A_772 = vector.shape_cast %reduce_max3A_771 : vector<128x4xf32> to vector<128x4x1xf32>
    %eq3A_773 = vector.broadcast %broadcast_in_dim3A_772 : vector<128x4x1xf32> to vector<128x4x80xf32>
    %eq3A_774 = arith.cmpf oeq, %select_n3A_769, %eq3A_773 : vector<128x4x80xf32>
    %jit3A_775 = arith.constant 80 : i32
    %broadcast_in_dim3A_776 = vector.broadcast %jit3A_775 : i32 to vector<128x4x80xi32>
    %select_n3A_777 = arith.select %eq3A_774, %iota3A, %broadcast_in_dim3A_776 : vector<128x4x80xi1>, vector<128x4x80xi32>
    %reduce_min3A_778 = arith.constant dense<2147483647> : vector<128x4xi32>
    %reduce_min3A_779 = vector.multi_reduction <minsi>, %select_n3A_777, %reduce_min3A_778 [2] : vector<128x4x80xi32> to vector<128x4xi32>
    %broadcast_in_dim3A_780 = vector.shape_cast %reduce_min3A_779 : vector<128x4xi32> to vector<128x4x1xi32>
    %jit3A_781 = arith.constant 9.99999997E-7 : f32
    %jit3A_782 = arith.constant 1.000000e+00 : f32
    %max3A_783 = vector.broadcast %jit3A_781 : f32 to vector<128x4x1xf32>
    %max3A_784 = arith.maximumf %max3A_783, %broadcast_in_dim3A_772 : vector<128x4x1xf32>
    %min3A_785 = vector.broadcast %jit3A_782 : f32 to vector<128x4x1xf32>
    %min3A_786 = arith.minimumf %min3A_785, %max3A_784 : vector<128x4x1xf32>
    %log3A_787 = math.log %min3A_786 : vector<128x4x1xf32>
    %eq3A_788 = arith.constant 23 : i32
    %eq3A_789 = vector.broadcast %eq3A_788 : i32 to vector<128x4x32xi32>
    %eq3A_790 = arith.cmpi eq, %iota3A_36, %eq3A_789 : vector<128x4x32xi32>
    %broadcast_in_dim3A_791 = vector.shape_cast %broadcast_in_dim3A_780 : vector<128x4x1xi32> to vector<128x4x1xi32>
    %broadcast_in_dim3A_792 = vector.broadcast %broadcast_in_dim3A_791 : vector<128x4x1xi32> to vector<128x4x32xi32>
    %select_n3A_793 = arith.select %eq3A_790, %broadcast_in_dim3A_792, %select_n3A_761 : vector<128x4x32xi1>, vector<128x4x32xi32>
    %broadcast_in_dim3A_794 = vector.shape_cast %log3A_787 : vector<128x4x1xf32> to vector<128x4x1xf32>
    %broadcast_in_dim3A_795 = vector.broadcast %broadcast_in_dim3A_794 : vector<128x4x1xf32> to vector<128x4x32xf32>
    %select_n3A_796 = arith.select %eq3A_790, %broadcast_in_dim3A_795, %select_n3A_764 : vector<128x4x32xi1>, vector<128x4x32xf32>
    %eq3A_797 = vector.broadcast %broadcast_in_dim3A_780 : vector<128x4x1xi32> to vector<128x4x80xi32>
    %eq3A_798 = arith.cmpi eq, %iota3A, %eq3A_797 : vector<128x4x80xi32>
    %jit3A_799 = arith.constant -1.000000e+00 : f32
    %broadcast_in_dim3A_800 = vector.broadcast %jit3A_799 : f32 to vector<128x4x80xf32>
    %select_n3A_801 = arith.select %eq3A_798, %broadcast_in_dim3A_800, %select_n3A_769 : vector<128x4x80xi1>, vector<128x4x80xf32>
    %reduce_max3A_802 = arith.constant dense<0xFF800000> : vector<128x4xf32>
    %reduce_max3A_803 = vector.multi_reduction <maximumf>, %select_n3A_801, %reduce_max3A_802 [2] : vector<128x4x80xf32> to vector<128x4xf32>
    %broadcast_in_dim3A_804 = vector.shape_cast %reduce_max3A_803 : vector<128x4xf32> to vector<128x4x1xf32>
    %eq3A_805 = vector.broadcast %broadcast_in_dim3A_804 : vector<128x4x1xf32> to vector<128x4x80xf32>
    %eq3A_806 = arith.cmpf oeq, %select_n3A_801, %eq3A_805 : vector<128x4x80xf32>
    %jit3A_807 = arith.constant 80 : i32
    %broadcast_in_dim3A_808 = vector.broadcast %jit3A_807 : i32 to vector<128x4x80xi32>
    %select_n3A_809 = arith.select %eq3A_806, %iota3A, %broadcast_in_dim3A_808 : vector<128x4x80xi1>, vector<128x4x80xi32>
    %reduce_min3A_810 = arith.constant dense<2147483647> : vector<128x4xi32>
    %reduce_min3A_811 = vector.multi_reduction <minsi>, %select_n3A_809, %reduce_min3A_810 [2] : vector<128x4x80xi32> to vector<128x4xi32>
    %broadcast_in_dim3A_812 = vector.shape_cast %reduce_min3A_811 : vector<128x4xi32> to vector<128x4x1xi32>
    %jit3A_813 = arith.constant 9.99999997E-7 : f32
    %jit3A_814 = arith.constant 1.000000e+00 : f32
    %max3A_815 = vector.broadcast %jit3A_813 : f32 to vector<128x4x1xf32>
    %max3A_816 = arith.maximumf %max3A_815, %broadcast_in_dim3A_804 : vector<128x4x1xf32>
    %min3A_817 = vector.broadcast %jit3A_814 : f32 to vector<128x4x1xf32>
    %min3A_818 = arith.minimumf %min3A_817, %max3A_816 : vector<128x4x1xf32>
    %log3A_819 = math.log %min3A_818 : vector<128x4x1xf32>
    %eq3A_820 = arith.constant 24 : i32
    %eq3A_821 = vector.broadcast %eq3A_820 : i32 to vector<128x4x32xi32>
    %eq3A_822 = arith.cmpi eq, %iota3A_36, %eq3A_821 : vector<128x4x32xi32>
    %broadcast_in_dim3A_823 = vector.shape_cast %broadcast_in_dim3A_812 : vector<128x4x1xi32> to vector<128x4x1xi32>
    %broadcast_in_dim3A_824 = vector.broadcast %broadcast_in_dim3A_823 : vector<128x4x1xi32> to vector<128x4x32xi32>
    %select_n3A_825 = arith.select %eq3A_822, %broadcast_in_dim3A_824, %select_n3A_793 : vector<128x4x32xi1>, vector<128x4x32xi32>
    %broadcast_in_dim3A_826 = vector.shape_cast %log3A_819 : vector<128x4x1xf32> to vector<128x4x1xf32>
    %broadcast_in_dim3A_827 = vector.broadcast %broadcast_in_dim3A_826 : vector<128x4x1xf32> to vector<128x4x32xf32>
    %select_n3A_828 = arith.select %eq3A_822, %broadcast_in_dim3A_827, %select_n3A_796 : vector<128x4x32xi1>, vector<128x4x32xf32>
    %eq3A_829 = vector.broadcast %broadcast_in_dim3A_812 : vector<128x4x1xi32> to vector<128x4x80xi32>
    %eq3A_830 = arith.cmpi eq, %iota3A, %eq3A_829 : vector<128x4x80xi32>
    %jit3A_831 = arith.constant -1.000000e+00 : f32
    %broadcast_in_dim3A_832 = vector.broadcast %jit3A_831 : f32 to vector<128x4x80xf32>
    %select_n3A_833 = arith.select %eq3A_830, %broadcast_in_dim3A_832, %select_n3A_801 : vector<128x4x80xi1>, vector<128x4x80xf32>
    %reduce_max3A_834 = arith.constant dense<0xFF800000> : vector<128x4xf32>
    %reduce_max3A_835 = vector.multi_reduction <maximumf>, %select_n3A_833, %reduce_max3A_834 [2] : vector<128x4x80xf32> to vector<128x4xf32>
    %broadcast_in_dim3A_836 = vector.shape_cast %reduce_max3A_835 : vector<128x4xf32> to vector<128x4x1xf32>
    %eq3A_837 = vector.broadcast %broadcast_in_dim3A_836 : vector<128x4x1xf32> to vector<128x4x80xf32>
    %eq3A_838 = arith.cmpf oeq, %select_n3A_833, %eq3A_837 : vector<128x4x80xf32>
    %jit3A_839 = arith.constant 80 : i32
    %broadcast_in_dim3A_840 = vector.broadcast %jit3A_839 : i32 to vector<128x4x80xi32>
    %select_n3A_841 = arith.select %eq3A_838, %iota3A, %broadcast_in_dim3A_840 : vector<128x4x80xi1>, vector<128x4x80xi32>
    %reduce_min3A_842 = arith.constant dense<2147483647> : vector<128x4xi32>
    %reduce_min3A_843 = vector.multi_reduction <minsi>, %select_n3A_841, %reduce_min3A_842 [2] : vector<128x4x80xi32> to vector<128x4xi32>
    %broadcast_in_dim3A_844 = vector.shape_cast %reduce_min3A_843 : vector<128x4xi32> to vector<128x4x1xi32>
    %jit3A_845 = arith.constant 9.99999997E-7 : f32
    %jit3A_846 = arith.constant 1.000000e+00 : f32
    %max3A_847 = vector.broadcast %jit3A_845 : f32 to vector<128x4x1xf32>
    %max3A_848 = arith.maximumf %max3A_847, %broadcast_in_dim3A_836 : vector<128x4x1xf32>
    %min3A_849 = vector.broadcast %jit3A_846 : f32 to vector<128x4x1xf32>
    %min3A_850 = arith.minimumf %min3A_849, %max3A_848 : vector<128x4x1xf32>
    %log3A_851 = math.log %min3A_850 : vector<128x4x1xf32>
    %eq3A_852 = arith.constant 25 : i32
    %eq3A_853 = vector.broadcast %eq3A_852 : i32 to vector<128x4x32xi32>
    %eq3A_854 = arith.cmpi eq, %iota3A_36, %eq3A_853 : vector<128x4x32xi32>
    %broadcast_in_dim3A_855 = vector.shape_cast %broadcast_in_dim3A_844 : vector<128x4x1xi32> to vector<128x4x1xi32>
    %broadcast_in_dim3A_856 = vector.broadcast %broadcast_in_dim3A_855 : vector<128x4x1xi32> to vector<128x4x32xi32>
    %select_n3A_857 = arith.select %eq3A_854, %broadcast_in_dim3A_856, %select_n3A_825 : vector<128x4x32xi1>, vector<128x4x32xi32>
    %broadcast_in_dim3A_858 = vector.shape_cast %log3A_851 : vector<128x4x1xf32> to vector<128x4x1xf32>
    %broadcast_in_dim3A_859 = vector.broadcast %broadcast_in_dim3A_858 : vector<128x4x1xf32> to vector<128x4x32xf32>
    %select_n3A_860 = arith.select %eq3A_854, %broadcast_in_dim3A_859, %select_n3A_828 : vector<128x4x32xi1>, vector<128x4x32xf32>
    %eq3A_861 = vector.broadcast %broadcast_in_dim3A_844 : vector<128x4x1xi32> to vector<128x4x80xi32>
    %eq3A_862 = arith.cmpi eq, %iota3A, %eq3A_861 : vector<128x4x80xi32>
    %jit3A_863 = arith.constant -1.000000e+00 : f32
    %broadcast_in_dim3A_864 = vector.broadcast %jit3A_863 : f32 to vector<128x4x80xf32>
    %select_n3A_865 = arith.select %eq3A_862, %broadcast_in_dim3A_864, %select_n3A_833 : vector<128x4x80xi1>, vector<128x4x80xf32>
    %reduce_max3A_866 = arith.constant dense<0xFF800000> : vector<128x4xf32>
    %reduce_max3A_867 = vector.multi_reduction <maximumf>, %select_n3A_865, %reduce_max3A_866 [2] : vector<128x4x80xf32> to vector<128x4xf32>
    %broadcast_in_dim3A_868 = vector.shape_cast %reduce_max3A_867 : vector<128x4xf32> to vector<128x4x1xf32>
    %eq3A_869 = vector.broadcast %broadcast_in_dim3A_868 : vector<128x4x1xf32> to vector<128x4x80xf32>
    %eq3A_870 = arith.cmpf oeq, %select_n3A_865, %eq3A_869 : vector<128x4x80xf32>
    %jit3A_871 = arith.constant 80 : i32
    %broadcast_in_dim3A_872 = vector.broadcast %jit3A_871 : i32 to vector<128x4x80xi32>
    %select_n3A_873 = arith.select %eq3A_870, %iota3A, %broadcast_in_dim3A_872 : vector<128x4x80xi1>, vector<128x4x80xi32>
    %reduce_min3A_874 = arith.constant dense<2147483647> : vector<128x4xi32>
    %reduce_min3A_875 = vector.multi_reduction <minsi>, %select_n3A_873, %reduce_min3A_874 [2] : vector<128x4x80xi32> to vector<128x4xi32>
    %broadcast_in_dim3A_876 = vector.shape_cast %reduce_min3A_875 : vector<128x4xi32> to vector<128x4x1xi32>
    %jit3A_877 = arith.constant 9.99999997E-7 : f32
    %jit3A_878 = arith.constant 1.000000e+00 : f32
    %max3A_879 = vector.broadcast %jit3A_877 : f32 to vector<128x4x1xf32>
    %max3A_880 = arith.maximumf %max3A_879, %broadcast_in_dim3A_868 : vector<128x4x1xf32>
    %min3A_881 = vector.broadcast %jit3A_878 : f32 to vector<128x4x1xf32>
    %min3A_882 = arith.minimumf %min3A_881, %max3A_880 : vector<128x4x1xf32>
    %log3A_883 = math.log %min3A_882 : vector<128x4x1xf32>
    %eq3A_884 = arith.constant 26 : i32
    %eq3A_885 = vector.broadcast %eq3A_884 : i32 to vector<128x4x32xi32>
    %eq3A_886 = arith.cmpi eq, %iota3A_36, %eq3A_885 : vector<128x4x32xi32>
    %broadcast_in_dim3A_887 = vector.shape_cast %broadcast_in_dim3A_876 : vector<128x4x1xi32> to vector<128x4x1xi32>
    %broadcast_in_dim3A_888 = vector.broadcast %broadcast_in_dim3A_887 : vector<128x4x1xi32> to vector<128x4x32xi32>
    %select_n3A_889 = arith.select %eq3A_886, %broadcast_in_dim3A_888, %select_n3A_857 : vector<128x4x32xi1>, vector<128x4x32xi32>
    %broadcast_in_dim3A_890 = vector.shape_cast %log3A_883 : vector<128x4x1xf32> to vector<128x4x1xf32>
    %broadcast_in_dim3A_891 = vector.broadcast %broadcast_in_dim3A_890 : vector<128x4x1xf32> to vector<128x4x32xf32>
    %select_n3A_892 = arith.select %eq3A_886, %broadcast_in_dim3A_891, %select_n3A_860 : vector<128x4x32xi1>, vector<128x4x32xf32>
    %eq3A_893 = vector.broadcast %broadcast_in_dim3A_876 : vector<128x4x1xi32> to vector<128x4x80xi32>
    %eq3A_894 = arith.cmpi eq, %iota3A, %eq3A_893 : vector<128x4x80xi32>
    %jit3A_895 = arith.constant -1.000000e+00 : f32
    %broadcast_in_dim3A_896 = vector.broadcast %jit3A_895 : f32 to vector<128x4x80xf32>
    %select_n3A_897 = arith.select %eq3A_894, %broadcast_in_dim3A_896, %select_n3A_865 : vector<128x4x80xi1>, vector<128x4x80xf32>
    %reduce_max3A_898 = arith.constant dense<0xFF800000> : vector<128x4xf32>
    %reduce_max3A_899 = vector.multi_reduction <maximumf>, %select_n3A_897, %reduce_max3A_898 [2] : vector<128x4x80xf32> to vector<128x4xf32>
    %broadcast_in_dim3A_900 = vector.shape_cast %reduce_max3A_899 : vector<128x4xf32> to vector<128x4x1xf32>
    %eq3A_901 = vector.broadcast %broadcast_in_dim3A_900 : vector<128x4x1xf32> to vector<128x4x80xf32>
    %eq3A_902 = arith.cmpf oeq, %select_n3A_897, %eq3A_901 : vector<128x4x80xf32>
    %jit3A_903 = arith.constant 80 : i32
    %broadcast_in_dim3A_904 = vector.broadcast %jit3A_903 : i32 to vector<128x4x80xi32>
    %select_n3A_905 = arith.select %eq3A_902, %iota3A, %broadcast_in_dim3A_904 : vector<128x4x80xi1>, vector<128x4x80xi32>
    %reduce_min3A_906 = arith.constant dense<2147483647> : vector<128x4xi32>
    %reduce_min3A_907 = vector.multi_reduction <minsi>, %select_n3A_905, %reduce_min3A_906 [2] : vector<128x4x80xi32> to vector<128x4xi32>
    %broadcast_in_dim3A_908 = vector.shape_cast %reduce_min3A_907 : vector<128x4xi32> to vector<128x4x1xi32>
    %jit3A_909 = arith.constant 9.99999997E-7 : f32
    %jit3A_910 = arith.constant 1.000000e+00 : f32
    %max3A_911 = vector.broadcast %jit3A_909 : f32 to vector<128x4x1xf32>
    %max3A_912 = arith.maximumf %max3A_911, %broadcast_in_dim3A_900 : vector<128x4x1xf32>
    %min3A_913 = vector.broadcast %jit3A_910 : f32 to vector<128x4x1xf32>
    %min3A_914 = arith.minimumf %min3A_913, %max3A_912 : vector<128x4x1xf32>
    %log3A_915 = math.log %min3A_914 : vector<128x4x1xf32>
    %eq3A_916 = arith.constant 27 : i32
    %eq3A_917 = vector.broadcast %eq3A_916 : i32 to vector<128x4x32xi32>
    %eq3A_918 = arith.cmpi eq, %iota3A_36, %eq3A_917 : vector<128x4x32xi32>
    %broadcast_in_dim3A_919 = vector.shape_cast %broadcast_in_dim3A_908 : vector<128x4x1xi32> to vector<128x4x1xi32>
    %broadcast_in_dim3A_920 = vector.broadcast %broadcast_in_dim3A_919 : vector<128x4x1xi32> to vector<128x4x32xi32>
    %select_n3A_921 = arith.select %eq3A_918, %broadcast_in_dim3A_920, %select_n3A_889 : vector<128x4x32xi1>, vector<128x4x32xi32>
    %broadcast_in_dim3A_922 = vector.shape_cast %log3A_915 : vector<128x4x1xf32> to vector<128x4x1xf32>
    %broadcast_in_dim3A_923 = vector.broadcast %broadcast_in_dim3A_922 : vector<128x4x1xf32> to vector<128x4x32xf32>
    %select_n3A_924 = arith.select %eq3A_918, %broadcast_in_dim3A_923, %select_n3A_892 : vector<128x4x32xi1>, vector<128x4x32xf32>
    %eq3A_925 = vector.broadcast %broadcast_in_dim3A_908 : vector<128x4x1xi32> to vector<128x4x80xi32>
    %eq3A_926 = arith.cmpi eq, %iota3A, %eq3A_925 : vector<128x4x80xi32>
    %jit3A_927 = arith.constant -1.000000e+00 : f32
    %broadcast_in_dim3A_928 = vector.broadcast %jit3A_927 : f32 to vector<128x4x80xf32>
    %select_n3A_929 = arith.select %eq3A_926, %broadcast_in_dim3A_928, %select_n3A_897 : vector<128x4x80xi1>, vector<128x4x80xf32>
    %reduce_max3A_930 = arith.constant dense<0xFF800000> : vector<128x4xf32>
    %reduce_max3A_931 = vector.multi_reduction <maximumf>, %select_n3A_929, %reduce_max3A_930 [2] : vector<128x4x80xf32> to vector<128x4xf32>
    %broadcast_in_dim3A_932 = vector.shape_cast %reduce_max3A_931 : vector<128x4xf32> to vector<128x4x1xf32>
    %eq3A_933 = vector.broadcast %broadcast_in_dim3A_932 : vector<128x4x1xf32> to vector<128x4x80xf32>
    %eq3A_934 = arith.cmpf oeq, %select_n3A_929, %eq3A_933 : vector<128x4x80xf32>
    %jit3A_935 = arith.constant 80 : i32
    %broadcast_in_dim3A_936 = vector.broadcast %jit3A_935 : i32 to vector<128x4x80xi32>
    %select_n3A_937 = arith.select %eq3A_934, %iota3A, %broadcast_in_dim3A_936 : vector<128x4x80xi1>, vector<128x4x80xi32>
    %reduce_min3A_938 = arith.constant dense<2147483647> : vector<128x4xi32>
    %reduce_min3A_939 = vector.multi_reduction <minsi>, %select_n3A_937, %reduce_min3A_938 [2] : vector<128x4x80xi32> to vector<128x4xi32>
    %broadcast_in_dim3A_940 = vector.shape_cast %reduce_min3A_939 : vector<128x4xi32> to vector<128x4x1xi32>
    %jit3A_941 = arith.constant 9.99999997E-7 : f32
    %jit3A_942 = arith.constant 1.000000e+00 : f32
    %max3A_943 = vector.broadcast %jit3A_941 : f32 to vector<128x4x1xf32>
    %max3A_944 = arith.maximumf %max3A_943, %broadcast_in_dim3A_932 : vector<128x4x1xf32>
    %min3A_945 = vector.broadcast %jit3A_942 : f32 to vector<128x4x1xf32>
    %min3A_946 = arith.minimumf %min3A_945, %max3A_944 : vector<128x4x1xf32>
    %log3A_947 = math.log %min3A_946 : vector<128x4x1xf32>
    %eq3A_948 = arith.constant 28 : i32
    %eq3A_949 = vector.broadcast %eq3A_948 : i32 to vector<128x4x32xi32>
    %eq3A_950 = arith.cmpi eq, %iota3A_36, %eq3A_949 : vector<128x4x32xi32>
    %broadcast_in_dim3A_951 = vector.shape_cast %broadcast_in_dim3A_940 : vector<128x4x1xi32> to vector<128x4x1xi32>
    %broadcast_in_dim3A_952 = vector.broadcast %broadcast_in_dim3A_951 : vector<128x4x1xi32> to vector<128x4x32xi32>
    %select_n3A_953 = arith.select %eq3A_950, %broadcast_in_dim3A_952, %select_n3A_921 : vector<128x4x32xi1>, vector<128x4x32xi32>
    %broadcast_in_dim3A_954 = vector.shape_cast %log3A_947 : vector<128x4x1xf32> to vector<128x4x1xf32>
    %broadcast_in_dim3A_955 = vector.broadcast %broadcast_in_dim3A_954 : vector<128x4x1xf32> to vector<128x4x32xf32>
    %select_n3A_956 = arith.select %eq3A_950, %broadcast_in_dim3A_955, %select_n3A_924 : vector<128x4x32xi1>, vector<128x4x32xf32>
    %eq3A_957 = vector.broadcast %broadcast_in_dim3A_940 : vector<128x4x1xi32> to vector<128x4x80xi32>
    %eq3A_958 = arith.cmpi eq, %iota3A, %eq3A_957 : vector<128x4x80xi32>
    %jit3A_959 = arith.constant -1.000000e+00 : f32
    %broadcast_in_dim3A_960 = vector.broadcast %jit3A_959 : f32 to vector<128x4x80xf32>
    %select_n3A_961 = arith.select %eq3A_958, %broadcast_in_dim3A_960, %select_n3A_929 : vector<128x4x80xi1>, vector<128x4x80xf32>
    %reduce_max3A_962 = arith.constant dense<0xFF800000> : vector<128x4xf32>
    %reduce_max3A_963 = vector.multi_reduction <maximumf>, %select_n3A_961, %reduce_max3A_962 [2] : vector<128x4x80xf32> to vector<128x4xf32>
    %broadcast_in_dim3A_964 = vector.shape_cast %reduce_max3A_963 : vector<128x4xf32> to vector<128x4x1xf32>
    %eq3A_965 = vector.broadcast %broadcast_in_dim3A_964 : vector<128x4x1xf32> to vector<128x4x80xf32>
    %eq3A_966 = arith.cmpf oeq, %select_n3A_961, %eq3A_965 : vector<128x4x80xf32>
    %jit3A_967 = arith.constant 80 : i32
    %broadcast_in_dim3A_968 = vector.broadcast %jit3A_967 : i32 to vector<128x4x80xi32>
    %select_n3A_969 = arith.select %eq3A_966, %iota3A, %broadcast_in_dim3A_968 : vector<128x4x80xi1>, vector<128x4x80xi32>
    %reduce_min3A_970 = arith.constant dense<2147483647> : vector<128x4xi32>
    %reduce_min3A_971 = vector.multi_reduction <minsi>, %select_n3A_969, %reduce_min3A_970 [2] : vector<128x4x80xi32> to vector<128x4xi32>
    %broadcast_in_dim3A_972 = vector.shape_cast %reduce_min3A_971 : vector<128x4xi32> to vector<128x4x1xi32>
    %jit3A_973 = arith.constant 9.99999997E-7 : f32
    %jit3A_974 = arith.constant 1.000000e+00 : f32
    %max3A_975 = vector.broadcast %jit3A_973 : f32 to vector<128x4x1xf32>
    %max3A_976 = arith.maximumf %max3A_975, %broadcast_in_dim3A_964 : vector<128x4x1xf32>
    %min3A_977 = vector.broadcast %jit3A_974 : f32 to vector<128x4x1xf32>
    %min3A_978 = arith.minimumf %min3A_977, %max3A_976 : vector<128x4x1xf32>
    %log3A_979 = math.log %min3A_978 : vector<128x4x1xf32>
    %eq3A_980 = arith.constant 29 : i32
    %eq3A_981 = vector.broadcast %eq3A_980 : i32 to vector<128x4x32xi32>
    %eq3A_982 = arith.cmpi eq, %iota3A_36, %eq3A_981 : vector<128x4x32xi32>
    %broadcast_in_dim3A_983 = vector.shape_cast %broadcast_in_dim3A_972 : vector<128x4x1xi32> to vector<128x4x1xi32>
    %broadcast_in_dim3A_984 = vector.broadcast %broadcast_in_dim3A_983 : vector<128x4x1xi32> to vector<128x4x32xi32>
    %select_n3A_985 = arith.select %eq3A_982, %broadcast_in_dim3A_984, %select_n3A_953 : vector<128x4x32xi1>, vector<128x4x32xi32>
    %broadcast_in_dim3A_986 = vector.shape_cast %log3A_979 : vector<128x4x1xf32> to vector<128x4x1xf32>
    %broadcast_in_dim3A_987 = vector.broadcast %broadcast_in_dim3A_986 : vector<128x4x1xf32> to vector<128x4x32xf32>
    %select_n3A_988 = arith.select %eq3A_982, %broadcast_in_dim3A_987, %select_n3A_956 : vector<128x4x32xi1>, vector<128x4x32xf32>
    %eq3A_989 = vector.broadcast %broadcast_in_dim3A_972 : vector<128x4x1xi32> to vector<128x4x80xi32>
    %eq3A_990 = arith.cmpi eq, %iota3A, %eq3A_989 : vector<128x4x80xi32>
    %jit3A_991 = arith.constant -1.000000e+00 : f32
    %broadcast_in_dim3A_992 = vector.broadcast %jit3A_991 : f32 to vector<128x4x80xf32>
    %select_n3A_993 = arith.select %eq3A_990, %broadcast_in_dim3A_992, %select_n3A_961 : vector<128x4x80xi1>, vector<128x4x80xf32>
    %reduce_max3A_994 = arith.constant dense<0xFF800000> : vector<128x4xf32>
    %reduce_max3A_995 = vector.multi_reduction <maximumf>, %select_n3A_993, %reduce_max3A_994 [2] : vector<128x4x80xf32> to vector<128x4xf32>
    %broadcast_in_dim3A_996 = vector.shape_cast %reduce_max3A_995 : vector<128x4xf32> to vector<128x4x1xf32>
    %eq3A_997 = vector.broadcast %broadcast_in_dim3A_996 : vector<128x4x1xf32> to vector<128x4x80xf32>
    %eq3A_998 = arith.cmpf oeq, %select_n3A_993, %eq3A_997 : vector<128x4x80xf32>
    %jit3A_999 = arith.constant 80 : i32
    %broadcast_in_dim3A_1000 = vector.broadcast %jit3A_999 : i32 to vector<128x4x80xi32>
    %select_n3A_1001 = arith.select %eq3A_998, %iota3A, %broadcast_in_dim3A_1000 : vector<128x4x80xi1>, vector<128x4x80xi32>
    %reduce_min3A_1002 = arith.constant dense<2147483647> : vector<128x4xi32>
    %reduce_min3A_1003 = vector.multi_reduction <minsi>, %select_n3A_1001, %reduce_min3A_1002 [2] : vector<128x4x80xi32> to vector<128x4xi32>
    %broadcast_in_dim3A_1004 = vector.shape_cast %reduce_min3A_1003 : vector<128x4xi32> to vector<128x4x1xi32>
    %jit3A_1005 = arith.constant 9.99999997E-7 : f32
    %jit3A_1006 = arith.constant 1.000000e+00 : f32
    %max3A_1007 = vector.broadcast %jit3A_1005 : f32 to vector<128x4x1xf32>
    %max3A_1008 = arith.maximumf %max3A_1007, %broadcast_in_dim3A_996 : vector<128x4x1xf32>
    %min3A_1009 = vector.broadcast %jit3A_1006 : f32 to vector<128x4x1xf32>
    %min3A_1010 = arith.minimumf %min3A_1009, %max3A_1008 : vector<128x4x1xf32>
    %log3A_1011 = math.log %min3A_1010 : vector<128x4x1xf32>
    %eq3A_1012 = arith.constant 30 : i32
    %eq3A_1013 = vector.broadcast %eq3A_1012 : i32 to vector<128x4x32xi32>
    %eq3A_1014 = arith.cmpi eq, %iota3A_36, %eq3A_1013 : vector<128x4x32xi32>
    %broadcast_in_dim3A_1015 = vector.shape_cast %broadcast_in_dim3A_1004 : vector<128x4x1xi32> to vector<128x4x1xi32>
    %broadcast_in_dim3A_1016 = vector.broadcast %broadcast_in_dim3A_1015 : vector<128x4x1xi32> to vector<128x4x32xi32>
    %select_n3A_1017 = arith.select %eq3A_1014, %broadcast_in_dim3A_1016, %select_n3A_985 : vector<128x4x32xi1>, vector<128x4x32xi32>
    %broadcast_in_dim3A_1018 = vector.shape_cast %log3A_1011 : vector<128x4x1xf32> to vector<128x4x1xf32>
    %broadcast_in_dim3A_1019 = vector.broadcast %broadcast_in_dim3A_1018 : vector<128x4x1xf32> to vector<128x4x32xf32>
    %select_n3A_1020 = arith.select %eq3A_1014, %broadcast_in_dim3A_1019, %select_n3A_988 : vector<128x4x32xi1>, vector<128x4x32xf32>
    %eq3A_1021 = vector.broadcast %broadcast_in_dim3A_1004 : vector<128x4x1xi32> to vector<128x4x80xi32>
    %eq3A_1022 = arith.cmpi eq, %iota3A, %eq3A_1021 : vector<128x4x80xi32>
    %jit3A_1023 = arith.constant -1.000000e+00 : f32
    %broadcast_in_dim3A_1024 = vector.broadcast %jit3A_1023 : f32 to vector<128x4x80xf32>
    %select_n3A_1025 = arith.select %eq3A_1022, %broadcast_in_dim3A_1024, %select_n3A_993 : vector<128x4x80xi1>, vector<128x4x80xf32>
    %reduce_max3A_1026 = arith.constant dense<0xFF800000> : vector<128x4xf32>
    %reduce_max3A_1027 = vector.multi_reduction <maximumf>, %select_n3A_1025, %reduce_max3A_1026 [2] : vector<128x4x80xf32> to vector<128x4xf32>
    %broadcast_in_dim3A_1028 = vector.shape_cast %reduce_max3A_1027 : vector<128x4xf32> to vector<128x4x1xf32>
    %eq3A_1029 = vector.broadcast %broadcast_in_dim3A_1028 : vector<128x4x1xf32> to vector<128x4x80xf32>
    %eq3A_1030 = arith.cmpf oeq, %select_n3A_1025, %eq3A_1029 : vector<128x4x80xf32>
    %jit3A_1031 = arith.constant 80 : i32
    %broadcast_in_dim3A_1032 = vector.broadcast %jit3A_1031 : i32 to vector<128x4x80xi32>
    %select_n3A_1033 = arith.select %eq3A_1030, %iota3A, %broadcast_in_dim3A_1032 : vector<128x4x80xi1>, vector<128x4x80xi32>
    %reduce_min3A_1034 = arith.constant dense<2147483647> : vector<128x4xi32>
    %reduce_min3A_1035 = vector.multi_reduction <minsi>, %select_n3A_1033, %reduce_min3A_1034 [2] : vector<128x4x80xi32> to vector<128x4xi32>
    %broadcast_in_dim3A_1036 = vector.shape_cast %reduce_min3A_1035 : vector<128x4xi32> to vector<128x4x1xi32>
    %jit3A_1037 = arith.constant 9.99999997E-7 : f32
    %jit3A_1038 = arith.constant 1.000000e+00 : f32
    %max3A_1039 = vector.broadcast %jit3A_1037 : f32 to vector<128x4x1xf32>
    %max3A_1040 = arith.maximumf %max3A_1039, %broadcast_in_dim3A_1028 : vector<128x4x1xf32>
    %min3A_1041 = vector.broadcast %jit3A_1038 : f32 to vector<128x4x1xf32>
    %min3A_1042 = arith.minimumf %min3A_1041, %max3A_1040 : vector<128x4x1xf32>
    %log3A_1043 = math.log %min3A_1042 : vector<128x4x1xf32>
    %eq3A_1044 = arith.constant 31 : i32
    %eq3A_1045 = vector.broadcast %eq3A_1044 : i32 to vector<128x4x32xi32>
    %eq3A_1046 = arith.cmpi eq, %iota3A_36, %eq3A_1045 : vector<128x4x32xi32>
    %broadcast_in_dim3A_1047 = vector.shape_cast %broadcast_in_dim3A_1036 : vector<128x4x1xi32> to vector<128x4x1xi32>
    %broadcast_in_dim3A_1048 = vector.broadcast %broadcast_in_dim3A_1047 : vector<128x4x1xi32> to vector<128x4x32xi32>
    %select_n3A_1049 = arith.select %eq3A_1046, %broadcast_in_dim3A_1048, %select_n3A_1017 : vector<128x4x32xi1>, vector<128x4x32xi32>
    %broadcast_in_dim3A_1050 = vector.shape_cast %log3A_1043 : vector<128x4x1xf32> to vector<128x4x1xf32>
    %broadcast_in_dim3A_1051 = vector.broadcast %broadcast_in_dim3A_1050 : vector<128x4x1xf32> to vector<128x4x32xf32>
    %select_n3A_1052 = arith.select %eq3A_1046, %broadcast_in_dim3A_1051, %select_n3A_1020 : vector<128x4x32xi1>, vector<128x4x32xf32>
    %swap3A = arith.constant 0 : index
    %swap3A_1053 = arith.constant 0 : index
    %swap3A_1054 = arith.constant 0 : index
    %swap3A_1055 = vector.load %arg7[%swap3A, %swap3A_1053, %swap3A_1054] : memref<128x4x32xi32, #tpu.memory_space<vmem>>, vector<128x4x32xi32>
    tpu.vector_store %arg7[%swap3A, %swap3A_1053, %swap3A_1054], %select_n3A_1049 {strides = array<i32>} : memref<128x4x32xi32, #tpu.memory_space<vmem>>, vector<128x4x32xi32>,
    %reduce_sum3A_1056 = arith.constant dense<0.000000e+00> : vector<128x32xf32>
    %reduce_sum3A_1057 = vector.multi_reduction <add>, %select_n3A_1052, %reduce_sum3A_1056 [1] : vector<128x4x32xf32> to vector<128x32xf32>
    %swap3A_1058 = arith.constant 0 : index
    %swap3A_1059 = arith.constant 0 : index
    %swap3A_1060 = vector.load %arg8[%swap3A_1058, %swap3A_1059] : memref<128x32xf32, #tpu.memory_space<vmem>>, vector<128x32xf32>
    tpu.vector_store %arg8[%swap3A_1058, %swap3A_1059], %reduce_sum3A_1057 {strides = array<i32>} : memref<128x32xf32, #tpu.memory_space<vmem>>, vector<128x32xf32>,
    return
  }
  func.func @transform_0(%arg0: i32) -> (i32, i32, i32) {
    %c0_i32 = arith.constant 0 : i32
    %c0_i32_0 = arith.constant 0 : i32
    %c0_i32_1 = arith.constant 0 : i32
    return %arg0, %c0_i32, %c0_i32_0 : i32, i32, i32
  }
  func.func @transform_1(%arg0: i32) -> (i32, i32) {
    %c0_i32 = arith.constant 0 : i32
    %c0_i32_0 = arith.constant 0 : i32
    return %arg0, %c0_i32 : i32, i32
  }
  func.func @transform_2(%arg0: i32) -> (i32, i32) {
    %c0_i32 = arith.constant 0 : i32
    %c0_i32_0 = arith.constant 0 : i32
    %c0_i32_1 = arith.constant 0 : i32
    return %c0_i32, %c0_i32_0 : i32, i32
  }
  func.func @transform_3(%arg0: i32) -> (i32, i32) {
    %c0_i32 = arith.constant 0 : i32
    %c0_i32_0 = arith.constant 0 : i32
    %c0_i32_1 = arith.constant 0 : i32
    return %c0_i32, %c0_i32_0 : i32, i32
  }
  func.func @transform_4(%arg0: i32) -> (i32, i32) {
    %c0_i32 = arith.constant 0 : i32
    %c0_i32_0 = arith.constant 0 : i32
    %c0_i32_1 = arith.constant 0 : i32
    return %c0_i32, %c0_i32_0 : i32, i32
  }
  func.func @transform_5(%arg0: i32) -> (i32, i32) {
    %c0_i32 = arith.constant 0 : i32
    %c0_i32_0 = arith.constant 0 : i32
    %c0_i32_1 = arith.constant 0 : i32
    return %c0_i32, %c0_i32_0 : i32, i32
  }
  func.func @transform_6(%arg0: i32) -> (i32, i32, i32) {
    %c0_i32 = arith.constant 0 : i32
    %c0_i32_0 = arith.constant 0 : i32
    %c0_i32_1 = arith.constant 0 : i32
    return %arg0, %c0_i32, %c0_i32_0 : i32, i32, i32
  }
  func.func @transform_7(%arg0: i32) -> (i32, i32) {
    %c0_i32 = arith.constant 0 : i32
    %c0_i32_0 = arith.constant 0 : i32
    return %arg0, %c0_i32 : i32, i32
  }
}

module attributes {stable_mosaic.version = 14 : i64} {
  func.func @_mlp1_body(%arg0: i32, %arg1: memref<512x488xf32, #tpu.memory_space<vmem>>, %arg2: memref<488x256xbf16, #tpu.memory_space<vmem>>, %arg3: memref<1x256xf32, #tpu.memory_space<vmem>>, %arg4: memref<1x256xf32, #tpu.memory_space<vmem>>, %arg5: memref<1x256xf32, #tpu.memory_space<vmem>>, %arg6: memref<256x256xbf16, #tpu.memory_space<vmem>>, %arg7: memref<1x256xf32, #tpu.memory_space<vmem>>, %arg8: memref<1x256xf32, #tpu.memory_space<vmem>>, %arg9: memref<1x256xf32, #tpu.memory_space<vmem>>, %arg10: memref<256x256xbf16, #tpu.memory_space<vmem>>, %arg11: memref<1x256xf32, #tpu.memory_space<vmem>>, %arg12: memref<1x256xf32, #tpu.memory_space<vmem>>, %arg13: memref<1x256xf32, #tpu.memory_space<vmem>>, %arg14: memref<256x128xbf16, #tpu.memory_space<vmem>>, %arg15: memref<1x128xf32, #tpu.memory_space<vmem>>, %arg16: memref<1x128xf32, #tpu.memory_space<vmem>>, %arg17: memref<1x128xf32, #tpu.memory_space<vmem>>, %arg18: memref<512x128xbf16, #tpu.memory_space<vmem>>) attributes {dimension_semantics = [#tpu.dimension_semantics<arbitrary>], iteration_bounds = array<i64: 160>, scalar_prefetch = 0 : i64, scratch_operands = 0 : i64, tpu.core_type = #tpu.core_type<tc>, window_params = [{transform_indices = @transform_0, window_bounds = array<i64: 512, 488>}, {pipeline_mode = #tpu.pipeline_mode<synchronous>, transform_indices = @transform_1, window_bounds = array<i64: 488, 256>}, {pipeline_mode = #tpu.pipeline_mode<synchronous>, transform_indices = @transform_2, window_bounds = array<i64: 1, 256>}, {pipeline_mode = #tpu.pipeline_mode<synchronous>, transform_indices = @transform_3, window_bounds = array<i64: 1, 256>}, {pipeline_mode = #tpu.pipeline_mode<synchronous>, transform_indices = @transform_4, window_bounds = array<i64: 1, 256>}, {pipeline_mode = #tpu.pipeline_mode<synchronous>, transform_indices = @transform_5, window_bounds = array<i64: 256, 256>}, {pipeline_mode = #tpu.pipeline_mode<synchronous>, transform_indices = @transform_6, window_bounds = array<i64: 1, 256>}, {pipeline_mode = #tpu.pipeline_mode<synchronous>, transform_indices = @transform_7, window_bounds = array<i64: 1, 256>}, {pipeline_mode = #tpu.pipeline_mode<synchronous>, transform_indices = @transform_8, window_bounds = array<i64: 1, 256>}, {pipeline_mode = #tpu.pipeline_mode<synchronous>, transform_indices = @transform_9, window_bounds = array<i64: 256, 256>}, {pipeline_mode = #tpu.pipeline_mode<synchronous>, transform_indices = @transform_10, window_bounds = array<i64: 1, 256>}, {pipeline_mode = #tpu.pipeline_mode<synchronous>, transform_indices = @transform_11, window_bounds = array<i64: 1, 256>}, {pipeline_mode = #tpu.pipeline_mode<synchronous>, transform_indices = @transform_12, window_bounds = array<i64: 1, 256>}, {pipeline_mode = #tpu.pipeline_mode<synchronous>, transform_indices = @transform_13, window_bounds = array<i64: 256, 128>}, {pipeline_mode = #tpu.pipeline_mode<synchronous>, transform_indices = @transform_14, window_bounds = array<i64: 1, 128>}, {pipeline_mode = #tpu.pipeline_mode<synchronous>, transform_indices = @transform_15, window_bounds = array<i64: 1, 128>}, {pipeline_mode = #tpu.pipeline_mode<synchronous>, transform_indices = @transform_16, window_bounds = array<i64: 1, 128>}, {transform_indices = @transform_17, window_bounds = array<i64: 512, 128>}]} {
    %get3A = arith.constant 0 : index
    %get3A_0 = arith.constant 0 : index
    %get3A_1 = vector.load %arg1[%get3A, %get3A_0] : memref<512x488xf32, #tpu.memory_space<vmem>>, vector<512x488xf32>
    %convert_element_type3A = arith.truncf %get3A_1 : vector<512x488xf32> to vector<512x488xbf16>
    %get3A_2 = arith.constant 0 : index
    %get3A_3 = arith.constant 0 : index
    %get3A_4 = vector.load %arg2[%get3A_2, %get3A_3] : memref<488x256xbf16, #tpu.memory_space<vmem>>, vector<488x256xbf16>
    %dot_general3A = arith.constant dense<0.000000e+00> : vector<512x256xf32>
    %dot_general3A_5 = tpu.matmul %convert_element_type3A, %get3A_4, %dot_general3A {dimension_numbers = #tpu.dot_dimension_numbers<[1], [0], [0], [1], [0, 0, 1, 1], [], []>, transpose_lhs_hint = false} : vector<512x488xbf16>, vector<488x256xbf16>, vector<512x256xf32> -> vector<512x256xf32>
    %get3A_6 = arith.constant 0 : index
    %get3A_7 = arith.constant 0 : index
    %get3A_8 = vector.load %arg3[%get3A_6, %get3A_7] : memref<1x256xf32, #tpu.memory_space<vmem>>, vector<1x256xf32>
    %add3A = vector.broadcast %get3A_8 : vector<1x256xf32> to vector<512x256xf32>
    %add3A_9 = arith.addf %dot_general3A_5, %add3A : vector<512x256xf32>
    %logistic3A = arith.negf %add3A_9 : vector<512x256xf32>
    %logistic3A_10 = math.exp %logistic3A : vector<512x256xf32>
    %logistic3A_11 = arith.constant 1.000000e+00 : f32
    %logistic3A_12 = vector.broadcast %logistic3A_11 : f32 to vector<512x256xf32>
    %logistic3A_13 = arith.addf %logistic3A_12, %logistic3A_10 : vector<512x256xf32>
    %logistic3A_14 = arith.divf %logistic3A_12, %logistic3A_13 : vector<512x256xf32>
    %mul3A = arith.mulf %add3A_9, %logistic3A_14 : vector<512x256xf32>
    %get3A_15 = arith.constant 0 : index
    %get3A_16 = arith.constant 0 : index
    %get3A_17 = vector.load %arg4[%get3A_15, %get3A_16] : memref<1x256xf32, #tpu.memory_space<vmem>>, vector<1x256xf32>
    %mul3A_18 = vector.broadcast %get3A_17 : vector<1x256xf32> to vector<512x256xf32>
    %mul3A_19 = arith.mulf %mul3A_18, %mul3A : vector<512x256xf32>
    %get3A_20 = arith.constant 0 : index
    %get3A_21 = arith.constant 0 : index
    %get3A_22 = vector.load %arg5[%get3A_20, %get3A_21] : memref<1x256xf32, #tpu.memory_space<vmem>>, vector<1x256xf32>
    %add3A_23 = vector.broadcast %get3A_22 : vector<1x256xf32> to vector<512x256xf32>
    %add3A_24 = arith.addf %mul3A_19, %add3A_23 : vector<512x256xf32>
    %convert_element_type3A_25 = arith.truncf %add3A_24 : vector<512x256xf32> to vector<512x256xbf16>
    %get3A_26 = arith.constant 0 : index
    %get3A_27 = arith.constant 0 : index
    %get3A_28 = vector.load %arg6[%get3A_26, %get3A_27] : memref<256x256xbf16, #tpu.memory_space<vmem>>, vector<256x256xbf16>
    %dot_general3A_29 = arith.constant dense<0.000000e+00> : vector<512x256xf32>
    %dot_general3A_30 = tpu.matmul %convert_element_type3A_25, %get3A_28, %dot_general3A_29 {dimension_numbers = #tpu.dot_dimension_numbers<[1], [0], [0], [1], [0, 0, 1, 1], [], []>, transpose_lhs_hint = false} : vector<512x256xbf16>, vector<256x256xbf16>, vector<512x256xf32> -> vector<512x256xf32>
    %get3A_31 = arith.constant 0 : index
    %get3A_32 = arith.constant 0 : index
    %get3A_33 = vector.load %arg7[%get3A_31, %get3A_32] : memref<1x256xf32, #tpu.memory_space<vmem>>, vector<1x256xf32>
    %add3A_34 = vector.broadcast %get3A_33 : vector<1x256xf32> to vector<512x256xf32>
    %add3A_35 = arith.addf %dot_general3A_30, %add3A_34 : vector<512x256xf32>
    %logistic3A_36 = arith.negf %add3A_35 : vector<512x256xf32>
    %logistic3A_37 = math.exp %logistic3A_36 : vector<512x256xf32>
    %logistic3A_38 = arith.constant 1.000000e+00 : f32
    %logistic3A_39 = vector.broadcast %logistic3A_38 : f32 to vector<512x256xf32>
    %logistic3A_40 = arith.addf %logistic3A_39, %logistic3A_37 : vector<512x256xf32>
    %logistic3A_41 = arith.divf %logistic3A_39, %logistic3A_40 : vector<512x256xf32>
    %mul3A_42 = arith.mulf %add3A_35, %logistic3A_41 : vector<512x256xf32>
    %get3A_43 = arith.constant 0 : index
    %get3A_44 = arith.constant 0 : index
    %get3A_45 = vector.load %arg8[%get3A_43, %get3A_44] : memref<1x256xf32, #tpu.memory_space<vmem>>, vector<1x256xf32>
    %mul3A_46 = vector.broadcast %get3A_45 : vector<1x256xf32> to vector<512x256xf32>
    %mul3A_47 = arith.mulf %mul3A_46, %mul3A_42 : vector<512x256xf32>
    %get3A_48 = arith.constant 0 : index
    %get3A_49 = arith.constant 0 : index
    %get3A_50 = vector.load %arg9[%get3A_48, %get3A_49] : memref<1x256xf32, #tpu.memory_space<vmem>>, vector<1x256xf32>
    %add3A_51 = vector.broadcast %get3A_50 : vector<1x256xf32> to vector<512x256xf32>
    %add3A_52 = arith.addf %mul3A_47, %add3A_51 : vector<512x256xf32>
    %convert_element_type3A_53 = arith.truncf %add3A_52 : vector<512x256xf32> to vector<512x256xbf16>
    %get3A_54 = arith.constant 0 : index
    %get3A_55 = arith.constant 0 : index
    %get3A_56 = vector.load %arg10[%get3A_54, %get3A_55] : memref<256x256xbf16, #tpu.memory_space<vmem>>, vector<256x256xbf16>
    %dot_general3A_57 = arith.constant dense<0.000000e+00> : vector<512x256xf32>
    %dot_general3A_58 = tpu.matmul %convert_element_type3A_53, %get3A_56, %dot_general3A_57 {dimension_numbers = #tpu.dot_dimension_numbers<[1], [0], [0], [1], [0, 0, 1, 1], [], []>, transpose_lhs_hint = false} : vector<512x256xbf16>, vector<256x256xbf16>, vector<512x256xf32> -> vector<512x256xf32>
    %get3A_59 = arith.constant 0 : index
    %get3A_60 = arith.constant 0 : index
    %get3A_61 = vector.load %arg11[%get3A_59, %get3A_60] : memref<1x256xf32, #tpu.memory_space<vmem>>, vector<1x256xf32>
    %add3A_62 = vector.broadcast %get3A_61 : vector<1x256xf32> to vector<512x256xf32>
    %add3A_63 = arith.addf %dot_general3A_58, %add3A_62 : vector<512x256xf32>
    %logistic3A_64 = arith.negf %add3A_63 : vector<512x256xf32>
    %logistic3A_65 = math.exp %logistic3A_64 : vector<512x256xf32>
    %logistic3A_66 = arith.constant 1.000000e+00 : f32
    %logistic3A_67 = vector.broadcast %logistic3A_66 : f32 to vector<512x256xf32>
    %logistic3A_68 = arith.addf %logistic3A_67, %logistic3A_65 : vector<512x256xf32>
    %logistic3A_69 = arith.divf %logistic3A_67, %logistic3A_68 : vector<512x256xf32>
    %mul3A_70 = arith.mulf %add3A_63, %logistic3A_69 : vector<512x256xf32>
    %get3A_71 = arith.constant 0 : index
    %get3A_72 = arith.constant 0 : index
    %get3A_73 = vector.load %arg12[%get3A_71, %get3A_72] : memref<1x256xf32, #tpu.memory_space<vmem>>, vector<1x256xf32>
    %mul3A_74 = vector.broadcast %get3A_73 : vector<1x256xf32> to vector<512x256xf32>
    %mul3A_75 = arith.mulf %mul3A_74, %mul3A_70 : vector<512x256xf32>
    %get3A_76 = arith.constant 0 : index
    %get3A_77 = arith.constant 0 : index
    %get3A_78 = vector.load %arg13[%get3A_76, %get3A_77] : memref<1x256xf32, #tpu.memory_space<vmem>>, vector<1x256xf32>
    %add3A_79 = vector.broadcast %get3A_78 : vector<1x256xf32> to vector<512x256xf32>
    %add3A_80 = arith.addf %mul3A_75, %add3A_79 : vector<512x256xf32>
    %convert_element_type3A_81 = arith.truncf %add3A_80 : vector<512x256xf32> to vector<512x256xbf16>
    %get3A_82 = arith.constant 0 : index
    %get3A_83 = arith.constant 0 : index
    %get3A_84 = vector.load %arg14[%get3A_82, %get3A_83] : memref<256x128xbf16, #tpu.memory_space<vmem>>, vector<256x128xbf16>
    %dot_general3A_85 = arith.constant dense<0.000000e+00> : vector<512x128xf32>
    %dot_general3A_86 = tpu.matmul %convert_element_type3A_81, %get3A_84, %dot_general3A_85 {dimension_numbers = #tpu.dot_dimension_numbers<[1], [0], [0], [1], [0, 0, 1, 1], [], []>, transpose_lhs_hint = false} : vector<512x256xbf16>, vector<256x128xbf16>, vector<512x128xf32> -> vector<512x128xf32>
    %get3A_87 = arith.constant 0 : index
    %get3A_88 = arith.constant 0 : index
    %get3A_89 = vector.load %arg15[%get3A_87, %get3A_88] : memref<1x128xf32, #tpu.memory_space<vmem>>, vector<1x128xf32>
    %add3A_90 = vector.broadcast %get3A_89 : vector<1x128xf32> to vector<512x128xf32>
    %add3A_91 = arith.addf %dot_general3A_86, %add3A_90 : vector<512x128xf32>
    %logistic3A_92 = arith.negf %add3A_91 : vector<512x128xf32>
    %logistic3A_93 = math.exp %logistic3A_92 : vector<512x128xf32>
    %logistic3A_94 = arith.constant 1.000000e+00 : f32
    %logistic3A_95 = vector.broadcast %logistic3A_94 : f32 to vector<512x128xf32>
    %logistic3A_96 = arith.addf %logistic3A_95, %logistic3A_93 : vector<512x128xf32>
    %logistic3A_97 = arith.divf %logistic3A_95, %logistic3A_96 : vector<512x128xf32>
    %mul3A_98 = arith.mulf %add3A_91, %logistic3A_97 : vector<512x128xf32>
    %get3A_99 = arith.constant 0 : index
    %get3A_100 = arith.constant 0 : index
    %get3A_101 = vector.load %arg16[%get3A_99, %get3A_100] : memref<1x128xf32, #tpu.memory_space<vmem>>, vector<1x128xf32>
    %mul3A_102 = vector.broadcast %get3A_101 : vector<1x128xf32> to vector<512x128xf32>
    %mul3A_103 = arith.mulf %mul3A_102, %mul3A_98 : vector<512x128xf32>
    %get3A_104 = arith.constant 0 : index
    %get3A_105 = arith.constant 0 : index
    %get3A_106 = vector.load %arg17[%get3A_104, %get3A_105] : memref<1x128xf32, #tpu.memory_space<vmem>>, vector<1x128xf32>
    %add3A_107 = vector.broadcast %get3A_106 : vector<1x128xf32> to vector<512x128xf32>
    %add3A_108 = arith.addf %mul3A_103, %add3A_107 : vector<512x128xf32>
    %convert_element_type3A_109 = arith.truncf %add3A_108 : vector<512x128xf32> to vector<512x128xbf16>
    %swap3A = arith.constant 0 : index
    %swap3A_110 = arith.constant 0 : index
    %swap3A_111 = vector.load %arg18[%swap3A, %swap3A_110] : memref<512x128xbf16, #tpu.memory_space<vmem>>, vector<512x128xbf16>
    tpu.vector_store %arg18[%swap3A, %swap3A_110], %convert_element_type3A_109 {strides = array<i32>} : memref<512x128xbf16, #tpu.memory_space<vmem>>, vector<512x128xbf16>,
    return
  }
  func.func @transform_0(%arg0: i32) -> (i32, i32) {
    %c0_i32 = arith.constant 0 : i32
    %c0_i32_0 = arith.constant 0 : i32
    return %arg0, %c0_i32 : i32, i32
  }
  func.func @transform_1(%arg0: i32) -> (i32, i32) {
    %c0_i32 = arith.constant 0 : i32
    %c0_i32_0 = arith.constant 0 : i32
    %c0_i32_1 = arith.constant 0 : i32
    return %c0_i32, %c0_i32_0 : i32, i32
  }
  func.func @transform_2(%arg0: i32) -> (i32, i32) {
    %c0_i32 = arith.constant 0 : i32
    %c0_i32_0 = arith.constant 0 : i32
    %c0_i32_1 = arith.constant 0 : i32
    return %c0_i32, %c0_i32_0 : i32, i32
  }
  func.func @transform_3(%arg0: i32) -> (i32, i32) {
    %c0_i32 = arith.constant 0 : i32
    %c0_i32_0 = arith.constant 0 : i32
    %c0_i32_1 = arith.constant 0 : i32
    return %c0_i32, %c0_i32_0 : i32, i32
  }
  func.func @transform_4(%arg0: i32) -> (i32, i32) {
    %c0_i32 = arith.constant 0 : i32
    %c0_i32_0 = arith.constant 0 : i32
    %c0_i32_1 = arith.constant 0 : i32
    return %c0_i32, %c0_i32_0 : i32, i32
  }
  func.func @transform_5(%arg0: i32) -> (i32, i32) {
    %c0_i32 = arith.constant 0 : i32
    %c0_i32_0 = arith.constant 0 : i32
    %c0_i32_1 = arith.constant 0 : i32
    return %c0_i32, %c0_i32_0 : i32, i32
  }
  func.func @transform_6(%arg0: i32) -> (i32, i32) {
    %c0_i32 = arith.constant 0 : i32
    %c0_i32_0 = arith.constant 0 : i32
    %c0_i32_1 = arith.constant 0 : i32
    return %c0_i32, %c0_i32_0 : i32, i32
  }
  func.func @transform_7(%arg0: i32) -> (i32, i32) {
    %c0_i32 = arith.constant 0 : i32
    %c0_i32_0 = arith.constant 0 : i32
    %c0_i32_1 = arith.constant 0 : i32
    return %c0_i32, %c0_i32_0 : i32, i32
  }
  func.func @transform_8(%arg0: i32) -> (i32, i32) {
    %c0_i32 = arith.constant 0 : i32
    %c0_i32_0 = arith.constant 0 : i32
    %c0_i32_1 = arith.constant 0 : i32
    return %c0_i32, %c0_i32_0 : i32, i32
  }
  func.func @transform_9(%arg0: i32) -> (i32, i32) {
    %c0_i32 = arith.constant 0 : i32
    %c0_i32_0 = arith.constant 0 : i32
    %c0_i32_1 = arith.constant 0 : i32
    return %c0_i32, %c0_i32_0 : i32, i32
  }
  func.func @transform_10(%arg0: i32) -> (i32, i32) {
    %c0_i32 = arith.constant 0 : i32
    %c0_i32_0 = arith.constant 0 : i32
    %c0_i32_1 = arith.constant 0 : i32
    return %c0_i32, %c0_i32_0 : i32, i32
  }
  func.func @transform_11(%arg0: i32) -> (i32, i32) {
    %c0_i32 = arith.constant 0 : i32
    %c0_i32_0 = arith.constant 0 : i32
    %c0_i32_1 = arith.constant 0 : i32
    return %c0_i32, %c0_i32_0 : i32, i32
  }
  func.func @transform_12(%arg0: i32) -> (i32, i32) {
    %c0_i32 = arith.constant 0 : i32
    %c0_i32_0 = arith.constant 0 : i32
    %c0_i32_1 = arith.constant 0 : i32
    return %c0_i32, %c0_i32_0 : i32, i32
  }
  func.func @transform_13(%arg0: i32) -> (i32, i32) {
    %c0_i32 = arith.constant 0 : i32
    %c0_i32_0 = arith.constant 0 : i32
    %c0_i32_1 = arith.constant 0 : i32
    return %c0_i32, %c0_i32_0 : i32, i32
  }
  func.func @transform_14(%arg0: i32) -> (i32, i32) {
    %c0_i32 = arith.constant 0 : i32
    %c0_i32_0 = arith.constant 0 : i32
    %c0_i32_1 = arith.constant 0 : i32
    return %c0_i32, %c0_i32_0 : i32, i32
  }
  func.func @transform_15(%arg0: i32) -> (i32, i32) {
    %c0_i32 = arith.constant 0 : i32
    %c0_i32_0 = arith.constant 0 : i32
    %c0_i32_1 = arith.constant 0 : i32
    return %c0_i32, %c0_i32_0 : i32, i32
  }
  func.func @transform_16(%arg0: i32) -> (i32, i32) {
    %c0_i32 = arith.constant 0 : i32
    %c0_i32_0 = arith.constant 0 : i32
    %c0_i32_1 = arith.constant 0 : i32
    return %c0_i32, %c0_i32_0 : i32, i32
  }
  func.func @transform_17(%arg0: i32) -> (i32, i32) {
    %c0_i32 = arith.constant 0 : i32
    %c0_i32_0 = arith.constant 0 : i32
    return %arg0, %c0_i32 : i32, i32
  }
}

module attributes {stable_mosaic.version = 14 : i64} {
  func.func @_mlp2_body(%arg0: i32, %arg1: memref<640x128xbf16, #tpu.memory_space<vmem>>, %arg2: memref<8x4x32xi32, #tpu.memory_space<vmem>>, %arg3: memref<256x1xf32, #tpu.memory_space<vmem>>, %arg4: memref<512x512xbf16, #tpu.memory_space<vmem>>, %arg5: memref<1x512xf32, #tpu.memory_space<vmem>>, %arg6: memref<1x512xf32, #tpu.memory_space<vmem>>, %arg7: memref<1x512xf32, #tpu.memory_space<vmem>>, %arg8: memref<512x256xbf16, #tpu.memory_space<vmem>>, %arg9: memref<1x256xf32, #tpu.memory_space<vmem>>, %arg10: memref<1x256xf32, #tpu.memory_space<vmem>>, %arg11: memref<1x256xf32, #tpu.memory_space<vmem>>, %arg12: memref<256x128xbf16, #tpu.memory_space<vmem>>, %arg13: memref<1x128xf32, #tpu.memory_space<vmem>>, %arg14: memref<1x128xf32, #tpu.memory_space<vmem>>, %arg15: memref<1x128xf32, #tpu.memory_space<vmem>>, %arg16: memref<128x64xbf16, #tpu.memory_space<vmem>>, %arg17: memref<1x64xf32, #tpu.memory_space<vmem>>, %arg18: memref<1x64xf32, #tpu.memory_space<vmem>>, %arg19: memref<1x64xf32, #tpu.memory_space<vmem>>, %arg20: memref<64x4xbf16, #tpu.memory_space<vmem>>, %arg21: memref<1x4xf32, #tpu.memory_space<vmem>>, %arg22: memref<1x1xf32, #tpu.memory_space<vmem>>) attributes {dimension_semantics = [#tpu.dimension_semantics<arbitrary>], iteration_bounds = array<i64: 128>, scalar_prefetch = 0 : i64, scratch_operands = 0 : i64, tpu.core_type = #tpu.core_type<tc>, window_params = [{transform_indices = @transform_0, window_bounds = array<i64: 640, 128>}, {transform_indices = @transform_1, window_bounds = array<i64: 8, 4, 32>}, {transform_indices = @transform_2, window_bounds = array<i64: 256, 1>}, {pipeline_mode = #tpu.pipeline_mode<synchronous>, transform_indices = @transform_3, window_bounds = array<i64: 512, 512>}, {pipeline_mode = #tpu.pipeline_mode<synchronous>, transform_indices = @transform_4, window_bounds = array<i64: 1, 512>}, {pipeline_mode = #tpu.pipeline_mode<synchronous>, transform_indices = @transform_5, window_bounds = array<i64: 1, 512>}, {pipeline_mode = #tpu.pipeline_mode<synchronous>, transform_indices = @transform_6, window_bounds = array<i64: 1, 512>}, {pipeline_mode = #tpu.pipeline_mode<synchronous>, transform_indices = @transform_7, window_bounds = array<i64: 512, 256>}, {pipeline_mode = #tpu.pipeline_mode<synchronous>, transform_indices = @transform_8, window_bounds = array<i64: 1, 256>}, {pipeline_mode = #tpu.pipeline_mode<synchronous>, transform_indices = @transform_9, window_bounds = array<i64: 1, 256>}, {pipeline_mode = #tpu.pipeline_mode<synchronous>, transform_indices = @transform_10, window_bounds = array<i64: 1, 256>}, {pipeline_mode = #tpu.pipeline_mode<synchronous>, transform_indices = @transform_11, window_bounds = array<i64: 256, 128>}, {pipeline_mode = #tpu.pipeline_mode<synchronous>, transform_indices = @transform_12, window_bounds = array<i64: 1, 128>}, {pipeline_mode = #tpu.pipeline_mode<synchronous>, transform_indices = @transform_13, window_bounds = array<i64: 1, 128>}, {pipeline_mode = #tpu.pipeline_mode<synchronous>, transform_indices = @transform_14, window_bounds = array<i64: 1, 128>}, {pipeline_mode = #tpu.pipeline_mode<synchronous>, transform_indices = @transform_15, window_bounds = array<i64: 128, 64>}, {pipeline_mode = #tpu.pipeline_mode<synchronous>, transform_indices = @transform_16, window_bounds = array<i64: 1, 64>}, {pipeline_mode = #tpu.pipeline_mode<synchronous>, transform_indices = @transform_17, window_bounds = array<i64: 1, 64>}, {pipeline_mode = #tpu.pipeline_mode<synchronous>, transform_indices = @transform_18, window_bounds = array<i64: 1, 64>}, {pipeline_mode = #tpu.pipeline_mode<synchronous>, transform_indices = @transform_19, window_bounds = array<i64: 64, 4>}, {pipeline_mode = #tpu.pipeline_mode<synchronous>, transform_indices = @transform_20, window_bounds = array<i64: 1, 4>}, {pipeline_mode = #tpu.pipeline_mode<synchronous>, transform_indices = @transform_21, window_bounds = array<i64: 1, 1>}]} {
    %iota3A = tpu.iota {dimensions = array<i32: 0>} : vector<8x32x1xi32>
    %mul3A = arith.constant 80 : i32
    %mul3A_0 = vector.broadcast %mul3A : i32 to vector<8x32x1xi32>
    %mul3A_1 = arith.muli %iota3A, %mul3A_0 : vector<8x32x1xi32>
    %iota3A_2 = tpu.iota {dimensions = array<i32: 2>} : vector<8x32x640xi32>
    %get3A = arith.constant 0 : index
    %get3A_3 = arith.constant 0 : index
    %get3A_4 = vector.load %arg1[%get3A, %get3A_3] : memref<640x128xbf16, #tpu.memory_space<vmem>>, vector<640x128xbf16>
    %get3A_5 = arith.constant 0 : index
    %get3A_6 = arith.constant 0 : index
    %get3A_7 = arith.constant 0 : index
    %get3A_8 = vector.load %arg2[%get3A_5, %get3A_6, %get3A_7] : memref<8x4x32xi32, #tpu.memory_space<vmem>>, vector<8x1x32xi32>
    %get3A_9 = vector.shape_cast %get3A_8 : vector<8x1x32xi32> to vector<8x32xi32>
    %broadcast_in_dim3A = vector.shape_cast %get3A_9 : vector<8x32xi32> to vector<8x32x1xi32>
    %add3A = arith.addi %broadcast_in_dim3A, %mul3A_1 : vector<8x32x1xi32>
    %eq3A = vector.broadcast %add3A : vector<8x32x1xi32> to vector<8x32x640xi32>
    %eq3A_10 = arith.cmpi eq, %iota3A_2, %eq3A : vector<8x32x640xi32>
    %jit3A = arith.constant 1.000000e+00 : f32
    %jit3A_11 = arith.constant 0.000000e+00 : f32
    %broadcast_in_dim3A_12 = vector.broadcast %jit3A : f32 to vector<8x32x640xf32>
    %broadcast_in_dim3A_13 = vector.broadcast %jit3A_11 : f32 to vector<8x32x640xf32>
    %select_n3A = arith.select %eq3A_10, %broadcast_in_dim3A_12, %broadcast_in_dim3A_13 : vector<8x32x640xi1>, vector<8x32x640xf32>
    %convert_element_type3A = arith.truncf %select_n3A : vector<8x32x640xf32> to vector<8x32x640xbf16>
    %reshape3A = vector.shape_cast %convert_element_type3A : vector<8x32x640xbf16> to vector<256x640xbf16>
    %dot_general3A = arith.constant dense<0.000000e+00> : vector<256x128xf32>
    %dot_general3A_14 = tpu.matmul %reshape3A, %get3A_4, %dot_general3A {dimension_numbers = #tpu.dot_dimension_numbers<[1], [0], [0], [1], [0, 0, 1, 1], [], []>, transpose_lhs_hint = false} : vector<256x640xbf16>, vector<640x128xbf16>, vector<256x128xf32> -> vector<256x128xf32>
    %get3A_15 = arith.constant 0 : index
    %get3A_16 = arith.constant 1 : index
    %get3A_17 = arith.constant 0 : index
    %get3A_18 = vector.load %arg2[%get3A_15, %get3A_16, %get3A_17] : memref<8x4x32xi32, #tpu.memory_space<vmem>>, vector<8x1x32xi32>
    %get3A_19 = vector.shape_cast %get3A_18 : vector<8x1x32xi32> to vector<8x32xi32>
    %broadcast_in_dim3A_20 = vector.shape_cast %get3A_19 : vector<8x32xi32> to vector<8x32x1xi32>
    %add3A_21 = arith.addi %broadcast_in_dim3A_20, %mul3A_1 : vector<8x32x1xi32>
    %eq3A_22 = vector.broadcast %add3A_21 : vector<8x32x1xi32> to vector<8x32x640xi32>
    %eq3A_23 = arith.cmpi eq, %iota3A_2, %eq3A_22 : vector<8x32x640xi32>
    %jit3A_24 = arith.constant 1.000000e+00 : f32
    %jit3A_25 = arith.constant 0.000000e+00 : f32
    %broadcast_in_dim3A_26 = vector.broadcast %jit3A_24 : f32 to vector<8x32x640xf32>
    %broadcast_in_dim3A_27 = vector.broadcast %jit3A_25 : f32 to vector<8x32x640xf32>
    %select_n3A_28 = arith.select %eq3A_23, %broadcast_in_dim3A_26, %broadcast_in_dim3A_27 : vector<8x32x640xi1>, vector<8x32x640xf32>
    %convert_element_type3A_29 = arith.truncf %select_n3A_28 : vector<8x32x640xf32> to vector<8x32x640xbf16>
    %reshape3A_30 = vector.shape_cast %convert_element_type3A_29 : vector<8x32x640xbf16> to vector<256x640xbf16>
    %dot_general3A_31 = arith.constant dense<0.000000e+00> : vector<256x128xf32>
    %dot_general3A_32 = tpu.matmul %reshape3A_30, %get3A_4, %dot_general3A_31 {dimension_numbers = #tpu.dot_dimension_numbers<[1], [0], [0], [1], [0, 0, 1, 1], [], []>, transpose_lhs_hint = false} : vector<256x640xbf16>, vector<640x128xbf16>, vector<256x128xf32> -> vector<256x128xf32>
    %get3A_33 = arith.constant 0 : index
    %get3A_34 = arith.constant 2 : index
    %get3A_35 = arith.constant 0 : index
    %get3A_36 = vector.load %arg2[%get3A_33, %get3A_34, %get3A_35] : memref<8x4x32xi32, #tpu.memory_space<vmem>>, vector<8x1x32xi32>
    %get3A_37 = vector.shape_cast %get3A_36 : vector<8x1x32xi32> to vector<8x32xi32>
    %broadcast_in_dim3A_38 = vector.shape_cast %get3A_37 : vector<8x32xi32> to vector<8x32x1xi32>
    %add3A_39 = arith.addi %broadcast_in_dim3A_38, %mul3A_1 : vector<8x32x1xi32>
    %eq3A_40 = vector.broadcast %add3A_39 : vector<8x32x1xi32> to vector<8x32x640xi32>
    %eq3A_41 = arith.cmpi eq, %iota3A_2, %eq3A_40 : vector<8x32x640xi32>
    %jit3A_42 = arith.constant 1.000000e+00 : f32
    %jit3A_43 = arith.constant 0.000000e+00 : f32
    %broadcast_in_dim3A_44 = vector.broadcast %jit3A_42 : f32 to vector<8x32x640xf32>
    %broadcast_in_dim3A_45 = vector.broadcast %jit3A_43 : f32 to vector<8x32x640xf32>
    %select_n3A_46 = arith.select %eq3A_41, %broadcast_in_dim3A_44, %broadcast_in_dim3A_45 : vector<8x32x640xi1>, vector<8x32x640xf32>
    %convert_element_type3A_47 = arith.truncf %select_n3A_46 : vector<8x32x640xf32> to vector<8x32x640xbf16>
    %reshape3A_48 = vector.shape_cast %convert_element_type3A_47 : vector<8x32x640xbf16> to vector<256x640xbf16>
    %dot_general3A_49 = arith.constant dense<0.000000e+00> : vector<256x128xf32>
    %dot_general3A_50 = tpu.matmul %reshape3A_48, %get3A_4, %dot_general3A_49 {dimension_numbers = #tpu.dot_dimension_numbers<[1], [0], [0], [1], [0, 0, 1, 1], [], []>, transpose_lhs_hint = false} : vector<256x640xbf16>, vector<640x128xbf16>, vector<256x128xf32> -> vector<256x128xf32>
    %get3A_51 = arith.constant 0 : index
    %get3A_52 = arith.constant 3 : index
    %get3A_53 = arith.constant 0 : index
    %get3A_54 = vector.load %arg2[%get3A_51, %get3A_52, %get3A_53] : memref<8x4x32xi32, #tpu.memory_space<vmem>>, vector<8x1x32xi32>
    %get3A_55 = vector.shape_cast %get3A_54 : vector<8x1x32xi32> to vector<8x32xi32>
    %broadcast_in_dim3A_56 = vector.shape_cast %get3A_55 : vector<8x32xi32> to vector<8x32x1xi32>
    %add3A_57 = arith.addi %broadcast_in_dim3A_56, %mul3A_1 : vector<8x32x1xi32>
    %eq3A_58 = vector.broadcast %add3A_57 : vector<8x32x1xi32> to vector<8x32x640xi32>
    %eq3A_59 = arith.cmpi eq, %iota3A_2, %eq3A_58 : vector<8x32x640xi32>
    %jit3A_60 = arith.constant 1.000000e+00 : f32
    %jit3A_61 = arith.constant 0.000000e+00 : f32
    %broadcast_in_dim3A_62 = vector.broadcast %jit3A_60 : f32 to vector<8x32x640xf32>
    %broadcast_in_dim3A_63 = vector.broadcast %jit3A_61 : f32 to vector<8x32x640xf32>
    %select_n3A_64 = arith.select %eq3A_59, %broadcast_in_dim3A_62, %broadcast_in_dim3A_63 : vector<8x32x640xi1>, vector<8x32x640xf32>
    %convert_element_type3A_65 = arith.truncf %select_n3A_64 : vector<8x32x640xf32> to vector<8x32x640xbf16>
    %reshape3A_66 = vector.shape_cast %convert_element_type3A_65 : vector<8x32x640xbf16> to vector<256x640xbf16>
    %dot_general3A_67 = arith.constant dense<0.000000e+00> : vector<256x128xf32>
    %dot_general3A_68 = tpu.matmul %reshape3A_66, %get3A_4, %dot_general3A_67 {dimension_numbers = #tpu.dot_dimension_numbers<[1], [0], [0], [1], [0, 0, 1, 1], [], []>, transpose_lhs_hint = false} : vector<256x640xbf16>, vector<640x128xbf16>, vector<256x128xf32> -> vector<256x128xf32>
    %concatenate3A = tpu.concatenate %dot_general3A_14, %dot_general3A_32, %dot_general3A_50, %dot_general3A_68 in 1 : vector<256x128xf32>, vector<256x128xf32>, vector<256x128xf32>, vector<256x128xf32> -> vector<256x512xf32>
    %convert_element_type3A_69 = arith.truncf %concatenate3A : vector<256x512xf32> to vector<256x512xbf16>
    %get3A_70 = arith.constant 0 : index
    %get3A_71 = arith.constant 0 : index
    %get3A_72 = vector.load %arg4[%get3A_70, %get3A_71] : memref<512x512xbf16, #tpu.memory_space<vmem>>, vector<512x512xbf16>
    %dot_general3A_73 = arith.constant dense<0.000000e+00> : vector<256x512xf32>
    %dot_general3A_74 = tpu.matmul %convert_element_type3A_69, %get3A_72, %dot_general3A_73 {dimension_numbers = #tpu.dot_dimension_numbers<[1], [0], [0], [1], [0, 0, 1, 1], [], []>, transpose_lhs_hint = false} : vector<256x512xbf16>, vector<512x512xbf16>, vector<256x512xf32> -> vector<256x512xf32>
    %get3A_75 = arith.constant 0 : index
    %get3A_76 = arith.constant 0 : index
    %get3A_77 = vector.load %arg5[%get3A_75, %get3A_76] : memref<1x512xf32, #tpu.memory_space<vmem>>, vector<1x512xf32>
    %add3A_78 = vector.broadcast %get3A_77 : vector<1x512xf32> to vector<256x512xf32>
    %add3A_79 = arith.addf %dot_general3A_74, %add3A_78 : vector<256x512xf32>
    %logistic3A = arith.negf %add3A_79 : vector<256x512xf32>
    %logistic3A_80 = math.exp %logistic3A : vector<256x512xf32>
    %logistic3A_81 = arith.constant 1.000000e+00 : f32
    %logistic3A_82 = vector.broadcast %logistic3A_81 : f32 to vector<256x512xf32>
    %logistic3A_83 = arith.addf %logistic3A_82, %logistic3A_80 : vector<256x512xf32>
    %logistic3A_84 = arith.divf %logistic3A_82, %logistic3A_83 : vector<256x512xf32>
    %mul3A_85 = arith.mulf %add3A_79, %logistic3A_84 : vector<256x512xf32>
    %get3A_86 = arith.constant 0 : index
    %get3A_87 = arith.constant 0 : index
    %get3A_88 = vector.load %arg6[%get3A_86, %get3A_87] : memref<1x512xf32, #tpu.memory_space<vmem>>, vector<1x512xf32>
    %mul3A_89 = vector.broadcast %get3A_88 : vector<1x512xf32> to vector<256x512xf32>
    %mul3A_90 = arith.mulf %mul3A_89, %mul3A_85 : vector<256x512xf32>
    %get3A_91 = arith.constant 0 : index
    %get3A_92 = arith.constant 0 : index
    %get3A_93 = vector.load %arg7[%get3A_91, %get3A_92] : memref<1x512xf32, #tpu.memory_space<vmem>>, vector<1x512xf32>
    %add3A_94 = vector.broadcast %get3A_93 : vector<1x512xf32> to vector<256x512xf32>
    %add3A_95 = arith.addf %mul3A_90, %add3A_94 : vector<256x512xf32>
    %convert_element_type3A_96 = arith.truncf %add3A_95 : vector<256x512xf32> to vector<256x512xbf16>
    %get3A_97 = arith.constant 0 : index
    %get3A_98 = arith.constant 0 : index
    %get3A_99 = vector.load %arg8[%get3A_97, %get3A_98] : memref<512x256xbf16, #tpu.memory_space<vmem>>, vector<512x256xbf16>
    %dot_general3A_100 = arith.constant dense<0.000000e+00> : vector<256x256xf32>
    %dot_general3A_101 = tpu.matmul %convert_element_type3A_96, %get3A_99, %dot_general3A_100 {dimension_numbers = #tpu.dot_dimension_numbers<[1], [0], [0], [1], [0, 0, 1, 1], [], []>, transpose_lhs_hint = false} : vector<256x512xbf16>, vector<512x256xbf16>, vector<256x256xf32> -> vector<256x256xf32>
    %get3A_102 = arith.constant 0 : index
    %get3A_103 = arith.constant 0 : index
    %get3A_104 = vector.load %arg9[%get3A_102, %get3A_103] : memref<1x256xf32, #tpu.memory_space<vmem>>, vector<1x256xf32>
    %add3A_105 = vector.broadcast %get3A_104 : vector<1x256xf32> to vector<256x256xf32>
    %add3A_106 = arith.addf %dot_general3A_101, %add3A_105 : vector<256x256xf32>
    %logistic3A_107 = arith.negf %add3A_106 : vector<256x256xf32>
    %logistic3A_108 = math.exp %logistic3A_107 : vector<256x256xf32>
    %logistic3A_109 = arith.constant 1.000000e+00 : f32
    %logistic3A_110 = vector.broadcast %logistic3A_109 : f32 to vector<256x256xf32>
    %logistic3A_111 = arith.addf %logistic3A_110, %logistic3A_108 : vector<256x256xf32>
    %logistic3A_112 = arith.divf %logistic3A_110, %logistic3A_111 : vector<256x256xf32>
    %mul3A_113 = arith.mulf %add3A_106, %logistic3A_112 : vector<256x256xf32>
    %get3A_114 = arith.constant 0 : index
    %get3A_115 = arith.constant 0 : index
    %get3A_116 = vector.load %arg10[%get3A_114, %get3A_115] : memref<1x256xf32, #tpu.memory_space<vmem>>, vector<1x256xf32>
    %mul3A_117 = vector.broadcast %get3A_116 : vector<1x256xf32> to vector<256x256xf32>
    %mul3A_118 = arith.mulf %mul3A_117, %mul3A_113 : vector<256x256xf32>
    %get3A_119 = arith.constant 0 : index
    %get3A_120 = arith.constant 0 : index
    %get3A_121 = vector.load %arg11[%get3A_119, %get3A_120] : memref<1x256xf32, #tpu.memory_space<vmem>>, vector<1x256xf32>
    %add3A_122 = vector.broadcast %get3A_121 : vector<1x256xf32> to vector<256x256xf32>
    %add3A_123 = arith.addf %mul3A_118, %add3A_122 : vector<256x256xf32>
    %convert_element_type3A_124 = arith.truncf %add3A_123 : vector<256x256xf32> to vector<256x256xbf16>
    %get3A_125 = arith.constant 0 : index
    %get3A_126 = arith.constant 0 : index
    %get3A_127 = vector.load %arg12[%get3A_125, %get3A_126] : memref<256x128xbf16, #tpu.memory_space<vmem>>, vector<256x128xbf16>
    %dot_general3A_128 = arith.constant dense<0.000000e+00> : vector<256x128xf32>
    %dot_general3A_129 = tpu.matmul %convert_element_type3A_124, %get3A_127, %dot_general3A_128 {dimension_numbers = #tpu.dot_dimension_numbers<[1], [0], [0], [1], [0, 0, 1, 1], [], []>, transpose_lhs_hint = false} : vector<256x256xbf16>, vector<256x128xbf16>, vector<256x128xf32> -> vector<256x128xf32>
    %get3A_130 = arith.constant 0 : index
    %get3A_131 = arith.constant 0 : index
    %get3A_132 = vector.load %arg13[%get3A_130, %get3A_131] : memref<1x128xf32, #tpu.memory_space<vmem>>, vector<1x128xf32>
    %add3A_133 = vector.broadcast %get3A_132 : vector<1x128xf32> to vector<256x128xf32>
    %add3A_134 = arith.addf %dot_general3A_129, %add3A_133 : vector<256x128xf32>
    %logistic3A_135 = arith.negf %add3A_134 : vector<256x128xf32>
    %logistic3A_136 = math.exp %logistic3A_135 : vector<256x128xf32>
    %logistic3A_137 = arith.constant 1.000000e+00 : f32
    %logistic3A_138 = vector.broadcast %logistic3A_137 : f32 to vector<256x128xf32>
    %logistic3A_139 = arith.addf %logistic3A_138, %logistic3A_136 : vector<256x128xf32>
    %logistic3A_140 = arith.divf %logistic3A_138, %logistic3A_139 : vector<256x128xf32>
    %mul3A_141 = arith.mulf %add3A_134, %logistic3A_140 : vector<256x128xf32>
    %get3A_142 = arith.constant 0 : index
    %get3A_143 = arith.constant 0 : index
    %get3A_144 = vector.load %arg14[%get3A_142, %get3A_143] : memref<1x128xf32, #tpu.memory_space<vmem>>, vector<1x128xf32>
    %mul3A_145 = vector.broadcast %get3A_144 : vector<1x128xf32> to vector<256x128xf32>
    %mul3A_146 = arith.mulf %mul3A_145, %mul3A_141 : vector<256x128xf32>
    %get3A_147 = arith.constant 0 : index
    %get3A_148 = arith.constant 0 : index
    %get3A_149 = vector.load %arg15[%get3A_147, %get3A_148] : memref<1x128xf32, #tpu.memory_space<vmem>>, vector<1x128xf32>
    %add3A_150 = vector.broadcast %get3A_149 : vector<1x128xf32> to vector<256x128xf32>
    %add3A_151 = arith.addf %mul3A_146, %add3A_150 : vector<256x128xf32>
    %convert_element_type3A_152 = arith.truncf %add3A_151 : vector<256x128xf32> to vector<256x128xbf16>
    %get3A_153 = arith.constant 0 : index
    %get3A_154 = arith.constant 0 : index
    %get3A_155 = vector.load %arg16[%get3A_153, %get3A_154] : memref<128x64xbf16, #tpu.memory_space<vmem>>, vector<128x64xbf16>
    %dot_general3A_156 = arith.constant dense<0.000000e+00> : vector<256x64xf32>
    %dot_general3A_157 = tpu.matmul %convert_element_type3A_152, %get3A_155, %dot_general3A_156 {dimension_numbers = #tpu.dot_dimension_numbers<[1], [0], [0], [1], [0, 0, 1, 1], [], []>, transpose_lhs_hint = false} : vector<256x128xbf16>, vector<128x64xbf16>, vector<256x64xf32> -> vector<256x64xf32>
    %get3A_158 = arith.constant 0 : index
    %get3A_159 = arith.constant 0 : index
    %get3A_160 = vector.load %arg17[%get3A_158, %get3A_159] : memref<1x64xf32, #tpu.memory_space<vmem>>, vector<1x64xf32>
    %add3A_161 = vector.broadcast %get3A_160 : vector<1x64xf32> to vector<256x64xf32>
    %add3A_162 = arith.addf %dot_general3A_157, %add3A_161 : vector<256x64xf32>
    %logistic3A_163 = arith.negf %add3A_162 : vector<256x64xf32>
    %logistic3A_164 = math.exp %logistic3A_163 : vector<256x64xf32>
    %logistic3A_165 = arith.constant 1.000000e+00 : f32
    %logistic3A_166 = vector.broadcast %logistic3A_165 : f32 to vector<256x64xf32>
    %logistic3A_167 = arith.addf %logistic3A_166, %logistic3A_164 : vector<256x64xf32>
    %logistic3A_168 = arith.divf %logistic3A_166, %logistic3A_167 : vector<256x64xf32>
    %mul3A_169 = arith.mulf %add3A_162, %logistic3A_168 : vector<256x64xf32>
    %get3A_170 = arith.constant 0 : index
    %get3A_171 = arith.constant 0 : index
    %get3A_172 = vector.load %arg18[%get3A_170, %get3A_171] : memref<1x64xf32, #tpu.memory_space<vmem>>, vector<1x64xf32>
    %mul3A_173 = vector.broadcast %get3A_172 : vector<1x64xf32> to vector<256x64xf32>
    %mul3A_174 = arith.mulf %mul3A_173, %mul3A_169 : vector<256x64xf32>
    %get3A_175 = arith.constant 0 : index
    %get3A_176 = arith.constant 0 : index
    %get3A_177 = vector.load %arg19[%get3A_175, %get3A_176] : memref<1x64xf32, #tpu.memory_space<vmem>>, vector<1x64xf32>
    %add3A_178 = vector.broadcast %get3A_177 : vector<1x64xf32> to vector<256x64xf32>
    %add3A_179 = arith.addf %mul3A_174, %add3A_178 : vector<256x64xf32>
    %convert_element_type3A_180 = arith.truncf %add3A_179 : vector<256x64xf32> to vector<256x64xbf16>
    %get3A_181 = arith.constant 0 : index
    %get3A_182 = arith.constant 0 : index
    %get3A_183 = vector.load %arg20[%get3A_181, %get3A_182] : memref<64x4xbf16, #tpu.memory_space<vmem>>, vector<64x4xbf16>
    %dot_general3A_184 = arith.constant dense<0.000000e+00> : vector<256x4xf32>
    %dot_general3A_185 = tpu.matmul %convert_element_type3A_180, %get3A_183, %dot_general3A_184 {dimension_numbers = #tpu.dot_dimension_numbers<[1], [0], [0], [1], [0, 0, 1, 1], [], []>, transpose_lhs_hint = false} : vector<256x64xbf16>, vector<64x4xbf16>, vector<256x4xf32> -> vector<256x4xf32>
    %get3A_186 = arith.constant 0 : index
    %get3A_187 = arith.constant 0 : index
    %get3A_188 = vector.load %arg21[%get3A_186, %get3A_187] : memref<1x4xf32, #tpu.memory_space<vmem>>, vector<1x4xf32>
    %add3A_189 = vector.broadcast %get3A_188 : vector<1x4xf32> to vector<256x4xf32>
    %add3A_190 = arith.addf %dot_general3A_185, %add3A_189 : vector<256x4xf32>
    %logistic3A_191 = arith.negf %add3A_190 : vector<256x4xf32>
    %logistic3A_192 = math.exp %logistic3A_191 : vector<256x4xf32>
    %logistic3A_193 = arith.constant 1.000000e+00 : f32
    %logistic3A_194 = vector.broadcast %logistic3A_193 : f32 to vector<256x4xf32>
    %logistic3A_195 = arith.addf %logistic3A_194, %logistic3A_192 : vector<256x4xf32>
    %logistic3A_196 = arith.divf %logistic3A_194, %logistic3A_195 : vector<256x4xf32>
    %reduce_sum3A = arith.constant dense<0.000000e+00> : vector<256xf32>
    %reduce_sum3A_197 = vector.multi_reduction <add>, %logistic3A_196, %reduce_sum3A [1] : vector<256x4xf32> to vector<256xf32>
    %broadcast_in_dim3A_198 = vector.shape_cast %reduce_sum3A_197 : vector<256xf32> to vector<256x1xf32>
    %get3A_199 = arith.constant 0 : index
    %get3A_200 = arith.constant 0 : index
    %get3A_201 = vector.load %arg3[%get3A_199, %get3A_200] : memref<256x1xf32, #tpu.memory_space<vmem>>, vector<256x1xf32>
    %mul3A_202 = arith.mulf %broadcast_in_dim3A_198, %get3A_201 : vector<256x1xf32>
    %reduce_sum3A_203 = vector.shape_cast %mul3A_202 : vector<256x1xf32> to vector<1x256x1xf32>
    %reduce_sum3A_204 = arith.constant dense<0.000000e+00> : vector<1xf32>
    %reduce_sum3A_205 = vector.multi_reduction <add>, %reduce_sum3A_203, %reduce_sum3A_204 [1, 2] : vector<1x256x1xf32> to vector<1xf32>
    %reduce_sum3A_206 = vector.shape_cast %reduce_sum3A_205 : vector<1xf32> to vector<1x1x1xf32>
    %reduce_sum3A_207 = vector.extract %reduce_sum3A_206[0, 0, 0] : f32 from vector<1x1x1xf32>
    %mul3A_208 = arith.constant -3.125000e-02 : f32
    %mul3A_209 = arith.mulf %reduce_sum3A_207, %mul3A_208 : f32
    %eq3A_210 = arith.constant 0 : i32
    %eq3A_211 = arith.cmpi eq, %arg0, %eq3A_210 : i32
    %broadcast_in_dim3A_212 = arith.constant 0.000000e+00 : f32
    %broadcast_in_dim3A_213 = vector.broadcast %broadcast_in_dim3A_212 : f32 to vector<1x1xf32>
    %get3A_214 = arith.constant 0 : index
    %get3A_215 = arith.constant 0 : index
    %get3A_216 = vector.load %arg22[%get3A_214, %get3A_215] : memref<1x1xf32, #tpu.memory_space<vmem>>, vector<1x1xf32>
    %select_n3A_217 = arith.select %eq3A_211, %broadcast_in_dim3A_213, %get3A_216 : vector<1x1xf32>
    %add3A_218 = vector.broadcast %mul3A_209 : f32 to vector<1x1xf32>
    %add3A_219 = arith.addf %select_n3A_217, %add3A_218 : vector<1x1xf32>
    %swap3A = arith.constant 0 : index
    %swap3A_220 = arith.constant 0 : index
    %swap3A_221 = vector.load %arg22[%swap3A, %swap3A_220] : memref<1x1xf32, #tpu.memory_space<vmem>>, vector<1x1xf32>
    tpu.vector_store %arg22[%swap3A, %swap3A_220], %add3A_219 {strides = array<i32>} : memref<1x1xf32, #tpu.memory_space<vmem>>, vector<1x1xf32>,
    return
  }
  func.func @transform_0(%arg0: i32) -> (i32, i32) {
    %c0_i32 = arith.constant 0 : i32
    %c0_i32_0 = arith.constant 0 : i32
    return %arg0, %c0_i32 : i32, i32
  }
  func.func @transform_1(%arg0: i32) -> (i32, i32, i32) {
    %c0_i32 = arith.constant 0 : i32
    %c0_i32_0 = arith.constant 0 : i32
    %c0_i32_1 = arith.constant 0 : i32
    return %arg0, %c0_i32, %c0_i32_0 : i32, i32, i32
  }
  func.func @transform_2(%arg0: i32) -> (i32, i32) {
    %c0_i32 = arith.constant 0 : i32
    %c0_i32_0 = arith.constant 0 : i32
    return %arg0, %c0_i32 : i32, i32
  }
  func.func @transform_3(%arg0: i32) -> (i32, i32) {
    %c0_i32 = arith.constant 0 : i32
    %c0_i32_0 = arith.constant 0 : i32
    %c0_i32_1 = arith.constant 0 : i32
    return %c0_i32, %c0_i32_0 : i32, i32
  }
  func.func @transform_4(%arg0: i32) -> (i32, i32) {
    %c0_i32 = arith.constant 0 : i32
    %c0_i32_0 = arith.constant 0 : i32
    %c0_i32_1 = arith.constant 0 : i32
    return %c0_i32, %c0_i32_0 : i32, i32
  }
  func.func @transform_5(%arg0: i32) -> (i32, i32) {
    %c0_i32 = arith.constant 0 : i32
    %c0_i32_0 = arith.constant 0 : i32
    %c0_i32_1 = arith.constant 0 : i32
    return %c0_i32, %c0_i32_0 : i32, i32
  }
  func.func @transform_6(%arg0: i32) -> (i32, i32) {
    %c0_i32 = arith.constant 0 : i32
    %c0_i32_0 = arith.constant 0 : i32
    %c0_i32_1 = arith.constant 0 : i32
    return %c0_i32, %c0_i32_0 : i32, i32
  }
  func.func @transform_7(%arg0: i32) -> (i32, i32) {
    %c0_i32 = arith.constant 0 : i32
    %c0_i32_0 = arith.constant 0 : i32
    %c0_i32_1 = arith.constant 0 : i32
    return %c0_i32, %c0_i32_0 : i32, i32
  }
  func.func @transform_8(%arg0: i32) -> (i32, i32) {
    %c0_i32 = arith.constant 0 : i32
    %c0_i32_0 = arith.constant 0 : i32
    %c0_i32_1 = arith.constant 0 : i32
    return %c0_i32, %c0_i32_0 : i32, i32
  }
  func.func @transform_9(%arg0: i32) -> (i32, i32) {
    %c0_i32 = arith.constant 0 : i32
    %c0_i32_0 = arith.constant 0 : i32
    %c0_i32_1 = arith.constant 0 : i32
    return %c0_i32, %c0_i32_0 : i32, i32
  }
  func.func @transform_10(%arg0: i32) -> (i32, i32) {
    %c0_i32 = arith.constant 0 : i32
    %c0_i32_0 = arith.constant 0 : i32
    %c0_i32_1 = arith.constant 0 : i32
    return %c0_i32, %c0_i32_0 : i32, i32
  }
  func.func @transform_11(%arg0: i32) -> (i32, i32) {
    %c0_i32 = arith.constant 0 : i32
    %c0_i32_0 = arith.constant 0 : i32
    %c0_i32_1 = arith.constant 0 : i32
    return %c0_i32, %c0_i32_0 : i32, i32
  }
  func.func @transform_12(%arg0: i32) -> (i32, i32) {
    %c0_i32 = arith.constant 0 : i32
    %c0_i32_0 = arith.constant 0 : i32
    %c0_i32_1 = arith.constant 0 : i32
    return %c0_i32, %c0_i32_0 : i32, i32
  }
  func.func @transform_13(%arg0: i32) -> (i32, i32) {
    %c0_i32 = arith.constant 0 : i32
    %c0_i32_0 = arith.constant 0 : i32
    %c0_i32_1 = arith.constant 0 : i32
    return %c0_i32, %c0_i32_0 : i32, i32
  }
  func.func @transform_14(%arg0: i32) -> (i32, i32) {
    %c0_i32 = arith.constant 0 : i32
    %c0_i32_0 = arith.constant 0 : i32
    %c0_i32_1 = arith.constant 0 : i32
    return %c0_i32, %c0_i32_0 : i32, i32
  }
  func.func @transform_15(%arg0: i32) -> (i32, i32) {
    %c0_i32 = arith.constant 0 : i32
    %c0_i32_0 = arith.constant 0 : i32
    %c0_i32_1 = arith.constant 0 : i32
    return %c0_i32, %c0_i32_0 : i32, i32
  }
  func.func @transform_16(%arg0: i32) -> (i32, i32) {
    %c0_i32 = arith.constant 0 : i32
    %c0_i32_0 = arith.constant 0 : i32
    %c0_i32_1 = arith.constant 0 : i32
    return %c0_i32, %c0_i32_0 : i32, i32
  }
  func.func @transform_17(%arg0: i32) -> (i32, i32) {
    %c0_i32 = arith.constant 0 : i32
    %c0_i32_0 = arith.constant 0 : i32
    %c0_i32_1 = arith.constant 0 : i32
    return %c0_i32, %c0_i32_0 : i32, i32
  }
  func.func @transform_18(%arg0: i32) -> (i32, i32) {
    %c0_i32 = arith.constant 0 : i32
    %c0_i32_0 = arith.constant 0 : i32
    %c0_i32_1 = arith.constant 0 : i32
    return %c0_i32, %c0_i32_0 : i32, i32
  }
  func.func @transform_19(%arg0: i32) -> (i32, i32) {
    %c0_i32 = arith.constant 0 : i32
    %c0_i32_0 = arith.constant 0 : i32
    %c0_i32_1 = arith.constant 0 : i32
    return %c0_i32, %c0_i32_0 : i32, i32
  }
  func.func @transform_20(%arg0: i32) -> (i32, i32) {
    %c0_i32 = arith.constant 0 : i32
    %c0_i32_0 = arith.constant 0 : i32
    %c0_i32_1 = arith.constant 0 : i32
    return %c0_i32, %c0_i32_0 : i32, i32
  }
  func.func @transform_21(%arg0: i32) -> (i32, i32) {
    %c0_i32 = arith.constant 0 : i32
    %c0_i32_0 = arith.constant 0 : i32
    %c0_i32_1 = arith.constant 0 : i32
    return %c0_i32, %c0_i32_0 : i32, i32
  }
}

</mosaic_0001>

<sc_bundles>
// kernel: kernel.6.cloned.1.call-start
scs
__scs_entry_jumppad:
0x0: {  	(pc) =	sbr.rel $0x88, $3  }
0x1: {  	(tag) =	ssettag $0x0;
	lr =	simm.s32 $0x1  }
0x2: {  	[smem:$0x3F47] =	sst lr;
	_ =	strace $0xD0000000  }
0x3: {  	_ = 	snop  }
0x4: {  	_ = 	snop  }
0x5: {  	_ = 	snop  }
0x6: {  	_ = 	snop  }
0x7: {  	_ = 	snop  }
__scs_overlays_trampoline_lowered:
0x8: {  	[smem:$0x3F56] =	sst s0  }
0x9: {  	[smem:$0x3F57] =	sst s1  }
0xa: {  	[smem:$0x3F58] =	sst s2  }
0xb: {  	[smem:$0x3F59] =	sst s3  }
0xc: {  	[smem:$0x3F5A] =	sst s4  }
0xd: {  	[smem:$0x3F5B] =	sst s5  }
0xe: {  	[smem:$0x3F5C] =	sst s6  }
0xf: {  	[smem:$0x3F5D] =	sst s7  }
0x10: {  	[smem:$0x3F5E] =	sst s8  }
0x11: {  	[smem:$0x3F5F] =	sst s9;
	s0 =	simm.s32 @!p0 $0x0  }
0x12: {  	s1 =	sld [smem:$0x3F45];
	s0 =	simm.s32 @p0 $0x1  }
0x13: {  	[smem:$0x3F60] =	sst s0;
	s0 =	simm.s32 @!p1 $0x0  }
0x14: {  	s2 =	sld [smem:$0x3F44];
	s0 =	simm.s32 @p1 $0x1  }
0x15: {  	[smem:$0x3F61] =	sst s0;
	s0 =	simm.s32 @!p2 $0x0  }
0x16: {  	s3 =	sld [smem:$0x3FDB];
	s0 =	simm.s32 @p2 $0x1  }
0x17: {  	s4 =	simm.s32 $0x1BF5;
	[smem:$0x3F63] =	sst s0  }
0x18: {  	s0 =	sld [smem:$0x3F46];
	_ =	swait.ge [sflag:s4], $0x0  }
0x19: {  	s7 =	sld [smem:$0x3F47]  }
0x1a: {  	s8 =	sadd.s32 $0xFFFFE003, lr  }
0x1b: {  	s9 =	sadd.s32 $0xFFFFFEF7, lr;
	s5 =	simm.s32 $0xFFFFFFFF;
	p2 =	slt.u32 s8, $0xFFFFF086  }
0x1c: {  	p1 =	slt.u32 s9, $0xF7A;
	s5 =	simm.s32 @!p2 $0x0  }
0x1d: {  	s5 =	simm.s32 @p1 $0x1;
	p0 =	seq.s32 s7, s2  }
0x1e: {  	s7 =	smul.u32 @!p0 $0xF7A, s2;
	p2 =	seq.s32 @!p0 s5, $0x0  }
0x1f: {  	s9 =	smul.u32 $0xF7A, s1;
	s8 =	simm.s32 @!p0 $0x1BF5;
	p2 =	por !p2, p0  }
0x20: {  	[sflag:s8] =	ssyncset.s32 @!p0 $0xFFFFF086;
	s6 =	sadd.s32 @!p0 s3, s7;
	s7 =	simm.s32 @!p0 $0x108  }
0x21: {  	s3 =	sadd.s32 s3, s9;
	s6 =	sadd.s32 @!p0 $0x88, s6;
	s7 =	simm.s32 @p2 $0x1082  }
0x22: {  	[simem:s7], [sflag:s8] =	dma.local @!p0 [hbm:s6], $0xF7A  }
0x23: {  	s9 =	sor.u32 $0xD0000000, s2;
	s6 =	simm.s32 $0x108;
	_ =	swait.ge @!p0 [sflag:s8], $0x0  }
0x24: {  	s3 =	sadd.s32 $0x88, s3;
	s6 =	simm.s32 @!p1 $0x1082;
	[sflag:s4] =	ssyncset.s32 $0xFFFFF086  }
0x25: {  	[simem:s6], [sflag:s4] =	dma.local [hbm:s3], $0xF7A  }
0x26: {  	[smem:$0x3F47] =	sst s1;
	(tag) =	ssettag s2;
	_ =	strace s9  }
0x27: {  	s1 =	sld [smem:$0x3F57]  }
0x28: {  	s2 =	sld [smem:$0x3F58]  }
0x29: {  	s4 =	sld [smem:$0x3F5A]  }
0x2a: {  	p0 =	seq.s32 s5, $0x0;
	s5 =	sld [smem:$0x3F5B]  }
0x2b: {  	s6 =	sld [smem:$0x3F5C]  }
0x2c: {  	s7 =	sld [smem:$0x3F5D]  }
0x2d: {  	s3 =	simm.s32 $0x108;
	s8 =	sld [smem:$0x3F5E]  }
0x2e: {  	s3 =	simm.s32 @!p0 $0x1082;
	s9 =	sld [smem:$0x3F5F]  }
0x2f: {  	lr =	sadd.s32 s0, s3;
	s0 =	sld [smem:$0x3F56]  }
0x30: {  	s3 =	sld [smem:$0x3F59]  }
0x31: {  	[smem:$0x3F62] =	sst s10  }
0x32: {  	s10 =	sld [smem:$0x3F60];
	_ =	sdelay $0x3  }
0x33: {  	p0 =	seq.s32 s10, $0x1;
	s10 =	sld [smem:$0x3F62];
	_ =	sdelay $0x3  }
0x34: {  	[smem:$0x3F62] =	sst s10  }
0x35: {  	s10 =	sld [smem:$0x3F61];
	_ =	sdelay $0x3  }
0x36: {  	p1 =	seq.s32 s10, $0x1;
	s10 =	sld [smem:$0x3F62];
	_ =	sdelay $0x3  }
0x37: {  	[smem:$0x3F62] =	sst s10  }
0x38: {  	s10 =	sld [smem:$0x3F63]  }
0x39: {  	_ = 	snop;
	(pc) =	sbr.ind lr, $3  }
0x3a: {  	_ = 	snop  }
0x3b: {  	_ = 	snop  }
0x3c: {  	p2 =	seq.s32 s10, $0x1;
	s10 =	sld [smem:$0x3F62]  }
0x3d: {  	_ =	shalt  }
0x3e: {  	_ =	shalt  }
0x3f: {  	_ =	shalt  }
0x40: {  	_ =	shalt  }
0x41: {  	_ =	shalt  }
0x42: {  	_ =	shalt  }
0x43: {  	_ =	shalt  }
0x44: {  	_ =	shalt  }
0x45: {  	_ =	shalt  }
0x46: {  	_ =	shalt  }
0x47: {  	_ =	shalt  }
0x48: {  	_ =	shalt  }
0x49: {  	_ =	shalt  }
0x4a: {  	_ =	shalt  }
0x4b: {  	_ =	shalt  }
0x4c: {  	_ =	shalt  }
0x4d: {  	_ =	shalt  }
0x4e: {  	_ =	shalt  }
0x4f: {  	_ =	shalt  }
0x50: {  	_ =	shalt  }
0x51: {  	_ =	shalt  }
0x52: {  	_ =	shalt  }
0x53: {  	_ =	shalt  }
0x54: {  	_ =	shalt  }
0x55: {  	_ =	shalt  }
0x56: {  	_ =	shalt  }
0x57: {  	_ =	shalt  }
0x58: {  	_ =	shalt  }
0x59: {  	_ =	shalt  }
0x5a: {  	_ =	shalt  }
0x5b: {  	_ =	shalt  }
0x5c: {  	_ =	shalt  }
0x5d: {  	_ =	shalt  }
0x5e: {  	_ =	shalt  }
0x5f: {  	_ =	shalt  }
0x60: {  	_ =	shalt  }
0x61: {  	_ =	shalt  }
0x62: {  	_ =	shalt  }
0x63: {  	_ =	shalt  }
0x64: {  	_ =	shalt  }
0x65: {  	_ =	shalt  }
0x66: {  	_ =	shalt  }
0x67: {  	_ =	shalt  }
0x68: {  	_ =	shalt  }
0x69: {  	_ =	shalt  }
0x6a: {  	_ =	shalt  }
0x6b: {  	_ =	shalt  }
0x6c: {  	_ =	shalt  }
0x6d: {  	_ =	shalt  }
0x6e: {  	_ =	shalt  }
0x6f: {  	_ =	shalt  }
0x70: {  	_ =	shalt  }
0x71: {  	_ =	shalt  }
0x72: {  	_ =	shalt  }
0x73: {  	_ =	shalt  }
0x74: {  	_ =	shalt  }
0x75: {  	_ =	shalt  }
0x76: {  	_ =	shalt  }
0x77: {  	_ =	shalt  }
0x78: {  	_ =	shalt  }
0x79: {  	_ =	shalt  }
0x7a: {  	_ =	shalt  }
0x7b: {  	_ =	shalt  }
0x7c: {  	_ =	shalt  }
0x7d: {  	_ =	shalt  }
0x7e: {  	_ =	shalt  }
0x7f: {  	_ =	shalt  }
0x80: {  	_ =	shalt  }
0x81: {  	_ =	shalt  }
0x82: {  	_ =	shalt  }
0x83: {  	_ =	shalt  }
0x84: {  	_ =	shalt  }
0x85: {  	_ =	shalt  }
0x86: {  	_ =	shalt  }
0x87: {  	_ =	shalt  }
.Lfunc_end0:
.L_simem_size_0:
called_computation_lowered:
.L_overlay_start_0:
0x88: {  	s2 =	sld [smem:$0x3FD9]  }
0x89: {  	s3 =	sld [smem:$0x3FFE];
	_ =	sdelay $0x1  }
0x8a: {  	s1 =	srdreg.scid  }
0x8b: {  	s0 =	sand.u32 $0x1, s1  }
0x8c: {  	s17 =	sshll.u32 s0, $0xA;
	s2 =	sadd.s32 s3, s2  }
0x8d: {  	s2 =	sadd.s32 s2, s17  }
0x8e: {  	[smem:$0x3F6E] =	sst s2  }
0x8f: {  	_ = 	snop  }
0x90: {  	s2 =	sld [smem:$0x3FD0];
	(tm) =	ssettm $0x1  }
0x91: {  	s18 =	sld [smem:$0x3FFB];
	_ =	sdelay $0x3  }
0x92: {  	_ =	strace s18  }
0x93: {  	s3 =	sld [smem:$0x3FFC];
	_ =	sdelay $0x3  }
0x94: {  	_ =	strace s3  }
0x95: {  	s3 =	sld [smem:$0x3FFD];
	_ =	sdelay $0x3  }
0x96: {  	_ =	strace s3  }
0x97: {  	_ =	strace $0x8FFFFFFF  }
0x98: {  	s19 =	sld [smem:$0x3FDB];
	_ =	sdelay $0x1  }
0x99: {  	s4 =	simm.s32 $_scs_section_size  }
0x9a: {  	s5 =	simm.s32 $_size__tile_overlayer_lowered;
	s6 =	simm.s32 $_tile_overlayer_lowered  }
0x9b: {  	s22 =	simm.s32 $0x1BFF;
	s21 =	sshll.u32 s6, $0x1;
	s3 =	sadd.s32 s4, s19  }
0x9c: {  	s7 =	simm.s32 $0x0;
	s20 =	sshll.u32 s5, $0x1;
	s5 =	sadd.s32 s21, s3  }
0x9d: {  	[timem:s7], [sflag:s22] =	dma.local [hbm:s5], s20  }
0x9e: {  	_ =	swait.ge [sflag:s22], s20  }
0x9f: {  	s4 =	ssub.s32 $0x0, s20;
	[sflag:s22] =	ssyncset.done $0x0  }
0xa0: {  	[sflag:s22] =	ssyncadd.s32 s4;
	_ =	sdelay $0x1  }
0xa1: {  	s23 =	simm.s32 $0x1B8B  }
0xa2: {  	_ =	swait.ge [sflag:s23], $0x1  }
0xa3: {  	[sflag:s23] =	ssyncset.done $0x0  }
0xa4: {  	s25 =	simm.s32 $0x1B8E;
	s24 =	sld [smem:$0x3FFE];
	[sflag:s23] =	ssyncadd.s32 $0xFFFFFFFF  }
0xa5: {  	s26 =	simm.s32 $execute0_lowered;
	[smem:$0x3FD2] =	sst s25  }
0xa6: {  	s5 =	sshll.u32 s26, $0x1;
	_ =	strace $0x80000046;
	[dreg:$0x1] =	wrdreg $0xFFFFFFFF  }
0xa7: {  	s28 =	simm.s32 $_size_execute0_lowered;
	s3 =	sadd.s32 s3, s5;
	[dreg:$0x0] =	wrdreg $0x0  }
0xa8: {  	s5 =	sshll.u32 s28, $0x1;
	[dreg:$0x2] =	wrdreg s3  }
0xa9: {  	[dreg:$0x3] =	wrdreg s5  }
0xaa: {  	[dreg:$0x4] =	wrdreg $0xC0  }
0xab: {  	_ =	task [dreg:s7], $0x5FFFF  }
0xac: {  	[dreg:$0x1] =	wrdreg $0xFFFFFFFF  }
0xad: {  	[dreg:$0x0] =	wrdreg $0x60  }
0xae: {  	[dreg:$0x2] =	wrdreg s24  }
0xaf: {  	[dreg:$0x3] =	wrdreg s2  }
0xb0: {  	[dreg:$0x4] =	wrdreg $0x9  }
0xb1: {  	_ =	task.clear_ibuf [dreg:s7], $0x5FFFF;
	_ =	strace $0x90000046  }
0xb2: {  	s29 =	simm.s32 $0x9;
	_ =	strace $0x80000048  }
0xb3: {  	_ =	swait.ge [sflag:s29], $0x1  }
0xb4: {  	[sflag:s29] =	ssyncadd.s32 $0xFFFFFFFF  }
0xb5: {  	_ =	strace $0x90000048  }
0xb6: {  	_ =	sfence  }
0xb7: {  	s30 =	sld [smem:$0x0];
	_ =	sdelay $0x2  }
0xb8: {  	s31 =	sshll.u32 s1, $0xD;
	s1 =	sshrl.u32 s1, $0x2  }
0xb9: {  	s3 =	sand.u32 $0x4000, s31;
	s1 =	sadd.s32 s1, s30  }
0xba: {  	s0 =	sor.u32 s3, s0;
	s1 =	sshll.u32 s1, $0x11  }
0xbb: {  	s0 =	sor.u32 s1, s0  }
0xbc: {  	s0 =	sadd.s32 $0x8F2B, s0  }
0xbd: {  	[sflag:s0] =	ssyncadd.remote.s32 $0x1  }
0xbe: {  	_ =	sfence.sel $0xFFFF  }
0xbf: {  	[dreg:$0x0] =	wrdreg $0xFFFFFFFF;
	(pc) =	sbr.abs _section_cstart, $3  }
0xc0: {  	[dreg:$0x1] =	wrdreg $0xFFFFFFFF  }
0xc1: {  	_ =	task.clear_ibuf [dreg:s7], $0x2FFFF;
	_ =	strace $0x9FFFFFFF  }
0xc2: {  	(tm) =	ssettm $0x7FFFFFFF  }
0xc3: {  	_ =	shalt  }
tec
execute0_lowered:
.L_overlay_start_1:
0x0: {  	(tag) =	ssettag $0x1  }
0x1: {  	s0 =	rddreg [dreg:$0x0]  }
0x2: {  	s1 =	rddreg [dreg:$0x1]  }
0x3: {  	[smem:$0x7B9] =	sst s1;
	s1 =	simm.s32 $0x0  }
0x4: {  	s2 =	sadd.s32 $0x253400, s0;
	[smem:$0x7FF] =	sst s1  }
0x5: {  	s11 =	sadd.s32 $0x252E00, s0;
	_ =	strace $0x80000047;
	[dreg:$0x3] =	wrdreg s2  }
0x6: {  	s12 =	sadd.s32 $0x249C00, s0;
	[dreg:$0x4] =	wrdreg s11  }
0x7: {  	s13 =	sadd.s32 $0x14D800, s0;
	[dreg:$0x5] =	wrdreg s12  }
0x8: {  	s14 =	sadd.s32 $0x199200, s0;
	[dreg:$0x6] =	wrdreg s13  }
0x9: {  	s15 =	sadd.s32 $0x224A00, s0;
	[dreg:$0x7] =	wrdreg s14  }
0xa: {  	s16 =	sadd.s32 $0x1E4800, s0;
	[dreg:$0x8] =	wrdreg s15  }
0xb: {  	s17 =	sadd.s32 $0x246C00, s0;
	[dreg:$0x9] =	wrdreg s16  }
0xc: {  	s18 =	sadd.s32 $0x244400, s0;
	[dreg:$0xa] =	wrdreg s17  }
0xd: {  	s19 =	sadd.s32 $0x241C00, s0;
	[dreg:$0xb] =	wrdreg s18  }
0xe: {  	s20 =	sadd.s32 $0x252C00, s0;
	[dreg:$0xc] =	wrdreg s19  }
0xf: {  	s21 =	sadd.s32 $0x23CC00, s0;
	[dreg:$0xd] =	wrdreg s20  }
0x10: {  	s22 =	sadd.s32 $0x24B000, s0;
	[dreg:$0xe] =	wrdreg s21  }
0x11: {  	s23 =	sadd.s32 $0x24AC00, s0;
	[dreg:$0xf] =	wrdreg s22  }
0x12: {  	s24 =	sadd.s32 $0x249400, s0;
	[dreg:$0x10] =	wrdreg s23  }
0x13: {  	s25 =	sadd.s32 $0x251C00, s0;
	[dreg:$0x11] =	wrdreg s24  }
0x14: {  	s26 =	sadd.s32 $0x251800, s0;
	[dreg:$0x12] =	wrdreg s25  }
0x15: {  	s29 =	sadd.s32 $0x251400, s0;
	[dreg:$0x13] =	wrdreg s26  }
0x16: {  	s30 =	sadd.s32 $0x251000, s0;
	[dreg:$0x14] =	wrdreg s29  }
0x17: {  	s31 =	sadd.s32 $0x250C00, s0;
	[dreg:$0x15] =	wrdreg s30  }
0x18: {  	s3 =	sadd.s32 $0x250800, s0;
	[dreg:$0x16] =	wrdreg s31  }
0x19: {  	s4 =	sadd.s32 $0x250400, s0;
	[dreg:$0x17] =	wrdreg s3  }
0x1a: {  	s5 =	sadd.s32 $0x250000, s0;
	[dreg:$0x18] =	wrdreg s4  }
0x1b: {  	s6 =	sadd.s32 $0x24FC00, s0;
	[dreg:$0x19] =	wrdreg s5  }
0x1c: {  	s7 =	sadd.s32 $0x24F800, s0;
	[dreg:$0x1a] =	wrdreg s6  }
0x1d: {  	s8 =	sadd.s32 $0x24F400, s0;
	[dreg:$0x1b] =	wrdreg s7  }
0x1e: {  	s9 =	sadd.s32 $0x24F000, s0;
	[dreg:$0x1c] =	wrdreg s8  }
0x1f: {  	s10 =	sadd.s32 $0x24EC00, s0;
	[dreg:$0x1d] =	wrdreg s9  }
0x20: {  	[dreg:$0x1e] =	wrdreg s10;
	s11 =	sadd.s32 $0x24E800, s0  }
0x21: {  	s12 =	sadd.s32 $0x24E400, s0;
	[dreg:$0x1f] =	wrdreg s11  }
0x22: {  	s13 =	sadd.s32 $0x24E000, s0;
	[smem:$0x7BA] =	sst s12  }
0x23: {  	s14 =	sadd.s32 $0x24DC00, s0;
	[smem:$0x7BB] =	sst s13  }
0x24: {  	s15 =	sadd.s32 $0x24D800, s0;
	[smem:$0x7BC] =	sst s14  }
0x25: {  	s16 =	sadd.s32 $0x24D400, s0;
	[smem:$0x7BD] =	sst s15  }
0x26: {  	s17 =	sadd.s32 $0x24D000, s0;
	[smem:$0x7BE] =	sst s16  }
0x27: {  	s18 =	sadd.s32 $0x24CC00, s0;
	[smem:$0x7BF] =	sst s17  }
0x28: {  	s19 =	sadd.s32 $0x24C800, s0;
	[smem:$0x7C0] =	sst s18  }
0x29: {  	s20 =	sadd.s32 $0x24C400, s0;
	[smem:$0x7C1] =	sst s19  }
0x2a: {  	s21 =	sadd.s32 $0x24C000, s0;
	[smem:$0x7C2] =	sst s20  }
0x2b: {  	s22 =	sadd.s32 $0x24BC00, s0;
	[smem:$0x7C3] =	sst s21  }
0x2c: {  	s23 =	sadd.s32 $0x24B800, s0;
	[smem:$0x7C4] =	sst s22  }
0x2d: {  	s24 =	sadd.s32 $0x24B400, s0;
	[smem:$0x7C5] =	sst s23  }
0x2e: {  	s25 =	sadd.s32 $0x252800, s0;
	[smem:$0x7C6] =	sst s24  }
0x2f: {  	s26 =	sadd.s32 $0x252400, s0;
	s29 =	sadd.s32 $0x252000, s0;
	[smem:$0x7C7] =	sst s25  }
0x30: {  	s30 =	srdreg.scid;
	s3 =	sadd.s32 $0x253600, s0;
	[smem:$0x7C8] =	sst s26  }
0x31: {  	s6 =	stileid.u32;
	s7 =	sadd.s32 $0x253200, s0;
	[smem:$0x7C9] =	sst s29  }
0x32: {  	s8 =	sadd.s32 $0x253000, s0;
	s31 =	smul.u32 $0x1400, s6;
	[smem:$0x7CA] =	sst s3  }
0x33: {  	s4 =	sand.u32 $0x1, s30;
	[smem:$0x7CB] =	sst s7;
	s6 =	smul.u32 $0x4C400, s6  }
0x34: {  	s28 =	simm.s32 $0x2;
	[smem:$0x7CC] =	sst s8;
	s5 =	smul.u32 $0xA00, s4  }
0x35: {  	s3 =	sadd.s32 $0x32D800, s0;
	s7 =	smul.u32 $0x26200, s4;
	s4 =	ssub.s32 $0x2, s4  }
0x36: {  	s9 =	sadd.s32 s6, s0;
	s10 =	sshrl.u32 s4, $0x1;
	s2 =	sadd.s32 s5, s31  }
0x37: {  	s7 =	sadd.s32 s7, s9;
	s5 =	ssub.s32 s4, s10;
	s0 =	sadd.s32 s2, s0  }
0x38: {  	s11 =	sadd.s32 $0x3A8000, s7;
	s4 =	sshrl.u32 s2, $0x3;
	s13 =	sadd.s32 $0x14000, s2  }
0x39: {  	s15 =	sadd.s32 $0x28000, s2;
	s8 =	sadd.s32 $0x3C000, s2;
	s19 =	sadd.s32 $0x50000, s2  }
0x3a: {  	s21 =	sadd.s32 $0x64000, s2;
	s22 =	sadd.s32 $0x78000, s2;
	s26 =	sadd.s32 $0x8C000, s2  }
0x3b: {  	s30 =	sadd.s32 $0xA0000, s2;
	s31 =	sadd.s32 $0xB4000, s2;
	s5 =	smax.u32 s5, $0x1  }
0x3c: {  	[smem:$0x7CD] =	sst s11;
	s12 =	sadd.s32 s4, s3;
	s14 =	sshrl.u32 s13, $0x3  }
0x3d: {  	s7 =	sshrl.u32 s15, $0x3;
	s17 =	sshrl.u32 s8, $0x3;
	s20 =	sshrl.u32 s19, $0x3  }
0x3e: {  	s24 =	sshrl.u32 s22, $0x3;
	s29 =	sshrl.u32 s26, $0x3;
	s10 =	sshrl.u32 s31, $0x3  }
0x3f: {  	s15 =	sadd.s32 $0xF0000, s2;
	s19 =	sadd.s32 $0x104000, s2;
	s22 =	sadd.s32 $0x12C000, s2  }
0x40: {  	s26 =	sadd.s32 $0x154000, s2;
	s31 =	sadd.s32 $0x17C000, s2;
	[smem:$0x7FA] =	sst s5  }
0x41: {  	s0 =	sadd.s32 $0x28D800, s0;
	s8 =	simm.s32 $0x1;
	[smem:$0x7CE] =	sst s12  }
0x42: {  	s6 =	sadd.s32 s14, s3;
	s16 =	sadd.s32 s7, s3;
	s18 =	sadd.s32 s17, s3  }
0x43: {  	s7 =	sshrl.u32 s21, $0x3;
	s25 =	sadd.s32 s24, s3;
	s11 =	sadd.s32 s10, s3  }
0x44: {  	s12 =	sadd.s32 $0xC8000, s2;
	s14 =	sadd.s32 $0xDC000, s2;
	[smem:$0x7FC] =	sst s0  }
0x45: {  	s17 =	sshrl.u32 s15, $0x3;
	s21 =	sadd.s32 $0x118000, s2;
	[smem:$0x7CF] =	sst s6  }
0x46: {  	s24 =	sshrl.u32 s22, $0x3;
	s10 =	sshrl.u32 s31, $0x3;
	[smem:$0x7D0] =	sst s16  }
0x47: {  	s15 =	sadd.s32 $0x1B8000, s2;
	s22 =	sadd.s32 $0x1F4000, s2;
	[smem:$0x7D1] =	sst s18  }
0x48: {  	s31 =	sadd.s32 $0x230000, s2;
	s6 =	sadd.s32 s20, s3;
	[smem:$0x7D4] =	sst s25  }
0x49: {  	s23 =	sadd.s32 s7, s3;
	s7 =	sshrl.u32 s30, $0x3;
	[smem:$0x7D7] =	sst s11  }
0x4a: {  	s13 =	sshrl.u32 s12, $0x3;
	s18 =	sadd.s32 s17, s3;
	s20 =	sshrl.u32 s19, $0x3  }
0x4b: {  	s25 =	sadd.s32 s24, s3;
	s30 =	sadd.s32 $0x168000, s2;
	s11 =	sadd.s32 s10, s3  }
0x4c: {  	s12 =	sadd.s32 $0x190000, s2;
	s17 =	sshrl.u32 s15, $0x3;
	s19 =	sadd.s32 $0x1CC000, s2  }
0x4d: {  	s24 =	sshrl.u32 s22, $0x3;
	s10 =	sshrl.u32 s31, $0x3;
	[smem:$0x7D2] =	sst s6  }
0x4e: {  	s15 =	sadd.s32 $0x26C000, s2;
	s22 =	sadd.s32 $0x2BC000, s2;
	[smem:$0x7D3] =	sst s23  }
0x4f: {  	s31 =	sadd.s32 $0x2F8000, s2;
	s6 =	sadd.s32 s29, s3;
	[smem:$0x7DA] =	sst s18  }
0x50: {  	s9 =	sadd.s32 s7, s3;
	s7 =	sshrl.u32 s14, $0x3;
	[smem:$0x7DD] =	sst s25  }
0x51: {  	s29 =	sshrl.u32 s26, $0x3;
	[smem:$0x7E0] =	sst s11;
	s14 =	sadd.s32 $0x1A4000, s2  }
0x52: {  	s18 =	sadd.s32 s17, s3;
	s25 =	sadd.s32 s24, s3;
	s26 =	sadd.s32 $0x208000, s2  }
0x53: {  	s11 =	sadd.s32 s10, s3;
	s17 =	sshrl.u32 s15, $0x3;
	s24 =	sshrl.u32 s22, $0x3  }
0x54: {  	s10 =	sshrl.u32 s31, $0x3;
	s15 =	sadd.s32 $0x334000, s2;
	[smem:$0x7D5] =	sst s6  }
0x55: {  	s22 =	sadd.s32 $0x370000, s2;
	[smem:$0x7D6] =	sst s9;
	s6 =	sadd.s32 s13, s3  }
0x56: {  	s16 =	sadd.s32 s7, s3;
	s7 =	sshrl.u32 s21, $0x3;
	[smem:$0x7E3] =	sst s18  }
0x57: {  	s13 =	sshrl.u32 s12, $0x3;
	s21 =	sadd.s32 $0x1E0000, s2;
	[smem:$0x7E6] =	sst s25  }
0x58: {  	s12 =	sadd.s32 $0x244000, s2;
	[smem:$0x7E9] =	sst s11;
	s18 =	sadd.s32 s17, s3  }
0x59: {  	s25 =	sadd.s32 s24, s3;
	s11 =	sadd.s32 s10, s3;
	s17 =	sshrl.u32 s15, $0x3  }
0x5a: {  	s24 =	sshrl.u32 s22, $0x3;
	s10 =	simm.s32 $0xF280;
	[smem:$0x7D8] =	sst s6  }
0x5b: {  	s15 =	simm.s32 $0x6;
	s22 =	simm.s32 $0x10;
	[smem:$0x7D9] =	sst s16  }
0x5c: {  	s6 =	sadd.s32 s20, s3;
	s23 =	sadd.s32 s7, s3;
	[smem:$0x7EC] =	sst s18  }
0x5d: {  	s7 =	sshrl.u32 s30, $0x3;
	s20 =	sshrl.u32 s19, $0x3;
	[smem:$0x7EF] =	sst s25  }
0x5e: {  	s30 =	sadd.s32 $0x21C000, s2;
	s19 =	sadd.s32 $0x294000, s2;
	[smem:$0x7F2] =	sst s11  }
0x5f: {  	s18 =	sadd.s32 s17, s3;
	s25 =	sadd.s32 s24, s3;
	s11 =	simm.s32 $0x3  }
0x60: {  	s17 =	simm.s32 $0x5;
	s24 =	simm.s32 $0x7;
	[smem:$0x7DB] =	sst s6  }
0x61: {  	[smem:$0x7DC] =	sst s23;
	s6 =	sadd.s32 s29, s3;
	s9 =	sadd.s32 s7, s3  }
0x62: {  	s7 =	sshrl.u32 s14, $0x3;
	s29 =	sshrl.u32 s26, $0x3;
	[smem:$0x7F5] =	sst s18  }
0x63: {  	s14 =	sadd.s32 $0x258000, s2;
	s26 =	sadd.s32 $0x2D0000, s2;
	[smem:$0x7F8] =	sst s25  }
0x64: {  	s18 =	simm.s32 $0x18;
	s25 =	simm.s32 $0xF500;
	[smem:$0x7DE] =	sst s6  }
0x65: {  	[smem:$0x7DF] =	sst s9;
	s6 =	sadd.s32 s13, s3;
	s16 =	sadd.s32 s7, s3  }
0x66: {  	s7 =	sshrl.u32 s21, $0x3;
	s13 =	sshrl.u32 s12, $0x3;
	[smem:$0x7E1] =	sst s6  }
0x67: {  	s21 =	sadd.s32 $0x2A8000, s2;
	s12 =	sadd.s32 $0x30C000, s2;
	[smem:$0x7E2] =	sst s16  }
0x68: {  	s6 =	sadd.s32 s20, s3;
	s23 =	sadd.s32 s7, s3;
	s7 =	sshrl.u32 s30, $0x3  }
0x69: {  	s20 =	sshrl.u32 s19, $0x3;
	s30 =	sadd.s32 $0x2E4000, s2;
	[smem:$0x7E4] =	sst s6  }
0x6a: {  	s19 =	sadd.s32 $0x348000, s2;
	[smem:$0x7E5] =	sst s23;
	s6 =	sadd.s32 s29, s3  }
0x6b: {  	s9 =	sadd.s32 s7, s3;
	s7 =	sshrl.u32 s14, $0x3;
	s29 =	sshrl.u32 s26, $0x3  }
0x6c: {  	s14 =	sadd.s32 $0x320000, s2;
	s26 =	sadd.s32 $0x384000, s2;
	[smem:$0x7E7] =	sst s6  }
0x6d: {  	[smem:$0x7E8] =	sst s9;
	s6 =	sadd.s32 s13, s3;
	s16 =	sadd.s32 s7, s3  }
0x6e: {  	s7 =	sshrl.u32 s21, $0x3;
	s13 =	sshrl.u32 s12, $0x3;
	[smem:$0x7EA] =	sst s6  }
0x6f: {  	s21 =	sadd.s32 $0x35C000, s2;
	s12 =	simm.s32 $0x8;
	[smem:$0x7EB] =	sst s16  }
0x70: {  	s6 =	sadd.s32 s20, s3;
	s23 =	sadd.s32 s7, s3;
	s7 =	sshrl.u32 s30, $0x3  }
0x71: {  	s20 =	sshrl.u32 s19, $0x3;
	s30 =	sadd.s32 $0x398000, s2;
	[smem:$0x7ED] =	sst s6  }
0x72: {  	s2 =	sadd.s32 $0x3AC000, s2;
	s19 =	simm.s32 $0xB400;
	[smem:$0x7EE] =	sst s23  }
0x73: {  	s6 =	sadd.s32 s29, s3;
	s9 =	sadd.s32 s7, s3;
	s7 =	sshrl.u32 s14, $0x3  }
0x74: {  	s29 =	sshrl.u32 s26, $0x3;
	s2 =	sshrl.u32 s2, $0x3;
	[smem:$0x7F0] =	sst s6  }
0x75: {  	s14 =	simm.s32 $0x1400;
	s26 =	simm.s32 $0x9;
	[smem:$0x7F1] =	sst s9  }
0x76: {  	s6 =	sadd.s32 s13, s3;
	s16 =	sadd.s32 s7, s3;
	s7 =	sshrl.u32 s21, $0x3  }
0x77: {  	s2 =	sadd.s32 s2, s3;
	s9 =	simm.s32 $0x280;
	[smem:$0x7F3] =	sst s6  }
0x78: {  	s13 =	simm.s32 $0x1E8;
	s21 =	simm.s32 $0x4;
	[smem:$0x7F4] =	sst s16  }
0x79: {  	s6 =	sadd.s32 s20, s3;
	s23 =	sadd.s32 s7, s3;
	[smem:$0x7FD] =	sst s2  }
0x7a: {  	s7 =	sshrl.u32 s30, $0x3;
	s16 =	simm.s32 $0x7800;
	[smem:$0x7F6] =	sst s6  }
0x7b: {  	s20 =	simm.s32 $0x2800;
	[smem:$0x7F7] =	sst s23;
	s6 =	sadd.s32 s29, s3  }
0x7c: {  	s2 =	simm.s32 $0x0;
	s31 =	sadd.s32 s7, s3;
	[smem:$0x7F9] =	sst s6  }
0x7d: {  	s7 =	simm.s32 $0xF000;
	s23 =	simm.s32 $0x5000;
	[smem:$0x7FB] =	sst s31  }
.LBB2_1:
0x7e: {  	[smem:$0x7B8] =	sst s2  }
0x7f: {  	s30 =	simm.s32 $0x0;
	s31 =	sld [smem:$0x7FC];
	s0 =	simm.s32 $0x0  }
.LBB2_2:
0x80: {  	s2 =	sld [smem:$0x7CE];
	_ =	sdelay $0x2  }
0x81: {  	s2 =	sadd.s32 s30, s2  }
0x82: {  	[tilespmem:s7], [sflag:$0x1] =	stream.linear.gather [hbm4b:s2+s1], $0x280, $0x38;
	[tilespmem:$0x10900] =	vst v63  }
0x83: {  	_ =	swait.ge [sflag:s8], $0x280  }
0x84: {  	[sflag:s8] =	ssyncset.done $0x0;
	s5 =	sld [smem:$0x7CF]  }
0x85: {  	s29 =	rddreg [dreg:$0x3];
	[sflag:s8] =	ssyncadd.s32 $0xFFFFFD80  }
0x86: {  	[tilespmem:s1], [sflag:$0x3] =	stream.indirect.gather [hbm4b:s29+s9], $0x8, s7, s9, $0xb8;
	[tilespmem:$0x10900] =	vst v63  }
0x87: {  	s5 =	sadd.s32 s30, s5  }
0x88: {  	[tilespmem:s10], [sflag:$0x1] =	stream.linear.gather [hbm4b:s5+s1], $0x280, $0x38;
	[tilespmem:$0x10900] =	vst v63  }
0x89: {  	_ =	swait.ge [sflag:s11], $0x1400  }
0x8a: {  	s6 =	sld [smem:$0x7CD];
	_ =	sdelay $0x1  }
0x8b: {  	[sflag:s11] =	ssyncset.done $0x0  }
0x8c: {  	[sflag:s11] =	ssyncadd.s32 $0xFFFFEC00;
	s2 =	sadd.s32 s0, s6  }
0x8d: {  	[hbm4b:s2+s12] =	stream.strided.scatter [tilespmem:s1], [sflag:$0x6], $0x1400, s13, s12, $0x38;
	[tilespmem:$0x10900] =	vst v63  }
0x8e: {  	_ =	swait.ge [sflag:s8], $0x280  }
0x8f: {  	[sflag:s8] =	ssyncset.done $0x0;
	s6 =	sld [smem:$0x7D0]  }
0x90: {  	s29 =	rddreg [dreg:$0x4];
	[sflag:s8] =	ssyncadd.s32 $0xFFFFFD80  }
0x91: {  	[tilespmem:s14], [sflag:$0x3] =	stream.indirect.gather [hbm4b:s29+s9], $0x8, s10, s9, $0xb8;
	[tilespmem:$0x10900] =	vst v63  }
0x92: {  	s6 =	sadd.s32 s30, s6  }
0x93: {  	[tilespmem:s7], [sflag:$0x1] =	stream.linear.gather [hbm4b:s6+s1], $0x280, $0x38;
	[tilespmem:$0x10900] =	vst v63  }
0x94: {  	_ =	swait.ge [sflag:s11], $0x1400  }
0x95: {  	[sflag:s11] =	ssyncset.done $0x0  }
0x96: {  	s29 =	sadd.s32 $0x1, s2;
	[sflag:s11] =	ssyncadd.s32 $0xFFFFEC00  }
0x97: {  	[hbm4b:s29+s12] =	stream.strided.scatter [tilespmem:s14], [sflag:$0x6], $0x1400, s13, s12, $0x38;
	[tilespmem:$0x10900] =	vst v63  }
0x98: {  	_ =	swait.ge [sflag:s15], $0x1400  }
0x99: {  	[sflag:s15] =	ssyncset.done $0x0  }
0x9a: {  	[sflag:s15] =	ssyncadd.s32 $0xFFFFEC00  }
0x9b: {  	_ =	swait.ge [sflag:s8], $0x280  }
0x9c: {  	[sflag:s8] =	ssyncset.done $0x0;
	s29 =	sld [smem:$0x7D1]  }
0x9d: {  	s6 =	rddreg [dreg:$0x5];
	[sflag:s8] =	ssyncadd.s32 $0xFFFFFD80  }
0x9e: {  	[tilespmem:s1], [sflag:$0x3] =	stream.indirect.gather [hbm4b:s6+s9], $0x8, s7, s9, $0xb8;
	[tilespmem:$0x10900] =	vst v63  }
0x9f: {  	s6 =	sadd.s32 s30, s29  }
0xa0: {  	[tilespmem:s10], [sflag:$0x1] =	stream.linear.gather [hbm4b:s6+s1], $0x280, $0x38;
	[tilespmem:$0x10900] =	vst v63  }
0xa1: {  	_ =	swait.ge [sflag:s11], $0x1400  }
0xa2: {  	[sflag:s11] =	ssyncset.done $0x0  }
0xa3: {  	s29 =	sadd.s32 $0x2, s2;
	[sflag:s11] =	ssyncadd.s32 $0xFFFFEC00  }
0xa4: {  	[hbm4b:s29+s12] =	stream.strided.scatter [tilespmem:s1], [sflag:$0x6], $0x1400, s13, s12, $0x38;
	[tilespmem:$0x10900] =	vst v63  }
0xa5: {  	_ =	swait.ge [sflag:s8], $0x280  }
0xa6: {  	[sflag:s8] =	ssyncset.done $0x0;
	s29 =	sld [smem:$0x7D2]  }
0xa7: {  	s6 =	rddreg [dreg:$0x6];
	[sflag:s8] =	ssyncadd.s32 $0xFFFFFD80  }
0xa8: {  	[tilespmem:s16], [sflag:$0x5] =	stream.indirect.gather [hbm4b:s6+s9], $0x18, s10, s9, $0xb8;
	[tilespmem:$0x10900] =	vst v63  }
0xa9: {  	s6 =	sadd.s32 s30, s29  }
0xaa: {  	[tilespmem:s7], [sflag:$0x1] =	stream.linear.gather [hbm4b:s6+s1], $0x280, $0x38;
	[tilespmem:$0x10900] =	vst v63  }
0xab: {  	_ =	swait.ge [sflag:s17], $0x3C00  }
0xac: {  	[sflag:s17] =	ssyncset.done $0x0  }
0xad: {  	s29 =	sadd.s32 $0x3, s2;
	[sflag:s17] =	ssyncadd.s32 $0xFFFFC400  }
0xae: {  	[hbm4b:s29+s18] =	stream.strided.scatter [tilespmem:s16], [sflag:$0x8], $0x3C00, s13, s18, $0x38;
	[tilespmem:$0x10900] =	vst v63  }
0xaf: {  	_ =	swait.ge [sflag:s8], $0x280  }
0xb0: {  	[sflag:s8] =	ssyncset.done $0x0  }
0xb1: {  	[sflag:s8] =	ssyncadd.s32 $0xFFFFFD80  }
0xb2: {  	s6 =	rddreg [dreg:$0x7]  }
0xb3: {  	s29 =	sld [smem:$0x7D3];
	_ =	sdelay $0x1  }
0xb4: {  	[tilespmem:s19], [sflag:$0x5] =	stream.indirect.gather [hbm4b:s6+s9], $0x18, s7, s9, $0xb8;
	[tilespmem:$0x10900] =	vst v63  }
0xb5: {  	s6 =	sadd.s32 s30, s29  }
0xb6: {  	[tilespmem:s10], [sflag:$0x1] =	stream.linear.gather [hbm4b:s6+s1], $0x280, $0x38;
	[tilespmem:$0x10900] =	vst v63  }
0xb7: {  	_ =	swait.ge [sflag:s17], $0x3C00  }
0xb8: {  	[sflag:s17] =	ssyncset.done $0x0  }
0xb9: {  	s29 =	sadd.s32 $0x6, s2;
	[sflag:s17] =	ssyncadd.s32 $0xFFFFC400  }
0xba: {  	[hbm4b:s29+s18] =	stream.strided.scatter [tilespmem:s19], [sflag:$0x8], $0x3C00, s13, s18, $0x38;
	[tilespmem:$0x10900] =	vst v63  }
0xbb: {  	_ =	swait.ge [sflag:s8], $0x280  }
0xbc: {  	[sflag:s8] =	ssyncset.done $0x0;
	s29 =	sld [smem:$0x7D4]  }
0xbd: {  	s6 =	rddreg [dreg:$0x8];
	[sflag:s8] =	ssyncadd.s32 $0xFFFFFD80  }
0xbe: {  	[tilespmem:s20], [sflag:$0x4] =	stream.indirect.gather [hbm4b:s6+s9], $0x10, s10, s9, $0xb8;
	[tilespmem:$0x10900] =	vst v63  }
0xbf: {  	s6 =	sadd.s32 s30, s29  }
0xc0: {  	[tilespmem:s7], [sflag:$0x1] =	stream.linear.gather [hbm4b:s6+s1], $0x280, $0x38;
	[tilespmem:$0x10900] =	vst v63  }
0xc1: {  	_ =	swait.ge [sflag:s21], $0x2800  }
0xc2: {  	[sflag:s21] =	ssyncset.done $0x0  }
0xc3: {  	s29 =	sadd.s32 $0x9, s2;
	[sflag:s21] =	ssyncadd.s32 $0xFFFFD800  }
0xc4: {  	[hbm4b:s29+s22] =	stream.strided.scatter [tilespmem:s20], [sflag:$0x7], $0x2800, s13, s22, $0x38;
	[tilespmem:$0x10900] =	vst v63  }
0xc5: {  	_ =	swait.ge [sflag:s12], $0x3C00  }
0xc6: {  	[sflag:s12] =	ssyncset.done $0x0  }
0xc7: {  	[sflag:s12] =	ssyncadd.s32 $0xFFFFC400  }
0xc8: {  	_ =	swait.ge [sflag:s8], $0x280  }
0xc9: {  	[sflag:s8] =	ssyncset.done $0x0;
	s29 =	sld [smem:$0x7D5]  }
0xca: {  	s6 =	rddreg [dreg:$0x9];
	[sflag:s8] =	ssyncadd.s32 $0xFFFFFD80  }
0xcb: {  	[tilespmem:s16], [sflag:$0x5] =	stream.indirect.gather [hbm4b:s6+s9], $0x18, s7, s9, $0xb8;
	[tilespmem:$0x10900] =	vst v63  }
0xcc: {  	s6 =	sadd.s32 s30, s29  }
0xcd: {  	[tilespmem:s10], [sflag:$0x1] =	stream.linear.gather [hbm4b:s6+s1], $0x280, $0x38;
	[tilespmem:$0x10900] =	vst v63  }
0xce: {  	_ =	swait.ge [sflag:s17], $0x3C00  }
0xcf: {  	[sflag:s17] =	ssyncset.done $0x0  }
0xd0: {  	s29 =	sadd.s32 $0xB, s2;
	[sflag:s17] =	ssyncadd.s32 $0xFFFFC400  }
0xd1: {  	[hbm4b:s29+s18] =	stream.strided.scatter [tilespmem:s16], [sflag:$0x8], $0x3C00, s13, s18, $0x38;
	[tilespmem:$0x10900] =	vst v63  }
0xd2: {  	_ =	swait.ge [sflag:s8], $0x280  }
0xd3: {  	[sflag:s8] =	ssyncset.done $0x0;
	s29 =	sld [smem:$0x7D6]  }
0xd4: {  	s6 =	rddreg [dreg:$0xa];
	[sflag:s8] =	ssyncadd.s32 $0xFFFFFD80  }
0xd5: {  	[tilespmem:s23], [sflag:$0x4] =	stream.indirect.gather [hbm4b:s6+s9], $0x10, s10, s9, $0xb8;
	[tilespmem:$0x10900] =	vst v63  }
0xd6: {  	s6 =	sadd.s32 s30, s29  }
0xd7: {  	[tilespmem:s7], [sflag:$0x1] =	stream.linear.gather [hbm4b:s6+s1], $0x280, $0x38;
	[tilespmem:$0x10900] =	vst v63  }
0xd8: {  	_ =	swait.ge [sflag:s21], $0x2800  }
0xd9: {  	[sflag:s21] =	ssyncset.done $0x0  }
0xda: {  	s29 =	sadd.s32 $0xE, s2;
	[sflag:s21] =	ssyncadd.s32 $0xFFFFD800  }
0xdb: {  	[hbm4b:s29+s22] =	stream.strided.scatter [tilespmem:s23], [sflag:$0x7], $0x2800, s13, s22, $0x38;
	[tilespmem:$0x10900] =	vst v63  }
0xdc: {  	_ =	swait.ge [sflag:s24], $0x2800  }
0xdd: {  	[sflag:s24] =	ssyncset.done $0x0  }
0xde: {  	[sflag:s24] =	ssyncadd.s32 $0xFFFFD800  }
0xdf: {  	_ =	swait.ge [sflag:s8], $0x280  }
0xe0: {  	[sflag:s8] =	ssyncset.done $0x0;
	s29 =	sld [smem:$0x7D7]  }
0xe1: {  	s6 =	rddreg [dreg:$0xb];
	[sflag:s8] =	ssyncadd.s32 $0xFFFFFD80  }
0xe2: {  	[tilespmem:s20], [sflag:$0x4] =	stream.indirect.gather [hbm4b:s6+s9], $0x10, s7, s9, $0xb8;
	[tilespmem:$0x10900] =	vst v63  }
0xe3: {  	s6 =	sadd.s32 s30, s29  }
0xe4: {  	[tilespmem:s10], [sflag:$0x1] =	stream.linear.gather [hbm4b:s6+s1], $0x280, $0x38;
	[tilespmem:$0x10900] =	vst v63  }
0xe5: {  	_ =	swait.ge [sflag:s21], $0x2800  }
0xe6: {  	[sflag:s21] =	ssyncset.done $0x0  }
0xe7: {  	s29 =	sadd.s32 $0x10, s2;
	[sflag:s21] =	ssyncadd.s32 $0xFFFFD800  }
0xe8: {  	[hbm4b:s29+s22] =	stream.strided.scatter [tilespmem:s20], [sflag:$0x7], $0x2800, s13, s22, $0x38;
	[tilespmem:$0x10900] =	vst v63  }
0xe9: {  	_ =	swait.ge [sflag:s24], $0x2800  }
0xea: {  	[sflag:s24] =	ssyncset.done $0x0  }
0xeb: {  	[sflag:s24] =	ssyncadd.s32 $0xFFFFD800  }
0xec: {  	_ =	swait.ge [sflag:s8], $0x280  }
0xed: {  	[sflag:s8] =	ssyncset.done $0x0;
	s29 =	sld [smem:$0x7D8]  }
0xee: {  	s6 =	rddreg [dreg:$0xc];
	[sflag:s8] =	ssyncadd.s32 $0xFFFFFD80  }
0xef: {  	[tilespmem:s23], [sflag:$0x4] =	stream.indirect.gather [hbm4b:s6+s9], $0x10, s10, s9, $0xb8;
	[tilespmem:$0x10900] =	vst v63  }
0xf0: {  	s6 =	sadd.s32 s30, s29  }
0xf1: {  	[tilespmem:s7], [sflag:$0x1] =	stream.linear.gather [hbm4b:s6+s1], $0x280, $0x38;
	[tilespmem:$0x10900] =	vst v63  }
0xf2: {  	_ =	swait.ge [sflag:s21], $0x2800  }
0xf3: {  	[sflag:s21] =	ssyncset.done $0x0  }
0xf4: {  	s29 =	sadd.s32 $0x12, s2;
	[sflag:s21] =	ssyncadd.s32 $0xFFFFD800  }
0xf5: {  	[hbm4b:s29+s22] =	stream.strided.scatter [tilespmem:s23], [sflag:$0x7], $0x2800, s13, s22, $0x38;
	[tilespmem:$0x10900] =	vst v63  }
0xf6: {  	_ =	swait.ge [sflag:s15], $0x1400  }
0xf7: {  	[sflag:s15] =	ssyncset.done $0x0  }
0xf8: {  	[sflag:s15] =	ssyncadd.s32 $0xFFFFEC00  }
0xf9: {  	_ =	swait.ge [sflag:s8], $0x280  }
0xfa: {  	[sflag:s8] =	ssyncset.done $0x0;
	s29 =	sld [smem:$0x7D9]  }
0xfb: {  	s6 =	rddreg [dreg:$0xd];
	[sflag:s8] =	ssyncadd.s32 $0xFFFFFD80  }
0xfc: {  	[tilespmem:s14], [sflag:$0x3] =	stream.indirect.gather [hbm4b:s6+s9], $0x8, s7, s9, $0xb8;
	[tilespmem:$0x10900] =	vst v63  }
0xfd: {  	s6 =	sadd.s32 s30, s29  }
0xfe: {  	[tilespmem:s10], [sflag:$0x1] =	stream.linear.gather [hbm4b:s6+s1], $0x280, $0x38;
	[tilespmem:$0x10900] =	vst v63  }
0xff: {  	_ =	swait.ge [sflag:s11], $0x1400  }
0x100: {  	[sflag:s11] =	ssyncset.done $0x0  }
0x101: {  	s29 =	sadd.s32 $0x14, s2;
	[sflag:s11] =	ssyncadd.s32 $0xFFFFEC00  }
0x102: {  	[hbm4b:s29+s12] =	stream.strided.scatter [tilespmem:s14], [sflag:$0x6], $0x1400, s13, s12, $0x38;
	[tilespmem:$0x10900] =	vst v63  }
0x103: {  	_ =	swait.ge [sflag:s24], $0x2800  }
0x104: {  	[sflag:s24] =	ssyncset.done $0x0  }
0x105: {  	[sflag:s24] =	ssyncadd.s32 $0xFFFFD800  }
0x106: {  	_ =	swait.ge [sflag:s8], $0x280  }
0x107: {  	[sflag:s8] =	ssyncset.done $0x0;
	s29 =	sld [smem:$0x7DA]  }
0x108: {  	s6 =	rddreg [dreg:$0xe];
	[sflag:s8] =	ssyncadd.s32 $0xFFFFFD80  }
0x109: {  	[tilespmem:s20], [sflag:$0x4] =	stream.indirect.gather [hbm4b:s6+s9], $0x10, s10, s9, $0xb8;
	[tilespmem:$0x10900] =	vst v63  }
0x10a: {  	s6 =	sadd.s32 s30, s29  }
0x10b: {  	[tilespmem:s7], [sflag:$0x1] =	stream.linear.gather [hbm4b:s6+s1], $0x280, $0x38;
	[tilespmem:$0x10900] =	vst v63  }
0x10c: {  	_ =	swait.ge [sflag:s21], $0x2800  }
0x10d: {  	[sflag:s21] =	ssyncset.done $0x0  }
0x10e: {  	s29 =	sadd.s32 $0x15, s2;
	[sflag:s21] =	ssyncadd.s32 $0xFFFFD800  }
0x10f: {  	[hbm4b:s29+s22] =	stream.strided.scatter [tilespmem:s20], [sflag:$0x7], $0x2800, s13, s22, $0x38;
	[tilespmem:$0x10900] =	vst v63  }
0x110: {  	_ =	swait.ge [sflag:s15], $0x1400  }
0x111: {  	[sflag:s15] =	ssyncset.done $0x0  }
0x112: {  	[sflag:s15] =	ssyncadd.s32 $0xFFFFEC00  }
0x113: {  	_ =	swait.ge [sflag:s8], $0x280  }
0x114: {  	[sflag:s8] =	ssyncset.done $0x0;
	s29 =	sld [smem:$0x7DB]  }
0x115: {  	s6 =	rddreg [dreg:$0xf];
	[sflag:s8] =	ssyncadd.s32 $0xFFFFFD80  }
0x116: {  	[tilespmem:s1], [sflag:$0x3] =	stream.indirect.gather [hbm4b:s6+s9], $0x8, s7, s9, $0xb8;
	[tilespmem:$0x10900] =	vst v63  }
0x117: {  	s6 =	sadd.s32 s30, s29  }
0x118: {  	[tilespmem:s10], [sflag:$0x1] =	stream.linear.gather [hbm4b:s6+s1], $0x280, $0x38;
	[tilespmem:$0x10900] =	vst v63  }
0x119: {  	_ =	swait.ge [sflag:s11], $0x1400  }
0x11a: {  	[sflag:s11] =	ssyncset.done $0x0  }
0x11b: {  	s29 =	sadd.s32 $0x17, s2;
	[sflag:s11] =	ssyncadd.s32 $0xFFFFEC00  }
0x11c: {  	[hbm4b:s29+s12] =	stream.strided.scatter [tilespmem:s1], [sflag:$0x6], $0x1400, s13, s12, $0x38;
	[tilespmem:$0x10900] =	vst v63  }
0x11d: {  	_ =	swait.ge [sflag:s15], $0x1400  }
0x11e: {  	[sflag:s15] =	ssyncset.done $0x0  }
0x11f: {  	[sflag:s15] =	ssyncadd.s32 $0xFFFFEC00  }
0x120: {  	_ =	swait.ge [sflag:s8], $0x280  }
0x121: {  	[sflag:s8] =	ssyncset.done $0x0;
	s29 =	sld [smem:$0x7DC]  }
0x122: {  	s6 =	rddreg [dreg:$0x10];
	[sflag:s8] =	ssyncadd.s32 $0xFFFFFD80  }
0x123: {  	[tilespmem:s14], [sflag:$0x3] =	stream.indirect.gather [hbm4b:s6+s9], $0x8, s10, s9, $0xb8;
	[tilespmem:$0x10900] =	vst v63  }
0x124: {  	s6 =	sadd.s32 s30, s29  }
0x125: {  	[tilespmem:s7], [sflag:$0x1] =	stream.linear.gather [hbm4b:s6+s1], $0x280, $0x38;
	[tilespmem:$0x10900] =	vst v63  }
0x126: {  	_ =	swait.ge [sflag:s11], $0x1400  }
0x127: {  	[sflag:s11] =	ssyncset.done $0x0  }
0x128: {  	s29 =	sadd.s32 $0x18, s2;
	[sflag:s11] =	ssyncadd.s32 $0xFFFFEC00  }
0x129: {  	[hbm4b:s29+s12] =	stream.strided.scatter [tilespmem:s14], [sflag:$0x6], $0x1400, s13, s12, $0x38;
	[tilespmem:$0x10900] =	vst v63  }
0x12a: {  	_ =	swait.ge [sflag:s15], $0x1400  }
0x12b: {  	[sflag:s15] =	ssyncset.done $0x0  }
0x12c: {  	[sflag:s15] =	ssyncadd.s32 $0xFFFFEC00  }
0x12d: {  	_ =	swait.ge [sflag:s8], $0x280  }
0x12e: {  	[sflag:s8] =	ssyncset.done $0x0;
	s29 =	sld [smem:$0x7DD]  }
0x12f: {  	s6 =	rddreg [dreg:$0x11];
	[sflag:s8] =	ssyncadd.s32 $0xFFFFFD80  }
0x130: {  	[tilespmem:s1], [sflag:$0x3] =	stream.indirect.gather [hbm4b:s6+s9], $0x8, s7, s9, $0xb8;
	[tilespmem:$0x10900] =	vst v63  }
0x131: {  	s29 =	sadd.s32 s30, s29  }
0x132: {  	[tilespmem:s10], [sflag:$0x1] =	stream.linear.gather [hbm4b:s29+s1], $0x280, $0x38;
	[tilespmem:$0x10900] =	vst v63  }
0x133: {  	_ =	swait.ge [sflag:s11], $0x1400  }
0x134: {  	[sflag:s11] =	ssyncset.done $0x0  }
0x135: {  	s6 =	sadd.s32 $0x19, s2;
	[sflag:s11] =	ssyncadd.s32 $0xFFFFEC00  }
0x136: {  	[hbm4b:s6+s12] =	stream.strided.scatter [tilespmem:s1], [sflag:$0x6], $0x1400, s13, s12, $0x38;
	[tilespmem:$0x10900] =	vst v63  }
0x137: {  	_ =	swait.ge [sflag:s15], $0x1400  }
0x138: {  	[sflag:s15] =	ssyncset.done $0x0  }
0x139: {  	[sflag:s15] =	ssyncadd.s32 $0xFFFFEC00  }
0x13a: {  	_ =	swait.ge [sflag:s8], $0x280  }
0x13b: {  	[sflag:s8] =	ssyncset.done $0x0  }
0x13c: {  	s5 =	sadd.s32 s30, s4;
	s29 =	rddreg [dreg:$0x12];
	[sflag:s8] =	ssyncadd.s32 $0xFFFFFD80  }
0x13d: {  	[tilespmem:s14], [sflag:$0x3] =	stream.indirect.gather [hbm4b:s29+s9], $0x8, s10, s9, $0xb8;
	[tilespmem:$0x10900] =	vst v63  }
0x13e: {  	s29 =	sor.u32 $0x28000, s5  }
0x13f: {  	s6 =	sadd.s32 s3, s29  }
0x140: {  	[tilespmem:s7], [sflag:$0x1] =	stream.linear.gather [hbm4b:s6+s1], $0x280, $0x38;
	[tilespmem:$0x10900] =	vst v63  }
0x141: {  	_ =	swait.ge [sflag:s11], $0x1400  }
0x142: {  	[sflag:s11] =	ssyncset.done $0x0  }
0x143: {  	s29 =	sadd.s32 $0x1A, s2;
	[sflag:s11] =	ssyncadd.s32 $0xFFFFEC00  }
0x144: {  	[hbm4b:s29+s12] =	stream.strided.scatter [tilespmem:s14], [sflag:$0x6], $0x1400, s13, s12, $0x38;
	[tilespmem:$0x10900] =	vst v63  }
0x145: {  	_ =	swait.ge [sflag:s15], $0x1400  }
0x146: {  	[sflag:s15] =	ssyncset.done $0x0  }
0x147: {  	[sflag:s15] =	ssyncadd.s32 $0xFFFFEC00  }
0x148: {  	_ =	swait.ge [sflag:s8], $0x280  }
0x149: {  	[sflag:s8] =	ssyncset.done $0x0;
	s29 =	sld [smem:$0x7DE]  }
0x14a: {  	s6 =	rddreg [dreg:$0x13];
	[sflag:s8] =	ssyncadd.s32 $0xFFFFFD80  }
0x14b: {  	[tilespmem:s1], [sflag:$0x3] =	stream.indirect.gather [hbm4b:s6+s9], $0x8, s7, s9, $0xb8;
	[tilespmem:$0x10900] =	vst v63  }
0x14c: {  	s29 =	sadd.s32 s30, s29  }
0x14d: {  	[tilespmem:s10], [sflag:$0x1] =	stream.linear.gather [hbm4b:s29+s1], $0x280, $0x38;
	[tilespmem:$0x10900] =	vst v63  }
0x14e: {  	_ =	swait.ge [sflag:s11], $0x1400  }
0x14f: {  	[sflag:s11] =	ssyncset.done $0x0  }
0x150: {  	s29 =	sadd.s32 $0x1B, s2;
	[sflag:s11] =	ssyncadd.s32 $0xFFFFEC00  }
0x151: {  	[hbm4b:s29+s12] =	stream.strided.scatter [tilespmem:s1], [sflag:$0x6], $0x1400, s13, s12, $0x38;
	[tilespmem:$0x10900] =	vst v63  }
0x152: {  	_ =	swait.ge [sflag:s15], $0x1400  }
0x153: {  	[sflag:s15] =	ssyncset.done $0x0  }
0x154: {  	[sflag:s15] =	ssyncadd.s32 $0xFFFFEC00  }
0x155: {  	_ =	swait.ge [sflag:s8], $0x280  }
0x156: {  	[sflag:s8] =	ssyncset.done $0x0;
	s29 =	sld [smem:$0x7DF]  }
0x157: {  	s6 =	rddreg [dreg:$0x14];
	[sflag:s8] =	ssyncadd.s32 $0xFFFFFD80  }
0x158: {  	[tilespmem:s14], [sflag:$0x3] =	stream.indirect.gather [hbm4b:s6+s9], $0x8, s10, s9, $0xb8;
	[tilespmem:$0x10900] =	vst v63  }
0x159: {  	s29 =	sadd.s32 s30, s29  }
0x15a: {  	[tilespmem:s7], [sflag:$0x1] =	stream.linear.gather [hbm4b:s29+s1], $0x280, $0x38;
	[tilespmem:$0x10900] =	vst v63  }
0x15b: {  	_ =	swait.ge [sflag:s11], $0x1400  }
0x15c: {  	[sflag:s11] =	ssyncset.done $0x0  }
0x15d: {  	s29 =	sadd.s32 $0x1C, s2;
	[sflag:s11] =	ssyncadd.s32 $0xFFFFEC00  }
0x15e: {  	[hbm4b:s29+s12] =	stream.strided.scatter [tilespmem:s14], [sflag:$0x6], $0x1400, s13, s12, $0x38;
	[tilespmem:$0x10900] =	vst v63  }
0x15f: {  	_ =	swait.ge [sflag:s15], $0x1400  }
0x160: {  	[sflag:s15] =	ssyncset.done $0x0  }
0x161: {  	[sflag:s15] =	ssyncadd.s32 $0xFFFFEC00  }
0x162: {  	_ =	swait.ge [sflag:s8], $0x280  }
0x163: {  	[sflag:s8] =	ssyncset.done $0x0;
	s29 =	sld [smem:$0x7E0]  }
0x164: {  	s6 =	rddreg [dreg:$0x15];
	[sflag:s8] =	ssyncadd.s32 $0xFFFFFD80  }
0x165: {  	[tilespmem:s1], [sflag:$0x3] =	stream.indirect.gather [hbm4b:s6+s9], $0x8, s7, s9, $0xb8;
	[tilespmem:$0x10900] =	vst v63  }
0x166: {  	s29 =	sadd.s32 s30, s29  }
0x167: {  	[tilespmem:s10], [sflag:$0x1] =	stream.linear.gather [hbm4b:s29+s1], $0x280, $0x38;
	[tilespmem:$0x10900] =	vst v63  }
0x168: {  	_ =	swait.ge [sflag:s11], $0x1400  }
0x169: {  	[sflag:s11] =	ssyncset.done $0x0  }
0x16a: {  	s29 =	sadd.s32 $0x1D, s2;
	[sflag:s11] =	ssyncadd.s32 $0xFFFFEC00  }
0x16b: {  	[hbm4b:s29+s12] =	stream.strided.scatter [tilespmem:s1], [sflag:$0x6], $0x1400, s13, s12, $0x38;
	[tilespmem:$0x10900] =	vst v63  }
0x16c: {  	_ =	swait.ge [sflag:s15], $0x1400  }
0x16d: {  	[sflag:s15] =	ssyncset.done $0x0  }
0x16e: {  	[sflag:s15] =	ssyncadd.s32 $0xFFFFEC00  }
0x16f: {  	_ =	swait.ge [sflag:s8], $0x280  }
0x170: {  	[sflag:s8] =	ssyncset.done $0x0;
	s29 =	sld [smem:$0x7E1]  }
0x171: {  	s6 =	rddreg [dreg:$0x16];
	[sflag:s8] =	ssyncadd.s32 $0xFFFFFD80  }
0x172: {  	[tilespmem:s14], [sflag:$0x3] =	stream.indirect.gather [hbm4b:s6+s9], $0x8, s10, s9, $0xb8;
	[tilespmem:$0x10900] =	vst v63  }
0x173: {  	s29 =	sadd.s32 s30, s29  }
0x174: {  	[tilespmem:s7], [sflag:$0x1] =	stream.linear.gather [hbm4b:s29+s1], $0x280, $0x38;
	[tilespmem:$0x10900] =	vst v63  }
0x175: {  	_ =	swait.ge [sflag:s11], $0x1400  }
0x176: {  	[sflag:s11] =	ssyncset.done $0x0  }
0x177: {  	s29 =	sadd.s32 $0x1E, s2;
	[sflag:s11] =	ssyncadd.s32 $0xFFFFEC00  }
0x178: {  	[hbm4b:s29+s12] =	stream.strided.scatter [tilespmem:s14], [sflag:$0x6], $0x1400, s13, s12, $0x38;
	[tilespmem:$0x10900] =	vst v63  }
0x179: {  	_ =	swait.ge [sflag:s15], $0x1400  }
0x17a: {  	[sflag:s15] =	ssyncset.done $0x0  }
0x17b: {  	[sflag:s15] =	ssyncadd.s32 $0xFFFFEC00  }
0x17c: {  	_ =	swait.ge [sflag:s8], $0x280  }
0x17d: {  	[sflag:s8] =	ssyncset.done $0x0;
	s29 =	sld [smem:$0x7E2]  }
0x17e: {  	s6 =	rddreg [dreg:$0x17];
	[sflag:s8] =	ssyncadd.s32 $0xFFFFFD80  }
0x17f: {  	[tilespmem:s1], [sflag:$0x3] =	stream.indirect.gather [hbm4b:s6+s9], $0x8, s7, s9, $0xb8;
	[tilespmem:$0x10900] =	vst v63  }
0x180: {  	s29 =	sadd.s32 s30, s29  }
0x181: {  	[tilespmem:s10], [sflag:$0x1] =	stream.linear.gather [hbm4b:s29+s1], $0x280, $0x38;
	[tilespmem:$0x10900] =	vst v63  }
0x182: {  	_ =	swait.ge [sflag:s11], $0x1400  }
0x183: {  	[sflag:s11] =	ssyncset.done $0x0  }
0x184: {  	s29 =	sadd.s32 $0x1F, s2;
	[sflag:s11] =	ssyncadd.s32 $0xFFFFEC00  }
0x185: {  	[hbm4b:s29+s12] =	stream.strided.scatter [tilespmem:s1], [sflag:$0x6], $0x1400, s13, s12, $0x38;
	[tilespmem:$0x10900] =	vst v63  }
0x186: {  	_ =	swait.ge [sflag:s15], $0x1400  }
0x187: {  	[sflag:s15] =	ssyncset.done $0x0  }
0x188: {  	[sflag:s15] =	ssyncadd.s32 $0xFFFFEC00  }
0x189: {  	_ =	swait.ge [sflag:s8], $0x280  }
0x18a: {  	[sflag:s8] =	ssyncset.done $0x0;
	s29 =	sld [smem:$0x7E3]  }
0x18b: {  	s6 =	rddreg [dreg:$0x18];
	[sflag:s8] =	ssyncadd.s32 $0xFFFFFD80  }
0x18c: {  	[tilespmem:s14], [sflag:$0x3] =	stream.indirect.gather [hbm4b:s6+s9], $0x8, s10, s9, $0xb8;
	[tilespmem:$0x10900] =	vst v63  }
0x18d: {  	s29 =	sadd.s32 s30, s29  }
0x18e: {  	[tilespmem:s7], [sflag:$0x1] =	stream.linear.gather [hbm4b:s29+s1], $0x280, $0x38;
	[tilespmem:$0x10900] =	vst v63  }
0x18f: {  	_ =	swait.ge [sflag:s11], $0x1400  }
0x190: {  	[sflag:s11] =	ssyncset.done $0x0  }
0x191: {  	s29 =	sadd.s32 $0x20, s2;
	[sflag:s11] =	ssyncadd.s32 $0xFFFFEC00  }
0x192: {  	[hbm4b:s29+s12] =	stream.strided.scatter [tilespmem:s14], [sflag:$0x6], $0x1400, s13, s12, $0x38;
	[tilespmem:$0x10900] =	vst v63  }
0x193: {  	_ =	swait.ge [sflag:s15], $0x1400  }
0x194: {  	[sflag:s15] =	ssyncset.done $0x0  }
0x195: {  	[sflag:s15] =	ssyncadd.s32 $0xFFFFEC00  }
0x196: {  	_ =	swait.ge [sflag:s8], $0x280  }
0x197: {  	[sflag:s8] =	ssyncset.done $0x0;
	s29 =	sld [smem:$0x7E4]  }
0x198: {  	s6 =	rddreg [dreg:$0x19];
	[sflag:s8] =	ssyncadd.s32 $0xFFFFFD80  }
0x199: {  	[tilespmem:s1], [sflag:$0x3] =	stream.indirect.gather [hbm4b:s6+s9], $0x8, s7, s9, $0xb8;
	[tilespmem:$0x10900] =	vst v63  }
0x19a: {  	s29 =	sadd.s32 s30, s29  }
0x19b: {  	[tilespmem:s10], [sflag:$0x1] =	stream.linear.gather [hbm4b:s29+s1], $0x280, $0x38;
	[tilespmem:$0x10900] =	vst v63  }
0x19c: {  	_ =	swait.ge [sflag:s11], $0x1400  }
0x19d: {  	[sflag:s11] =	ssyncset.done $0x0  }
0x19e: {  	s29 =	sadd.s32 $0x21, s2;
	[sflag:s11] =	ssyncadd.s32 $0xFFFFEC00  }
0x19f: {  	[hbm4b:s29+s12] =	stream.strided.scatter [tilespmem:s1], [sflag:$0x6], $0x1400, s13, s12, $0x38;
	[tilespmem:$0x10900] =	vst v63  }
0x1a0: {  	_ =	swait.ge [sflag:s15], $0x1400  }
0x1a1: {  	[sflag:s15] =	ssyncset.done $0x0  }
0x1a2: {  	[sflag:s15] =	ssyncadd.s32 $0xFFFFEC00  }
0x1a3: {  	_ =	swait.ge [sflag:s8], $0x280  }
0x1a4: {  	[sflag:s8] =	ssyncset.done $0x0;
	s29 =	sld [smem:$0x7E5]  }
0x1a5: {  	s6 =	rddreg [dreg:$0x1a];
	[sflag:s8] =	ssyncadd.s32 $0xFFFFFD80  }
0x1a6: {  	[tilespmem:s14], [sflag:$0x3] =	stream.indirect.gather [hbm4b:s6+s9], $0x8, s10, s9, $0xb8;
	[tilespmem:$0x10900] =	vst v63  }
0x1a7: {  	s29 =	sadd.s32 s30, s29  }
0x1a8: {  	[tilespmem:s7], [sflag:$0x1] =	stream.linear.gather [hbm4b:s29+s1], $0x280, $0x38;
	[tilespmem:$0x10900] =	vst v63  }
0x1a9: {  	_ =	swait.ge [sflag:s11], $0x1400  }
0x1aa: {  	[sflag:s11] =	ssyncset.done $0x0  }
0x1ab: {  	s29 =	sadd.s32 $0x22, s2;
	[sflag:s11] =	ssyncadd.s32 $0xFFFFEC00  }
0x1ac: {  	[hbm4b:s29+s12] =	stream.strided.scatter [tilespmem:s14], [sflag:$0x6], $0x1400, s13, s12, $0x38;
	[tilespmem:$0x10900] =	vst v63  }
0x1ad: {  	_ =	swait.ge [sflag:s15], $0x1400  }
0x1ae: {  	[sflag:s15] =	ssyncset.done $0x0  }
0x1af: {  	[sflag:s15] =	ssyncadd.s32 $0xFFFFEC00  }
0x1b0: {  	_ =	swait.ge [sflag:s8], $0x280  }
0x1b1: {  	[sflag:s8] =	ssyncset.done $0x0;
	s29 =	sld [smem:$0x7E6]  }
0x1b2: {  	s6 =	rddreg [dreg:$0x1b];
	[sflag:s8] =	ssyncadd.s32 $0xFFFFFD80  }
0x1b3: {  	[tilespmem:s1], [sflag:$0x3] =	stream.indirect.gather [hbm4b:s6+s9], $0x8, s7, s9, $0xb8;
	[tilespmem:$0x10900] =	vst v63  }
0x1b4: {  	s29 =	sadd.s32 s30, s29  }
0x1b5: {  	[tilespmem:s10], [sflag:$0x1] =	stream.linear.gather [hbm4b:s29+s1], $0x280, $0x38;
	[tilespmem:$0x10900] =	vst v63  }
0x1b6: {  	_ =	swait.ge [sflag:s11], $0x1400  }
0x1b7: {  	[sflag:s11] =	ssyncset.done $0x0  }
0x1b8: {  	s29 =	sadd.s32 $0x23, s2;
	[sflag:s11] =	ssyncadd.s32 $0xFFFFEC00  }
0x1b9: {  	[hbm4b:s29+s12] =	stream.strided.scatter [tilespmem:s1], [sflag:$0x6], $0x1400, s13, s12, $0x38;
	[tilespmem:$0x10900] =	vst v63  }
0x1ba: {  	_ =	swait.ge [sflag:s15], $0x1400  }
0x1bb: {  	[sflag:s15] =	ssyncset.done $0x0  }
0x1bc: {  	[sflag:s15] =	ssyncadd.s32 $0xFFFFEC00  }
0x1bd: {  	_ =	swait.ge [sflag:s8], $0x280  }
0x1be: {  	[sflag:s8] =	ssyncset.done $0x0;
	s29 =	sld [smem:$0x7E7]  }
0x1bf: {  	s6 =	rddreg [dreg:$0x1c];
	[sflag:s8] =	ssyncadd.s32 $0xFFFFFD80  }
0x1c0: {  	[tilespmem:s14], [sflag:$0x3] =	stream.indirect.gather [hbm4b:s6+s9], $0x8, s10, s9, $0xb8;
	[tilespmem:$0x10900] =	vst v63  }
0x1c1: {  	s29 =	sadd.s32 s30, s29  }
0x1c2: {  	[tilespmem:s7], [sflag:$0x1] =	stream.linear.gather [hbm4b:s29+s1], $0x280, $0x38;
	[tilespmem:$0x10900] =	vst v63  }
0x1c3: {  	_ =	swait.ge [sflag:s11], $0x1400  }
0x1c4: {  	[sflag:s11] =	ssyncset.done $0x0  }
0x1c5: {  	s29 =	sadd.s32 $0x24, s2;
	[sflag:s11] =	ssyncadd.s32 $0xFFFFEC00  }
0x1c6: {  	[hbm4b:s29+s12] =	stream.strided.scatter [tilespmem:s14], [sflag:$0x6], $0x1400, s13, s12, $0x38;
	[tilespmem:$0x10900] =	vst v63  }
0x1c7: {  	_ =	swait.ge [sflag:s15], $0x1400  }
0x1c8: {  	[sflag:s15] =	ssyncset.done $0x0  }
0x1c9: {  	[sflag:s15] =	ssyncadd.s32 $0xFFFFEC00  }
0x1ca: {  	_ =	swait.ge [sflag:s8], $0x280  }
0x1cb: {  	[sflag:s8] =	ssyncset.done $0x0;
	s29 =	sld [smem:$0x7E8]  }
0x1cc: {  	s6 =	rddreg [dreg:$0x1d];
	[sflag:s8] =	ssyncadd.s32 $0xFFFFFD80  }
0x1cd: {  	[tilespmem:s1], [sflag:$0x3] =	stream.indirect.gather [hbm4b:s6+s9], $0x8, s7, s9, $0xb8;
	[tilespmem:$0x10900] =	vst v63  }
0x1ce: {  	s29 =	sadd.s32 s30, s29  }
0x1cf: {  	[tilespmem:s10], [sflag:$0x1] =	stream.linear.gather [hbm4b:s29+s1], $0x280, $0x38;
	[tilespmem:$0x10900] =	vst v63  }
0x1d0: {  	_ =	swait.ge [sflag:s11], $0x1400  }
0x1d1: {  	[sflag:s11] =	ssyncset.done $0x0  }
0x1d2: {  	s29 =	sadd.s32 $0x25, s2;
	[sflag:s11] =	ssyncadd.s32 $0xFFFFEC00  }
0x1d3: {  	[hbm4b:s29+s12] =	stream.strided.scatter [tilespmem:s1], [sflag:$0x6], $0x1400, s13, s12, $0x38;
	[tilespmem:$0x10900] =	vst v63  }
0x1d4: {  	_ =	swait.ge [sflag:s15], $0x1400  }
0x1d5: {  	[sflag:s15] =	ssyncset.done $0x0  }
0x1d6: {  	[sflag:s15] =	ssyncadd.s32 $0xFFFFEC00  }
0x1d7: {  	_ =	swait.ge [sflag:s8], $0x280  }
0x1d8: {  	[sflag:s8] =	ssyncset.done $0x0;
	s29 =	sld [smem:$0x7E9]  }
0x1d9: {  	s6 =	rddreg [dreg:$0x1e];
	[sflag:s8] =	ssyncadd.s32 $0xFFFFFD80  }
0x1da: {  	[tilespmem:s14], [sflag:$0x3] =	stream.indirect.gather [hbm4b:s6+s9], $0x8, s10, s9, $0xb8;
	[tilespmem:$0x10900] =	vst v63  }
0x1db: {  	s29 =	sadd.s32 s30, s29  }
0x1dc: {  	[tilespmem:s7], [sflag:$0x1] =	stream.linear.gather [hbm4b:s29+s1], $0x280, $0x38;
	[tilespmem:$0x10900] =	vst v63  }
0x1dd: {  	_ =	swait.ge [sflag:s11], $0x1400  }
0x1de: {  	[sflag:s11] =	ssyncset.done $0x0  }
0x1df: {  	s29 =	sadd.s32 $0x26, s2;
	[sflag:s11] =	ssyncadd.s32 $0xFFFFEC00  }
0x1e0: {  	[hbm4b:s29+s12] =	stream.strided.scatter [tilespmem:s14], [sflag:$0x6], $0x1400, s13, s12, $0x38;
	[tilespmem:$0x10900] =	vst v63  }
0x1e1: {  	_ =	swait.ge [sflag:s15], $0x1400  }
0x1e2: {  	[sflag:s15] =	ssyncset.done $0x0  }
0x1e3: {  	[sflag:s15] =	ssyncadd.s32 $0xFFFFEC00  }
0x1e4: {  	_ =	swait.ge [sflag:s8], $0x280  }
0x1e5: {  	[sflag:s8] =	ssyncset.done $0x0;
	s29 =	sld [smem:$0x7EA]  }
0x1e6: {  	s6 =	rddreg [dreg:$0x1f];
	[sflag:s8] =	ssyncadd.s32 $0xFFFFFD80  }
0x1e7: {  	[tilespmem:s1], [sflag:$0x3] =	stream.indirect.gather [hbm4b:s6+s9], $0x8, s7, s9, $0xb8;
	[tilespmem:$0x10900] =	vst v63  }
0x1e8: {  	s29 =	sadd.s32 s30, s29  }
0x1e9: {  	[tilespmem:s10], [sflag:$0x1] =	stream.linear.gather [hbm4b:s29+s1], $0x280, $0x38;
	[tilespmem:$0x10900] =	vst v63  }
0x1ea: {  	_ =	swait.ge [sflag:s11], $0x1400  }
0x1eb: {  	[sflag:s11] =	ssyncset.done $0x0  }
0x1ec: {  	s29 =	sadd.s32 $0x27, s2;
	[sflag:s11] =	ssyncadd.s32 $0xFFFFEC00  }
0x1ed: {  	[hbm4b:s29+s12] =	stream.strided.scatter [tilespmem:s1], [sflag:$0x6], $0x1400, s13, s12, $0x38;
	[tilespmem:$0x10900] =	vst v63  }
0x1ee: {  	_ =	swait.ge [sflag:s15], $0x1400  }
0x1ef: {  	[sflag:s15] =	ssyncset.done $0x0  }
0x1f0: {  	[sflag:s15] =	ssyncadd.s32 $0xFFFFEC00  }
0x1f1: {  	_ =	swait.ge [sflag:s8], $0x280  }
0x1f2: {  	s6 =	sld [smem:$0x7BA]  }
0x1f3: {  	[sflag:s8] =	ssyncset.done $0x0;
	s29 =	sld [smem:$0x7EB]  }
0x1f4: {  	[sflag:s8] =	ssyncadd.s32 $0xFFFFFD80  }
0x1f5: {  	[tilespmem:s14], [sflag:$0x3] =	stream.indirect.gather [hbm4b:s6+s9], $0x8, s10, s9, $0xb8;
	[tilespmem:$0x10900] =	vst v63  }
0x1f6: {  	s29 =	sadd.s32 s30, s29  }
0x1f7: {  	[tilespmem:s7], [sflag:$0x1] =	stream.linear.gather [hbm4b:s29+s1], $0x280, $0x38;
	[tilespmem:$0x10900] =	vst v63  }
0x1f8: {  	_ =	swait.ge [sflag:s11], $0x1400  }
0x1f9: {  	[sflag:s11] =	ssyncset.done $0x0  }
0x1fa: {  	s29 =	sadd.s32 $0x28, s2;
	[sflag:s11] =	ssyncadd.s32 $0xFFFFEC00  }
0x1fb: {  	[hbm4b:s29+s12] =	stream.strided.scatter [tilespmem:s14], [sflag:$0x6], $0x1400, s13, s12, $0x38;
	[tilespmem:$0x10900] =	vst v63  }
0x1fc: {  	_ =	swait.ge [sflag:s15], $0x1400  }
0x1fd: {  	[sflag:s15] =	ssyncset.done $0x0  }
0x1fe: {  	[sflag:s15] =	ssyncadd.s32 $0xFFFFEC00  }
0x1ff: {  	_ =	swait.ge [sflag:s8], $0x280  }
0x200: {  	s6 =	sld [smem:$0x7BB]  }
0x201: {  	[sflag:s8] =	ssyncset.done $0x0;
	s29 =	sld [smem:$0x7EC]  }
0x202: {  	[sflag:s8] =	ssyncadd.s32 $0xFFFFFD80  }
0x203: {  	[tilespmem:s1], [sflag:$0x3] =	stream.indirect.gather [hbm4b:s6+s9], $0x8, s7, s9, $0xb8;
	[tilespmem:$0x10900] =	vst v63  }
0x204: {  	s29 =	sadd.s32 s30, s29  }
0x205: {  	[tilespmem:s10], [sflag:$0x1] =	stream.linear.gather [hbm4b:s29+s1], $0x280, $0x38;
	[tilespmem:$0x10900] =	vst v63  }
0x206: {  	_ =	swait.ge [sflag:s11], $0x1400  }
0x207: {  	[sflag:s11] =	ssyncset.done $0x0  }
0x208: {  	s29 =	sadd.s32 $0x29, s2;
	[sflag:s11] =	ssyncadd.s32 $0xFFFFEC00  }
0x209: {  	[hbm4b:s29+s12] =	stream.strided.scatter [tilespmem:s1], [sflag:$0x6], $0x1400, s13, s12, $0x38;
	[tilespmem:$0x10900] =	vst v63  }
0x20a: {  	_ =	swait.ge [sflag:s15], $0x1400  }
0x20b: {  	[sflag:s15] =	ssyncset.done $0x0  }
0x20c: {  	[sflag:s15] =	ssyncadd.s32 $0xFFFFEC00  }
0x20d: {  	_ =	swait.ge [sflag:s8], $0x280  }
0x20e: {  	s29 =	sld [smem:$0x7BC]  }
0x20f: {  	[sflag:s8] =	ssyncset.done $0x0  }
0x210: {  	[sflag:s8] =	ssyncadd.s32 $0xFFFFFD80  }
0x211: {  	[tilespmem:s14], [sflag:$0x3] =	stream.indirect.gather [hbm4b:s29+s9], $0x8, s10, s9, $0xb8;
	[tilespmem:$0x10900] =	vst v63  }
0x212: {  	s29 =	sor.u32 $0x50000, s5  }
0x213: {  	s6 =	sadd.s32 s3, s29  }
0x214: {  	[tilespmem:s7], [sflag:$0x1] =	stream.linear.gather [hbm4b:s6+s1], $0x280, $0x38;
	[tilespmem:$0x10900] =	vst v63  }
0x215: {  	_ =	swait.ge [sflag:s11], $0x1400  }
0x216: {  	[sflag:s11] =	ssyncset.done $0x0  }
0x217: {  	s29 =	sadd.s32 $0x2A, s2;
	[sflag:s11] =	ssyncadd.s32 $0xFFFFEC00  }
0x218: {  	[hbm4b:s29+s12] =	stream.strided.scatter [tilespmem:s14], [sflag:$0x6], $0x1400, s13, s12, $0x38;
	[tilespmem:$0x10900] =	vst v63  }
0x219: {  	_ =	swait.ge [sflag:s15], $0x1400  }
0x21a: {  	[sflag:s15] =	ssyncset.done $0x0  }
0x21b: {  	[sflag:s15] =	ssyncadd.s32 $0xFFFFEC00  }
0x21c: {  	_ =	swait.ge [sflag:s8], $0x280  }
0x21d: {  	s6 =	sld [smem:$0x7BD]  }
0x21e: {  	[sflag:s8] =	ssyncset.done $0x0;
	s29 =	sld [smem:$0x7ED]  }
0x21f: {  	[sflag:s8] =	ssyncadd.s32 $0xFFFFFD80  }
0x220: {  	[tilespmem:s1], [sflag:$0x3] =	stream.indirect.gather [hbm4b:s6+s9], $0x8, s7, s9, $0xb8;
	[tilespmem:$0x10900] =	vst v63  }
0x221: {  	s29 =	sadd.s32 s30, s29  }
0x222: {  	[tilespmem:s10], [sflag:$0x1] =	stream.linear.gather [hbm4b:s29+s1], $0x280, $0x38;
	[tilespmem:$0x10900] =	vst v63  }
0x223: {  	_ =	swait.ge [sflag:s11], $0x1400  }
0x224: {  	[sflag:s11] =	ssyncset.done $0x0  }
0x225: {  	s29 =	sadd.s32 $0x2B, s2;
	[sflag:s11] =	ssyncadd.s32 $0xFFFFEC00  }
0x226: {  	[hbm4b:s29+s12] =	stream.strided.scatter [tilespmem:s1], [sflag:$0x6], $0x1400, s13, s12, $0x38;
	[tilespmem:$0x10900] =	vst v63  }
0x227: {  	_ =	swait.ge [sflag:s15], $0x1400  }
0x228: {  	[sflag:s15] =	ssyncset.done $0x0  }
0x229: {  	[sflag:s15] =	ssyncadd.s32 $0xFFFFEC00  }
0x22a: {  	_ =	swait.ge [sflag:s8], $0x280  }
0x22b: {  	s6 =	sld [smem:$0x7BE]  }
0x22c: {  	[sflag:s8] =	ssyncset.done $0x0;
	s29 =	sld [smem:$0x7EE]  }
0x22d: {  	[sflag:s8] =	ssyncadd.s32 $0xFFFFFD80  }
0x22e: {  	[tilespmem:s14], [sflag:$0x3] =	stream.indirect.gather [hbm4b:s6+s9], $0x8, s10, s9, $0xb8;
	[tilespmem:$0x10900] =	vst v63  }
0x22f: {  	s29 =	sadd.s32 s30, s29  }
0x230: {  	[tilespmem:s7], [sflag:$0x1] =	stream.linear.gather [hbm4b:s29+s1], $0x280, $0x38;
	[tilespmem:$0x10900] =	vst v63  }
0x231: {  	_ =	swait.ge [sflag:s11], $0x1400  }
0x232: {  	[sflag:s11] =	ssyncset.done $0x0  }
0x233: {  	s29 =	sadd.s32 $0x2C, s2;
	[sflag:s11] =	ssyncadd.s32 $0xFFFFEC00  }
0x234: {  	[hbm4b:s29+s12] =	stream.strided.scatter [tilespmem:s14], [sflag:$0x6], $0x1400, s13, s12, $0x38;
	[tilespmem:$0x10900] =	vst v63  }
0x235: {  	_ =	swait.ge [sflag:s15], $0x1400  }
0x236: {  	[sflag:s15] =	ssyncset.done $0x0  }
0x237: {  	[sflag:s15] =	ssyncadd.s32 $0xFFFFEC00  }
0x238: {  	_ =	swait.ge [sflag:s8], $0x280  }
0x239: {  	s6 =	sld [smem:$0x7BF]  }
0x23a: {  	[sflag:s8] =	ssyncset.done $0x0;
	s29 =	sld [smem:$0x7EF]  }
0x23b: {  	[sflag:s8] =	ssyncadd.s32 $0xFFFFFD80  }
0x23c: {  	[tilespmem:s1], [sflag:$0x3] =	stream.indirect.gather [hbm4b:s6+s9], $0x8, s7, s9, $0xb8;
	[tilespmem:$0x10900] =	vst v63  }
0x23d: {  	s29 =	sadd.s32 s30, s29  }
0x23e: {  	[tilespmem:s10], [sflag:$0x1] =	stream.linear.gather [hbm4b:s29+s1], $0x280, $0x38;
	[tilespmem:$0x10900] =	vst v63  }
0x23f: {  	_ =	swait.ge [sflag:s11], $0x1400  }
0x240: {  	[sflag:s11] =	ssyncset.done $0x0  }
0x241: {  	s29 =	sadd.s32 $0x2D, s2;
	[sflag:s11] =	ssyncadd.s32 $0xFFFFEC00  }
0x242: {  	[hbm4b:s29+s12] =	stream.strided.scatter [tilespmem:s1], [sflag:$0x6], $0x1400, s13, s12, $0x38;
	[tilespmem:$0x10900] =	vst v63  }
0x243: {  	_ =	swait.ge [sflag:s15], $0x1400  }
0x244: {  	[sflag:s15] =	ssyncset.done $0x0  }
0x245: {  	[sflag:s15] =	ssyncadd.s32 $0xFFFFEC00  }
0x246: {  	_ =	swait.ge [sflag:s8], $0x280  }
0x247: {  	s6 =	sld [smem:$0x7C0]  }
0x248: {  	[sflag:s8] =	ssyncset.done $0x0;
	s29 =	sld [smem:$0x7F0]  }
0x249: {  	[sflag:s8] =	ssyncadd.s32 $0xFFFFFD80  }
0x24a: {  	[tilespmem:s14], [sflag:$0x3] =	stream.indirect.gather [hbm4b:s6+s9], $0x8, s10, s9, $0xb8;
	[tilespmem:$0x10900] =	vst v63  }
0x24b: {  	s29 =	sadd.s32 s30, s29  }
0x24c: {  	[tilespmem:s7], [sflag:$0x1] =	stream.linear.gather [hbm4b:s29+s1], $0x280, $0x38;
	[tilespmem:$0x10900] =	vst v63  }
0x24d: {  	_ =	swait.ge [sflag:s11], $0x1400  }
0x24e: {  	[sflag:s11] =	ssyncset.done $0x0  }
0x24f: {  	s29 =	sadd.s32 $0x2E, s2;
	[sflag:s11] =	ssyncadd.s32 $0xFFFFEC00  }
0x250: {  	[hbm4b:s29+s12] =	stream.strided.scatter [tilespmem:s14], [sflag:$0x6], $0x1400, s13, s12, $0x38;
	[tilespmem:$0x10900] =	vst v63  }
0x251: {  	_ =	swait.ge [sflag:s15], $0x1400  }
0x252: {  	[sflag:s15] =	ssyncset.done $0x0  }
0x253: {  	[sflag:s15] =	ssyncadd.s32 $0xFFFFEC00  }
0x254: {  	_ =	swait.ge [sflag:s8], $0x280  }
0x255: {  	s6 =	sld [smem:$0x7C1]  }
0x256: {  	[sflag:s8] =	ssyncset.done $0x0;
	s29 =	sld [smem:$0x7F1]  }
0x257: {  	[sflag:s8] =	ssyncadd.s32 $0xFFFFFD80  }
0x258: {  	[tilespmem:s1], [sflag:$0x3] =	stream.indirect.gather [hbm4b:s6+s9], $0x8, s7, s9, $0xb8;
	[tilespmem:$0x10900] =	vst v63  }
0x259: {  	s29 =	sadd.s32 s30, s29  }
0x25a: {  	[tilespmem:s10], [sflag:$0x1] =	stream.linear.gather [hbm4b:s29+s1], $0x280, $0x38;
	[tilespmem:$0x10900] =	vst v63  }
0x25b: {  	_ =	swait.ge [sflag:s11], $0x1400  }
0x25c: {  	[sflag:s11] =	ssyncset.done $0x0  }
0x25d: {  	s29 =	sadd.s32 $0x2F, s2;
	[sflag:s11] =	ssyncadd.s32 $0xFFFFEC00  }
0x25e: {  	[hbm4b:s29+s12] =	stream.strided.scatter [tilespmem:s1], [sflag:$0x6], $0x1400, s13, s12, $0x38;
	[tilespmem:$0x10900] =	vst v63  }
0x25f: {  	_ =	swait.ge [sflag:s15], $0x1400  }
0x260: {  	[sflag:s15] =	ssyncset.done $0x0  }
0x261: {  	[sflag:s15] =	ssyncadd.s32 $0xFFFFEC00  }
0x262: {  	_ =	swait.ge [sflag:s8], $0x280  }
0x263: {  	s6 =	sld [smem:$0x7C2]  }
0x264: {  	[sflag:s8] =	ssyncset.done $0x0;
	s29 =	sld [smem:$0x7F2]  }
0x265: {  	[sflag:s8] =	ssyncadd.s32 $0xFFFFFD80  }
0x266: {  	[tilespmem:s14], [sflag:$0x3] =	stream.indirect.gather [hbm4b:s6+s9], $0x8, s10, s9, $0xb8;
	[tilespmem:$0x10900] =	vst v63  }
0x267: {  	s29 =	sadd.s32 s30, s29  }
0x268: {  	[tilespmem:s7], [sflag:$0x1] =	stream.linear.gather [hbm4b:s29+s1], $0x280, $0x38;
	[tilespmem:$0x10900] =	vst v63  }
0x269: {  	_ =	swait.ge [sflag:s11], $0x1400  }
0x26a: {  	[sflag:s11] =	ssyncset.done $0x0  }
0x26b: {  	s29 =	sadd.s32 $0x30, s2;
	[sflag:s11] =	ssyncadd.s32 $0xFFFFEC00  }
0x26c: {  	[hbm4b:s29+s12] =	stream.strided.scatter [tilespmem:s14], [sflag:$0x6], $0x1400, s13, s12, $0x38;
	[tilespmem:$0x10900] =	vst v63  }
0x26d: {  	_ =	swait.ge [sflag:s15], $0x1400  }
0x26e: {  	[sflag:s15] =	ssyncset.done $0x0  }
0x26f: {  	[sflag:s15] =	ssyncadd.s32 $0xFFFFEC00  }
0x270: {  	_ =	swait.ge [sflag:s8], $0x280  }
0x271: {  	s6 =	sld [smem:$0x7C3]  }
0x272: {  	[sflag:s8] =	ssyncset.done $0x0;
	s29 =	sld [smem:$0x7F3]  }
0x273: {  	[sflag:s8] =	ssyncadd.s32 $0xFFFFFD80  }
0x274: {  	[tilespmem:s1], [sflag:$0x3] =	stream.indirect.gather [hbm4b:s6+s9], $0x8, s7, s9, $0xb8;
	[tilespmem:$0x10900] =	vst v63  }
0x275: {  	s29 =	sadd.s32 s30, s29  }
0x276: {  	[tilespmem:s10], [sflag:$0x1] =	stream.linear.gather [hbm4b:s29+s1], $0x280, $0x38;
	[tilespmem:$0x10900] =	vst v63  }
0x277: {  	_ =	swait.ge [sflag:s11], $0x1400  }
0x278: {  	[sflag:s11] =	ssyncset.done $0x0  }
0x279: {  	s29 =	sadd.s32 $0x31, s2;
	[sflag:s11] =	ssyncadd.s32 $0xFFFFEC00  }
0x27a: {  	[hbm4b:s29+s12] =	stream.strided.scatter [tilespmem:s1], [sflag:$0x6], $0x1400, s13, s12, $0x38;
	[tilespmem:$0x10900] =	vst v63  }
0x27b: {  	_ =	swait.ge [sflag:s15], $0x1400  }
0x27c: {  	[sflag:s15] =	ssyncset.done $0x0  }
0x27d: {  	[sflag:s15] =	ssyncadd.s32 $0xFFFFEC00  }
0x27e: {  	_ =	swait.ge [sflag:s8], $0x280  }
0x27f: {  	s6 =	sld [smem:$0x7C4]  }
0x280: {  	[sflag:s8] =	ssyncset.done $0x0;
	s29 =	sld [smem:$0x7F4]  }
0x281: {  	[sflag:s8] =	ssyncadd.s32 $0xFFFFFD80  }
0x282: {  	[tilespmem:s14], [sflag:$0x3] =	stream.indirect.gather [hbm4b:s6+s9], $0x8, s10, s9, $0xb8;
	[tilespmem:$0x10900] =	vst v63  }
0x283: {  	s29 =	sadd.s32 s30, s29  }
0x284: {  	[tilespmem:s7], [sflag:$0x1] =	stream.linear.gather [hbm4b:s29+s1], $0x280, $0x38;
	[tilespmem:$0x10900] =	vst v63  }
0x285: {  	_ =	swait.ge [sflag:s11], $0x1400  }
0x286: {  	[sflag:s11] =	ssyncset.done $0x0  }
0x287: {  	s29 =	sadd.s32 $0x32, s2;
	[sflag:s11] =	ssyncadd.s32 $0xFFFFEC00  }
0x288: {  	[hbm4b:s29+s12] =	stream.strided.scatter [tilespmem:s14], [sflag:$0x6], $0x1400, s13, s12, $0x38;
	[tilespmem:$0x10900] =	vst v63  }
0x289: {  	_ =	swait.ge [sflag:s15], $0x1400  }
0x28a: {  	[sflag:s15] =	ssyncset.done $0x0  }
0x28b: {  	[sflag:s15] =	ssyncadd.s32 $0xFFFFEC00  }
0x28c: {  	_ =	swait.ge [sflag:s8], $0x280  }
0x28d: {  	s6 =	sld [smem:$0x7C5]  }
0x28e: {  	[sflag:s8] =	ssyncset.done $0x0;
	s29 =	sld [smem:$0x7F5]  }
0x28f: {  	[sflag:s8] =	ssyncadd.s32 $0xFFFFFD80  }
0x290: {  	[tilespmem:s1], [sflag:$0x3] =	stream.indirect.gather [hbm4b:s6+s9], $0x8, s7, s9, $0xb8;
	[tilespmem:$0x10900] =	vst v63  }
0x291: {  	s29 =	sadd.s32 s30, s29  }
0x292: {  	[tilespmem:s10], [sflag:$0x1] =	stream.linear.gather [hbm4b:s29+s1], $0x280, $0x38;
	[tilespmem:$0x10900] =	vst v63  }
0x293: {  	_ =	swait.ge [sflag:s11], $0x1400  }
0x294: {  	[sflag:s11] =	ssyncset.done $0x0  }
0x295: {  	s29 =	sadd.s32 $0x33, s2;
	[sflag:s11] =	ssyncadd.s32 $0xFFFFEC00  }
0x296: {  	[hbm4b:s29+s12] =	stream.strided.scatter [tilespmem:s1], [sflag:$0x6], $0x1400, s13, s12, $0x38;
	[tilespmem:$0x10900] =	vst v63  }
0x297: {  	_ =	swait.ge [sflag:s15], $0x1400  }
0x298: {  	[sflag:s15] =	ssyncset.done $0x0  }
0x299: {  	[sflag:s15] =	ssyncadd.s32 $0xFFFFEC00  }
0x29a: {  	_ =	swait.ge [sflag:s8], $0x280  }
0x29b: {  	s6 =	sld [smem:$0x7C6]  }
0x29c: {  	[sflag:s8] =	ssyncset.done $0x0;
	s29 =	sld [smem:$0x7F6]  }
0x29d: {  	[sflag:s8] =	ssyncadd.s32 $0xFFFFFD80  }
0x29e: {  	[tilespmem:s14], [sflag:$0x3] =	stream.indirect.gather [hbm4b:s6+s9], $0x8, s10, s9, $0xb8;
	[tilespmem:$0x10900] =	vst v63  }
0x29f: {  	s29 =	sadd.s32 s30, s29  }
0x2a0: {  	[tilespmem:s7], [sflag:$0x1] =	stream.linear.gather [hbm4b:s29+s1], $0x280, $0x38;
	[tilespmem:$0x10900] =	vst v63  }
0x2a1: {  	_ =	swait.ge [sflag:s11], $0x1400  }
0x2a2: {  	[sflag:s11] =	ssyncset.done $0x0  }
0x2a3: {  	s29 =	sadd.s32 $0x34, s2;
	[sflag:s11] =	ssyncadd.s32 $0xFFFFEC00  }
0x2a4: {  	[hbm4b:s29+s12] =	stream.strided.scatter [tilespmem:s14], [sflag:$0x6], $0x1400, s13, s12, $0x38;
	[tilespmem:$0x10900] =	vst v63  }
0x2a5: {  	_ =	swait.ge [sflag:s15], $0x1400  }
0x2a6: {  	[sflag:s15] =	ssyncset.done $0x0  }
0x2a7: {  	[sflag:s15] =	ssyncadd.s32 $0xFFFFEC00  }
0x2a8: {  	_ =	swait.ge [sflag:s8], $0x280  }
0x2a9: {  	s6 =	sld [smem:$0x7C7]  }
0x2aa: {  	[sflag:s8] =	ssyncset.done $0x0;
	s29 =	sld [smem:$0x7F7]  }
0x2ab: {  	[sflag:s8] =	ssyncadd.s32 $0xFFFFFD80  }
0x2ac: {  	[tilespmem:s1], [sflag:$0x3] =	stream.indirect.gather [hbm4b:s6+s9], $0x8, s7, s9, $0xb8;
	[tilespmem:$0x10900] =	vst v63  }
0x2ad: {  	s29 =	sadd.s32 s30, s29  }
0x2ae: {  	[tilespmem:s10], [sflag:$0x1] =	stream.linear.gather [hbm4b:s29+s1], $0x280, $0x38;
	[tilespmem:$0x10900] =	vst v63  }
0x2af: {  	_ =	swait.ge [sflag:s11], $0x1400  }
0x2b0: {  	[sflag:s11] =	ssyncset.done $0x0  }
0x2b1: {  	s29 =	sadd.s32 $0x35, s2;
	[sflag:s11] =	ssyncadd.s32 $0xFFFFEC00  }
0x2b2: {  	[hbm4b:s29+s12] =	stream.strided.scatter [tilespmem:s1], [sflag:$0x6], $0x1400, s13, s12, $0x38;
	[tilespmem:$0x10900] =	vst v63  }
0x2b3: {  	_ =	swait.ge [sflag:s15], $0x1400  }
0x2b4: {  	[sflag:s15] =	ssyncset.done $0x0  }
0x2b5: {  	[sflag:s15] =	ssyncadd.s32 $0xFFFFEC00  }
0x2b6: {  	_ =	swait.ge [sflag:s8], $0x280  }
0x2b7: {  	s6 =	sld [smem:$0x7C8]  }
0x2b8: {  	[sflag:s8] =	ssyncset.done $0x0;
	s29 =	sld [smem:$0x7F8]  }
0x2b9: {  	[sflag:s8] =	ssyncadd.s32 $0xFFFFFD80  }
0x2ba: {  	[tilespmem:s14], [sflag:$0x3] =	stream.indirect.gather [hbm4b:s6+s9], $0x8, s10, s9, $0xb8;
	[tilespmem:$0x10900] =	vst v63  }
0x2bb: {  	s29 =	sadd.s32 s30, s29  }
0x2bc: {  	[tilespmem:s7], [sflag:$0x1] =	stream.linear.gather [hbm4b:s29+s1], $0x280, $0x38;
	[tilespmem:$0x10900] =	vst v63  }
0x2bd: {  	_ =	swait.ge [sflag:s11], $0x1400  }
0x2be: {  	[sflag:s11] =	ssyncset.done $0x0  }
0x2bf: {  	s29 =	sadd.s32 $0x36, s2;
	[sflag:s11] =	ssyncadd.s32 $0xFFFFEC00  }
0x2c0: {  	[hbm4b:s29+s12] =	stream.strided.scatter [tilespmem:s14], [sflag:$0x6], $0x1400, s13, s12, $0x38;
	[tilespmem:$0x10900] =	vst v63  }
0x2c1: {  	_ =	swait.ge [sflag:s15], $0x1400  }
0x2c2: {  	[sflag:s15] =	ssyncset.done $0x0  }
0x2c3: {  	[sflag:s15] =	ssyncadd.s32 $0xFFFFEC00  }
0x2c4: {  	_ =	swait.ge [sflag:s8], $0x280  }
0x2c5: {  	s6 =	sld [smem:$0x7C9]  }
0x2c6: {  	[sflag:s8] =	ssyncset.done $0x0;
	s29 =	sld [smem:$0x7F9]  }
0x2c7: {  	[sflag:s8] =	ssyncadd.s32 $0xFFFFFD80  }
0x2c8: {  	[tilespmem:s1], [sflag:$0x3] =	stream.indirect.gather [hbm4b:s6+s9], $0x8, s7, s9, $0xb8;
	[tilespmem:$0x10900] =	vst v63  }
0x2c9: {  	s29 =	sadd.s32 s30, s29  }
0x2ca: {  	[tilespmem:s10], [sflag:$0x1] =	stream.linear.gather [hbm4b:s29+s1], $0x280, $0x38;
	[tilespmem:$0x10900] =	vst v63  }
0x2cb: {  	_ =	swait.ge [sflag:s11], $0x1400  }
0x2cc: {  	[sflag:s11] =	ssyncset.done $0x0  }
0x2cd: {  	s29 =	sadd.s32 $0x37, s2;
	[sflag:s11] =	ssyncadd.s32 $0xFFFFEC00  }
0x2ce: {  	[hbm4b:s29+s12] =	stream.strided.scatter [tilespmem:s1], [sflag:$0x6], $0x1400, s13, s12, $0x38;
	[tilespmem:$0x10900] =	vst v63  }
0x2cf: {  	_ =	swait.ge [sflag:s15], $0x1400  }
0x2d0: {  	[sflag:s15] =	ssyncset.done $0x0  }
0x2d1: {  	[sflag:s15] =	ssyncadd.s32 $0xFFFFEC00  }
0x2d2: {  	_ =	swait.ge [sflag:s8], $0x280  }
0x2d3: {  	s6 =	sld [smem:$0x7B9]  }
0x2d4: {  	[sflag:s8] =	ssyncset.done $0x0;
	s29 =	sld [smem:$0x7FB]  }
0x2d5: {  	[sflag:s8] =	ssyncadd.s32 $0xFFFFFD80  }
0x2d6: {  	[tilespmem:s14], [sflag:$0x3] =	stream.indirect.gather [hbm4b:s6+s9], $0x8, s10, s9, $0xb8;
	[tilespmem:$0x10900] =	vst v63  }
0x2d7: {  	s29 =	sadd.s32 s30, s29  }
0x2d8: {  	[tilespmem:s7], [sflag:$0x1] =	stream.linear.gather [hbm4b:s29+s1], $0x280, $0x38;
	[tilespmem:$0x10900] =	vst v63  }
0x2d9: {  	_ =	swait.ge [sflag:s11], $0x1400  }
0x2da: {  	[sflag:s11] =	ssyncset.done $0x0  }
0x2db: {  	s29 =	sadd.s32 $0x38, s2;
	[sflag:s11] =	ssyncadd.s32 $0xFFFFEC00  }
0x2dc: {  	[hbm4b:s29+s12] =	stream.strided.scatter [tilespmem:s14], [sflag:$0x6], $0x1400, s13, s12, $0x38;
	[tilespmem:$0x10900] =	vst v63  }
0x2dd: {  	_ =	swait.ge [sflag:s15], $0x1400  }
0x2de: {  	[sflag:s15] =	ssyncset.done $0x0  }
0x2df: {  	[sflag:s15] =	ssyncadd.s32 $0xFFFFEC00  }
0x2e0: {  	_ =	swait.ge [sflag:s8], $0x280  }
0x2e1: {  	s6 =	sld [smem:$0x7CA]  }
0x2e2: {  	[sflag:s8] =	ssyncset.done $0x0;
	s29 =	sld [smem:$0x7FD]  }
0x2e3: {  	[sflag:s8] =	ssyncadd.s32 $0xFFFFFD80  }
0x2e4: {  	[tilespmem:s1], [sflag:$0x3] =	stream.indirect.gather [hbm4b:s6+s9], $0x8, s7, s9, $0xb8;
	[tilespmem:$0x10900] =	vst v63  }
0x2e5: {  	s29 =	sadd.s32 s30, s29  }
0x2e6: {  	[tilespmem:s10], [sflag:$0x1] =	stream.linear.gather [hbm4b:s29+s1], $0x280, $0x38;
	[tilespmem:$0x10900] =	vst v63  }
0x2e7: {  	_ =	swait.ge [sflag:s11], $0x1400  }
0x2e8: {  	[sflag:s11] =	ssyncset.done $0x0  }
0x2e9: {  	s29 =	sadd.s32 $0x39, s2;
	[sflag:s11] =	ssyncadd.s32 $0xFFFFEC00  }
0x2ea: {  	[hbm4b:s29+s12] =	stream.strided.scatter [tilespmem:s1], [sflag:$0x6], $0x1400, s13, s12, $0x38;
	[tilespmem:$0x10900] =	vst v63  }
0x2eb: {  	_ =	swait.ge [sflag:s15], $0x1400  }
0x2ec: {  	[sflag:s15] =	ssyncset.done $0x0  }
0x2ed: {  	[sflag:s15] =	ssyncadd.s32 $0xFFFFEC00  }
0x2ee: {  	_ =	swait.ge [sflag:s8], $0x280  }
0x2ef: {  	s29 =	sld [smem:$0x7CB]  }
0x2f0: {  	[sflag:s8] =	ssyncset.done $0x0  }
0x2f1: {  	s5 =	sor.u32 $0x78000, s5;
	[sflag:s8] =	ssyncadd.s32 $0xFFFFFD80  }
0x2f2: {  	[tilespmem:s14], [sflag:$0x3] =	stream.indirect.gather [hbm4b:s29+s9], $0x8, s10, s9, $0xb8;
	[tilespmem:$0x10900] =	vst v63  }
0x2f3: {  	s5 =	sadd.s32 s3, s5  }
0x2f4: {  	[tilespmem:s7], [sflag:$0x1] =	stream.linear.gather [hbm4b:s5+s1], $0x280, $0x38;
	[tilespmem:$0x10900] =	vst v63  }
0x2f5: {  	_ =	swait.ge [sflag:s11], $0x1400  }
0x2f6: {  	[sflag:s11] =	ssyncset.done $0x0  }
0x2f7: {  	s29 =	sadd.s32 $0x3A, s2;
	[sflag:s11] =	ssyncadd.s32 $0xFFFFEC00  }
0x2f8: {  	[hbm4b:s29+s12] =	stream.strided.scatter [tilespmem:s14], [sflag:$0x6], $0x1400, s13, s12, $0x38;
	[tilespmem:$0x10900] =	vst v63  }
0x2f9: {  	_ =	swait.ge [sflag:s15], $0x1400  }
0x2fa: {  	[sflag:s15] =	ssyncset.done $0x0  }
0x2fb: {  	[sflag:s15] =	ssyncadd.s32 $0xFFFFEC00  }
0x2fc: {  	_ =	swait.ge [sflag:s8], $0x280  }
0x2fd: {  	s6 =	sld [smem:$0x7CC]  }
0x2fe: {  	[sflag:s8] =	ssyncset.done $0x0  }
0x2ff: {  	[sflag:s8] =	ssyncadd.s32 $0xFFFFFD80  }
0x300: {  	[tilespmem:s1], [sflag:$0x3] =	stream.indirect.gather [hbm4b:s6+s9], $0x8, s7, s9, $0xb8;
	[tilespmem:$0x10900] =	vst v63  }
0x301: {  	_ =	swait.ge [sflag:s11], $0x1400  }
0x302: {  	[sflag:s11] =	ssyncset.done $0x0  }
0x303: {  	s29 =	sadd.s32 $0x3B, s2;
	[sflag:s11] =	ssyncadd.s32 $0xFFFFEC00  }
0x304: {  	[hbm4b:s29+s12] =	stream.strided.scatter [tilespmem:s1], [sflag:$0x6], $0x1400, s13, s12, $0x38;
	[tilespmem:$0x10900] =	vst v63  }
0x305: {  	_ = 	snop  }
0x306: {  	[tilespmem:s25], [sflag:$0x9] =	stream.linear.gather [hbm4b:s31+s1], $0x1400, $0x38;
	[tilespmem:$0x10900] =	vst v63  }
0x307: {  	_ =	swait.ge [sflag:s26], $0x1400  }
0x308: {  	[sflag:s26] =	ssyncset.done $0x0  }
0x309: {  	s2 =	sadd.s32 $0x3C, s2;
	[sflag:s26] =	ssyncadd.s32 $0xFFFFEC00  }
0x30a: {  	[hbm4b:s2+s12] =	stream.strided.scatter [tilespmem:s25], [sflag:$0x2], $0x1400, s13, s12, $0x38;
	[tilespmem:$0x10900] =	vst v63  }
0x30b: {  	_ =	swait.ge [sflag:s12], $0x3C00  }
0x30c: {  	[sflag:s12] =	ssyncset.done $0x0  }
0x30d: {  	[sflag:s12] =	ssyncadd.s32 $0xFFFFC400  }
0x30e: {  	_ =	swait.ge [sflag:s12], $0x3C00  }
0x30f: {  	[sflag:s12] =	ssyncset.done $0x0  }
0x310: {  	[sflag:s12] =	ssyncadd.s32 $0xFFFFC400  }
0x311: {  	_ =	swait.ge [sflag:s24], $0x2800  }
0x312: {  	[sflag:s24] =	ssyncset.done $0x0  }
0x313: {  	[sflag:s24] =	ssyncadd.s32 $0xFFFFD800  }
0x314: {  	_ =	swait.ge [sflag:s24], $0x2800  }
0x315: {  	[sflag:s24] =	ssyncset.done $0x0  }
0x316: {  	[sflag:s24] =	ssyncadd.s32 $0xFFFFD800  }
0x317: {  	_ =	swait.ge [sflag:s15], $0x1400  }
0x318: {  	[sflag:s15] =	ssyncset.done $0x0  }
0x319: {  	[sflag:s15] =	ssyncadd.s32 $0xFFFFEC00  }
0x31a: {  	p0 =	sne.s32 s0, $0x1C980;
	_ =	swait.ge [sflag:s15], $0x1400  }
.Ltmp0:
0x31b: {  	[sflag:s15] =	ssyncset.done $0x0;
	(pc) =	sbr.rel @p0 .LBB2_2-.Ltmp0, $4  }
0x31c: {  	[sflag:s15] =	ssyncadd.s32 $0xFFFFEC00  }
0x31d: {  	_ =	swait.ge [sflag:s28], $0x1400  }
0x31e: {  	s0 =	sadd.s32 $0x9880, s0;
	[sflag:s28] =	ssyncset.done $0x0  }
0x31f: {  	s30 =	sadd.s32 $0x50, s30;
	s31 =	sadd.s32 $0x280, s31;
	[sflag:s28] =	ssyncadd.s32 $0xFFFFEC00  }
0x320: {  	s2 =	sld [smem:$0x7B8]  }
0x321: {  	s0 =	sld [smem:$0x7FA];
	_ =	sdelay $0x1  }
0x322: {  	s2 =	sadd.s32 $0x1, s2  }
0x323: {  	p0 =	sne.s32 s2, s0  }
.Ltmp1:
0x324: {  	_ = 	snop;
	(pc) =	sbr.rel @p0 .LBB2_1-.Ltmp1, $1  }
0x325: {  	_ =	sdelay $0x3  }
0x326: {  	_ =	sfence.sel $0x180000  }
0x327: {  	[bflag:$0x0] =	sbarrier.arrive $0xFFFF  }
0x328: {  	_ =	strace $0x90000047  }
0x329: {  	s0 =	stileid.u32;
	[bflag:$0x2] =	sbarrier.arrive $0xFFFF  }
0x32a: {  	p0 =	sne.s32 s0, $0x0;
	s0 =	rddreg [dreg:$0x2]  }
0x32b: {  	s0 =	sadd.s32 @!p0 $0x100000, s0  }
0x32c: {  	[sflag:s0] =	ssyncadd.tile.s32 @!p0 $0x1;
	_ =	shalt  }
.Lfunc_end2:
_tile_overlayer_lowered:
.L_overlay_start_2:
0x32d: {  	(tag) =	ssettag $0x2  }
0x32e: {  	s0 =	rddreg [dreg:$0x0];
	s2 =	stileid.u32  }
0x32f: {  	s1 =	rddreg [dreg:$0x1];
	p0 =	sne.s32 s2, $0x0  }
0x330: {  	s3 =	rddreg [dreg:$0x2];
	[bflag:$0x3] =	sbarrier.arrive $0xFFFF;
	s2 =	simm.s32 @!p0 $0x1C09  }
0x331: {  	[timem:s3], [sflag:s2] =	dma.local @!p0 [hbm:s0], s1  }
0x332: {  	s0 =	simm.s32 @!p0 $0x9  }
0x333: {  	_ =	swait.ge @!p0 [sflag:s0], s1  }
0x334: {  	s1 =	ssub.s32 @!p0 $0x0, s1;
	[sflag:s0] =	ssyncset.done @!p0 $0x0  }
0x335: {  	[sflag:s0] =	ssyncadd.s32 @!p0 s1  }
0x336: {  	[bflag:$0x3] =	sbarrier.arrive $0xFFFF  }
0x337: {  	_ =	shalt  }

</sc_bundles>
